<compile_context>
chip_gen: v7x
topology: tpu7x:2x2x1
jax: 0.10.2.dev20260603
libtpu: 0.0.44.dev20260713+nightly
codegen_flags: <defaults>
</compile_context>

<pallas_src>
import functools

import jax
import jax.numpy as jnp
from jax import lax
from jax.experimental import pallas as pl
from jax.experimental.pallas import tpu as pltpu
from jax.experimental.pallas import tpu_sc as plsc

N = 10000
E = 320000
D = 128
H = 8
DH = 16

NC = 2
NS = 16
DHALF = D // NC
HHALF = H // NC
EPT = E // NS
EB = 80
NBATCH = EPT // EB
CHUNK = 50
NCHUNK = NBATCH // CHUNK
RPT = 624

_SCALE = 1.0 / (DH ** 0.5)



def _edge_body(q_hbm, kv_hbm, packed_hbm, z64_hbm, z8_hbm,
               aggu_out, s_out,
               packed_all, src_all, dst_all,
               kv0, q0, ev0, eb0, kv1, q1, ev1, eb1,
               aggu_sp, s_sp,
               gq0, gk0, gq1, gk1, sa0, ss0, sa1, ss1):
    c = lax.axis_index("c")
    s = lax.axis_index("s")

    row0 = s * RPT
    pltpu.sync_copy(z64_hbm.at[pl.ds(0, RPT)], aggu_sp.at[pl.ds(row0, RPT)])
    pltpu.sync_copy(z8_hbm.at[pl.ds(0, RPT)], s_sp.at[pl.ds(row0, RPT)])
    pltpu.sync_copy(z8_hbm.at[pl.ds(0, EB)], eb0)
    pltpu.sync_copy(z8_hbm.at[pl.ds(0, EB)], eb1)

    @pl.when(s == NS - 1)
    def _tail_zero():
        pltpu.sync_copy(z64_hbm.at[pl.ds(0, N - NS * RPT)],
                        aggu_sp.at[pl.ds(NS * RPT, N - NS * RPT)])
        pltpu.sync_copy(z8_hbm.at[pl.ds(0, N - NS * RPT)],
                        s_sp.at[pl.ds(NS * RPT, N - NS * RPT)])

    plsc.subcore_barrier()

    lanes = lax.iota(jnp.int32, 16)

    def _compute(kvrows, qrows, evbuf, ebuf):
        def _edge(i, carry):
            for u in range(2):
                e = 2 * i + u
                er = jnp.zeros((16,), jnp.float32)
                for h in range(HHALF):
                    k = kvrows[e, pl.ds(h * DH, DH)]
                    q = qrows[e, pl.ds(c * DHALF + h * DH, DH)]
                    sc = jnp.sum(k * q, axis=0) * _SCALE
                    evb = jnp.exp(jnp.broadcast_to(sc, (16,)))
                    v = kvrows[e, pl.ds(DHALF + h * DH, DH)]
                    evbuf[e, pl.ds(h * DH, DH)] = v * evb
                    er = jnp.where(lanes == c * HHALF + h, evb, er)
                ebuf[e, :] = er
            return carry
        lax.fori_loop(0, EB // 2, _edge, 0)

    def _issue_gathers(b, kvrows, qrows, gq, gk):
        pltpu.async_copy(q_hbm.at[dst_all.at[b]], qrows, gq)
        pltpu.async_copy(kv_hbm.at[c].at[src_all.at[b]], kvrows, gk)

    def _wait_gathers(b, kvrows, qrows, gq, gk):
        pltpu.make_async_copy(q_hbm.at[dst_all.at[b]], qrows, gq).wait()
        pltpu.make_async_copy(kv_hbm.at[c].at[src_all.at[b]], kvrows, gk).wait()

    def _wait_scatters(b, evbuf, ebuf, sa, ss):
        pltpu.make_async_copy(evbuf, aggu_sp.at[dst_all.at[b]], sa).wait()
        pltpu.make_async_copy(ebuf, s_sp.at[dst_all.at[b]], ss).wait()

    def _chunk(ci, ccarry):
        pltpu.sync_copy(packed_hbm.at[s, ci], packed_all)

        def _unpack(b, carry):
            for j in range(EB // 16):
                p = packed_all[b, pl.ds(j * 16, 16)]
                src_all[b, pl.ds(j * 16, 16)] = lax.shift_right_logical(p, 14)
                dst_all[b, pl.ds(j * 16, 16)] = lax.bitwise_and(p, 16383)
            return carry
        lax.fori_loop(0, CHUNK, _unpack, 0)

        _issue_gathers(0, kv0, q0, gq0, gk0)

        def _iter(i, carry):
            b0 = 2 * i
            b1 = b0 + 1
            _issue_gathers(b1, kv1, q1, gq1, gk1)
            _wait_gathers(b0, kv0, q0, gq0, gk0)

            @pl.when(i > 0)
            def _():
                _wait_scatters(b0, ev0, eb0, sa0, ss0)
            _compute(kv0, q0, ev0, eb0)
            pltpu.async_copy(ev0, aggu_sp.at[dst_all.at[b0]], sa0, add=True)
            pltpu.async_copy(eb0, s_sp.at[dst_all.at[b0]], ss0, add=True)

            @pl.when(i < CHUNK // 2 - 1)
            def _():
                _issue_gathers(b0 + 2, kv0, q0, gq0, gk0)
            _wait_gathers(b1, kv1, q1, gq1, gk1)

            @pl.when(i > 0)
            def _():
                _wait_scatters(b1, ev1, eb1, sa1, ss1)
            _compute(kv1, q1, ev1, eb1)
            pltpu.async_copy(ev1, aggu_sp.at[dst_all.at[b1]], sa1, add=True)
            pltpu.async_copy(eb1, s_sp.at[dst_all.at[b1]], ss1, add=True)
            return carry
        lax.fori_loop(0, CHUNK // 2, _iter, 0)
        _wait_scatters(0, ev0, eb0, sa0, ss0)
        _wait_scatters(0, ev1, eb1, sa1, ss1)
        return ccarry
    lax.fori_loop(0, NCHUNK, _chunk, 0)

    plsc.subcore_barrier()
    pltpu.sync_copy(aggu_sp.at[pl.ds(row0, RPT)],
                    aggu_out.at[c, pl.ds(row0, RPT)])
    pltpu.sync_copy(s_sp.at[pl.ds(row0, RPT)],
                    s_out.at[c, pl.ds(row0, RPT)])

    @pl.when(s == NS - 1)
    def _tail_out():
        pltpu.sync_copy(aggu_sp.at[pl.ds(NS * RPT, N - NS * RPT)],
                        aggu_out.at[c, pl.ds(NS * RPT, N - NS * RPT)])
        pltpu.sync_copy(s_sp.at[pl.ds(NS * RPT, N - NS * RPT)],
                        s_out.at[c, pl.ds(NS * RPT, N - NS * RPT)])


_edge_kernel = functools.partial(
    pl.kernel,
    out_type=[
        jax.ShapeDtypeStruct((NC, N, DHALF), jnp.float32),
        jax.ShapeDtypeStruct((NC, N, 16), jnp.float32),
    ],
    mesh=plsc.VectorSubcoreMesh(core_axis_name="c", subcore_axis_name="s"),
    compiler_params=pltpu.CompilerParams(
        needs_layout_passes=False, use_tc_tiling_on_sc=False),
    scratch_types=(
        [
            pltpu.VMEM((CHUNK, EB), jnp.int32),
            pltpu.VMEM((CHUNK, EB), jnp.int32),
            pltpu.VMEM((CHUNK, EB), jnp.int32),
        ]
        + [
            pltpu.VMEM((EB, D), jnp.float32),
            pltpu.VMEM((EB, D), jnp.float32),
            pltpu.VMEM((EB, DHALF), jnp.float32),
            pltpu.VMEM((EB, 16), jnp.float32),
        ] * 2
        + [
            pltpu.VMEM_SHARED((N, DHALF), jnp.float32),
            pltpu.VMEM_SHARED((N, 16), jnp.float32),
        ]
        + [pltpu.SemaphoreType.DMA] * 8
    ),
)(_edge_body)



BN = 400


def _ln(h, g, b):
    mu = jnp.mean(h, axis=-1, keepdims=True)
    var = jnp.mean((h - mu) ** 2, axis=-1, keepdims=True)
    return (h - mu) * lax.rsqrt(var + 1e-5) * g + b


def _dot(a, b):
    return jnp.dot(a, b, preferred_element_type=jnp.float32)


def _post_attn(ap, sp, h_in, wo, bo, g1, b1, w1, bf1, w2, bf2, g2, b2):
    aggu = jnp.concatenate([ap[0], ap[1]], axis=-1)
    s8 = sp[0] + sp[1]
    rows = lax.broadcasted_iota(jnp.int32, (16, D), 0)
    cols = lax.broadcasted_iota(jnp.int32, (16, D), 1)
    expand = (cols // DH == rows).astype(jnp.float32)
    denom = _dot(s8, expand) + 1e-9
    agg = aggu / denom
    attn = _dot(agg, wo) + bo + h_in
    h1 = _ln(attn, g1, b1)
    ff = _dot(jax.nn.relu(_dot(h1, w1) + bf1), w2) + bf2
    return _ln(h1 + ff, g2, b2)


def _split_qkv(h2, wq, bq, wk, bk, wv, bv, q_out, kv_out):
    q_out[...] = _dot(h2, wq) + bq
    k = _dot(h2, wk) + bk
    v = _dot(h2, wv) + bv
    kv_out[0] = jnp.concatenate([k[:, :DHALF], v[:, :DHALF]], axis=1)
    kv_out[1] = jnp.concatenate([k[:, DHALF:], v[:, DHALF:]], axis=1)


def _qkv_body(x_ref, wq, bq, wk, bk, wv, bv, q_out, kv_out):
    _split_qkv(x_ref[...], wq[...], bq[...], wk[...], bk[...], wv[...], bv[...],
               q_out, kv_out)


def _mid_body(h_ref, ap_ref, sp_ref,
              wo, bo, g1, b1, w1, bf1, w2, bf2, g2, b2,
              wq, bq, wk, bk, wv, bv,
              h_out, q_out, kv_out):
    h2 = _post_attn(ap_ref, sp_ref, h_ref[...],
                    wo[...], bo[...], g1[...], b1[...], w1[...], bf1[...],
                    w2[...], bf2[...], g2[...], b2[...])
    h_out[...] = h2
    _split_qkv(h2, wq[...], bq[...], wk[...], bk[...], wv[...], bv[...],
               q_out, kv_out)


def _final_body(h_ref, ap_ref, sp_ref,
                wo, bo, g1, b1, w1, bf1, w2, bf2, g2, b2,
                r0w, r0b, r1w, r1b, r2w, r2b,
                out_ref):
    h2 = _post_attn(ap_ref, sp_ref, h_ref[...],
                    wo[...], bo[...], g1[...], b1[...], w1[...], bf1[...],
                    w2[...], bf2[...], g2[...], b2[...])
    hc = jnp.concatenate([h_ref[...], h2], axis=1)
    r = jax.nn.relu(_dot(hc, r0w[...]) + r0b[...])
    r = jax.nn.relu(_dot(r, r1w[...]) + r1b[...])
    out_ref[...] = _dot(r, r2w[...]) + r2b[...]


def _rowspec(cols):
    return pl.BlockSpec((BN, cols), lambda i: (i, 0))


def _fullspec(shape):
    nd = len(shape)
    return pl.BlockSpec(shape, lambda i, _nd=nd: (0,) * _nd)


def _partspec(cols):
    return pl.BlockSpec((NC, BN, cols), lambda i: (0, i, 0))


def _w(p, name):
    arr = p[name]
    if arr.ndim == 1:
        arr = arr.reshape(1, -1)
    return arr



def kernel(x, edge_index, params):
    packed = (jnp.left_shift(edge_index[0], 14) | edge_index[1]).reshape(
        NS, NCHUNK, CHUNK, EB)
    z64 = jnp.zeros((N, DHALF), jnp.float32)
    z16 = jnp.zeros((N, 16), jnp.float32)
    p0, p1 = params["layers"]
    (r0w, r0b), (r1w, r1b), (r2w, r2b) = params["readout"]

    grid = (N // BN,)

    qkv_call = pl.pallas_call(
        _qkv_body,
        grid=grid,
        in_specs=[_rowspec(D)] + [_fullspec(s) for s in
                  [(D, D), (1, D), (D, D), (1, D), (D, D), (1, D)]],
        out_specs=[_rowspec(D), _partspec(D)],
        out_shape=[jax.ShapeDtypeStruct((N, D), jnp.float32),
                   jax.ShapeDtypeStruct((NC, N, D), jnp.float32)],
    )

    q0, kv0 = qkv_call(
        x, p0["Wq"], _w(p0, "bq"), p0["Wk"], _w(p0, "bk"),
        p0["Wv"], _w(p0, "bv"))

    ap0, sp0 = _edge_kernel(q0, kv0, packed, z64, z16)

    post_w_shapes = [(D, D), (1, D), (1, D), (1, D), (D, 2 * D), (1, 2 * D),
                     (2 * D, D), (1, D), (1, D), (1, D)]
    qkv_w_shapes = [(D, D), (1, D)] * 3

    mid_call = pl.pallas_call(
        _mid_body,
        grid=grid,
        in_specs=[_rowspec(D), _partspec(DHALF), _partspec(16)]
                 + [_fullspec(s) for s in post_w_shapes + qkv_w_shapes],
        out_specs=[_rowspec(D), _rowspec(D), _partspec(D)],
        out_shape=[jax.ShapeDtypeStruct((N, D), jnp.float32),
                   jax.ShapeDtypeStruct((N, D), jnp.float32),
                   jax.ShapeDtypeStruct((NC, N, D), jnp.float32)],
    )

    h1, q1, kv1 = mid_call(
        x, ap0, sp0,
        p0["Wo"], _w(p0, "bo"), _w(p0, "ln1_g"), _w(p0, "ln1_b"),
        p0["W1"], _w(p0, "b1"), p0["W2"], _w(p0, "b2"),
        _w(p0, "ln2_g"), _w(p0, "ln2_b"),
        p1["Wq"], _w(p1, "bq"), p1["Wk"], _w(p1, "bk"),
        p1["Wv"], _w(p1, "bv"))

    ap1, sp1 = _edge_kernel(q1, kv1, packed, z64, z16)

    readout_shapes = [(2 * D, D), (1, D), (D, D // 2), (1, D // 2),
                      (D // 2, 10), (1, 10)]

    final_call = pl.pallas_call(
        _final_body,
        grid=grid,
        in_specs=[_rowspec(D), _partspec(DHALF), _partspec(16)]
                 + [_fullspec(s) for s in post_w_shapes + readout_shapes],
        out_specs=_rowspec(10),
        out_shape=jax.ShapeDtypeStruct((N, 10), jnp.float32),
    )

    out = final_call(
        h1, ap1, sp1,
        p1["Wo"], _w(p1, "bo"), _w(p1, "ln1_g"), _w(p1, "ln1_b"),
        p1["W1"], _w(p1, "b1"), p1["W2"], _w(p1, "b2"),
        _w(p1, "ln2_g"), _w(p1, "ln2_b"),
        r0w, r0b.reshape(1, -1), r1w, r1b.reshape(1, -1),
        r2w, r2b.reshape(1, -1))

    return out

# --- scband reference (transcript-rebuilt; emitter-appended) ---
"""Pipeline reference for scband-graph-transfomer-net-64458869179012 (READ-ONLY COPY).

The authoritative reference and input builder live on the scoring server;
editing this copy changes nothing except your own understanding.
"""

import jax, jax.numpy as jnp
import numpy as np

N = 10000
E = 320000
IN_SIZE = 128
D = 128
H = 8
DH = D // H
L = 2
OUT = 10


def _linear(key, fan_in, fan_out):
    W = jax.random.normal(key, (fan_in, fan_out), dtype=jnp.float32) * 0.02
    b = jnp.zeros((fan_out,), jnp.float32)
    return W, b


def setup_inputs(seed: int = 0) -> dict:
    key = jax.random.key(seed)
    ks = jax.random.split(key, 40)
    x = jax.random.normal(ks[0], (N, IN_SIZE), dtype=jnp.float32)
    edge_index = jax.random.randint(ks[1], (2, E), 0, N, dtype=jnp.int32)
    layers = []
    k = 2
    for l in range(L):
        in_dim = IN_SIZE if l == 0 else D
        Wq, bq = _linear(ks[k], in_dim, D); k += 1
        Wk, bk = _linear(ks[k], in_dim, D); k += 1
        Wv, bv = _linear(ks[k], in_dim, D); k += 1
        Wo, bo = _linear(ks[k], D, D); k += 1
        W1, b1 = _linear(ks[k], D, 2 * D); k += 1
        W2, b2 = _linear(ks[k], 2 * D, D); k += 1
        layers.append({
            "Wq": Wq, "bq": bq, "Wk": Wk, "bk": bk, "Wv": Wv, "bv": bv,
            "Wo": Wo, "bo": bo,
            "ln1_g": jnp.ones((D,), jnp.float32), "ln1_b": jnp.zeros((D,), jnp.float32),
            "W1": W1, "b1": b1, "W2": W2, "b2": b2,
            "ln2_g": jnp.ones((D,), jnp.float32), "ln2_b": jnp.zeros((D,), jnp.float32),
        })
    r0 = _linear(ks[k], D * L, (D * L) // 2); k += 1
    r1 = _linear(ks[k], (D * L) // 2, (D * L) // 4); k += 1
    r2 = _linear(ks[k], (D * L) // 4, OUT); k += 1
    params = {"layers": layers, "readout": [r0, r1, r2]}
    return {"x": x, "edge_index": edge_index, "params": params}


def _layer_norm(h, g, b):
    mu = jnp.mean(h, axis=-1, keepdims=True)
    var = jnp.mean((h - mu) ** 2, axis=-1, keepdims=True)
    return (h - mu) / jnp.sqrt(var + 1e-5) * g + b


def _gt_layer(h, src, dst, p):
    n = h.shape[0]
    Q = (h @ p["Wq"] + p["bq"]).reshape(n, H, DH)
    K = (h @ p["Wk"] + p["bk"]).reshape(n, H, DH)
    V = (h @ p["Wv"] + p["bv"]).reshape(n, H, DH)
    # per-edge attention scores, softmax over incoming edges of each dst node
    score = jnp.sum(K[src] * Q[dst], axis=-1) / np.sqrt(DH)  # [E, H]
    m = jax.ops.segment_max(score, dst, num_segments=n)
    m = jnp.where(jnp.isfinite(m), m, 0.0)
    m = jax.lax.stop_gradient(m)
    e = jnp.exp(score - m[dst])
    s = jax.ops.segment_sum(e, dst, num_segments=n)
    alpha = e / (s[dst] + 1e-9)
    agg = jax.ops.segment_sum(alpha[:, :, None] * V[src], dst, num_segments=n)
    attn_out = agg.reshape(n, D) @ p["Wo"] + p["bo"]
    if h.shape[-1] == D:
        attn_out = h + attn_out  # residual
    h1 = _layer_norm(attn_out, p["ln1_g"], p["ln1_b"])
    ff = jax.nn.relu(h1 @ p["W1"] + p["b1"]) @ p["W2"] + p["b2"]
    h2 = _layer_norm(h1 + ff, p["ln2_g"], p["ln2_b"])
    return h2


def reference(x, edge_index, params):
    src = edge_index[0]
    dst = edge_index[1]
    h = x
    outs = []
    for p in params["layers"]:
        h = _gt_layer(h, src, dst, p)
        outs.append(h)
    hc = jnp.concatenate(outs, axis=1)
    (W0, b0), (W1, b1), (W2, b2) = params["readout"]
    r = jax.nn.relu(hc @ W0 + b0)
    r = jax.nn.relu(r @ W1 + b1)
    return r @ W2 + b2

if __name__ == "__main__":
    import jax
    _d = setup_inputs()
    print(jax.jit(kernel)(*tuple(_d.values())))

</pallas_src>

<mosaic_0001>
#map = affine_map<(d0, d1) -> (0, 0)>
#map1 = affine_map<(d0, d1) -> (0, 0, 0)>
#map2 = affine_map<(d0, d1) -> (0, 0, 0, 0)>
module attributes {stable_mosaic.version = 14 : i64} {
  func.func @_edge_body(%arg0: i32, %arg1: i32, %arg2: memref<10000x128xf32, #tpu.memory_space<hbm>>, %arg3: memref<2x10000x128xf32, #tpu.memory_space<hbm>>, %arg4: memref<16x5x50x80xi32, #tpu.memory_space<hbm>>, %arg5: memref<10000x64xf32, #tpu.memory_space<hbm>>, %arg6: memref<10000x16xf32, #tpu.memory_space<hbm>>, %arg7: memref<2x10000x64xf32, #tpu.memory_space<hbm>>, %arg8: memref<2x10000x16xf32, #tpu.memory_space<hbm>>, %arg9: memref<50x80xi32, #tpu.memory_space<vmem>>, %arg10: memref<50x80xi32, #tpu.memory_space<vmem>>, %arg11: memref<50x80xi32, #tpu.memory_space<vmem>>, %arg12: memref<80x128xf32, #tpu.memory_space<vmem>>, %arg13: memref<80x128xf32, #tpu.memory_space<vmem>>, %arg14: memref<80x64xf32, #tpu.memory_space<vmem>>, %arg15: memref<80x16xf32, #tpu.memory_space<vmem>>, %arg16: memref<80x128xf32, #tpu.memory_space<vmem>>, %arg17: memref<80x128xf32, #tpu.memory_space<vmem>>, %arg18: memref<80x64xf32, #tpu.memory_space<vmem>>, %arg19: memref<80x16xf32, #tpu.memory_space<vmem>>, %arg20: memref<10000x64xf32, #tpu.memory_space<vmem_shared>>, %arg21: memref<10000x16xf32, #tpu.memory_space<vmem_shared>>, %arg22: memref<!tpu.dma_semaphore, #tpu.memory_space<semaphore_mem>>, %arg23: memref<!tpu.dma_semaphore, #tpu.memory_space<semaphore_mem>>, %arg24: memref<!tpu.dma_semaphore, #tpu.memory_space<semaphore_mem>>, %arg25: memref<!tpu.dma_semaphore, #tpu.memory_space<semaphore_mem>>, %arg26: memref<!tpu.dma_semaphore, #tpu.memory_space<semaphore_mem>>, %arg27: memref<!tpu.dma_semaphore, #tpu.memory_space<semaphore_mem>>, %arg28: memref<!tpu.dma_semaphore, #tpu.memory_space<semaphore_mem>>, %arg29: memref<!tpu.dma_semaphore, #tpu.memory_space<semaphore_mem>>) attributes {dimension_semantics = [#tpu.dimension_semantics<core_parallel>, #tpu.dimension_semantics<subcore_parallel>], iteration_bounds = array<i64: 2, 16>, scalar_prefetch = 0 : i64, scratch_operands = 21 : i64, tpu.core_type = #tpu.core_type<sc_vector_subcore>, window_params = [{transform_indices = #map}, {transform_indices = #map1}, {transform_indices = #map2}, {transform_indices = #map}, {transform_indices = #map}, {transform_indices = #map1}, {transform_indices = #map1}]} {
    %mul3A = arith.constant 624 : i32
    %mul3A_0 = arith.muli %arg1, %mul3A : i32
    "tpu.region"() ({
      %run_scoped3A = tpu.sem_alloc : memref<!tpu.dma_semaphore, #tpu.memory_space<semaphore_mem>>
      %dma_start3A = arith.constant 0 : i32
      %dma_start3A_14 = tpu.memref_slice %arg20[%mul3A_0, %dma_start3A] : memref<10000x64xf32, #tpu.memory_space<vmem_shared>> -> memref<624x64xf32, #tpu.memory_space<vmem_shared>>
      %dma_start3A_15 = arith.constant 0 : i32
      %dma_start3A_16 = arith.constant 0 : i32
      %dma_start3A_17 = tpu.memref_slice %arg5[%dma_start3A_15, %dma_start3A_16] : memref<10000x64xf32, #tpu.memory_space<hbm>> -> memref<624x64xf32, #tpu.memory_space<hbm>>
      tpu.enqueue_dma source(%dma_start3A_17 : memref<624x64xf32, #tpu.memory_space<hbm>>) target(%dma_start3A_14 : memref<624x64xf32, #tpu.memory_space<vmem_shared>>) target_semaphore(%run_scoped3A : memref<!tpu.dma_semaphore, #tpu.memory_space<semaphore_mem>>)
      %dma_wait3A = arith.constant 0 : i32
      %dma_wait3A_18 = tpu.memref_slice %arg20[%mul3A_0, %dma_wait3A] : memref<10000x64xf32, #tpu.memory_space<vmem_shared>> -> memref<624x64xf32, #tpu.memory_space<vmem_shared>>
      %dma_wait3A_19 = arith.constant 0 : i32
      %dma_wait3A_20 = arith.constant 0 : i32
      %dma_wait3A_21 = tpu.memref_slice %arg5[%dma_wait3A_19, %dma_wait3A_20] : memref<10000x64xf32, #tpu.memory_space<hbm>> -> memref<624x64xf32, #tpu.memory_space<hbm>>
      tpu.wait_dma2 semaphore(%run_scoped3A : memref<!tpu.dma_semaphore, #tpu.memory_space<semaphore_mem>>) src(%dma_wait3A_21 : memref<624x64xf32, #tpu.memory_space<hbm>>) dst(%dma_wait3A_18 : memref<624x64xf32, #tpu.memory_space<vmem_shared>>)
      tpu.yield
    }) : () -> ()
    "tpu.region"() ({
      %run_scoped3A = tpu.sem_alloc : memref<!tpu.dma_semaphore, #tpu.memory_space<semaphore_mem>>
      %dma_start3A = arith.constant 0 : i32
      %dma_start3A_14 = tpu.memref_slice %arg21[%mul3A_0, %dma_start3A] : memref<10000x16xf32, #tpu.memory_space<vmem_shared>> -> memref<624x16xf32, #tpu.memory_space<vmem_shared>>
      %dma_start3A_15 = arith.constant 0 : i32
      %dma_start3A_16 = arith.constant 0 : i32
      %dma_start3A_17 = tpu.memref_slice %arg6[%dma_start3A_15, %dma_start3A_16] : memref<10000x16xf32, #tpu.memory_space<hbm>> -> memref<624x16xf32, #tpu.memory_space<hbm>>
      tpu.enqueue_dma source(%dma_start3A_17 : memref<624x16xf32, #tpu.memory_space<hbm>>) target(%dma_start3A_14 : memref<624x16xf32, #tpu.memory_space<vmem_shared>>) target_semaphore(%run_scoped3A : memref<!tpu.dma_semaphore, #tpu.memory_space<semaphore_mem>>)
      %dma_wait3A = arith.constant 0 : i32
      %dma_wait3A_18 = tpu.memref_slice %arg21[%mul3A_0, %dma_wait3A] : memref<10000x16xf32, #tpu.memory_space<vmem_shared>> -> memref<624x16xf32, #tpu.memory_space<vmem_shared>>
      %dma_wait3A_19 = arith.constant 0 : i32
      %dma_wait3A_20 = arith.constant 0 : i32
      %dma_wait3A_21 = tpu.memref_slice %arg6[%dma_wait3A_19, %dma_wait3A_20] : memref<10000x16xf32, #tpu.memory_space<hbm>> -> memref<624x16xf32, #tpu.memory_space<hbm>>
      tpu.wait_dma2 semaphore(%run_scoped3A : memref<!tpu.dma_semaphore, #tpu.memory_space<semaphore_mem>>) src(%dma_wait3A_21 : memref<624x16xf32, #tpu.memory_space<hbm>>) dst(%dma_wait3A_18 : memref<624x16xf32, #tpu.memory_space<vmem_shared>>)
      tpu.yield
    }) : () -> ()
    "tpu.region"() ({
      %run_scoped3A = tpu.sem_alloc : memref<!tpu.dma_semaphore, #tpu.memory_space<semaphore_mem>>
      %dma_start3A = arith.constant 0 : i32
      %dma_start3A_14 = arith.constant 0 : i32
      %dma_start3A_15 = tpu.memref_slice %arg6[%dma_start3A, %dma_start3A_14] : memref<10000x16xf32, #tpu.memory_space<hbm>> -> memref<80x16xf32, #tpu.memory_space<hbm>>
      %dma_start3A_16 = arith.constant 0 : i32
      %dma_start3A_17 = arith.constant 0 : i32
      %dma_start3A_18 = tpu.memref_slice %arg6[%dma_start3A_16, %dma_start3A_17] : memref<10000x16xf32, #tpu.memory_space<hbm>> -> memref<80x16xf32, #tpu.memory_space<hbm>>
      tpu.enqueue_dma source(%dma_start3A_18 : memref<80x16xf32, #tpu.memory_space<hbm>>) target(%arg15 : memref<80x16xf32, #tpu.memory_space<vmem>>) target_semaphore(%run_scoped3A : memref<!tpu.dma_semaphore, #tpu.memory_space<semaphore_mem>>)
      %dma_wait3A = arith.constant 0 : i32
      %dma_wait3A_19 = arith.constant 0 : i32
      %dma_wait3A_20 = tpu.memref_slice %arg6[%dma_wait3A, %dma_wait3A_19] : memref<10000x16xf32, #tpu.memory_space<hbm>> -> memref<80x16xf32, #tpu.memory_space<hbm>>
      %dma_wait3A_21 = arith.constant 0 : i32
      %dma_wait3A_22 = arith.constant 0 : i32
      %dma_wait3A_23 = tpu.memref_slice %arg6[%dma_wait3A_21, %dma_wait3A_22] : memref<10000x16xf32, #tpu.memory_space<hbm>> -> memref<80x16xf32, #tpu.memory_space<hbm>>
      tpu.wait_dma2 semaphore(%run_scoped3A : memref<!tpu.dma_semaphore, #tpu.memory_space<semaphore_mem>>) src(%dma_wait3A_23 : memref<80x16xf32, #tpu.memory_space<hbm>>) dst(%arg15 : memref<80x16xf32, #tpu.memory_space<vmem>>)
      tpu.yield
    }) : () -> ()
    "tpu.region"() ({
      %run_scoped3A = tpu.sem_alloc : memref<!tpu.dma_semaphore, #tpu.memory_space<semaphore_mem>>
      %dma_start3A = arith.constant 0 : i32
      %dma_start3A_14 = arith.constant 0 : i32
      %dma_start3A_15 = tpu.memref_slice %arg6[%dma_start3A, %dma_start3A_14] : memref<10000x16xf32, #tpu.memory_space<hbm>> -> memref<80x16xf32, #tpu.memory_space<hbm>>
      %dma_start3A_16 = arith.constant 0 : i32
      %dma_start3A_17 = arith.constant 0 : i32
      %dma_start3A_18 = tpu.memref_slice %arg6[%dma_start3A_16, %dma_start3A_17] : memref<10000x16xf32, #tpu.memory_space<hbm>> -> memref<80x16xf32, #tpu.memory_space<hbm>>
      tpu.enqueue_dma source(%dma_start3A_18 : memref<80x16xf32, #tpu.memory_space<hbm>>) target(%arg19 : memref<80x16xf32, #tpu.memory_space<vmem>>) target_semaphore(%run_scoped3A : memref<!tpu.dma_semaphore, #tpu.memory_space<semaphore_mem>>)
      %dma_wait3A = arith.constant 0 : i32
      %dma_wait3A_19 = arith.constant 0 : i32
      %dma_wait3A_20 = tpu.memref_slice %arg6[%dma_wait3A, %dma_wait3A_19] : memref<10000x16xf32, #tpu.memory_space<hbm>> -> memref<80x16xf32, #tpu.memory_space<hbm>>
      %dma_wait3A_21 = arith.constant 0 : i32
      %dma_wait3A_22 = arith.constant 0 : i32
      %dma_wait3A_23 = tpu.memref_slice %arg6[%dma_wait3A_21, %dma_wait3A_22] : memref<10000x16xf32, #tpu.memory_space<hbm>> -> memref<80x16xf32, #tpu.memory_space<hbm>>
      tpu.wait_dma2 semaphore(%run_scoped3A : memref<!tpu.dma_semaphore, #tpu.memory_space<semaphore_mem>>) src(%dma_wait3A_23 : memref<80x16xf32, #tpu.memory_space<hbm>>) dst(%arg19 : memref<80x16xf32, #tpu.memory_space<vmem>>)
      tpu.yield
    }) : () -> ()
    %eq3A = arith.constant 15 : i32
    %eq3A_1 = arith.cmpi eq, %arg1, %eq3A : i32
    %convert_element_type3A = arith.extui %eq3A_1 : i1 to i32
    %cond3A = arith.constant 0 : i32
    %cond3A_2 = arith.cmpi ne, %convert_element_type3A, %cond3A : i32
    scf.if %cond3A_2 {
      "tpu.region"() ({
        %run_scoped3A = tpu.sem_alloc : memref<!tpu.dma_semaphore, #tpu.memory_space<semaphore_mem>>
        %dma_start3A = arith.constant 9984 : i32
        %dma_start3A_14 = arith.constant 0 : i32
        %dma_start3A_15 = tpu.memref_slice %arg20[%dma_start3A, %dma_start3A_14] : memref<10000x64xf32, #tpu.memory_space<vmem_shared>> -> memref<16x64xf32, #tpu.memory_space<vmem_shared>>
        %dma_start3A_16 = arith.constant 0 : i32
        %dma_start3A_17 = arith.constant 0 : i32
        %dma_start3A_18 = tpu.memref_slice %arg5[%dma_start3A_16, %dma_start3A_17] : memref<10000x64xf32, #tpu.memory_space<hbm>> -> memref<16x64xf32, #tpu.memory_space<hbm>>
        tpu.enqueue_dma source(%dma_start3A_18 : memref<16x64xf32, #tpu.memory_space<hbm>>) target(%dma_start3A_15 : memref<16x64xf32, #tpu.memory_space<vmem_shared>>) target_semaphore(%run_scoped3A : memref<!tpu.dma_semaphore, #tpu.memory_space<semaphore_mem>>)
        %dma_wait3A = arith.constant 9984 : i32
        %dma_wait3A_19 = arith.constant 0 : i32
        %dma_wait3A_20 = tpu.memref_slice %arg20[%dma_wait3A, %dma_wait3A_19] : memref<10000x64xf32, #tpu.memory_space<vmem_shared>> -> memref<16x64xf32, #tpu.memory_space<vmem_shared>>
        %dma_wait3A_21 = arith.constant 0 : i32
        %dma_wait3A_22 = arith.constant 0 : i32
        %dma_wait3A_23 = tpu.memref_slice %arg5[%dma_wait3A_21, %dma_wait3A_22] : memref<10000x64xf32, #tpu.memory_space<hbm>> -> memref<16x64xf32, #tpu.memory_space<hbm>>
        tpu.wait_dma2 semaphore(%run_scoped3A : memref<!tpu.dma_semaphore, #tpu.memory_space<semaphore_mem>>) src(%dma_wait3A_23 : memref<16x64xf32, #tpu.memory_space<hbm>>) dst(%dma_wait3A_20 : memref<16x64xf32, #tpu.memory_space<vmem_shared>>)
        tpu.yield
      }) : () -> ()
      "tpu.region"() ({
        %run_scoped3A = tpu.sem_alloc : memref<!tpu.dma_semaphore, #tpu.memory_space<semaphore_mem>>
        %dma_start3A = arith.constant 9984 : i32
        %dma_start3A_14 = arith.constant 0 : i32
        %dma_start3A_15 = tpu.memref_slice %arg21[%dma_start3A, %dma_start3A_14] : memref<10000x16xf32, #tpu.memory_space<vmem_shared>> -> memref<16x16xf32, #tpu.memory_space<vmem_shared>>
        %dma_start3A_16 = arith.constant 0 : i32
        %dma_start3A_17 = arith.constant 0 : i32
        %dma_start3A_18 = tpu.memref_slice %arg6[%dma_start3A_16, %dma_start3A_17] : memref<10000x16xf32, #tpu.memory_space<hbm>> -> memref<16x16xf32, #tpu.memory_space<hbm>>
        tpu.enqueue_dma source(%dma_start3A_18 : memref<16x16xf32, #tpu.memory_space<hbm>>) target(%dma_start3A_15 : memref<16x16xf32, #tpu.memory_space<vmem_shared>>) target_semaphore(%run_scoped3A : memref<!tpu.dma_semaphore, #tpu.memory_space<semaphore_mem>>)
        %dma_wait3A = arith.constant 9984 : i32
        %dma_wait3A_19 = arith.constant 0 : i32
        %dma_wait3A_20 = tpu.memref_slice %arg21[%dma_wait3A, %dma_wait3A_19] : memref<10000x16xf32, #tpu.memory_space<vmem_shared>> -> memref<16x16xf32, #tpu.memory_space<vmem_shared>>
        %dma_wait3A_21 = arith.constant 0 : i32
        %dma_wait3A_22 = arith.constant 0 : i32
        %dma_wait3A_23 = tpu.memref_slice %arg6[%dma_wait3A_21, %dma_wait3A_22] : memref<10000x16xf32, #tpu.memory_space<hbm>> -> memref<16x16xf32, #tpu.memory_space<hbm>>
        tpu.wait_dma2 semaphore(%run_scoped3A : memref<!tpu.dma_semaphore, #tpu.memory_space<semaphore_mem>>) src(%dma_wait3A_23 : memref<16x16xf32, #tpu.memory_space<hbm>>) dst(%dma_wait3A_20 : memref<16x16xf32, #tpu.memory_space<vmem_shared>>)
        tpu.yield
      }) : () -> ()
    } else {
    }
    %barrier3A = arith.constant 0 : index
    tpu.barrier barrier_id(%barrier3A)
    %iota3A = tpu.iota {dimensions = array<i32: 0>} : vector<16xi32>
    %scan3A = arith.constant 0 : i32
    %scan3A_3 = arith.constant 0 : i32
    %scan3A_4 = arith.constant 5 : i32
    %scan3A_5 = arith.addi %scan3A_3, %scan3A_4 : i32
    %scan3A_6 = arith.constant 1 : i32
    scf.for %scan3A_14 = %scan3A_3 to %scan3A_5 step %scan3A_6  : i32 {
      "tpu.region"() ({
        %run_scoped3A = tpu.sem_alloc : memref<!tpu.dma_semaphore, #tpu.memory_space<semaphore_mem>>
        %dma_start3A_71 = arith.constant 0 : i32
        %dma_start3A_72 = arith.constant 0 : i32
        %dma_start3A_73 = tpu.memref_slice %arg4[%arg1, %scan3A_14, %dma_start3A_71, %dma_start3A_72] : memref<16x5x50x80xi32, #tpu.memory_space<hbm>> -> memref<1x1x50x80xi32, #tpu.memory_space<hbm>>
        %dma_start3A_74 = tpu.memref_squeeze %dma_start3A_73 : memref<1x1x50x80xi32, #tpu.memory_space<hbm>> -> memref<50x80xi32, #tpu.memory_space<hbm>>
        %dma_start3A_75 = arith.constant 0 : i32
        %dma_start3A_76 = arith.constant 0 : i32
        %dma_start3A_77 = tpu.memref_slice %arg4[%arg1, %scan3A_14, %dma_start3A_75, %dma_start3A_76] : memref<16x5x50x80xi32, #tpu.memory_space<hbm>> -> memref<1x1x50x80xi32, #tpu.memory_space<hbm>>
        %dma_start3A_78 = tpu.memref_squeeze %dma_start3A_77 : memref<1x1x50x80xi32, #tpu.memory_space<hbm>> -> memref<50x80xi32, #tpu.memory_space<hbm>>
        tpu.enqueue_dma source(%dma_start3A_78 : memref<50x80xi32, #tpu.memory_space<hbm>>) target(%arg9 : memref<50x80xi32, #tpu.memory_space<vmem>>) target_semaphore(%run_scoped3A : memref<!tpu.dma_semaphore, #tpu.memory_space<semaphore_mem>>)
        %dma_wait3A_79 = arith.constant 0 : i32
        %dma_wait3A_80 = arith.constant 0 : i32
        %dma_wait3A_81 = tpu.memref_slice %arg4[%arg1, %scan3A_14, %dma_wait3A_79, %dma_wait3A_80] : memref<16x5x50x80xi32, #tpu.memory_space<hbm>> -> memref<1x1x50x80xi32, #tpu.memory_space<hbm>>
        %dma_wait3A_82 = tpu.memref_squeeze %dma_wait3A_81 : memref<1x1x50x80xi32, #tpu.memory_space<hbm>> -> memref<50x80xi32, #tpu.memory_space<hbm>>
        %dma_wait3A_83 = arith.constant 0 : i32
        %dma_wait3A_84 = arith.constant 0 : i32
        %dma_wait3A_85 = tpu.memref_slice %arg4[%arg1, %scan3A_14, %dma_wait3A_83, %dma_wait3A_84] : memref<16x5x50x80xi32, #tpu.memory_space<hbm>> -> memref<1x1x50x80xi32, #tpu.memory_space<hbm>>
        %dma_wait3A_86 = tpu.memref_squeeze %dma_wait3A_85 : memref<1x1x50x80xi32, #tpu.memory_space<hbm>> -> memref<50x80xi32, #tpu.memory_space<hbm>>
        tpu.wait_dma2 semaphore(%run_scoped3A : memref<!tpu.dma_semaphore, #tpu.memory_space<semaphore_mem>>) src(%dma_wait3A_86 : memref<50x80xi32, #tpu.memory_space<hbm>>) dst(%arg9 : memref<50x80xi32, #tpu.memory_space<vmem>>)
        tpu.yield
      }) : () -> ()
      %scan3A_15 = arith.constant 0 : i32
      %scan3A_16 = arith.constant 0 : i32
      %scan3A_17 = arith.constant 50 : i32
      %scan3A_18 = arith.addi %scan3A_16, %scan3A_17 : i32
      %scan3A_19 = arith.constant 1 : i32
      scf.for %scan3A_71 = %scan3A_16 to %scan3A_18 step %scan3A_19  : i32 {
        %get3A = arith.index_cast %scan3A_71 : i32 to index
        %get3A_72 = arith.constant 0 : index
        %get3A_73 = tpu.vector_load %arg9[%get3A, %get3A_72] {strides = array<i32>} : memref<50x80xi32, #tpu.memory_space<vmem>>, vector<16xi32>,
        %shift_right_logical3A = arith.constant 14 : i32
        %shift_right_logical3A_74 = vector.broadcast %shift_right_logical3A : i32 to vector<16xi32>
        %shift_right_logical3A_75 = arith.shrui %get3A_73, %shift_right_logical3A_74 : vector<16xi32>
        %swap3A = arith.index_cast %scan3A_71 : i32 to index
        %swap3A_76 = arith.constant 0 : index
        %swap3A_77 = tpu.vector_load %arg10[%swap3A, %swap3A_76] {strides = array<i32>} : memref<50x80xi32, #tpu.memory_space<vmem>>, vector<16xi32>,
        tpu.vector_store %arg10[%swap3A, %swap3A_76], %shift_right_logical3A_75 {strides = array<i32>} : memref<50x80xi32, #tpu.memory_space<vmem>>, vector<16xi32>,
        %and3A = arith.constant 16383 : i32
        %and3A_78 = vector.broadcast %and3A : i32 to vector<16xi32>
        %and3A_79 = arith.andi %get3A_73, %and3A_78 : vector<16xi32>
        %swap3A_80 = arith.index_cast %scan3A_71 : i32 to index
        %swap3A_81 = arith.constant 0 : index
        %swap3A_82 = tpu.vector_load %arg11[%swap3A_80, %swap3A_81] {strides = array<i32>} : memref<50x80xi32, #tpu.memory_space<vmem>>, vector<16xi32>,
        tpu.vector_store %arg11[%swap3A_80, %swap3A_81], %and3A_79 {strides = array<i32>} : memref<50x80xi32, #tpu.memory_space<vmem>>, vector<16xi32>,
        %get3A_83 = arith.index_cast %scan3A_71 : i32 to index
        %get3A_84 = arith.constant 16 : index
        %get3A_85 = tpu.vector_load %arg9[%get3A_83, %get3A_84] {strides = array<i32>} : memref<50x80xi32, #tpu.memory_space<vmem>>, vector<16xi32>,
        %shift_right_logical3A_86 = arith.constant 14 : i32
        %shift_right_logical3A_87 = vector.broadcast %shift_right_logical3A_86 : i32 to vector<16xi32>
        %shift_right_logical3A_88 = arith.shrui %get3A_85, %shift_right_logical3A_87 : vector<16xi32>
        %swap3A_89 = arith.index_cast %scan3A_71 : i32 to index
        %swap3A_90 = arith.constant 16 : index
        %swap3A_91 = tpu.vector_load %arg10[%swap3A_89, %swap3A_90] {strides = array<i32>} : memref<50x80xi32, #tpu.memory_space<vmem>>, vector<16xi32>,
        tpu.vector_store %arg10[%swap3A_89, %swap3A_90], %shift_right_logical3A_88 {strides = array<i32>} : memref<50x80xi32, #tpu.memory_space<vmem>>, vector<16xi32>,
        %and3A_92 = arith.constant 16383 : i32
        %and3A_93 = vector.broadcast %and3A_92 : i32 to vector<16xi32>
        %and3A_94 = arith.andi %get3A_85, %and3A_93 : vector<16xi32>
        %swap3A_95 = arith.index_cast %scan3A_71 : i32 to index
        %swap3A_96 = arith.constant 16 : index
        %swap3A_97 = tpu.vector_load %arg11[%swap3A_95, %swap3A_96] {strides = array<i32>} : memref<50x80xi32, #tpu.memory_space<vmem>>, vector<16xi32>,
        tpu.vector_store %arg11[%swap3A_95, %swap3A_96], %and3A_94 {strides = array<i32>} : memref<50x80xi32, #tpu.memory_space<vmem>>, vector<16xi32>,
        %get3A_98 = arith.index_cast %scan3A_71 : i32 to index
        %get3A_99 = arith.constant 32 : index
        %get3A_100 = tpu.vector_load %arg9[%get3A_98, %get3A_99] {strides = array<i32>} : memref<50x80xi32, #tpu.memory_space<vmem>>, vector<16xi32>,
        %shift_right_logical3A_101 = arith.constant 14 : i32
        %shift_right_logical3A_102 = vector.broadcast %shift_right_logical3A_101 : i32 to vector<16xi32>
        %shift_right_logical3A_103 = arith.shrui %get3A_100, %shift_right_logical3A_102 : vector<16xi32>
        %swap3A_104 = arith.index_cast %scan3A_71 : i32 to index
        %swap3A_105 = arith.constant 32 : index
        %swap3A_106 = tpu.vector_load %arg10[%swap3A_104, %swap3A_105] {strides = array<i32>} : memref<50x80xi32, #tpu.memory_space<vmem>>, vector<16xi32>,
        tpu.vector_store %arg10[%swap3A_104, %swap3A_105], %shift_right_logical3A_103 {strides = array<i32>} : memref<50x80xi32, #tpu.memory_space<vmem>>, vector<16xi32>,
        %and3A_107 = arith.constant 16383 : i32
        %and3A_108 = vector.broadcast %and3A_107 : i32 to vector<16xi32>
        %and3A_109 = arith.andi %get3A_100, %and3A_108 : vector<16xi32>
        %swap3A_110 = arith.index_cast %scan3A_71 : i32 to index
        %swap3A_111 = arith.constant 32 : index
        %swap3A_112 = tpu.vector_load %arg11[%swap3A_110, %swap3A_111] {strides = array<i32>} : memref<50x80xi32, #tpu.memory_space<vmem>>, vector<16xi32>,
        tpu.vector_store %arg11[%swap3A_110, %swap3A_111], %and3A_109 {strides = array<i32>} : memref<50x80xi32, #tpu.memory_space<vmem>>, vector<16xi32>,
        %get3A_113 = arith.index_cast %scan3A_71 : i32 to index
        %get3A_114 = arith.constant 48 : index
        %get3A_115 = tpu.vector_load %arg9[%get3A_113, %get3A_114] {strides = array<i32>} : memref<50x80xi32, #tpu.memory_space<vmem>>, vector<16xi32>,
        %shift_right_logical3A_116 = arith.constant 14 : i32
        %shift_right_logical3A_117 = vector.broadcast %shift_right_logical3A_116 : i32 to vector<16xi32>
        %shift_right_logical3A_118 = arith.shrui %get3A_115, %shift_right_logical3A_117 : vector<16xi32>
        %swap3A_119 = arith.index_cast %scan3A_71 : i32 to index
        %swap3A_120 = arith.constant 48 : index
        %swap3A_121 = tpu.vector_load %arg10[%swap3A_119, %swap3A_120] {strides = array<i32>} : memref<50x80xi32, #tpu.memory_space<vmem>>, vector<16xi32>,
        tpu.vector_store %arg10[%swap3A_119, %swap3A_120], %shift_right_logical3A_118 {strides = array<i32>} : memref<50x80xi32, #tpu.memory_space<vmem>>, vector<16xi32>,
        %and3A_122 = arith.constant 16383 : i32
        %and3A_123 = vector.broadcast %and3A_122 : i32 to vector<16xi32>
        %and3A_124 = arith.andi %get3A_115, %and3A_123 : vector<16xi32>
        %swap3A_125 = arith.index_cast %scan3A_71 : i32 to index
        %swap3A_126 = arith.constant 48 : index
        %swap3A_127 = tpu.vector_load %arg11[%swap3A_125, %swap3A_126] {strides = array<i32>} : memref<50x80xi32, #tpu.memory_space<vmem>>, vector<16xi32>,
        tpu.vector_store %arg11[%swap3A_125, %swap3A_126], %and3A_124 {strides = array<i32>} : memref<50x80xi32, #tpu.memory_space<vmem>>, vector<16xi32>,
        %get3A_128 = arith.index_cast %scan3A_71 : i32 to index
        %get3A_129 = arith.constant 64 : index
        %get3A_130 = tpu.vector_load %arg9[%get3A_128, %get3A_129] {strides = array<i32>} : memref<50x80xi32, #tpu.memory_space<vmem>>, vector<16xi32>,
        %shift_right_logical3A_131 = arith.constant 14 : i32
        %shift_right_logical3A_132 = vector.broadcast %shift_right_logical3A_131 : i32 to vector<16xi32>
        %shift_right_logical3A_133 = arith.shrui %get3A_130, %shift_right_logical3A_132 : vector<16xi32>
        %swap3A_134 = arith.index_cast %scan3A_71 : i32 to index
        %swap3A_135 = arith.constant 64 : index
        %swap3A_136 = tpu.vector_load %arg10[%swap3A_134, %swap3A_135] {strides = array<i32>} : memref<50x80xi32, #tpu.memory_space<vmem>>, vector<16xi32>,
        tpu.vector_store %arg10[%swap3A_134, %swap3A_135], %shift_right_logical3A_133 {strides = array<i32>} : memref<50x80xi32, #tpu.memory_space<vmem>>, vector<16xi32>,
        %and3A_137 = arith.constant 16383 : i32
        %and3A_138 = vector.broadcast %and3A_137 : i32 to vector<16xi32>
        %and3A_139 = arith.andi %get3A_130, %and3A_138 : vector<16xi32>
        %swap3A_140 = arith.index_cast %scan3A_71 : i32 to index
        %swap3A_141 = arith.constant 64 : index
        %swap3A_142 = tpu.vector_load %arg11[%swap3A_140, %swap3A_141] {strides = array<i32>} : memref<50x80xi32, #tpu.memory_space<vmem>>, vector<16xi32>,
        tpu.vector_store %arg11[%swap3A_140, %swap3A_141], %and3A_139 {strides = array<i32>} : memref<50x80xi32, #tpu.memory_space<vmem>>, vector<16xi32>,
      }
      %scan3A_20 = arith.constant 50 : i32
      %dma_start3A = arith.constant 0 : i32
      %dma_start3A_21 = arith.constant 0 : i32
      %dma_start3A_22 = tpu.memref_slice %arg11[%dma_start3A, %dma_start3A_21] : memref<50x80xi32, #tpu.memory_space<vmem>> -> memref<1x80xi32, #tpu.memory_space<vmem>>
      %dma_start3A_23 = tpu.memref_squeeze %dma_start3A_22 : memref<1x80xi32, #tpu.memory_space<vmem>> -> memref<80xi32, #tpu.memory_space<vmem>>
      %dma_start3A_24 = arith.constant 0 : i32
      %dma_start3A_25 = arith.constant 0 : i32
      %dma_start3A_26 = tpu.memref_slice %arg2[%dma_start3A_24, %dma_start3A_25] : memref<10000x128xf32, #tpu.memory_space<hbm>> -> memref<10000x128xf32, #tpu.memory_space<hbm>>
      tpu.enqueue_indirect_dma source(%dma_start3A_26 : memref<10000x128xf32, #tpu.memory_space<hbm>>) target(%arg13 : memref<80x128xf32, #tpu.memory_space<vmem>>) offsets(%dma_start3A_23 : memref<80xi32, #tpu.memory_space<vmem>>) semaphore(%arg22 : memref<!tpu.dma_semaphore, #tpu.memory_space<semaphore_mem>>)
      %dma_start3A_27 = arith.constant 0 : i32
      %dma_start3A_28 = arith.constant 0 : i32
      %dma_start3A_29 = tpu.memref_slice %arg10[%dma_start3A_27, %dma_start3A_28] : memref<50x80xi32, #tpu.memory_space<vmem>> -> memref<1x80xi32, #tpu.memory_space<vmem>>
      %dma_start3A_30 = tpu.memref_squeeze %dma_start3A_29 : memref<1x80xi32, #tpu.memory_space<vmem>> -> memref<80xi32, #tpu.memory_space<vmem>>
      %dma_start3A_31 = arith.constant 0 : i32
      %dma_start3A_32 = arith.constant 0 : i32
      %dma_start3A_33 = tpu.memref_slice %arg3[%arg0, %dma_start3A_31, %dma_start3A_32] : memref<2x10000x128xf32, #tpu.memory_space<hbm>> -> memref<1x10000x128xf32, #tpu.memory_space<hbm>>
      %dma_start3A_34 = tpu.memref_squeeze %dma_start3A_33 : memref<1x10000x128xf32, #tpu.memory_space<hbm>> -> memref<10000x128xf32, #tpu.memory_space<hbm>>
      %dma_start3A_35 = arith.constant 0 : i32
      %dma_start3A_36 = arith.constant 0 : i32
      %dma_start3A_37 = tpu.memref_slice %dma_start3A_34[%dma_start3A_35, %dma_start3A_36] : memref<10000x128xf32, #tpu.memory_space<hbm>> -> memref<10000x128xf32, #tpu.memory_space<hbm>>
      tpu.enqueue_indirect_dma source(%dma_start3A_37 : memref<10000x128xf32, #tpu.memory_space<hbm>>) target(%arg12 : memref<80x128xf32, #tpu.memory_space<vmem>>) offsets(%dma_start3A_30 : memref<80xi32, #tpu.memory_space<vmem>>) semaphore(%arg23 : memref<!tpu.dma_semaphore, #tpu.memory_space<semaphore_mem>>)
      %scan3A_38 = arith.constant 0 : i32
      %scan3A_39 = arith.constant 0 : i32
      %scan3A_40 = arith.constant 25 : i32
      %scan3A_41 = arith.addi %scan3A_39, %scan3A_40 : i32
      %scan3A_42 = arith.constant 1 : i32
      scf.for %scan3A_71 = %scan3A_39 to %scan3A_41 step %scan3A_42  : i32 {
        %mul3A_72 = arith.constant 2 : i32
        %mul3A_73 = arith.muli %mul3A_72, %scan3A_71 : i32
        %add3A = arith.constant 1 : i32
        %add3A_74 = arith.addi %mul3A_73, %add3A : i32
        %dma_start3A_75 = arith.constant 0 : i32
        %dma_start3A_76 = tpu.memref_slice %arg11[%add3A_74, %dma_start3A_75] : memref<50x80xi32, #tpu.memory_space<vmem>> -> memref<1x80xi32, #tpu.memory_space<vmem>>
        %dma_start3A_77 = tpu.memref_squeeze %dma_start3A_76 : memref<1x80xi32, #tpu.memory_space<vmem>> -> memref<80xi32, #tpu.memory_space<vmem>>
        %dma_start3A_78 = arith.constant 0 : i32
        %dma_start3A_79 = arith.constant 0 : i32
        %dma_start3A_80 = tpu.memref_slice %arg2[%dma_start3A_78, %dma_start3A_79] : memref<10000x128xf32, #tpu.memory_space<hbm>> -> memref<10000x128xf32, #tpu.memory_space<hbm>>
        tpu.enqueue_indirect_dma source(%dma_start3A_80 : memref<10000x128xf32, #tpu.memory_space<hbm>>) target(%arg17 : memref<80x128xf32, #tpu.memory_space<vmem>>) offsets(%dma_start3A_77 : memref<80xi32, #tpu.memory_space<vmem>>) semaphore(%arg24 : memref<!tpu.dma_semaphore, #tpu.memory_space<semaphore_mem>>)
        %dma_start3A_81 = arith.constant 0 : i32
        %dma_start3A_82 = tpu.memref_slice %arg10[%add3A_74, %dma_start3A_81] : memref<50x80xi32, #tpu.memory_space<vmem>> -> memref<1x80xi32, #tpu.memory_space<vmem>>
        %dma_start3A_83 = tpu.memref_squeeze %dma_start3A_82 : memref<1x80xi32, #tpu.memory_space<vmem>> -> memref<80xi32, #tpu.memory_space<vmem>>
        %dma_start3A_84 = arith.constant 0 : i32
        %dma_start3A_85 = arith.constant 0 : i32
        %dma_start3A_86 = tpu.memref_slice %arg3[%arg0, %dma_start3A_84, %dma_start3A_85] : memref<2x10000x128xf32, #tpu.memory_space<hbm>> -> memref<1x10000x128xf32, #tpu.memory_space<hbm>>
        %dma_start3A_87 = tpu.memref_squeeze %dma_start3A_86 : memref<1x10000x128xf32, #tpu.memory_space<hbm>> -> memref<10000x128xf32, #tpu.memory_space<hbm>>
        %dma_start3A_88 = arith.constant 0 : i32
        %dma_start3A_89 = arith.constant 0 : i32
        %dma_start3A_90 = tpu.memref_slice %dma_start3A_87[%dma_start3A_88, %dma_start3A_89] : memref<10000x128xf32, #tpu.memory_space<hbm>> -> memref<10000x128xf32, #tpu.memory_space<hbm>>
        tpu.enqueue_indirect_dma source(%dma_start3A_90 : memref<10000x128xf32, #tpu.memory_space<hbm>>) target(%arg16 : memref<80x128xf32, #tpu.memory_space<vmem>>) offsets(%dma_start3A_83 : memref<80xi32, #tpu.memory_space<vmem>>) semaphore(%arg25 : memref<!tpu.dma_semaphore, #tpu.memory_space<semaphore_mem>>)
        %dma_wait3A_91 = arith.constant 0 : i32
        %dma_wait3A_92 = tpu.memref_slice %arg11[%mul3A_73, %dma_wait3A_91] : memref<50x80xi32, #tpu.memory_space<vmem>> -> memref<1x80xi32, #tpu.memory_space<vmem>>
        %dma_wait3A_93 = tpu.memref_squeeze %dma_wait3A_92 : memref<1x80xi32, #tpu.memory_space<vmem>> -> memref<80xi32, #tpu.memory_space<vmem>>
        %dma_wait3A_94 = arith.constant 0 : i32
        %dma_wait3A_95 = arith.constant 0 : i32
        %dma_wait3A_96 = tpu.memref_slice %arg2[%dma_wait3A_94, %dma_wait3A_95] : memref<10000x128xf32, #tpu.memory_space<hbm>> -> memref<10000x128xf32, #tpu.memory_space<hbm>>
        tpu.wait_indirect_dma semaphore(%arg22 : memref<!tpu.dma_semaphore, #tpu.memory_space<semaphore_mem>>) src(%dma_wait3A_96 : memref<10000x128xf32, #tpu.memory_space<hbm>>) dst(%arg13 : memref<80x128xf32, #tpu.memory_space<vmem>>)
        %dma_wait3A_97 = arith.constant 0 : i32
        %dma_wait3A_98 = tpu.memref_slice %arg10[%mul3A_73, %dma_wait3A_97] : memref<50x80xi32, #tpu.memory_space<vmem>> -> memref<1x80xi32, #tpu.memory_space<vmem>>
        %dma_wait3A_99 = tpu.memref_squeeze %dma_wait3A_98 : memref<1x80xi32, #tpu.memory_space<vmem>> -> memref<80xi32, #tpu.memory_space<vmem>>
        %dma_wait3A_100 = arith.constant 0 : i32
        %dma_wait3A_101 = arith.constant 0 : i32
        %dma_wait3A_102 = tpu.memref_slice %arg3[%arg0, %dma_wait3A_100, %dma_wait3A_101] : memref<2x10000x128xf32, #tpu.memory_space<hbm>> -> memref<1x10000x128xf32, #tpu.memory_space<hbm>>
        %dma_wait3A_103 = tpu.memref_squeeze %dma_wait3A_102 : memref<1x10000x128xf32, #tpu.memory_space<hbm>> -> memref<10000x128xf32, #tpu.memory_space<hbm>>
        %dma_wait3A_104 = arith.constant 0 : i32
        %dma_wait3A_105 = arith.constant 0 : i32
        %dma_wait3A_106 = tpu.memref_slice %dma_wait3A_103[%dma_wait3A_104, %dma_wait3A_105] : memref<10000x128xf32, #tpu.memory_space<hbm>> -> memref<10000x128xf32, #tpu.memory_space<hbm>>
        tpu.wait_indirect_dma semaphore(%arg23 : memref<!tpu.dma_semaphore, #tpu.memory_space<semaphore_mem>>) src(%dma_wait3A_106 : memref<10000x128xf32, #tpu.memory_space<hbm>>) dst(%arg12 : memref<80x128xf32, #tpu.memory_space<vmem>>)
        %gt3A = arith.constant 0 : i32
        %gt3A_107 = arith.cmpi sgt, %scan3A_71, %gt3A : i32
        %convert_element_type3A_108 = arith.extui %gt3A_107 : i1 to i32
        %cond3A_109 = arith.constant 0 : i32
        %cond3A_110 = arith.cmpi ne, %convert_element_type3A_108, %cond3A_109 : i32
        scf.if %cond3A_110 {
          %dma_wait3A_172 = arith.constant 0 : i32
          %dma_wait3A_173 = tpu.memref_slice %arg11[%mul3A_73, %dma_wait3A_172] : memref<50x80xi32, #tpu.memory_space<vmem>> -> memref<1x80xi32, #tpu.memory_space<vmem>>
          %dma_wait3A_174 = tpu.memref_squeeze %dma_wait3A_173 : memref<1x80xi32, #tpu.memory_space<vmem>> -> memref<80xi32, #tpu.memory_space<vmem>>
          %dma_wait3A_175 = arith.constant 0 : i32
          %dma_wait3A_176 = arith.constant 0 : i32
          %dma_wait3A_177 = tpu.memref_slice %arg20[%dma_wait3A_175, %dma_wait3A_176] : memref<10000x64xf32, #tpu.memory_space<vmem_shared>> -> memref<10000x64xf32, #tpu.memory_space<vmem_shared>>
          tpu.wait_indirect_dma semaphore(%arg26 : memref<!tpu.dma_semaphore, #tpu.memory_space<semaphore_mem>>) src(%arg14 : memref<80x64xf32, #tpu.memory_space<vmem>>) dst(%dma_wait3A_177 : memref<10000x64xf32, #tpu.memory_space<vmem_shared>>)
          %dma_wait3A_178 = arith.constant 0 : i32
          %dma_wait3A_179 = tpu.memref_slice %arg11[%mul3A_73, %dma_wait3A_178] : memref<50x80xi32, #tpu.memory_space<vmem>> -> memref<1x80xi32, #tpu.memory_space<vmem>>
          %dma_wait3A_180 = tpu.memref_squeeze %dma_wait3A_179 : memref<1x80xi32, #tpu.memory_space<vmem>> -> memref<80xi32, #tpu.memory_space<vmem>>
          %dma_wait3A_181 = arith.constant 0 : i32
          %dma_wait3A_182 = arith.constant 0 : i32
          %dma_wait3A_183 = tpu.memref_slice %arg21[%dma_wait3A_181, %dma_wait3A_182] : memref<10000x16xf32, #tpu.memory_space<vmem_shared>> -> memref<10000x16xf32, #tpu.memory_space<vmem_shared>>
          tpu.wait_indirect_dma semaphore(%arg27 : memref<!tpu.dma_semaphore, #tpu.memory_space<semaphore_mem>>) src(%arg15 : memref<80x16xf32, #tpu.memory_space<vmem>>) dst(%dma_wait3A_183 : memref<10000x16xf32, #tpu.memory_space<vmem_shared>>)
        } else {
        }
        %scan3A_111 = arith.constant 0 : i32
        %scan3A_112 = arith.constant 0 : i32
        %scan3A_113 = arith.constant 40 : i32
        %scan3A_114 = arith.addi %scan3A_112, %scan3A_113 : i32
        %scan3A_115 = arith.constant 1 : i32
        scf.for %scan3A_172 = %scan3A_112 to %scan3A_114 step %scan3A_115  : i32 {
          %mul3A_173 = arith.constant 2 : i32
          %mul3A_174 = arith.muli %mul3A_173, %scan3A_172 : i32
          %add3A_175 = arith.constant 0 : i32
          %add3A_176 = arith.addi %mul3A_174, %add3A_175 : i32
          %broadcast_in_dim3A = arith.constant 0.000000e+00 : f32
          %broadcast_in_dim3A_177 = vector.broadcast %broadcast_in_dim3A : f32 to vector<16xf32>
          %get3A = arith.index_cast %add3A_176 : i32 to index
          %get3A_178 = arith.constant 0 : index
          %get3A_179 = tpu.vector_load %arg12[%get3A, %get3A_178] {strides = array<i32>} : memref<80x128xf32, #tpu.memory_space<vmem>>, vector<16xf32>,
          %mul3A_180 = arith.constant 64 : i32
          %mul3A_181 = arith.muli %arg0, %mul3A_180 : i32
          %add3A_182 = arith.constant 0 : i32
          %add3A_183 = arith.addi %mul3A_181, %add3A_182 : i32
          %get3A_184 = arith.index_cast %add3A_176 : i32 to index
          %get3A_185 = arith.index_cast %add3A_183 : i32 to index
          %get3A_186 = tpu.vector_load %arg13[%get3A_184, %get3A_185] {strides = array<i32>} : memref<80x128xf32, #tpu.memory_space<vmem>>, vector<16xf32>,
          %mul3A_187 = arith.mulf %get3A_179, %get3A_186 : vector<16xf32>
          %reduce_sum3A = arith.constant true
          %reduce_sum3A_188 = vector.broadcast %reduce_sum3A : i1 to vector<16xi1>
          %reduce_sum3A_189 = tpu.scan <sum>, %mul3A_187 masked %reduce_sum3A_188 : vector<16xf32>, vector<16xi1> -> vector<16xf32>
          %reduce_sum3A_190 = vector.extract %reduce_sum3A_189[15] : f32 from vector<16xf32>
          %mul3A_191 = arith.constant 2.500000e-01 : f32
          %mul3A_192 = arith.mulf %reduce_sum3A_190, %mul3A_191 : f32
          %broadcast_in_dim3A_193 = vector.broadcast %mul3A_192 : f32 to vector<16xf32>
          %exp3A = math.exp %broadcast_in_dim3A_193 : vector<16xf32>
          %get3A_194 = arith.index_cast %add3A_176 : i32 to index
          %get3A_195 = arith.constant 64 : index
          %get3A_196 = tpu.vector_load %arg12[%get3A_194, %get3A_195] {strides = array<i32>} : memref<80x128xf32, #tpu.memory_space<vmem>>, vector<16xf32>,
          %mul3A_197 = arith.mulf %get3A_196, %exp3A : vector<16xf32>
          %swap3A = arith.index_cast %add3A_176 : i32 to index
          %swap3A_198 = arith.constant 0 : index
          %swap3A_199 = tpu.vector_load %arg14[%swap3A, %swap3A_198] {strides = array<i32>} : memref<80x64xf32, #tpu.memory_space<vmem>>, vector<16xf32>,
          tpu.vector_store %arg14[%swap3A, %swap3A_198], %mul3A_197 {strides = array<i32>} : memref<80x64xf32, #tpu.memory_space<vmem>>, vector<16xf32>,
          %mul3A_200 = arith.constant 4 : i32
          %mul3A_201 = arith.muli %arg0, %mul3A_200 : i32
          %add3A_202 = arith.constant 0 : i32
          %add3A_203 = arith.addi %mul3A_201, %add3A_202 : i32
          %eq3A_204 = vector.broadcast %add3A_203 : i32 to vector<16xi32>
          %eq3A_205 = arith.cmpi eq, %iota3A, %eq3A_204 : vector<16xi32>
          %select_n3A = arith.select %eq3A_205, %exp3A, %broadcast_in_dim3A_177 : vector<16xi1>, vector<16xf32>
          %get3A_206 = arith.index_cast %add3A_176 : i32 to index
          %get3A_207 = arith.constant 16 : index
          %get3A_208 = tpu.vector_load %arg12[%get3A_206, %get3A_207] {strides = array<i32>} : memref<80x128xf32, #tpu.memory_space<vmem>>, vector<16xf32>,
          %mul3A_209 = arith.constant 64 : i32
          %mul3A_210 = arith.muli %arg0, %mul3A_209 : i32
          %add3A_211 = arith.constant 16 : i32
          %add3A_212 = arith.addi %mul3A_210, %add3A_211 : i32
          %get3A_213 = arith.index_cast %add3A_176 : i32 to index
          %get3A_214 = arith.index_cast %add3A_212 : i32 to index
          %get3A_215 = tpu.vector_load %arg13[%get3A_213, %get3A_214] {strides = array<i32>} : memref<80x128xf32, #tpu.memory_space<vmem>>, vector<16xf32>,
          %mul3A_216 = arith.mulf %get3A_208, %get3A_215 : vector<16xf32>
          %reduce_sum3A_217 = arith.constant true
          %reduce_sum3A_218 = vector.broadcast %reduce_sum3A_217 : i1 to vector<16xi1>
          %reduce_sum3A_219 = tpu.scan <sum>, %mul3A_216 masked %reduce_sum3A_218 : vector<16xf32>, vector<16xi1> -> vector<16xf32>
          %reduce_sum3A_220 = vector.extract %reduce_sum3A_219[15] : f32 from vector<16xf32>
          %mul3A_221 = arith.constant 2.500000e-01 : f32
          %mul3A_222 = arith.mulf %reduce_sum3A_220, %mul3A_221 : f32
          %broadcast_in_dim3A_223 = vector.broadcast %mul3A_222 : f32 to vector<16xf32>
          %exp3A_224 = math.exp %broadcast_in_dim3A_223 : vector<16xf32>
          %get3A_225 = arith.index_cast %add3A_176 : i32 to index
          %get3A_226 = arith.constant 80 : index
          %get3A_227 = tpu.vector_load %arg12[%get3A_225, %get3A_226] {strides = array<i32>} : memref<80x128xf32, #tpu.memory_space<vmem>>, vector<16xf32>,
          %mul3A_228 = arith.mulf %get3A_227, %exp3A_224 : vector<16xf32>
          %swap3A_229 = arith.index_cast %add3A_176 : i32 to index
          %swap3A_230 = arith.constant 16 : index
          %swap3A_231 = tpu.vector_load %arg14[%swap3A_229, %swap3A_230] {strides = array<i32>} : memref<80x64xf32, #tpu.memory_space<vmem>>, vector<16xf32>,
          tpu.vector_store %arg14[%swap3A_229, %swap3A_230], %mul3A_228 {strides = array<i32>} : memref<80x64xf32, #tpu.memory_space<vmem>>, vector<16xf32>,
          %mul3A_232 = arith.constant 4 : i32
          %mul3A_233 = arith.muli %arg0, %mul3A_232 : i32
          %add3A_234 = arith.constant 1 : i32
          %add3A_235 = arith.addi %mul3A_233, %add3A_234 : i32
          %eq3A_236 = vector.broadcast %add3A_235 : i32 to vector<16xi32>
          %eq3A_237 = arith.cmpi eq, %iota3A, %eq3A_236 : vector<16xi32>
          %select_n3A_238 = arith.select %eq3A_237, %exp3A_224, %select_n3A : vector<16xi1>, vector<16xf32>
          %get3A_239 = arith.index_cast %add3A_176 : i32 to index
          %get3A_240 = arith.constant 32 : index
          %get3A_241 = tpu.vector_load %arg12[%get3A_239, %get3A_240] {strides = array<i32>} : memref<80x128xf32, #tpu.memory_space<vmem>>, vector<16xf32>,
          %mul3A_242 = arith.constant 64 : i32
          %mul3A_243 = arith.muli %arg0, %mul3A_242 : i32
          %add3A_244 = arith.constant 32 : i32
          %add3A_245 = arith.addi %mul3A_243, %add3A_244 : i32
          %get3A_246 = arith.index_cast %add3A_176 : i32 to index
          %get3A_247 = arith.index_cast %add3A_245 : i32 to index
          %get3A_248 = tpu.vector_load %arg13[%get3A_246, %get3A_247] {strides = array<i32>} : memref<80x128xf32, #tpu.memory_space<vmem>>, vector<16xf32>,
          %mul3A_249 = arith.mulf %get3A_241, %get3A_248 : vector<16xf32>
          %reduce_sum3A_250 = arith.constant true
          %reduce_sum3A_251 = vector.broadcast %reduce_sum3A_250 : i1 to vector<16xi1>
          %reduce_sum3A_252 = tpu.scan <sum>, %mul3A_249 masked %reduce_sum3A_251 : vector<16xf32>, vector<16xi1> -> vector<16xf32>
          %reduce_sum3A_253 = vector.extract %reduce_sum3A_252[15] : f32 from vector<16xf32>
          %mul3A_254 = arith.constant 2.500000e-01 : f32
          %mul3A_255 = arith.mulf %reduce_sum3A_253, %mul3A_254 : f32
          %broadcast_in_dim3A_256 = vector.broadcast %mul3A_255 : f32 to vector<16xf32>
          %exp3A_257 = math.exp %broadcast_in_dim3A_256 : vector<16xf32>
          %get3A_258 = arith.index_cast %add3A_176 : i32 to index
          %get3A_259 = arith.constant 96 : index
          %get3A_260 = tpu.vector_load %arg12[%get3A_258, %get3A_259] {strides = array<i32>} : memref<80x128xf32, #tpu.memory_space<vmem>>, vector<16xf32>,
          %mul3A_261 = arith.mulf %get3A_260, %exp3A_257 : vector<16xf32>
          %swap3A_262 = arith.index_cast %add3A_176 : i32 to index
          %swap3A_263 = arith.constant 32 : index
          %swap3A_264 = tpu.vector_load %arg14[%swap3A_262, %swap3A_263] {strides = array<i32>} : memref<80x64xf32, #tpu.memory_space<vmem>>, vector<16xf32>,
          tpu.vector_store %arg14[%swap3A_262, %swap3A_263], %mul3A_261 {strides = array<i32>} : memref<80x64xf32, #tpu.memory_space<vmem>>, vector<16xf32>,
          %mul3A_265 = arith.constant 4 : i32
          %mul3A_266 = arith.muli %arg0, %mul3A_265 : i32
          %add3A_267 = arith.constant 2 : i32
          %add3A_268 = arith.addi %mul3A_266, %add3A_267 : i32
          %eq3A_269 = vector.broadcast %add3A_268 : i32 to vector<16xi32>
          %eq3A_270 = arith.cmpi eq, %iota3A, %eq3A_269 : vector<16xi32>
          %select_n3A_271 = arith.select %eq3A_270, %exp3A_257, %select_n3A_238 : vector<16xi1>, vector<16xf32>
          %get3A_272 = arith.index_cast %add3A_176 : i32 to index
          %get3A_273 = arith.constant 48 : index
          %get3A_274 = tpu.vector_load %arg12[%get3A_272, %get3A_273] {strides = array<i32>} : memref<80x128xf32, #tpu.memory_space<vmem>>, vector<16xf32>,
          %mul3A_275 = arith.constant 64 : i32
          %mul3A_276 = arith.muli %arg0, %mul3A_275 : i32
          %add3A_277 = arith.constant 48 : i32
          %add3A_278 = arith.addi %mul3A_276, %add3A_277 : i32
          %get3A_279 = arith.index_cast %add3A_176 : i32 to index
          %get3A_280 = arith.index_cast %add3A_278 : i32 to index
          %get3A_281 = tpu.vector_load %arg13[%get3A_279, %get3A_280] {strides = array<i32>} : memref<80x128xf32, #tpu.memory_space<vmem>>, vector<16xf32>,
          %mul3A_282 = arith.mulf %get3A_274, %get3A_281 : vector<16xf32>
          %reduce_sum3A_283 = arith.constant true
          %reduce_sum3A_284 = vector.broadcast %reduce_sum3A_283 : i1 to vector<16xi1>
          %reduce_sum3A_285 = tpu.scan <sum>, %mul3A_282 masked %reduce_sum3A_284 : vector<16xf32>, vector<16xi1> -> vector<16xf32>
          %reduce_sum3A_286 = vector.extract %reduce_sum3A_285[15] : f32 from vector<16xf32>
          %mul3A_287 = arith.constant 2.500000e-01 : f32
          %mul3A_288 = arith.mulf %reduce_sum3A_286, %mul3A_287 : f32
          %broadcast_in_dim3A_289 = vector.broadcast %mul3A_288 : f32 to vector<16xf32>
          %exp3A_290 = math.exp %broadcast_in_dim3A_289 : vector<16xf32>
          %get3A_291 = arith.index_cast %add3A_176 : i32 to index
          %get3A_292 = arith.constant 112 : index
          %get3A_293 = tpu.vector_load %arg12[%get3A_291, %get3A_292] {strides = array<i32>} : memref<80x128xf32, #tpu.memory_space<vmem>>, vector<16xf32>,
          %mul3A_294 = arith.mulf %get3A_293, %exp3A_290 : vector<16xf32>
          %swap3A_295 = arith.index_cast %add3A_176 : i32 to index
          %swap3A_296 = arith.constant 48 : index
          %swap3A_297 = tpu.vector_load %arg14[%swap3A_295, %swap3A_296] {strides = array<i32>} : memref<80x64xf32, #tpu.memory_space<vmem>>, vector<16xf32>,
          tpu.vector_store %arg14[%swap3A_295, %swap3A_296], %mul3A_294 {strides = array<i32>} : memref<80x64xf32, #tpu.memory_space<vmem>>, vector<16xf32>,
          %mul3A_298 = arith.constant 4 : i32
          %mul3A_299 = arith.muli %arg0, %mul3A_298 : i32
          %add3A_300 = arith.constant 3 : i32
          %add3A_301 = arith.addi %mul3A_299, %add3A_300 : i32
          %eq3A_302 = vector.broadcast %add3A_301 : i32 to vector<16xi32>
          %eq3A_303 = arith.cmpi eq, %iota3A, %eq3A_302 : vector<16xi32>
          %select_n3A_304 = arith.select %eq3A_303, %exp3A_290, %select_n3A_271 : vector<16xi1>, vector<16xf32>
          %swap3A_305 = arith.index_cast %add3A_176 : i32 to index
          %swap3A_306 = arith.constant 0 : index
          %swap3A_307 = tpu.vector_load %arg15[%swap3A_305, %swap3A_306] {strides = array<i32>} : memref<80x16xf32, #tpu.memory_space<vmem>>, vector<16xf32>,
          tpu.vector_store %arg15[%swap3A_305, %swap3A_306], %select_n3A_304 {strides = array<i32>} : memref<80x16xf32, #tpu.memory_space<vmem>>, vector<16xf32>,
          %mul3A_308 = arith.constant 2 : i32
          %mul3A_309 = arith.muli %mul3A_308, %scan3A_172 : i32
          %add3A_310 = arith.constant 1 : i32
          %add3A_311 = arith.addi %mul3A_309, %add3A_310 : i32
          %broadcast_in_dim3A_312 = arith.constant 0.000000e+00 : f32
          %broadcast_in_dim3A_313 = vector.broadcast %broadcast_in_dim3A_312 : f32 to vector<16xf32>
          %get3A_314 = arith.index_cast %add3A_311 : i32 to index
          %get3A_315 = arith.constant 0 : index
          %get3A_316 = tpu.vector_load %arg12[%get3A_314, %get3A_315] {strides = array<i32>} : memref<80x128xf32, #tpu.memory_space<vmem>>, vector<16xf32>,
          %mul3A_317 = arith.constant 64 : i32
          %mul3A_318 = arith.muli %arg0, %mul3A_317 : i32
          %add3A_319 = arith.constant 0 : i32
          %add3A_320 = arith.addi %mul3A_318, %add3A_319 : i32
          %get3A_321 = arith.index_cast %add3A_311 : i32 to index
          %get3A_322 = arith.index_cast %add3A_320 : i32 to index
          %get3A_323 = tpu.vector_load %arg13[%get3A_321, %get3A_322] {strides = array<i32>} : memref<80x128xf32, #tpu.memory_space<vmem>>, vector<16xf32>,
          %mul3A_324 = arith.mulf %get3A_316, %get3A_323 : vector<16xf32>
          %reduce_sum3A_325 = arith.constant true
          %reduce_sum3A_326 = vector.broadcast %reduce_sum3A_325 : i1 to vector<16xi1>
          %reduce_sum3A_327 = tpu.scan <sum>, %mul3A_324 masked %reduce_sum3A_326 : vector<16xf32>, vector<16xi1> -> vector<16xf32>
          %reduce_sum3A_328 = vector.extract %reduce_sum3A_327[15] : f32 from vector<16xf32>
          %mul3A_329 = arith.constant 2.500000e-01 : f32
          %mul3A_330 = arith.mulf %reduce_sum3A_328, %mul3A_329 : f32
          %broadcast_in_dim3A_331 = vector.broadcast %mul3A_330 : f32 to vector<16xf32>
          %exp3A_332 = math.exp %broadcast_in_dim3A_331 : vector<16xf32>
          %get3A_333 = arith.index_cast %add3A_311 : i32 to index
          %get3A_334 = arith.constant 64 : index
          %get3A_335 = tpu.vector_load %arg12[%get3A_333, %get3A_334] {strides = array<i32>} : memref<80x128xf32, #tpu.memory_space<vmem>>, vector<16xf32>,
          %mul3A_336 = arith.mulf %get3A_335, %exp3A_332 : vector<16xf32>
          %swap3A_337 = arith.index_cast %add3A_311 : i32 to index
          %swap3A_338 = arith.constant 0 : index
          %swap3A_339 = tpu.vector_load %arg14[%swap3A_337, %swap3A_338] {strides = array<i32>} : memref<80x64xf32, #tpu.memory_space<vmem>>, vector<16xf32>,
          tpu.vector_store %arg14[%swap3A_337, %swap3A_338], %mul3A_336 {strides = array<i32>} : memref<80x64xf32, #tpu.memory_space<vmem>>, vector<16xf32>,
          %mul3A_340 = arith.constant 4 : i32
          %mul3A_341 = arith.muli %arg0, %mul3A_340 : i32
          %add3A_342 = arith.constant 0 : i32
          %add3A_343 = arith.addi %mul3A_341, %add3A_342 : i32
          %eq3A_344 = vector.broadcast %add3A_343 : i32 to vector<16xi32>
          %eq3A_345 = arith.cmpi eq, %iota3A, %eq3A_344 : vector<16xi32>
          %select_n3A_346 = arith.select %eq3A_345, %exp3A_332, %broadcast_in_dim3A_313 : vector<16xi1>, vector<16xf32>
          %get3A_347 = arith.index_cast %add3A_311 : i32 to index
          %get3A_348 = arith.constant 16 : index
          %get3A_349 = tpu.vector_load %arg12[%get3A_347, %get3A_348] {strides = array<i32>} : memref<80x128xf32, #tpu.memory_space<vmem>>, vector<16xf32>,
          %mul3A_350 = arith.constant 64 : i32
          %mul3A_351 = arith.muli %arg0, %mul3A_350 : i32
          %add3A_352 = arith.constant 16 : i32
          %add3A_353 = arith.addi %mul3A_351, %add3A_352 : i32
          %get3A_354 = arith.index_cast %add3A_311 : i32 to index
          %get3A_355 = arith.index_cast %add3A_353 : i32 to index
          %get3A_356 = tpu.vector_load %arg13[%get3A_354, %get3A_355] {strides = array<i32>} : memref<80x128xf32, #tpu.memory_space<vmem>>, vector<16xf32>,
          %mul3A_357 = arith.mulf %get3A_349, %get3A_356 : vector<16xf32>
          %reduce_sum3A_358 = arith.constant true
          %reduce_sum3A_359 = vector.broadcast %reduce_sum3A_358 : i1 to vector<16xi1>
          %reduce_sum3A_360 = tpu.scan <sum>, %mul3A_357 masked %reduce_sum3A_359 : vector<16xf32>, vector<16xi1> -> vector<16xf32>
          %reduce_sum3A_361 = vector.extract %reduce_sum3A_360[15] : f32 from vector<16xf32>
          %mul3A_362 = arith.constant 2.500000e-01 : f32
          %mul3A_363 = arith.mulf %reduce_sum3A_361, %mul3A_362 : f32
          %broadcast_in_dim3A_364 = vector.broadcast %mul3A_363 : f32 to vector<16xf32>
          %exp3A_365 = math.exp %broadcast_in_dim3A_364 : vector<16xf32>
          %get3A_366 = arith.index_cast %add3A_311 : i32 to index
          %get3A_367 = arith.constant 80 : index
          %get3A_368 = tpu.vector_load %arg12[%get3A_366, %get3A_367] {strides = array<i32>} : memref<80x128xf32, #tpu.memory_space<vmem>>, vector<16xf32>,
          %mul3A_369 = arith.mulf %get3A_368, %exp3A_365 : vector<16xf32>
          %swap3A_370 = arith.index_cast %add3A_311 : i32 to index
          %swap3A_371 = arith.constant 16 : index
          %swap3A_372 = tpu.vector_load %arg14[%swap3A_370, %swap3A_371] {strides = array<i32>} : memref<80x64xf32, #tpu.memory_space<vmem>>, vector<16xf32>,
          tpu.vector_store %arg14[%swap3A_370, %swap3A_371], %mul3A_369 {strides = array<i32>} : memref<80x64xf32, #tpu.memory_space<vmem>>, vector<16xf32>,
          %mul3A_373 = arith.constant 4 : i32
          %mul3A_374 = arith.muli %arg0, %mul3A_373 : i32
          %add3A_375 = arith.constant 1 : i32
          %add3A_376 = arith.addi %mul3A_374, %add3A_375 : i32
          %eq3A_377 = vector.broadcast %add3A_376 : i32 to vector<16xi32>
          %eq3A_378 = arith.cmpi eq, %iota3A, %eq3A_377 : vector<16xi32>
          %select_n3A_379 = arith.select %eq3A_378, %exp3A_365, %select_n3A_346 : vector<16xi1>, vector<16xf32>
          %get3A_380 = arith.index_cast %add3A_311 : i32 to index
          %get3A_381 = arith.constant 32 : index
          %get3A_382 = tpu.vector_load %arg12[%get3A_380, %get3A_381] {strides = array<i32>} : memref<80x128xf32, #tpu.memory_space<vmem>>, vector<16xf32>,
          %mul3A_383 = arith.constant 64 : i32
          %mul3A_384 = arith.muli %arg0, %mul3A_383 : i32
          %add3A_385 = arith.constant 32 : i32
          %add3A_386 = arith.addi %mul3A_384, %add3A_385 : i32
          %get3A_387 = arith.index_cast %add3A_311 : i32 to index
          %get3A_388 = arith.index_cast %add3A_386 : i32 to index
          %get3A_389 = tpu.vector_load %arg13[%get3A_387, %get3A_388] {strides = array<i32>} : memref<80x128xf32, #tpu.memory_space<vmem>>, vector<16xf32>,
          %mul3A_390 = arith.mulf %get3A_382, %get3A_389 : vector<16xf32>
          %reduce_sum3A_391 = arith.constant true
          %reduce_sum3A_392 = vector.broadcast %reduce_sum3A_391 : i1 to vector<16xi1>
          %reduce_sum3A_393 = tpu.scan <sum>, %mul3A_390 masked %reduce_sum3A_392 : vector<16xf32>, vector<16xi1> -> vector<16xf32>
          %reduce_sum3A_394 = vector.extract %reduce_sum3A_393[15] : f32 from vector<16xf32>
          %mul3A_395 = arith.constant 2.500000e-01 : f32
          %mul3A_396 = arith.mulf %reduce_sum3A_394, %mul3A_395 : f32
          %broadcast_in_dim3A_397 = vector.broadcast %mul3A_396 : f32 to vector<16xf32>
          %exp3A_398 = math.exp %broadcast_in_dim3A_397 : vector<16xf32>
          %get3A_399 = arith.index_cast %add3A_311 : i32 to index
          %get3A_400 = arith.constant 96 : index
          %get3A_401 = tpu.vector_load %arg12[%get3A_399, %get3A_400] {strides = array<i32>} : memref<80x128xf32, #tpu.memory_space<vmem>>, vector<16xf32>,
          %mul3A_402 = arith.mulf %get3A_401, %exp3A_398 : vector<16xf32>
          %swap3A_403 = arith.index_cast %add3A_311 : i32 to index
          %swap3A_404 = arith.constant 32 : index
          %swap3A_405 = tpu.vector_load %arg14[%swap3A_403, %swap3A_404] {strides = array<i32>} : memref<80x64xf32, #tpu.memory_space<vmem>>, vector<16xf32>,
          tpu.vector_store %arg14[%swap3A_403, %swap3A_404], %mul3A_402 {strides = array<i32>} : memref<80x64xf32, #tpu.memory_space<vmem>>, vector<16xf32>,
          %mul3A_406 = arith.constant 4 : i32
          %mul3A_407 = arith.muli %arg0, %mul3A_406 : i32
          %add3A_408 = arith.constant 2 : i32
          %add3A_409 = arith.addi %mul3A_407, %add3A_408 : i32
          %eq3A_410 = vector.broadcast %add3A_409 : i32 to vector<16xi32>
          %eq3A_411 = arith.cmpi eq, %iota3A, %eq3A_410 : vector<16xi32>
          %select_n3A_412 = arith.select %eq3A_411, %exp3A_398, %select_n3A_379 : vector<16xi1>, vector<16xf32>
          %get3A_413 = arith.index_cast %add3A_311 : i32 to index
          %get3A_414 = arith.constant 48 : index
          %get3A_415 = tpu.vector_load %arg12[%get3A_413, %get3A_414] {strides = array<i32>} : memref<80x128xf32, #tpu.memory_space<vmem>>, vector<16xf32>,
          %mul3A_416 = arith.constant 64 : i32
          %mul3A_417 = arith.muli %arg0, %mul3A_416 : i32
          %add3A_418 = arith.constant 48 : i32
          %add3A_419 = arith.addi %mul3A_417, %add3A_418 : i32
          %get3A_420 = arith.index_cast %add3A_311 : i32 to index
          %get3A_421 = arith.index_cast %add3A_419 : i32 to index
          %get3A_422 = tpu.vector_load %arg13[%get3A_420, %get3A_421] {strides = array<i32>} : memref<80x128xf32, #tpu.memory_space<vmem>>, vector<16xf32>,
          %mul3A_423 = arith.mulf %get3A_415, %get3A_422 : vector<16xf32>
          %reduce_sum3A_424 = arith.constant true
          %reduce_sum3A_425 = vector.broadcast %reduce_sum3A_424 : i1 to vector<16xi1>
          %reduce_sum3A_426 = tpu.scan <sum>, %mul3A_423 masked %reduce_sum3A_425 : vector<16xf32>, vector<16xi1> -> vector<16xf32>
          %reduce_sum3A_427 = vector.extract %reduce_sum3A_426[15] : f32 from vector<16xf32>
          %mul3A_428 = arith.constant 2.500000e-01 : f32
          %mul3A_429 = arith.mulf %reduce_sum3A_427, %mul3A_428 : f32
          %broadcast_in_dim3A_430 = vector.broadcast %mul3A_429 : f32 to vector<16xf32>
          %exp3A_431 = math.exp %broadcast_in_dim3A_430 : vector<16xf32>
          %get3A_432 = arith.index_cast %add3A_311 : i32 to index
          %get3A_433 = arith.constant 112 : index
          %get3A_434 = tpu.vector_load %arg12[%get3A_432, %get3A_433] {strides = array<i32>} : memref<80x128xf32, #tpu.memory_space<vmem>>, vector<16xf32>,
          %mul3A_435 = arith.mulf %get3A_434, %exp3A_431 : vector<16xf32>
          %swap3A_436 = arith.index_cast %add3A_311 : i32 to index
          %swap3A_437 = arith.constant 48 : index
          %swap3A_438 = tpu.vector_load %arg14[%swap3A_436, %swap3A_437] {strides = array<i32>} : memref<80x64xf32, #tpu.memory_space<vmem>>, vector<16xf32>,
          tpu.vector_store %arg14[%swap3A_436, %swap3A_437], %mul3A_435 {strides = array<i32>} : memref<80x64xf32, #tpu.memory_space<vmem>>, vector<16xf32>,
          %mul3A_439 = arith.constant 4 : i32
          %mul3A_440 = arith.muli %arg0, %mul3A_439 : i32
          %add3A_441 = arith.constant 3 : i32
          %add3A_442 = arith.addi %mul3A_440, %add3A_441 : i32
          %eq3A_443 = vector.broadcast %add3A_442 : i32 to vector<16xi32>
          %eq3A_444 = arith.cmpi eq, %iota3A, %eq3A_443 : vector<16xi32>
          %select_n3A_445 = arith.select %eq3A_444, %exp3A_431, %select_n3A_412 : vector<16xi1>, vector<16xf32>
          %swap3A_446 = arith.index_cast %add3A_311 : i32 to index
          %swap3A_447 = arith.constant 0 : index
          %swap3A_448 = tpu.vector_load %arg15[%swap3A_446, %swap3A_447] {strides = array<i32>} : memref<80x16xf32, #tpu.memory_space<vmem>>, vector<16xf32>,
          tpu.vector_store %arg15[%swap3A_446, %swap3A_447], %select_n3A_445 {strides = array<i32>} : memref<80x16xf32, #tpu.memory_space<vmem>>, vector<16xf32>,
        }
        %scan3A_116 = arith.constant 40 : i32
        %dma_start3A_117 = arith.constant 0 : i32
        %dma_start3A_118 = tpu.memref_slice %arg11[%mul3A_73, %dma_start3A_117] : memref<50x80xi32, #tpu.memory_space<vmem>> -> memref<1x80xi32, #tpu.memory_space<vmem>>
        %dma_start3A_119 = tpu.memref_squeeze %dma_start3A_118 : memref<1x80xi32, #tpu.memory_space<vmem>> -> memref<80xi32, #tpu.memory_space<vmem>>
        %dma_start3A_120 = arith.constant 0 : i32
        %dma_start3A_121 = arith.constant 0 : i32
        %dma_start3A_122 = tpu.memref_slice %arg20[%dma_start3A_120, %dma_start3A_121] : memref<10000x64xf32, #tpu.memory_space<vmem_shared>> -> memref<10000x64xf32, #tpu.memory_space<vmem_shared>>
        tpu.enqueue_indirect_dma source(%arg14 : memref<80x64xf32, #tpu.memory_space<vmem>>) target(%dma_start3A_122 : memref<10000x64xf32, #tpu.memory_space<vmem_shared>>) offsets(%dma_start3A_119 : memref<80xi32, #tpu.memory_space<vmem>>) semaphore(%arg26 : memref<!tpu.dma_semaphore, #tpu.memory_space<semaphore_mem>>) {add = true}
        %dma_start3A_123 = arith.constant 0 : i32
        %dma_start3A_124 = tpu.memref_slice %arg11[%mul3A_73, %dma_start3A_123] : memref<50x80xi32, #tpu.memory_space<vmem>> -> memref<1x80xi32, #tpu.memory_space<vmem>>
        %dma_start3A_125 = tpu.memref_squeeze %dma_start3A_124 : memref<1x80xi32, #tpu.memory_space<vmem>> -> memref<80xi32, #tpu.memory_space<vmem>>
        %dma_start3A_126 = arith.constant 0 : i32
        %dma_start3A_127 = arith.constant 0 : i32
        %dma_start3A_128 = tpu.memref_slice %arg21[%dma_start3A_126, %dma_start3A_127] : memref<10000x16xf32, #tpu.memory_space<vmem_shared>> -> memref<10000x16xf32, #tpu.memory_space<vmem_shared>>
        tpu.enqueue_indirect_dma source(%arg15 : memref<80x16xf32, #tpu.memory_space<vmem>>) target(%dma_start3A_128 : memref<10000x16xf32, #tpu.memory_space<vmem_shared>>) offsets(%dma_start3A_125 : memref<80xi32, #tpu.memory_space<vmem>>) semaphore(%arg27 : memref<!tpu.dma_semaphore, #tpu.memory_space<semaphore_mem>>) {add = true}
        %lt3A = arith.constant 24 : i32
        %lt3A_129 = arith.cmpi slt, %scan3A_71, %lt3A : i32
        %convert_element_type3A_130 = arith.extui %lt3A_129 : i1 to i32
        %cond3A_131 = arith.constant 0 : i32
        %cond3A_132 = arith.cmpi ne, %convert_element_type3A_130, %cond3A_131 : i32
        scf.if %cond3A_132 {
          %add3A_172 = arith.constant 2 : i32
          %add3A_173 = arith.addi %mul3A_73, %add3A_172 : i32
          %dma_start3A_174 = arith.constant 0 : i32
          %dma_start3A_175 = tpu.memref_slice %arg11[%add3A_173, %dma_start3A_174] : memref<50x80xi32, #tpu.memory_space<vmem>> -> memref<1x80xi32, #tpu.memory_space<vmem>>
          %dma_start3A_176 = tpu.memref_squeeze %dma_start3A_175 : memref<1x80xi32, #tpu.memory_space<vmem>> -> memref<80xi32, #tpu.memory_space<vmem>>
          %dma_start3A_177 = arith.constant 0 : i32
          %dma_start3A_178 = arith.constant 0 : i32
          %dma_start3A_179 = tpu.memref_slice %arg2[%dma_start3A_177, %dma_start3A_178] : memref<10000x128xf32, #tpu.memory_space<hbm>> -> memref<10000x128xf32, #tpu.memory_space<hbm>>
          tpu.enqueue_indirect_dma source(%dma_start3A_179 : memref<10000x128xf32, #tpu.memory_space<hbm>>) target(%arg13 : memref<80x128xf32, #tpu.memory_space<vmem>>) offsets(%dma_start3A_176 : memref<80xi32, #tpu.memory_space<vmem>>) semaphore(%arg22 : memref<!tpu.dma_semaphore, #tpu.memory_space<semaphore_mem>>)
          %dma_start3A_180 = arith.constant 0 : i32
          %dma_start3A_181 = tpu.memref_slice %arg10[%add3A_173, %dma_start3A_180] : memref<50x80xi32, #tpu.memory_space<vmem>> -> memref<1x80xi32, #tpu.memory_space<vmem>>
          %dma_start3A_182 = tpu.memref_squeeze %dma_start3A_181 : memref<1x80xi32, #tpu.memory_space<vmem>> -> memref<80xi32, #tpu.memory_space<vmem>>
          %dma_start3A_183 = arith.constant 0 : i32
          %dma_start3A_184 = arith.constant 0 : i32
          %dma_start3A_185 = tpu.memref_slice %arg3[%arg0, %dma_start3A_183, %dma_start3A_184] : memref<2x10000x128xf32, #tpu.memory_space<hbm>> -> memref<1x10000x128xf32, #tpu.memory_space<hbm>>
          %dma_start3A_186 = tpu.memref_squeeze %dma_start3A_185 : memref<1x10000x128xf32, #tpu.memory_space<hbm>> -> memref<10000x128xf32, #tpu.memory_space<hbm>>
          %dma_start3A_187 = arith.constant 0 : i32
          %dma_start3A_188 = arith.constant 0 : i32
          %dma_start3A_189 = tpu.memref_slice %dma_start3A_186[%dma_start3A_187, %dma_start3A_188] : memref<10000x128xf32, #tpu.memory_space<hbm>> -> memref<10000x128xf32, #tpu.memory_space<hbm>>
          tpu.enqueue_indirect_dma source(%dma_start3A_189 : memref<10000x128xf32, #tpu.memory_space<hbm>>) target(%arg12 : memref<80x128xf32, #tpu.memory_space<vmem>>) offsets(%dma_start3A_182 : memref<80xi32, #tpu.memory_space<vmem>>) semaphore(%arg23 : memref<!tpu.dma_semaphore, #tpu.memory_space<semaphore_mem>>)
        } else {
        }
        %dma_wait3A_133 = arith.constant 0 : i32
        %dma_wait3A_134 = tpu.memref_slice %arg11[%add3A_74, %dma_wait3A_133] : memref<50x80xi32, #tpu.memory_space<vmem>> -> memref<1x80xi32, #tpu.memory_space<vmem>>
        %dma_wait3A_135 = tpu.memref_squeeze %dma_wait3A_134 : memref<1x80xi32, #tpu.memory_space<vmem>> -> memref<80xi32, #tpu.memory_space<vmem>>
        %dma_wait3A_136 = arith.constant 0 : i32
        %dma_wait3A_137 = arith.constant 0 : i32
        %dma_wait3A_138 = tpu.memref_slice %arg2[%dma_wait3A_136, %dma_wait3A_137] : memref<10000x128xf32, #tpu.memory_space<hbm>> -> memref<10000x128xf32, #tpu.memory_space<hbm>>
        tpu.wait_indirect_dma semaphore(%arg24 : memref<!tpu.dma_semaphore, #tpu.memory_space<semaphore_mem>>) src(%dma_wait3A_138 : memref<10000x128xf32, #tpu.memory_space<hbm>>) dst(%arg17 : memref<80x128xf32, #tpu.memory_space<vmem>>)
        %dma_wait3A_139 = arith.constant 0 : i32
        %dma_wait3A_140 = tpu.memref_slice %arg10[%add3A_74, %dma_wait3A_139] : memref<50x80xi32, #tpu.memory_space<vmem>> -> memref<1x80xi32, #tpu.memory_space<vmem>>
        %dma_wait3A_141 = tpu.memref_squeeze %dma_wait3A_140 : memref<1x80xi32, #tpu.memory_space<vmem>> -> memref<80xi32, #tpu.memory_space<vmem>>
        %dma_wait3A_142 = arith.constant 0 : i32
        %dma_wait3A_143 = arith.constant 0 : i32
        %dma_wait3A_144 = tpu.memref_slice %arg3[%arg0, %dma_wait3A_142, %dma_wait3A_143] : memref<2x10000x128xf32, #tpu.memory_space<hbm>> -> memref<1x10000x128xf32, #tpu.memory_space<hbm>>
        %dma_wait3A_145 = tpu.memref_squeeze %dma_wait3A_144 : memref<1x10000x128xf32, #tpu.memory_space<hbm>> -> memref<10000x128xf32, #tpu.memory_space<hbm>>
        %dma_wait3A_146 = arith.constant 0 : i32
        %dma_wait3A_147 = arith.constant 0 : i32
        %dma_wait3A_148 = tpu.memref_slice %dma_wait3A_145[%dma_wait3A_146, %dma_wait3A_147] : memref<10000x128xf32, #tpu.memory_space<hbm>> -> memref<10000x128xf32, #tpu.memory_space<hbm>>
        tpu.wait_indirect_dma semaphore(%arg25 : memref<!tpu.dma_semaphore, #tpu.memory_space<semaphore_mem>>) src(%dma_wait3A_148 : memref<10000x128xf32, #tpu.memory_space<hbm>>) dst(%arg16 : memref<80x128xf32, #tpu.memory_space<vmem>>)
        %gt3A_149 = arith.constant 0 : i32
        %gt3A_150 = arith.cmpi sgt, %scan3A_71, %gt3A_149 : i32
        %convert_element_type3A_151 = arith.extui %gt3A_150 : i1 to i32
        %cond3A_152 = arith.constant 0 : i32
        %cond3A_153 = arith.cmpi ne, %convert_element_type3A_151, %cond3A_152 : i32
        scf.if %cond3A_153 {
          %dma_wait3A_172 = arith.constant 0 : i32
          %dma_wait3A_173 = tpu.memref_slice %arg11[%add3A_74, %dma_wait3A_172] : memref<50x80xi32, #tpu.memory_space<vmem>> -> memref<1x80xi32, #tpu.memory_space<vmem>>
          %dma_wait3A_174 = tpu.memref_squeeze %dma_wait3A_173 : memref<1x80xi32, #tpu.memory_space<vmem>> -> memref<80xi32, #tpu.memory_space<vmem>>
          %dma_wait3A_175 = arith.constant 0 : i32
          %dma_wait3A_176 = arith.constant 0 : i32
          %dma_wait3A_177 = tpu.memref_slice %arg20[%dma_wait3A_175, %dma_wait3A_176] : memref<10000x64xf32, #tpu.memory_space<vmem_shared>> -> memref<10000x64xf32, #tpu.memory_space<vmem_shared>>
          tpu.wait_indirect_dma semaphore(%arg28 : memref<!tpu.dma_semaphore, #tpu.memory_space<semaphore_mem>>) src(%arg18 : memref<80x64xf32, #tpu.memory_space<vmem>>) dst(%dma_wait3A_177 : memref<10000x64xf32, #tpu.memory_space<vmem_shared>>)
          %dma_wait3A_178 = arith.constant 0 : i32
          %dma_wait3A_179 = tpu.memref_slice %arg11[%add3A_74, %dma_wait3A_178] : memref<50x80xi32, #tpu.memory_space<vmem>> -> memref<1x80xi32, #tpu.memory_space<vmem>>
          %dma_wait3A_180 = tpu.memref_squeeze %dma_wait3A_179 : memref<1x80xi32, #tpu.memory_space<vmem>> -> memref<80xi32, #tpu.memory_space<vmem>>
          %dma_wait3A_181 = arith.constant 0 : i32
          %dma_wait3A_182 = arith.constant 0 : i32
          %dma_wait3A_183 = tpu.memref_slice %arg21[%dma_wait3A_181, %dma_wait3A_182] : memref<10000x16xf32, #tpu.memory_space<vmem_shared>> -> memref<10000x16xf32, #tpu.memory_space<vmem_shared>>
          tpu.wait_indirect_dma semaphore(%arg29 : memref<!tpu.dma_semaphore, #tpu.memory_space<semaphore_mem>>) src(%arg19 : memref<80x16xf32, #tpu.memory_space<vmem>>) dst(%dma_wait3A_183 : memref<10000x16xf32, #tpu.memory_space<vmem_shared>>)
        } else {
        }
        %scan3A_154 = arith.constant 0 : i32
        %scan3A_155 = arith.constant 0 : i32
        %scan3A_156 = arith.constant 40 : i32
        %scan3A_157 = arith.addi %scan3A_155, %scan3A_156 : i32
        %scan3A_158 = arith.constant 1 : i32
        scf.for %scan3A_172 = %scan3A_155 to %scan3A_157 step %scan3A_158  : i32 {
          %mul3A_173 = arith.constant 2 : i32
          %mul3A_174 = arith.muli %mul3A_173, %scan3A_172 : i32
          %add3A_175 = arith.constant 0 : i32
          %add3A_176 = arith.addi %mul3A_174, %add3A_175 : i32
          %broadcast_in_dim3A = arith.constant 0.000000e+00 : f32
          %broadcast_in_dim3A_177 = vector.broadcast %broadcast_in_dim3A : f32 to vector<16xf32>
          %get3A = arith.index_cast %add3A_176 : i32 to index
          %get3A_178 = arith.constant 0 : index
          %get3A_179 = tpu.vector_load %arg16[%get3A, %get3A_178] {strides = array<i32>} : memref<80x128xf32, #tpu.memory_space<vmem>>, vector<16xf32>,
          %mul3A_180 = arith.constant 64 : i32
          %mul3A_181 = arith.muli %arg0, %mul3A_180 : i32
          %add3A_182 = arith.constant 0 : i32
          %add3A_183 = arith.addi %mul3A_181, %add3A_182 : i32
          %get3A_184 = arith.index_cast %add3A_176 : i32 to index
          %get3A_185 = arith.index_cast %add3A_183 : i32 to index
          %get3A_186 = tpu.vector_load %arg17[%get3A_184, %get3A_185] {strides = array<i32>} : memref<80x128xf32, #tpu.memory_space<vmem>>, vector<16xf32>,
          %mul3A_187 = arith.mulf %get3A_179, %get3A_186 : vector<16xf32>
          %reduce_sum3A = arith.constant true
          %reduce_sum3A_188 = vector.broadcast %reduce_sum3A : i1 to vector<16xi1>
          %reduce_sum3A_189 = tpu.scan <sum>, %mul3A_187 masked %reduce_sum3A_188 : vector<16xf32>, vector<16xi1> -> vector<16xf32>
          %reduce_sum3A_190 = vector.extract %reduce_sum3A_189[15] : f32 from vector<16xf32>
          %mul3A_191 = arith.constant 2.500000e-01 : f32
          %mul3A_192 = arith.mulf %reduce_sum3A_190, %mul3A_191 : f32
          %broadcast_in_dim3A_193 = vector.broadcast %mul3A_192 : f32 to vector<16xf32>
          %exp3A = math.exp %broadcast_in_dim3A_193 : vector<16xf32>
          %get3A_194 = arith.index_cast %add3A_176 : i32 to index
          %get3A_195 = arith.constant 64 : index
          %get3A_196 = tpu.vector_load %arg16[%get3A_194, %get3A_195] {strides = array<i32>} : memref<80x128xf32, #tpu.memory_space<vmem>>, vector<16xf32>,
          %mul3A_197 = arith.mulf %get3A_196, %exp3A : vector<16xf32>
          %swap3A = arith.index_cast %add3A_176 : i32 to index
          %swap3A_198 = arith.constant 0 : index
          %swap3A_199 = tpu.vector_load %arg18[%swap3A, %swap3A_198] {strides = array<i32>} : memref<80x64xf32, #tpu.memory_space<vmem>>, vector<16xf32>,
          tpu.vector_store %arg18[%swap3A, %swap3A_198], %mul3A_197 {strides = array<i32>} : memref<80x64xf32, #tpu.memory_space<vmem>>, vector<16xf32>,
          %mul3A_200 = arith.constant 4 : i32
          %mul3A_201 = arith.muli %arg0, %mul3A_200 : i32
          %add3A_202 = arith.constant 0 : i32
          %add3A_203 = arith.addi %mul3A_201, %add3A_202 : i32
          %eq3A_204 = vector.broadcast %add3A_203 : i32 to vector<16xi32>
          %eq3A_205 = arith.cmpi eq, %iota3A, %eq3A_204 : vector<16xi32>
          %select_n3A = arith.select %eq3A_205, %exp3A, %broadcast_in_dim3A_177 : vector<16xi1>, vector<16xf32>
          %get3A_206 = arith.index_cast %add3A_176 : i32 to index
          %get3A_207 = arith.constant 16 : index
          %get3A_208 = tpu.vector_load %arg16[%get3A_206, %get3A_207] {strides = array<i32>} : memref<80x128xf32, #tpu.memory_space<vmem>>, vector<16xf32>,
          %mul3A_209 = arith.constant 64 : i32
          %mul3A_210 = arith.muli %arg0, %mul3A_209 : i32
          %add3A_211 = arith.constant 16 : i32
          %add3A_212 = arith.addi %mul3A_210, %add3A_211 : i32
          %get3A_213 = arith.index_cast %add3A_176 : i32 to index
          %get3A_214 = arith.index_cast %add3A_212 : i32 to index
          %get3A_215 = tpu.vector_load %arg17[%get3A_213, %get3A_214] {strides = array<i32>} : memref<80x128xf32, #tpu.memory_space<vmem>>, vector<16xf32>,
          %mul3A_216 = arith.mulf %get3A_208, %get3A_215 : vector<16xf32>
          %reduce_sum3A_217 = arith.constant true
          %reduce_sum3A_218 = vector.broadcast %reduce_sum3A_217 : i1 to vector<16xi1>
          %reduce_sum3A_219 = tpu.scan <sum>, %mul3A_216 masked %reduce_sum3A_218 : vector<16xf32>, vector<16xi1> -> vector<16xf32>
          %reduce_sum3A_220 = vector.extract %reduce_sum3A_219[15] : f32 from vector<16xf32>
          %mul3A_221 = arith.constant 2.500000e-01 : f32
          %mul3A_222 = arith.mulf %reduce_sum3A_220, %mul3A_221 : f32
          %broadcast_in_dim3A_223 = vector.broadcast %mul3A_222 : f32 to vector<16xf32>
          %exp3A_224 = math.exp %broadcast_in_dim3A_223 : vector<16xf32>
          %get3A_225 = arith.index_cast %add3A_176 : i32 to index
          %get3A_226 = arith.constant 80 : index
          %get3A_227 = tpu.vector_load %arg16[%get3A_225, %get3A_226] {strides = array<i32>} : memref<80x128xf32, #tpu.memory_space<vmem>>, vector<16xf32>,
          %mul3A_228 = arith.mulf %get3A_227, %exp3A_224 : vector<16xf32>
          %swap3A_229 = arith.index_cast %add3A_176 : i32 to index
          %swap3A_230 = arith.constant 16 : index
          %swap3A_231 = tpu.vector_load %arg18[%swap3A_229, %swap3A_230] {strides = array<i32>} : memref<80x64xf32, #tpu.memory_space<vmem>>, vector<16xf32>,
          tpu.vector_store %arg18[%swap3A_229, %swap3A_230], %mul3A_228 {strides = array<i32>} : memref<80x64xf32, #tpu.memory_space<vmem>>, vector<16xf32>,
          %mul3A_232 = arith.constant 4 : i32
          %mul3A_233 = arith.muli %arg0, %mul3A_232 : i32
          %add3A_234 = arith.constant 1 : i32
          %add3A_235 = arith.addi %mul3A_233, %add3A_234 : i32
          %eq3A_236 = vector.broadcast %add3A_235 : i32 to vector<16xi32>
          %eq3A_237 = arith.cmpi eq, %iota3A, %eq3A_236 : vector<16xi32>
          %select_n3A_238 = arith.select %eq3A_237, %exp3A_224, %select_n3A : vector<16xi1>, vector<16xf32>
          %get3A_239 = arith.index_cast %add3A_176 : i32 to index
          %get3A_240 = arith.constant 32 : index
          %get3A_241 = tpu.vector_load %arg16[%get3A_239, %get3A_240] {strides = array<i32>} : memref<80x128xf32, #tpu.memory_space<vmem>>, vector<16xf32>,
          %mul3A_242 = arith.constant 64 : i32
          %mul3A_243 = arith.muli %arg0, %mul3A_242 : i32
          %add3A_244 = arith.constant 32 : i32
          %add3A_245 = arith.addi %mul3A_243, %add3A_244 : i32
          %get3A_246 = arith.index_cast %add3A_176 : i32 to index
          %get3A_247 = arith.index_cast %add3A_245 : i32 to index
          %get3A_248 = tpu.vector_load %arg17[%get3A_246, %get3A_247] {strides = array<i32>} : memref<80x128xf32, #tpu.memory_space<vmem>>, vector<16xf32>,
          %mul3A_249 = arith.mulf %get3A_241, %get3A_248 : vector<16xf32>
          %reduce_sum3A_250 = arith.constant true
          %reduce_sum3A_251 = vector.broadcast %reduce_sum3A_250 : i1 to vector<16xi1>
          %reduce_sum3A_252 = tpu.scan <sum>, %mul3A_249 masked %reduce_sum3A_251 : vector<16xf32>, vector<16xi1> -> vector<16xf32>
          %reduce_sum3A_253 = vector.extract %reduce_sum3A_252[15] : f32 from vector<16xf32>
          %mul3A_254 = arith.constant 2.500000e-01 : f32
          %mul3A_255 = arith.mulf %reduce_sum3A_253, %mul3A_254 : f32
          %broadcast_in_dim3A_256 = vector.broadcast %mul3A_255 : f32 to vector<16xf32>
          %exp3A_257 = math.exp %broadcast_in_dim3A_256 : vector<16xf32>
          %get3A_258 = arith.index_cast %add3A_176 : i32 to index
          %get3A_259 = arith.constant 96 : index
          %get3A_260 = tpu.vector_load %arg16[%get3A_258, %get3A_259] {strides = array<i32>} : memref<80x128xf32, #tpu.memory_space<vmem>>, vector<16xf32>,
          %mul3A_261 = arith.mulf %get3A_260, %exp3A_257 : vector<16xf32>
          %swap3A_262 = arith.index_cast %add3A_176 : i32 to index
          %swap3A_263 = arith.constant 32 : index
          %swap3A_264 = tpu.vector_load %arg18[%swap3A_262, %swap3A_263] {strides = array<i32>} : memref<80x64xf32, #tpu.memory_space<vmem>>, vector<16xf32>,
          tpu.vector_store %arg18[%swap3A_262, %swap3A_263], %mul3A_261 {strides = array<i32>} : memref<80x64xf32, #tpu.memory_space<vmem>>, vector<16xf32>,
          %mul3A_265 = arith.constant 4 : i32
          %mul3A_266 = arith.muli %arg0, %mul3A_265 : i32
          %add3A_267 = arith.constant 2 : i32
          %add3A_268 = arith.addi %mul3A_266, %add3A_267 : i32
          %eq3A_269 = vector.broadcast %add3A_268 : i32 to vector<16xi32>
          %eq3A_270 = arith.cmpi eq, %iota3A, %eq3A_269 : vector<16xi32>
          %select_n3A_271 = arith.select %eq3A_270, %exp3A_257, %select_n3A_238 : vector<16xi1>, vector<16xf32>
          %get3A_272 = arith.index_cast %add3A_176 : i32 to index
          %get3A_273 = arith.constant 48 : index
          %get3A_274 = tpu.vector_load %arg16[%get3A_272, %get3A_273] {strides = array<i32>} : memref<80x128xf32, #tpu.memory_space<vmem>>, vector<16xf32>,
          %mul3A_275 = arith.constant 64 : i32
          %mul3A_276 = arith.muli %arg0, %mul3A_275 : i32
          %add3A_277 = arith.constant 48 : i32
          %add3A_278 = arith.addi %mul3A_276, %add3A_277 : i32
          %get3A_279 = arith.index_cast %add3A_176 : i32 to index
          %get3A_280 = arith.index_cast %add3A_278 : i32 to index
          %get3A_281 = tpu.vector_load %arg17[%get3A_279, %get3A_280] {strides = array<i32>} : memref<80x128xf32, #tpu.memory_space<vmem>>, vector<16xf32>,
          %mul3A_282 = arith.mulf %get3A_274, %get3A_281 : vector<16xf32>
          %reduce_sum3A_283 = arith.constant true
          %reduce_sum3A_284 = vector.broadcast %reduce_sum3A_283 : i1 to vector<16xi1>
          %reduce_sum3A_285 = tpu.scan <sum>, %mul3A_282 masked %reduce_sum3A_284 : vector<16xf32>, vector<16xi1> -> vector<16xf32>
          %reduce_sum3A_286 = vector.extract %reduce_sum3A_285[15] : f32 from vector<16xf32>
          %mul3A_287 = arith.constant 2.500000e-01 : f32
          %mul3A_288 = arith.mulf %reduce_sum3A_286, %mul3A_287 : f32
          %broadcast_in_dim3A_289 = vector.broadcast %mul3A_288 : f32 to vector<16xf32>
          %exp3A_290 = math.exp %broadcast_in_dim3A_289 : vector<16xf32>
          %get3A_291 = arith.index_cast %add3A_176 : i32 to index
          %get3A_292 = arith.constant 112 : index
          %get3A_293 = tpu.vector_load %arg16[%get3A_291, %get3A_292] {strides = array<i32>} : memref<80x128xf32, #tpu.memory_space<vmem>>, vector<16xf32>,
          %mul3A_294 = arith.mulf %get3A_293, %exp3A_290 : vector<16xf32>
          %swap3A_295 = arith.index_cast %add3A_176 : i32 to index
          %swap3A_296 = arith.constant 48 : index
          %swap3A_297 = tpu.vector_load %arg18[%swap3A_295, %swap3A_296] {strides = array<i32>} : memref<80x64xf32, #tpu.memory_space<vmem>>, vector<16xf32>,
          tpu.vector_store %arg18[%swap3A_295, %swap3A_296], %mul3A_294 {strides = array<i32>} : memref<80x64xf32, #tpu.memory_space<vmem>>, vector<16xf32>,
          %mul3A_298 = arith.constant 4 : i32
          %mul3A_299 = arith.muli %arg0, %mul3A_298 : i32
          %add3A_300 = arith.constant 3 : i32
          %add3A_301 = arith.addi %mul3A_299, %add3A_300 : i32
          %eq3A_302 = vector.broadcast %add3A_301 : i32 to vector<16xi32>
          %eq3A_303 = arith.cmpi eq, %iota3A, %eq3A_302 : vector<16xi32>
          %select_n3A_304 = arith.select %eq3A_303, %exp3A_290, %select_n3A_271 : vector<16xi1>, vector<16xf32>
          %swap3A_305 = arith.index_cast %add3A_176 : i32 to index
          %swap3A_306 = arith.constant 0 : index
          %swap3A_307 = tpu.vector_load %arg19[%swap3A_305, %swap3A_306] {strides = array<i32>} : memref<80x16xf32, #tpu.memory_space<vmem>>, vector<16xf32>,
          tpu.vector_store %arg19[%swap3A_305, %swap3A_306], %select_n3A_304 {strides = array<i32>} : memref<80x16xf32, #tpu.memory_space<vmem>>, vector<16xf32>,
          %mul3A_308 = arith.constant 2 : i32
          %mul3A_309 = arith.muli %mul3A_308, %scan3A_172 : i32
          %add3A_310 = arith.constant 1 : i32
          %add3A_311 = arith.addi %mul3A_309, %add3A_310 : i32
          %broadcast_in_dim3A_312 = arith.constant 0.000000e+00 : f32
          %broadcast_in_dim3A_313 = vector.broadcast %broadcast_in_dim3A_312 : f32 to vector<16xf32>
          %get3A_314 = arith.index_cast %add3A_311 : i32 to index
          %get3A_315 = arith.constant 0 : index
          %get3A_316 = tpu.vector_load %arg16[%get3A_314, %get3A_315] {strides = array<i32>} : memref<80x128xf32, #tpu.memory_space<vmem>>, vector<16xf32>,
          %mul3A_317 = arith.constant 64 : i32
          %mul3A_318 = arith.muli %arg0, %mul3A_317 : i32
          %add3A_319 = arith.constant 0 : i32
          %add3A_320 = arith.addi %mul3A_318, %add3A_319 : i32
          %get3A_321 = arith.index_cast %add3A_311 : i32 to index
          %get3A_322 = arith.index_cast %add3A_320 : i32 to index
          %get3A_323 = tpu.vector_load %arg17[%get3A_321, %get3A_322] {strides = array<i32>} : memref<80x128xf32, #tpu.memory_space<vmem>>, vector<16xf32>,
          %mul3A_324 = arith.mulf %get3A_316, %get3A_323 : vector<16xf32>
          %reduce_sum3A_325 = arith.constant true
          %reduce_sum3A_326 = vector.broadcast %reduce_sum3A_325 : i1 to vector<16xi1>
          %reduce_sum3A_327 = tpu.scan <sum>, %mul3A_324 masked %reduce_sum3A_326 : vector<16xf32>, vector<16xi1> -> vector<16xf32>
          %reduce_sum3A_328 = vector.extract %reduce_sum3A_327[15] : f32 from vector<16xf32>
          %mul3A_329 = arith.constant 2.500000e-01 : f32
          %mul3A_330 = arith.mulf %reduce_sum3A_328, %mul3A_329 : f32
          %broadcast_in_dim3A_331 = vector.broadcast %mul3A_330 : f32 to vector<16xf32>
          %exp3A_332 = math.exp %broadcast_in_dim3A_331 : vector<16xf32>
          %get3A_333 = arith.index_cast %add3A_311 : i32 to index
          %get3A_334 = arith.constant 64 : index
          %get3A_335 = tpu.vector_load %arg16[%get3A_333, %get3A_334] {strides = array<i32>} : memref<80x128xf32, #tpu.memory_space<vmem>>, vector<16xf32>,
          %mul3A_336 = arith.mulf %get3A_335, %exp3A_332 : vector<16xf32>
          %swap3A_337 = arith.index_cast %add3A_311 : i32 to index
          %swap3A_338 = arith.constant 0 : index
          %swap3A_339 = tpu.vector_load %arg18[%swap3A_337, %swap3A_338] {strides = array<i32>} : memref<80x64xf32, #tpu.memory_space<vmem>>, vector<16xf32>,
          tpu.vector_store %arg18[%swap3A_337, %swap3A_338], %mul3A_336 {strides = array<i32>} : memref<80x64xf32, #tpu.memory_space<vmem>>, vector<16xf32>,
          %mul3A_340 = arith.constant 4 : i32
          %mul3A_341 = arith.muli %arg0, %mul3A_340 : i32
          %add3A_342 = arith.constant 0 : i32
          %add3A_343 = arith.addi %mul3A_341, %add3A_342 : i32
          %eq3A_344 = vector.broadcast %add3A_343 : i32 to vector<16xi32>
          %eq3A_345 = arith.cmpi eq, %iota3A, %eq3A_344 : vector<16xi32>
          %select_n3A_346 = arith.select %eq3A_345, %exp3A_332, %broadcast_in_dim3A_313 : vector<16xi1>, vector<16xf32>
          %get3A_347 = arith.index_cast %add3A_311 : i32 to index
          %get3A_348 = arith.constant 16 : index
          %get3A_349 = tpu.vector_load %arg16[%get3A_347, %get3A_348] {strides = array<i32>} : memref<80x128xf32, #tpu.memory_space<vmem>>, vector<16xf32>,
          %mul3A_350 = arith.constant 64 : i32
          %mul3A_351 = arith.muli %arg0, %mul3A_350 : i32
          %add3A_352 = arith.constant 16 : i32
          %add3A_353 = arith.addi %mul3A_351, %add3A_352 : i32
          %get3A_354 = arith.index_cast %add3A_311 : i32 to index
          %get3A_355 = arith.index_cast %add3A_353 : i32 to index
          %get3A_356 = tpu.vector_load %arg17[%get3A_354, %get3A_355] {strides = array<i32>} : memref<80x128xf32, #tpu.memory_space<vmem>>, vector<16xf32>,
          %mul3A_357 = arith.mulf %get3A_349, %get3A_356 : vector<16xf32>
          %reduce_sum3A_358 = arith.constant true
          %reduce_sum3A_359 = vector.broadcast %reduce_sum3A_358 : i1 to vector<16xi1>
          %reduce_sum3A_360 = tpu.scan <sum>, %mul3A_357 masked %reduce_sum3A_359 : vector<16xf32>, vector<16xi1> -> vector<16xf32>
          %reduce_sum3A_361 = vector.extract %reduce_sum3A_360[15] : f32 from vector<16xf32>
          %mul3A_362 = arith.constant 2.500000e-01 : f32
          %mul3A_363 = arith.mulf %reduce_sum3A_361, %mul3A_362 : f32
          %broadcast_in_dim3A_364 = vector.broadcast %mul3A_363 : f32 to vector<16xf32>
          %exp3A_365 = math.exp %broadcast_in_dim3A_364 : vector<16xf32>
          %get3A_366 = arith.index_cast %add3A_311 : i32 to index
          %get3A_367 = arith.constant 80 : index
          %get3A_368 = tpu.vector_load %arg16[%get3A_366, %get3A_367] {strides = array<i32>} : memref<80x128xf32, #tpu.memory_space<vmem>>, vector<16xf32>,
          %mul3A_369 = arith.mulf %get3A_368, %exp3A_365 : vector<16xf32>
          %swap3A_370 = arith.index_cast %add3A_311 : i32 to index
          %swap3A_371 = arith.constant 16 : index
          %swap3A_372 = tpu.vector_load %arg18[%swap3A_370, %swap3A_371] {strides = array<i32>} : memref<80x64xf32, #tpu.memory_space<vmem>>, vector<16xf32>,
          tpu.vector_store %arg18[%swap3A_370, %swap3A_371], %mul3A_369 {strides = array<i32>} : memref<80x64xf32, #tpu.memory_space<vmem>>, vector<16xf32>,
          %mul3A_373 = arith.constant 4 : i32
          %mul3A_374 = arith.muli %arg0, %mul3A_373 : i32
          %add3A_375 = arith.constant 1 : i32
          %add3A_376 = arith.addi %mul3A_374, %add3A_375 : i32
          %eq3A_377 = vector.broadcast %add3A_376 : i32 to vector<16xi32>
          %eq3A_378 = arith.cmpi eq, %iota3A, %eq3A_377 : vector<16xi32>
          %select_n3A_379 = arith.select %eq3A_378, %exp3A_365, %select_n3A_346 : vector<16xi1>, vector<16xf32>
          %get3A_380 = arith.index_cast %add3A_311 : i32 to index
          %get3A_381 = arith.constant 32 : index
          %get3A_382 = tpu.vector_load %arg16[%get3A_380, %get3A_381] {strides = array<i32>} : memref<80x128xf32, #tpu.memory_space<vmem>>, vector<16xf32>,
          %mul3A_383 = arith.constant 64 : i32
          %mul3A_384 = arith.muli %arg0, %mul3A_383 : i32
          %add3A_385 = arith.constant 32 : i32
          %add3A_386 = arith.addi %mul3A_384, %add3A_385 : i32
          %get3A_387 = arith.index_cast %add3A_311 : i32 to index
          %get3A_388 = arith.index_cast %add3A_386 : i32 to index
          %get3A_389 = tpu.vector_load %arg17[%get3A_387, %get3A_388] {strides = array<i32>} : memref<80x128xf32, #tpu.memory_space<vmem>>, vector<16xf32>,
          %mul3A_390 = arith.mulf %get3A_382, %get3A_389 : vector<16xf32>
          %reduce_sum3A_391 = arith.constant true
          %reduce_sum3A_392 = vector.broadcast %reduce_sum3A_391 : i1 to vector<16xi1>
          %reduce_sum3A_393 = tpu.scan <sum>, %mul3A_390 masked %reduce_sum3A_392 : vector<16xf32>, vector<16xi1> -> vector<16xf32>
          %reduce_sum3A_394 = vector.extract %reduce_sum3A_393[15] : f32 from vector<16xf32>
          %mul3A_395 = arith.constant 2.500000e-01 : f32
          %mul3A_396 = arith.mulf %reduce_sum3A_394, %mul3A_395 : f32
          %broadcast_in_dim3A_397 = vector.broadcast %mul3A_396 : f32 to vector<16xf32>
          %exp3A_398 = math.exp %broadcast_in_dim3A_397 : vector<16xf32>
          %get3A_399 = arith.index_cast %add3A_311 : i32 to index
          %get3A_400 = arith.constant 96 : index
          %get3A_401 = tpu.vector_load %arg16[%get3A_399, %get3A_400] {strides = array<i32>} : memref<80x128xf32, #tpu.memory_space<vmem>>, vector<16xf32>,
          %mul3A_402 = arith.mulf %get3A_401, %exp3A_398 : vector<16xf32>
          %swap3A_403 = arith.index_cast %add3A_311 : i32 to index
          %swap3A_404 = arith.constant 32 : index
          %swap3A_405 = tpu.vector_load %arg18[%swap3A_403, %swap3A_404] {strides = array<i32>} : memref<80x64xf32, #tpu.memory_space<vmem>>, vector<16xf32>,
          tpu.vector_store %arg18[%swap3A_403, %swap3A_404], %mul3A_402 {strides = array<i32>} : memref<80x64xf32, #tpu.memory_space<vmem>>, vector<16xf32>,
          %mul3A_406 = arith.constant 4 : i32
          %mul3A_407 = arith.muli %arg0, %mul3A_406 : i32
          %add3A_408 = arith.constant 2 : i32
          %add3A_409 = arith.addi %mul3A_407, %add3A_408 : i32
          %eq3A_410 = vector.broadcast %add3A_409 : i32 to vector<16xi32>
          %eq3A_411 = arith.cmpi eq, %iota3A, %eq3A_410 : vector<16xi32>
          %select_n3A_412 = arith.select %eq3A_411, %exp3A_398, %select_n3A_379 : vector<16xi1>, vector<16xf32>
          %get3A_413 = arith.index_cast %add3A_311 : i32 to index
          %get3A_414 = arith.constant 48 : index
          %get3A_415 = tpu.vector_load %arg16[%get3A_413, %get3A_414] {strides = array<i32>} : memref<80x128xf32, #tpu.memory_space<vmem>>, vector<16xf32>,
          %mul3A_416 = arith.constant 64 : i32
          %mul3A_417 = arith.muli %arg0, %mul3A_416 : i32
          %add3A_418 = arith.constant 48 : i32
          %add3A_419 = arith.addi %mul3A_417, %add3A_418 : i32
          %get3A_420 = arith.index_cast %add3A_311 : i32 to index
          %get3A_421 = arith.index_cast %add3A_419 : i32 to index
          %get3A_422 = tpu.vector_load %arg17[%get3A_420, %get3A_421] {strides = array<i32>} : memref<80x128xf32, #tpu.memory_space<vmem>>, vector<16xf32>,
          %mul3A_423 = arith.mulf %get3A_415, %get3A_422 : vector<16xf32>
          %reduce_sum3A_424 = arith.constant true
          %reduce_sum3A_425 = vector.broadcast %reduce_sum3A_424 : i1 to vector<16xi1>
          %reduce_sum3A_426 = tpu.scan <sum>, %mul3A_423 masked %reduce_sum3A_425 : vector<16xf32>, vector<16xi1> -> vector<16xf32>
          %reduce_sum3A_427 = vector.extract %reduce_sum3A_426[15] : f32 from vector<16xf32>
          %mul3A_428 = arith.constant 2.500000e-01 : f32
          %mul3A_429 = arith.mulf %reduce_sum3A_427, %mul3A_428 : f32
          %broadcast_in_dim3A_430 = vector.broadcast %mul3A_429 : f32 to vector<16xf32>
          %exp3A_431 = math.exp %broadcast_in_dim3A_430 : vector<16xf32>
          %get3A_432 = arith.index_cast %add3A_311 : i32 to index
          %get3A_433 = arith.constant 112 : index
          %get3A_434 = tpu.vector_load %arg16[%get3A_432, %get3A_433] {strides = array<i32>} : memref<80x128xf32, #tpu.memory_space<vmem>>, vector<16xf32>,
          %mul3A_435 = arith.mulf %get3A_434, %exp3A_431 : vector<16xf32>
          %swap3A_436 = arith.index_cast %add3A_311 : i32 to index
          %swap3A_437 = arith.constant 48 : index
          %swap3A_438 = tpu.vector_load %arg18[%swap3A_436, %swap3A_437] {strides = array<i32>} : memref<80x64xf32, #tpu.memory_space<vmem>>, vector<16xf32>,
          tpu.vector_store %arg18[%swap3A_436, %swap3A_437], %mul3A_435 {strides = array<i32>} : memref<80x64xf32, #tpu.memory_space<vmem>>, vector<16xf32>,
          %mul3A_439 = arith.constant 4 : i32
          %mul3A_440 = arith.muli %arg0, %mul3A_439 : i32
          %add3A_441 = arith.constant 3 : i32
          %add3A_442 = arith.addi %mul3A_440, %add3A_441 : i32
          %eq3A_443 = vector.broadcast %add3A_442 : i32 to vector<16xi32>
          %eq3A_444 = arith.cmpi eq, %iota3A, %eq3A_443 : vector<16xi32>
          %select_n3A_445 = arith.select %eq3A_444, %exp3A_431, %select_n3A_412 : vector<16xi1>, vector<16xf32>
          %swap3A_446 = arith.index_cast %add3A_311 : i32 to index
          %swap3A_447 = arith.constant 0 : index
          %swap3A_448 = tpu.vector_load %arg19[%swap3A_446, %swap3A_447] {strides = array<i32>} : memref<80x16xf32, #tpu.memory_space<vmem>>, vector<16xf32>,
          tpu.vector_store %arg19[%swap3A_446, %swap3A_447], %select_n3A_445 {strides = array<i32>} : memref<80x16xf32, #tpu.memory_space<vmem>>, vector<16xf32>,
        }
        %scan3A_159 = arith.constant 40 : i32
        %dma_start3A_160 = arith.constant 0 : i32
        %dma_start3A_161 = tpu.memref_slice %arg11[%add3A_74, %dma_start3A_160] : memref<50x80xi32, #tpu.memory_space<vmem>> -> memref<1x80xi32, #tpu.memory_space<vmem>>
        %dma_start3A_162 = tpu.memref_squeeze %dma_start3A_161 : memref<1x80xi32, #tpu.memory_space<vmem>> -> memref<80xi32, #tpu.memory_space<vmem>>
        %dma_start3A_163 = arith.constant 0 : i32
        %dma_start3A_164 = arith.constant 0 : i32
        %dma_start3A_165 = tpu.memref_slice %arg20[%dma_start3A_163, %dma_start3A_164] : memref<10000x64xf32, #tpu.memory_space<vmem_shared>> -> memref<10000x64xf32, #tpu.memory_space<vmem_shared>>
        tpu.enqueue_indirect_dma source(%arg18 : memref<80x64xf32, #tpu.memory_space<vmem>>) target(%dma_start3A_165 : memref<10000x64xf32, #tpu.memory_space<vmem_shared>>) offsets(%dma_start3A_162 : memref<80xi32, #tpu.memory_space<vmem>>) semaphore(%arg28 : memref<!tpu.dma_semaphore, #tpu.memory_space<semaphore_mem>>) {add = true}
        %dma_start3A_166 = arith.constant 0 : i32
        %dma_start3A_167 = tpu.memref_slice %arg11[%add3A_74, %dma_start3A_166] : memref<50x80xi32, #tpu.memory_space<vmem>> -> memref<1x80xi32, #tpu.memory_space<vmem>>
        %dma_start3A_168 = tpu.memref_squeeze %dma_start3A_167 : memref<1x80xi32, #tpu.memory_space<vmem>> -> memref<80xi32, #tpu.memory_space<vmem>>
        %dma_start3A_169 = arith.constant 0 : i32
        %dma_start3A_170 = arith.constant 0 : i32
        %dma_start3A_171 = tpu.memref_slice %arg21[%dma_start3A_169, %dma_start3A_170] : memref<10000x16xf32, #tpu.memory_space<vmem_shared>> -> memref<10000x16xf32, #tpu.memory_space<vmem_shared>>
        tpu.enqueue_indirect_dma source(%arg19 : memref<80x16xf32, #tpu.memory_space<vmem>>) target(%dma_start3A_171 : memref<10000x16xf32, #tpu.memory_space<vmem_shared>>) offsets(%dma_start3A_168 : memref<80xi32, #tpu.memory_space<vmem>>) semaphore(%arg29 : memref<!tpu.dma_semaphore, #tpu.memory_space<semaphore_mem>>) {add = true}
      }
      %scan3A_43 = arith.constant 25 : i32
      %dma_wait3A = arith.constant 0 : i32
      %dma_wait3A_44 = arith.constant 0 : i32
      %dma_wait3A_45 = tpu.memref_slice %arg11[%dma_wait3A, %dma_wait3A_44] : memref<50x80xi32, #tpu.memory_space<vmem>> -> memref<1x80xi32, #tpu.memory_space<vmem>>
      %dma_wait3A_46 = tpu.memref_squeeze %dma_wait3A_45 : memref<1x80xi32, #tpu.memory_space<vmem>> -> memref<80xi32, #tpu.memory_space<vmem>>
      %dma_wait3A_47 = arith.constant 0 : i32
      %dma_wait3A_48 = arith.constant 0 : i32
      %dma_wait3A_49 = tpu.memref_slice %arg20[%dma_wait3A_47, %dma_wait3A_48] : memref<10000x64xf32, #tpu.memory_space<vmem_shared>> -> memref<10000x64xf32, #tpu.memory_space<vmem_shared>>
      tpu.wait_indirect_dma semaphore(%arg26 : memref<!tpu.dma_semaphore, #tpu.memory_space<semaphore_mem>>) src(%arg14 : memref<80x64xf32, #tpu.memory_space<vmem>>) dst(%dma_wait3A_49 : memref<10000x64xf32, #tpu.memory_space<vmem_shared>>)
      %dma_wait3A_50 = arith.constant 0 : i32
      %dma_wait3A_51 = arith.constant 0 : i32
      %dma_wait3A_52 = tpu.memref_slice %arg11[%dma_wait3A_50, %dma_wait3A_51] : memref<50x80xi32, #tpu.memory_space<vmem>> -> memref<1x80xi32, #tpu.memory_space<vmem>>
      %dma_wait3A_53 = tpu.memref_squeeze %dma_wait3A_52 : memref<1x80xi32, #tpu.memory_space<vmem>> -> memref<80xi32, #tpu.memory_space<vmem>>
      %dma_wait3A_54 = arith.constant 0 : i32
      %dma_wait3A_55 = arith.constant 0 : i32
      %dma_wait3A_56 = tpu.memref_slice %arg21[%dma_wait3A_54, %dma_wait3A_55] : memref<10000x16xf32, #tpu.memory_space<vmem_shared>> -> memref<10000x16xf32, #tpu.memory_space<vmem_shared>>
      tpu.wait_indirect_dma semaphore(%arg27 : memref<!tpu.dma_semaphore, #tpu.memory_space<semaphore_mem>>) src(%arg15 : memref<80x16xf32, #tpu.memory_space<vmem>>) dst(%dma_wait3A_56 : memref<10000x16xf32, #tpu.memory_space<vmem_shared>>)
      %dma_wait3A_57 = arith.constant 0 : i32
      %dma_wait3A_58 = arith.constant 0 : i32
      %dma_wait3A_59 = tpu.memref_slice %arg11[%dma_wait3A_57, %dma_wait3A_58] : memref<50x80xi32, #tpu.memory_space<vmem>> -> memref<1x80xi32, #tpu.memory_space<vmem>>
      %dma_wait3A_60 = tpu.memref_squeeze %dma_wait3A_59 : memref<1x80xi32, #tpu.memory_space<vmem>> -> memref<80xi32, #tpu.memory_space<vmem>>
      %dma_wait3A_61 = arith.constant 0 : i32
      %dma_wait3A_62 = arith.constant 0 : i32
      %dma_wait3A_63 = tpu.memref_slice %arg20[%dma_wait3A_61, %dma_wait3A_62] : memref<10000x64xf32, #tpu.memory_space<vmem_shared>> -> memref<10000x64xf32, #tpu.memory_space<vmem_shared>>
      tpu.wait_indirect_dma semaphore(%arg28 : memref<!tpu.dma_semaphore, #tpu.memory_space<semaphore_mem>>) src(%arg18 : memref<80x64xf32, #tpu.memory_space<vmem>>) dst(%dma_wait3A_63 : memref<10000x64xf32, #tpu.memory_space<vmem_shared>>)
      %dma_wait3A_64 = arith.constant 0 : i32
      %dma_wait3A_65 = arith.constant 0 : i32
      %dma_wait3A_66 = tpu.memref_slice %arg11[%dma_wait3A_64, %dma_wait3A_65] : memref<50x80xi32, #tpu.memory_space<vmem>> -> memref<1x80xi32, #tpu.memory_space<vmem>>
      %dma_wait3A_67 = tpu.memref_squeeze %dma_wait3A_66 : memref<1x80xi32, #tpu.memory_space<vmem>> -> memref<80xi32, #tpu.memory_space<vmem>>
      %dma_wait3A_68 = arith.constant 0 : i32
      %dma_wait3A_69 = arith.constant 0 : i32
      %dma_wait3A_70 = tpu.memref_slice %arg21[%dma_wait3A_68, %dma_wait3A_69] : memref<10000x16xf32, #tpu.memory_space<vmem_shared>> -> memref<10000x16xf32, #tpu.memory_space<vmem_shared>>
      tpu.wait_indirect_dma semaphore(%arg29 : memref<!tpu.dma_semaphore, #tpu.memory_space<semaphore_mem>>) src(%arg19 : memref<80x16xf32, #tpu.memory_space<vmem>>) dst(%dma_wait3A_70 : memref<10000x16xf32, #tpu.memory_space<vmem_shared>>)
    }
    %scan3A_7 = arith.constant 5 : i32
    %barrier3A_8 = arith.constant 0 : index
    tpu.barrier barrier_id(%barrier3A_8)
    "tpu.region"() ({
      %run_scoped3A = tpu.sem_alloc : memref<!tpu.dma_semaphore, #tpu.memory_space<semaphore_mem>>
      %dma_start3A = arith.constant 0 : i32
      %dma_start3A_14 = tpu.memref_slice %arg7[%arg0, %mul3A_0, %dma_start3A] : memref<2x10000x64xf32, #tpu.memory_space<hbm>> -> memref<1x624x64xf32, #tpu.memory_space<hbm>>
      %dma_start3A_15 = tpu.memref_squeeze %dma_start3A_14 : memref<1x624x64xf32, #tpu.memory_space<hbm>> -> memref<624x64xf32, #tpu.memory_space<hbm>>
      %dma_start3A_16 = arith.constant 0 : i32
      %dma_start3A_17 = tpu.memref_slice %arg20[%mul3A_0, %dma_start3A_16] : memref<10000x64xf32, #tpu.memory_space<vmem_shared>> -> memref<624x64xf32, #tpu.memory_space<vmem_shared>>
      tpu.enqueue_dma source(%dma_start3A_17 : memref<624x64xf32, #tpu.memory_space<vmem_shared>>) target(%dma_start3A_15 : memref<624x64xf32, #tpu.memory_space<hbm>>) target_semaphore(%run_scoped3A : memref<!tpu.dma_semaphore, #tpu.memory_space<semaphore_mem>>)
      %dma_wait3A = arith.constant 0 : i32
      %dma_wait3A_18 = tpu.memref_slice %arg7[%arg0, %mul3A_0, %dma_wait3A] : memref<2x10000x64xf32, #tpu.memory_space<hbm>> -> memref<1x624x64xf32, #tpu.memory_space<hbm>>
      %dma_wait3A_19 = tpu.memref_squeeze %dma_wait3A_18 : memref<1x624x64xf32, #tpu.memory_space<hbm>> -> memref<624x64xf32, #tpu.memory_space<hbm>>
      %dma_wait3A_20 = arith.constant 0 : i32
      %dma_wait3A_21 = tpu.memref_slice %arg20[%mul3A_0, %dma_wait3A_20] : memref<10000x64xf32, #tpu.memory_space<vmem_shared>> -> memref<624x64xf32, #tpu.memory_space<vmem_shared>>
      tpu.wait_dma2 semaphore(%run_scoped3A : memref<!tpu.dma_semaphore, #tpu.memory_space<semaphore_mem>>) src(%dma_wait3A_21 : memref<624x64xf32, #tpu.memory_space<vmem_shared>>) dst(%dma_wait3A_19 : memref<624x64xf32, #tpu.memory_space<hbm>>)
      tpu.yield
    }) : () -> ()
    "tpu.region"() ({
      %run_scoped3A = tpu.sem_alloc : memref<!tpu.dma_semaphore, #tpu.memory_space<semaphore_mem>>
      %dma_start3A = arith.constant 0 : i32
      %dma_start3A_14 = tpu.memref_slice %arg8[%arg0, %mul3A_0, %dma_start3A] : memref<2x10000x16xf32, #tpu.memory_space<hbm>> -> memref<1x624x16xf32, #tpu.memory_space<hbm>>
      %dma_start3A_15 = tpu.memref_squeeze %dma_start3A_14 : memref<1x624x16xf32, #tpu.memory_space<hbm>> -> memref<624x16xf32, #tpu.memory_space<hbm>>
      %dma_start3A_16 = arith.constant 0 : i32
      %dma_start3A_17 = tpu.memref_slice %arg21[%mul3A_0, %dma_start3A_16] : memref<10000x16xf32, #tpu.memory_space<vmem_shared>> -> memref<624x16xf32, #tpu.memory_space<vmem_shared>>
      tpu.enqueue_dma source(%dma_start3A_17 : memref<624x16xf32, #tpu.memory_space<vmem_shared>>) target(%dma_start3A_15 : memref<624x16xf32, #tpu.memory_space<hbm>>) target_semaphore(%run_scoped3A : memref<!tpu.dma_semaphore, #tpu.memory_space<semaphore_mem>>)
      %dma_wait3A = arith.constant 0 : i32
      %dma_wait3A_18 = tpu.memref_slice %arg8[%arg0, %mul3A_0, %dma_wait3A] : memref<2x10000x16xf32, #tpu.memory_space<hbm>> -> memref<1x624x16xf32, #tpu.memory_space<hbm>>
      %dma_wait3A_19 = tpu.memref_squeeze %dma_wait3A_18 : memref<1x624x16xf32, #tpu.memory_space<hbm>> -> memref<624x16xf32, #tpu.memory_space<hbm>>
      %dma_wait3A_20 = arith.constant 0 : i32
      %dma_wait3A_21 = tpu.memref_slice %arg21[%mul3A_0, %dma_wait3A_20] : memref<10000x16xf32, #tpu.memory_space<vmem_shared>> -> memref<624x16xf32, #tpu.memory_space<vmem_shared>>
      tpu.wait_dma2 semaphore(%run_scoped3A : memref<!tpu.dma_semaphore, #tpu.memory_space<semaphore_mem>>) src(%dma_wait3A_21 : memref<624x16xf32, #tpu.memory_space<vmem_shared>>) dst(%dma_wait3A_19 : memref<624x16xf32, #tpu.memory_space<hbm>>)
      tpu.yield
    }) : () -> ()
    %eq3A_9 = arith.constant 15 : i32
    %eq3A_10 = arith.cmpi eq, %arg1, %eq3A_9 : i32
    %convert_element_type3A_11 = arith.extui %eq3A_10 : i1 to i32
    %cond3A_12 = arith.constant 0 : i32
    %cond3A_13 = arith.cmpi ne, %convert_element_type3A_11, %cond3A_12 : i32
    scf.if %cond3A_13 {
      "tpu.region"() ({
        %run_scoped3A = tpu.sem_alloc : memref<!tpu.dma_semaphore, #tpu.memory_space<semaphore_mem>>
        %dma_start3A = arith.constant 9984 : i32
        %dma_start3A_14 = arith.constant 0 : i32
        %dma_start3A_15 = tpu.memref_slice %arg7[%arg0, %dma_start3A, %dma_start3A_14] : memref<2x10000x64xf32, #tpu.memory_space<hbm>> -> memref<1x16x64xf32, #tpu.memory_space<hbm>>
        %dma_start3A_16 = tpu.memref_squeeze %dma_start3A_15 : memref<1x16x64xf32, #tpu.memory_space<hbm>> -> memref<16x64xf32, #tpu.memory_space<hbm>>
        %dma_start3A_17 = arith.constant 9984 : i32
        %dma_start3A_18 = arith.constant 0 : i32
        %dma_start3A_19 = tpu.memref_slice %arg20[%dma_start3A_17, %dma_start3A_18] : memref<10000x64xf32, #tpu.memory_space<vmem_shared>> -> memref<16x64xf32, #tpu.memory_space<vmem_shared>>
        tpu.enqueue_dma source(%dma_start3A_19 : memref<16x64xf32, #tpu.memory_space<vmem_shared>>) target(%dma_start3A_16 : memref<16x64xf32, #tpu.memory_space<hbm>>) target_semaphore(%run_scoped3A : memref<!tpu.dma_semaphore, #tpu.memory_space<semaphore_mem>>)
        %dma_wait3A = arith.constant 9984 : i32
        %dma_wait3A_20 = arith.constant 0 : i32
        %dma_wait3A_21 = tpu.memref_slice %arg7[%arg0, %dma_wait3A, %dma_wait3A_20] : memref<2x10000x64xf32, #tpu.memory_space<hbm>> -> memref<1x16x64xf32, #tpu.memory_space<hbm>>
        %dma_wait3A_22 = tpu.memref_squeeze %dma_wait3A_21 : memref<1x16x64xf32, #tpu.memory_space<hbm>> -> memref<16x64xf32, #tpu.memory_space<hbm>>
        %dma_wait3A_23 = arith.constant 9984 : i32
        %dma_wait3A_24 = arith.constant 0 : i32
        %dma_wait3A_25 = tpu.memref_slice %arg20[%dma_wait3A_23, %dma_wait3A_24] : memref<10000x64xf32, #tpu.memory_space<vmem_shared>> -> memref<16x64xf32, #tpu.memory_space<vmem_shared>>
        tpu.wait_dma2 semaphore(%run_scoped3A : memref<!tpu.dma_semaphore, #tpu.memory_space<semaphore_mem>>) src(%dma_wait3A_25 : memref<16x64xf32, #tpu.memory_space<vmem_shared>>) dst(%dma_wait3A_22 : memref<16x64xf32, #tpu.memory_space<hbm>>)
        tpu.yield
      }) : () -> ()
      "tpu.region"() ({
        %run_scoped3A = tpu.sem_alloc : memref<!tpu.dma_semaphore, #tpu.memory_space<semaphore_mem>>
        %dma_start3A = arith.constant 9984 : i32
        %dma_start3A_14 = arith.constant 0 : i32
        %dma_start3A_15 = tpu.memref_slice %arg8[%arg0, %dma_start3A, %dma_start3A_14] : memref<2x10000x16xf32, #tpu.memory_space<hbm>> -> memref<1x16x16xf32, #tpu.memory_space<hbm>>
        %dma_start3A_16 = tpu.memref_squeeze %dma_start3A_15 : memref<1x16x16xf32, #tpu.memory_space<hbm>> -> memref<16x16xf32, #tpu.memory_space<hbm>>
        %dma_start3A_17 = arith.constant 9984 : i32
        %dma_start3A_18 = arith.constant 0 : i32
        %dma_start3A_19 = tpu.memref_slice %arg21[%dma_start3A_17, %dma_start3A_18] : memref<10000x16xf32, #tpu.memory_space<vmem_shared>> -> memref<16x16xf32, #tpu.memory_space<vmem_shared>>
        tpu.enqueue_dma source(%dma_start3A_19 : memref<16x16xf32, #tpu.memory_space<vmem_shared>>) target(%dma_start3A_16 : memref<16x16xf32, #tpu.memory_space<hbm>>) target_semaphore(%run_scoped3A : memref<!tpu.dma_semaphore, #tpu.memory_space<semaphore_mem>>)
        %dma_wait3A = arith.constant 9984 : i32
        %dma_wait3A_20 = arith.constant 0 : i32
        %dma_wait3A_21 = tpu.memref_slice %arg8[%arg0, %dma_wait3A, %dma_wait3A_20] : memref<2x10000x16xf32, #tpu.memory_space<hbm>> -> memref<1x16x16xf32, #tpu.memory_space<hbm>>
        %dma_wait3A_22 = tpu.memref_squeeze %dma_wait3A_21 : memref<1x16x16xf32, #tpu.memory_space<hbm>> -> memref<16x16xf32, #tpu.memory_space<hbm>>
        %dma_wait3A_23 = arith.constant 9984 : i32
        %dma_wait3A_24 = arith.constant 0 : i32
        %dma_wait3A_25 = tpu.memref_slice %arg21[%dma_wait3A_23, %dma_wait3A_24] : memref<10000x16xf32, #tpu.memory_space<vmem_shared>> -> memref<16x16xf32, #tpu.memory_space<vmem_shared>>
        tpu.wait_dma2 semaphore(%run_scoped3A : memref<!tpu.dma_semaphore, #tpu.memory_space<semaphore_mem>>) src(%dma_wait3A_25 : memref<16x16xf32, #tpu.memory_space<vmem_shared>>) dst(%dma_wait3A_22 : memref<16x16xf32, #tpu.memory_space<hbm>>)
        tpu.yield
      }) : () -> ()
    } else {
    }
    return
  }
}

#map = affine_map<(d0, d1) -> (0, 0)>
#map1 = affine_map<(d0, d1) -> (0, 0, 0)>
#map2 = affine_map<(d0, d1) -> (0, 0, 0, 0)>
module attributes {stable_mosaic.version = 14 : i64} {
  func.func @_edge_body(%arg0: i32, %arg1: i32, %arg2: memref<10000x128xf32, #tpu.memory_space<hbm>>, %arg3: memref<2x10000x128xf32, #tpu.memory_space<hbm>>, %arg4: memref<16x5x50x80xi32, #tpu.memory_space<hbm>>, %arg5: memref<10000x64xf32, #tpu.memory_space<hbm>>, %arg6: memref<10000x16xf32, #tpu.memory_space<hbm>>, %arg7: memref<2x10000x64xf32, #tpu.memory_space<hbm>>, %arg8: memref<2x10000x16xf32, #tpu.memory_space<hbm>>, %arg9: memref<50x80xi32, #tpu.memory_space<vmem>>, %arg10: memref<50x80xi32, #tpu.memory_space<vmem>>, %arg11: memref<50x80xi32, #tpu.memory_space<vmem>>, %arg12: memref<80x128xf32, #tpu.memory_space<vmem>>, %arg13: memref<80x128xf32, #tpu.memory_space<vmem>>, %arg14: memref<80x64xf32, #tpu.memory_space<vmem>>, %arg15: memref<80x16xf32, #tpu.memory_space<vmem>>, %arg16: memref<80x128xf32, #tpu.memory_space<vmem>>, %arg17: memref<80x128xf32, #tpu.memory_space<vmem>>, %arg18: memref<80x64xf32, #tpu.memory_space<vmem>>, %arg19: memref<80x16xf32, #tpu.memory_space<vmem>>, %arg20: memref<10000x64xf32, #tpu.memory_space<vmem_shared>>, %arg21: memref<10000x16xf32, #tpu.memory_space<vmem_shared>>, %arg22: memref<!tpu.dma_semaphore, #tpu.memory_space<semaphore_mem>>, %arg23: memref<!tpu.dma_semaphore, #tpu.memory_space<semaphore_mem>>, %arg24: memref<!tpu.dma_semaphore, #tpu.memory_space<semaphore_mem>>, %arg25: memref<!tpu.dma_semaphore, #tpu.memory_space<semaphore_mem>>, %arg26: memref<!tpu.dma_semaphore, #tpu.memory_space<semaphore_mem>>, %arg27: memref<!tpu.dma_semaphore, #tpu.memory_space<semaphore_mem>>, %arg28: memref<!tpu.dma_semaphore, #tpu.memory_space<semaphore_mem>>, %arg29: memref<!tpu.dma_semaphore, #tpu.memory_space<semaphore_mem>>) attributes {dimension_semantics = [#tpu.dimension_semantics<core_parallel>, #tpu.dimension_semantics<subcore_parallel>], iteration_bounds = array<i64: 2, 16>, scalar_prefetch = 0 : i64, scratch_operands = 21 : i64, tpu.core_type = #tpu.core_type<sc_vector_subcore>, window_params = [{transform_indices = #map}, {transform_indices = #map1}, {transform_indices = #map2}, {transform_indices = #map}, {transform_indices = #map}, {transform_indices = #map1}, {transform_indices = #map1}]} {
    %mul3A = arith.constant 624 : i32
    %mul3A_0 = arith.muli %arg1, %mul3A : i32
    "tpu.region"() ({
      %run_scoped3A = tpu.sem_alloc : memref<!tpu.dma_semaphore, #tpu.memory_space<semaphore_mem>>
      %dma_start3A = arith.constant 0 : i32
      %dma_start3A_14 = tpu.memref_slice %arg20[%mul3A_0, %dma_start3A] : memref<10000x64xf32, #tpu.memory_space<vmem_shared>> -> memref<624x64xf32, #tpu.memory_space<vmem_shared>>
      %dma_start3A_15 = arith.constant 0 : i32
      %dma_start3A_16 = arith.constant 0 : i32
      %dma_start3A_17 = tpu.memref_slice %arg5[%dma_start3A_15, %dma_start3A_16] : memref<10000x64xf32, #tpu.memory_space<hbm>> -> memref<624x64xf32, #tpu.memory_space<hbm>>
      tpu.enqueue_dma source(%dma_start3A_17 : memref<624x64xf32, #tpu.memory_space<hbm>>) target(%dma_start3A_14 : memref<624x64xf32, #tpu.memory_space<vmem_shared>>) target_semaphore(%run_scoped3A : memref<!tpu.dma_semaphore, #tpu.memory_space<semaphore_mem>>)
      %dma_wait3A = arith.constant 0 : i32
      %dma_wait3A_18 = tpu.memref_slice %arg20[%mul3A_0, %dma_wait3A] : memref<10000x64xf32, #tpu.memory_space<vmem_shared>> -> memref<624x64xf32, #tpu.memory_space<vmem_shared>>
      %dma_wait3A_19 = arith.constant 0 : i32
      %dma_wait3A_20 = arith.constant 0 : i32
      %dma_wait3A_21 = tpu.memref_slice %arg5[%dma_wait3A_19, %dma_wait3A_20] : memref<10000x64xf32, #tpu.memory_space<hbm>> -> memref<624x64xf32, #tpu.memory_space<hbm>>
      tpu.wait_dma2 semaphore(%run_scoped3A : memref<!tpu.dma_semaphore, #tpu.memory_space<semaphore_mem>>) src(%dma_wait3A_21 : memref<624x64xf32, #tpu.memory_space<hbm>>) dst(%dma_wait3A_18 : memref<624x64xf32, #tpu.memory_space<vmem_shared>>)
      tpu.yield
    }) : () -> ()
    "tpu.region"() ({
      %run_scoped3A = tpu.sem_alloc : memref<!tpu.dma_semaphore, #tpu.memory_space<semaphore_mem>>
      %dma_start3A = arith.constant 0 : i32
      %dma_start3A_14 = tpu.memref_slice %arg21[%mul3A_0, %dma_start3A] : memref<10000x16xf32, #tpu.memory_space<vmem_shared>> -> memref<624x16xf32, #tpu.memory_space<vmem_shared>>
      %dma_start3A_15 = arith.constant 0 : i32
      %dma_start3A_16 = arith.constant 0 : i32
      %dma_start3A_17 = tpu.memref_slice %arg6[%dma_start3A_15, %dma_start3A_16] : memref<10000x16xf32, #tpu.memory_space<hbm>> -> memref<624x16xf32, #tpu.memory_space<hbm>>
      tpu.enqueue_dma source(%dma_start3A_17 : memref<624x16xf32, #tpu.memory_space<hbm>>) target(%dma_start3A_14 : memref<624x16xf32, #tpu.memory_space<vmem_shared>>) target_semaphore(%run_scoped3A : memref<!tpu.dma_semaphore, #tpu.memory_space<semaphore_mem>>)
      %dma_wait3A = arith.constant 0 : i32
      %dma_wait3A_18 = tpu.memref_slice %arg21[%mul3A_0, %dma_wait3A] : memref<10000x16xf32, #tpu.memory_space<vmem_shared>> -> memref<624x16xf32, #tpu.memory_space<vmem_shared>>
      %dma_wait3A_19 = arith.constant 0 : i32
      %dma_wait3A_20 = arith.constant 0 : i32
      %dma_wait3A_21 = tpu.memref_slice %arg6[%dma_wait3A_19, %dma_wait3A_20] : memref<10000x16xf32, #tpu.memory_space<hbm>> -> memref<624x16xf32, #tpu.memory_space<hbm>>
      tpu.wait_dma2 semaphore(%run_scoped3A : memref<!tpu.dma_semaphore, #tpu.memory_space<semaphore_mem>>) src(%dma_wait3A_21 : memref<624x16xf32, #tpu.memory_space<hbm>>) dst(%dma_wait3A_18 : memref<624x16xf32, #tpu.memory_space<vmem_shared>>)
      tpu.yield
    }) : () -> ()
    "tpu.region"() ({
      %run_scoped3A = tpu.sem_alloc : memref<!tpu.dma_semaphore, #tpu.memory_space<semaphore_mem>>
      %dma_start3A = arith.constant 0 : i32
      %dma_start3A_14 = arith.constant 0 : i32
      %dma_start3A_15 = tpu.memref_slice %arg6[%dma_start3A, %dma_start3A_14] : memref<10000x16xf32, #tpu.memory_space<hbm>> -> memref<80x16xf32, #tpu.memory_space<hbm>>
      %dma_start3A_16 = arith.constant 0 : i32
      %dma_start3A_17 = arith.constant 0 : i32
      %dma_start3A_18 = tpu.memref_slice %arg6[%dma_start3A_16, %dma_start3A_17] : memref<10000x16xf32, #tpu.memory_space<hbm>> -> memref<80x16xf32, #tpu.memory_space<hbm>>
      tpu.enqueue_dma source(%dma_start3A_18 : memref<80x16xf32, #tpu.memory_space<hbm>>) target(%arg15 : memref<80x16xf32, #tpu.memory_space<vmem>>) target_semaphore(%run_scoped3A : memref<!tpu.dma_semaphore, #tpu.memory_space<semaphore_mem>>)
      %dma_wait3A = arith.constant 0 : i32
      %dma_wait3A_19 = arith.constant 0 : i32
      %dma_wait3A_20 = tpu.memref_slice %arg6[%dma_wait3A, %dma_wait3A_19] : memref<10000x16xf32, #tpu.memory_space<hbm>> -> memref<80x16xf32, #tpu.memory_space<hbm>>
      %dma_wait3A_21 = arith.constant 0 : i32
      %dma_wait3A_22 = arith.constant 0 : i32
      %dma_wait3A_23 = tpu.memref_slice %arg6[%dma_wait3A_21, %dma_wait3A_22] : memref<10000x16xf32, #tpu.memory_space<hbm>> -> memref<80x16xf32, #tpu.memory_space<hbm>>
      tpu.wait_dma2 semaphore(%run_scoped3A : memref<!tpu.dma_semaphore, #tpu.memory_space<semaphore_mem>>) src(%dma_wait3A_23 : memref<80x16xf32, #tpu.memory_space<hbm>>) dst(%arg15 : memref<80x16xf32, #tpu.memory_space<vmem>>)
      tpu.yield
    }) : () -> ()
    "tpu.region"() ({
      %run_scoped3A = tpu.sem_alloc : memref<!tpu.dma_semaphore, #tpu.memory_space<semaphore_mem>>
      %dma_start3A = arith.constant 0 : i32
      %dma_start3A_14 = arith.constant 0 : i32
      %dma_start3A_15 = tpu.memref_slice %arg6[%dma_start3A, %dma_start3A_14] : memref<10000x16xf32, #tpu.memory_space<hbm>> -> memref<80x16xf32, #tpu.memory_space<hbm>>
      %dma_start3A_16 = arith.constant 0 : i32
      %dma_start3A_17 = arith.constant 0 : i32
      %dma_start3A_18 = tpu.memref_slice %arg6[%dma_start3A_16, %dma_start3A_17] : memref<10000x16xf32, #tpu.memory_space<hbm>> -> memref<80x16xf32, #tpu.memory_space<hbm>>
      tpu.enqueue_dma source(%dma_start3A_18 : memref<80x16xf32, #tpu.memory_space<hbm>>) target(%arg19 : memref<80x16xf32, #tpu.memory_space<vmem>>) target_semaphore(%run_scoped3A : memref<!tpu.dma_semaphore, #tpu.memory_space<semaphore_mem>>)
      %dma_wait3A = arith.constant 0 : i32
      %dma_wait3A_19 = arith.constant 0 : i32
      %dma_wait3A_20 = tpu.memref_slice %arg6[%dma_wait3A, %dma_wait3A_19] : memref<10000x16xf32, #tpu.memory_space<hbm>> -> memref<80x16xf32, #tpu.memory_space<hbm>>
      %dma_wait3A_21 = arith.constant 0 : i32
      %dma_wait3A_22 = arith.constant 0 : i32
      %dma_wait3A_23 = tpu.memref_slice %arg6[%dma_wait3A_21, %dma_wait3A_22] : memref<10000x16xf32, #tpu.memory_space<hbm>> -> memref<80x16xf32, #tpu.memory_space<hbm>>
      tpu.wait_dma2 semaphore(%run_scoped3A : memref<!tpu.dma_semaphore, #tpu.memory_space<semaphore_mem>>) src(%dma_wait3A_23 : memref<80x16xf32, #tpu.memory_space<hbm>>) dst(%arg19 : memref<80x16xf32, #tpu.memory_space<vmem>>)
      tpu.yield
    }) : () -> ()
    %eq3A = arith.constant 15 : i32
    %eq3A_1 = arith.cmpi eq, %arg1, %eq3A : i32
    %convert_element_type3A = arith.extui %eq3A_1 : i1 to i32
    %cond3A = arith.constant 0 : i32
    %cond3A_2 = arith.cmpi ne, %convert_element_type3A, %cond3A : i32
    scf.if %cond3A_2 {
      "tpu.region"() ({
        %run_scoped3A = tpu.sem_alloc : memref<!tpu.dma_semaphore, #tpu.memory_space<semaphore_mem>>
        %dma_start3A = arith.constant 9984 : i32
        %dma_start3A_14 = arith.constant 0 : i32
        %dma_start3A_15 = tpu.memref_slice %arg20[%dma_start3A, %dma_start3A_14] : memref<10000x64xf32, #tpu.memory_space<vmem_shared>> -> memref<16x64xf32, #tpu.memory_space<vmem_shared>>
        %dma_start3A_16 = arith.constant 0 : i32
        %dma_start3A_17 = arith.constant 0 : i32
        %dma_start3A_18 = tpu.memref_slice %arg5[%dma_start3A_16, %dma_start3A_17] : memref<10000x64xf32, #tpu.memory_space<hbm>> -> memref<16x64xf32, #tpu.memory_space<hbm>>
        tpu.enqueue_dma source(%dma_start3A_18 : memref<16x64xf32, #tpu.memory_space<hbm>>) target(%dma_start3A_15 : memref<16x64xf32, #tpu.memory_space<vmem_shared>>) target_semaphore(%run_scoped3A : memref<!tpu.dma_semaphore, #tpu.memory_space<semaphore_mem>>)
        %dma_wait3A = arith.constant 9984 : i32
        %dma_wait3A_19 = arith.constant 0 : i32
        %dma_wait3A_20 = tpu.memref_slice %arg20[%dma_wait3A, %dma_wait3A_19] : memref<10000x64xf32, #tpu.memory_space<vmem_shared>> -> memref<16x64xf32, #tpu.memory_space<vmem_shared>>
        %dma_wait3A_21 = arith.constant 0 : i32
        %dma_wait3A_22 = arith.constant 0 : i32
        %dma_wait3A_23 = tpu.memref_slice %arg5[%dma_wait3A_21, %dma_wait3A_22] : memref<10000x64xf32, #tpu.memory_space<hbm>> -> memref<16x64xf32, #tpu.memory_space<hbm>>
        tpu.wait_dma2 semaphore(%run_scoped3A : memref<!tpu.dma_semaphore, #tpu.memory_space<semaphore_mem>>) src(%dma_wait3A_23 : memref<16x64xf32, #tpu.memory_space<hbm>>) dst(%dma_wait3A_20 : memref<16x64xf32, #tpu.memory_space<vmem_shared>>)
        tpu.yield
      }) : () -> ()
      "tpu.region"() ({
        %run_scoped3A = tpu.sem_alloc : memref<!tpu.dma_semaphore, #tpu.memory_space<semaphore_mem>>
        %dma_start3A = arith.constant 9984 : i32
        %dma_start3A_14 = arith.constant 0 : i32
        %dma_start3A_15 = tpu.memref_slice %arg21[%dma_start3A, %dma_start3A_14] : memref<10000x16xf32, #tpu.memory_space<vmem_shared>> -> memref<16x16xf32, #tpu.memory_space<vmem_shared>>
        %dma_start3A_16 = arith.constant 0 : i32
        %dma_start3A_17 = arith.constant 0 : i32
        %dma_start3A_18 = tpu.memref_slice %arg6[%dma_start3A_16, %dma_start3A_17] : memref<10000x16xf32, #tpu.memory_space<hbm>> -> memref<16x16xf32, #tpu.memory_space<hbm>>
        tpu.enqueue_dma source(%dma_start3A_18 : memref<16x16xf32, #tpu.memory_space<hbm>>) target(%dma_start3A_15 : memref<16x16xf32, #tpu.memory_space<vmem_shared>>) target_semaphore(%run_scoped3A : memref<!tpu.dma_semaphore, #tpu.memory_space<semaphore_mem>>)
        %dma_wait3A = arith.constant 9984 : i32
        %dma_wait3A_19 = arith.constant 0 : i32
        %dma_wait3A_20 = tpu.memref_slice %arg21[%dma_wait3A, %dma_wait3A_19] : memref<10000x16xf32, #tpu.memory_space<vmem_shared>> -> memref<16x16xf32, #tpu.memory_space<vmem_shared>>
        %dma_wait3A_21 = arith.constant 0 : i32
        %dma_wait3A_22 = arith.constant 0 : i32
        %dma_wait3A_23 = tpu.memref_slice %arg6[%dma_wait3A_21, %dma_wait3A_22] : memref<10000x16xf32, #tpu.memory_space<hbm>> -> memref<16x16xf32, #tpu.memory_space<hbm>>
        tpu.wait_dma2 semaphore(%run_scoped3A : memref<!tpu.dma_semaphore, #tpu.memory_space<semaphore_mem>>) src(%dma_wait3A_23 : memref<16x16xf32, #tpu.memory_space<hbm>>) dst(%dma_wait3A_20 : memref<16x16xf32, #tpu.memory_space<vmem_shared>>)
        tpu.yield
      }) : () -> ()
    } else {
    }
    %barrier3A = arith.constant 0 : index
    tpu.barrier barrier_id(%barrier3A)
    %iota3A = tpu.iota {dimensions = array<i32: 0>} : vector<16xi32>
    %scan3A = arith.constant 0 : i32
    %scan3A_3 = arith.constant 0 : i32
    %scan3A_4 = arith.constant 5 : i32
    %scan3A_5 = arith.addi %scan3A_3, %scan3A_4 : i32
    %scan3A_6 = arith.constant 1 : i32
    scf.for %scan3A_14 = %scan3A_3 to %scan3A_5 step %scan3A_6  : i32 {
      "tpu.region"() ({
        %run_scoped3A = tpu.sem_alloc : memref<!tpu.dma_semaphore, #tpu.memory_space<semaphore_mem>>
        %dma_start3A_71 = arith.constant 0 : i32
        %dma_start3A_72 = arith.constant 0 : i32
        %dma_start3A_73 = tpu.memref_slice %arg4[%arg1, %scan3A_14, %dma_start3A_71, %dma_start3A_72] : memref<16x5x50x80xi32, #tpu.memory_space<hbm>> -> memref<1x1x50x80xi32, #tpu.memory_space<hbm>>
        %dma_start3A_74 = tpu.memref_squeeze %dma_start3A_73 : memref<1x1x50x80xi32, #tpu.memory_space<hbm>> -> memref<50x80xi32, #tpu.memory_space<hbm>>
        %dma_start3A_75 = arith.constant 0 : i32
        %dma_start3A_76 = arith.constant 0 : i32
        %dma_start3A_77 = tpu.memref_slice %arg4[%arg1, %scan3A_14, %dma_start3A_75, %dma_start3A_76] : memref<16x5x50x80xi32, #tpu.memory_space<hbm>> -> memref<1x1x50x80xi32, #tpu.memory_space<hbm>>
        %dma_start3A_78 = tpu.memref_squeeze %dma_start3A_77 : memref<1x1x50x80xi32, #tpu.memory_space<hbm>> -> memref<50x80xi32, #tpu.memory_space<hbm>>
        tpu.enqueue_dma source(%dma_start3A_78 : memref<50x80xi32, #tpu.memory_space<hbm>>) target(%arg9 : memref<50x80xi32, #tpu.memory_space<vmem>>) target_semaphore(%run_scoped3A : memref<!tpu.dma_semaphore, #tpu.memory_space<semaphore_mem>>)
        %dma_wait3A_79 = arith.constant 0 : i32
        %dma_wait3A_80 = arith.constant 0 : i32
        %dma_wait3A_81 = tpu.memref_slice %arg4[%arg1, %scan3A_14, %dma_wait3A_79, %dma_wait3A_80] : memref<16x5x50x80xi32, #tpu.memory_space<hbm>> -> memref<1x1x50x80xi32, #tpu.memory_space<hbm>>
        %dma_wait3A_82 = tpu.memref_squeeze %dma_wait3A_81 : memref<1x1x50x80xi32, #tpu.memory_space<hbm>> -> memref<50x80xi32, #tpu.memory_space<hbm>>
        %dma_wait3A_83 = arith.constant 0 : i32
        %dma_wait3A_84 = arith.constant 0 : i32
        %dma_wait3A_85 = tpu.memref_slice %arg4[%arg1, %scan3A_14, %dma_wait3A_83, %dma_wait3A_84] : memref<16x5x50x80xi32, #tpu.memory_space<hbm>> -> memref<1x1x50x80xi32, #tpu.memory_space<hbm>>
        %dma_wait3A_86 = tpu.memref_squeeze %dma_wait3A_85 : memref<1x1x50x80xi32, #tpu.memory_space<hbm>> -> memref<50x80xi32, #tpu.memory_space<hbm>>
        tpu.wait_dma2 semaphore(%run_scoped3A : memref<!tpu.dma_semaphore, #tpu.memory_space<semaphore_mem>>) src(%dma_wait3A_86 : memref<50x80xi32, #tpu.memory_space<hbm>>) dst(%arg9 : memref<50x80xi32, #tpu.memory_space<vmem>>)
        tpu.yield
      }) : () -> ()
      %scan3A_15 = arith.constant 0 : i32
      %scan3A_16 = arith.constant 0 : i32
      %scan3A_17 = arith.constant 50 : i32
      %scan3A_18 = arith.addi %scan3A_16, %scan3A_17 : i32
      %scan3A_19 = arith.constant 1 : i32
      scf.for %scan3A_71 = %scan3A_16 to %scan3A_18 step %scan3A_19  : i32 {
        %get3A = arith.index_cast %scan3A_71 : i32 to index
        %get3A_72 = arith.constant 0 : index
        %get3A_73 = tpu.vector_load %arg9[%get3A, %get3A_72] {strides = array<i32>} : memref<50x80xi32, #tpu.memory_space<vmem>>, vector<16xi32>,
        %shift_right_logical3A = arith.constant 14 : i32
        %shift_right_logical3A_74 = vector.broadcast %shift_right_logical3A : i32 to vector<16xi32>
        %shift_right_logical3A_75 = arith.shrui %get3A_73, %shift_right_logical3A_74 : vector<16xi32>
        %swap3A = arith.index_cast %scan3A_71 : i32 to index
        %swap3A_76 = arith.constant 0 : index
        %swap3A_77 = tpu.vector_load %arg10[%swap3A, %swap3A_76] {strides = array<i32>} : memref<50x80xi32, #tpu.memory_space<vmem>>, vector<16xi32>,
        tpu.vector_store %arg10[%swap3A, %swap3A_76], %shift_right_logical3A_75 {strides = array<i32>} : memref<50x80xi32, #tpu.memory_space<vmem>>, vector<16xi32>,
        %and3A = arith.constant 16383 : i32
        %and3A_78 = vector.broadcast %and3A : i32 to vector<16xi32>
        %and3A_79 = arith.andi %get3A_73, %and3A_78 : vector<16xi32>
        %swap3A_80 = arith.index_cast %scan3A_71 : i32 to index
        %swap3A_81 = arith.constant 0 : index
        %swap3A_82 = tpu.vector_load %arg11[%swap3A_80, %swap3A_81] {strides = array<i32>} : memref<50x80xi32, #tpu.memory_space<vmem>>, vector<16xi32>,
        tpu.vector_store %arg11[%swap3A_80, %swap3A_81], %and3A_79 {strides = array<i32>} : memref<50x80xi32, #tpu.memory_space<vmem>>, vector<16xi32>,
        %get3A_83 = arith.index_cast %scan3A_71 : i32 to index
        %get3A_84 = arith.constant 16 : index
        %get3A_85 = tpu.vector_load %arg9[%get3A_83, %get3A_84] {strides = array<i32>} : memref<50x80xi32, #tpu.memory_space<vmem>>, vector<16xi32>,
        %shift_right_logical3A_86 = arith.constant 14 : i32
        %shift_right_logical3A_87 = vector.broadcast %shift_right_logical3A_86 : i32 to vector<16xi32>
        %shift_right_logical3A_88 = arith.shrui %get3A_85, %shift_right_logical3A_87 : vector<16xi32>
        %swap3A_89 = arith.index_cast %scan3A_71 : i32 to index
        %swap3A_90 = arith.constant 16 : index
        %swap3A_91 = tpu.vector_load %arg10[%swap3A_89, %swap3A_90] {strides = array<i32>} : memref<50x80xi32, #tpu.memory_space<vmem>>, vector<16xi32>,
        tpu.vector_store %arg10[%swap3A_89, %swap3A_90], %shift_right_logical3A_88 {strides = array<i32>} : memref<50x80xi32, #tpu.memory_space<vmem>>, vector<16xi32>,
        %and3A_92 = arith.constant 16383 : i32
        %and3A_93 = vector.broadcast %and3A_92 : i32 to vector<16xi32>
        %and3A_94 = arith.andi %get3A_85, %and3A_93 : vector<16xi32>
        %swap3A_95 = arith.index_cast %scan3A_71 : i32 to index
        %swap3A_96 = arith.constant 16 : index
        %swap3A_97 = tpu.vector_load %arg11[%swap3A_95, %swap3A_96] {strides = array<i32>} : memref<50x80xi32, #tpu.memory_space<vmem>>, vector<16xi32>,
        tpu.vector_store %arg11[%swap3A_95, %swap3A_96], %and3A_94 {strides = array<i32>} : memref<50x80xi32, #tpu.memory_space<vmem>>, vector<16xi32>,
        %get3A_98 = arith.index_cast %scan3A_71 : i32 to index
        %get3A_99 = arith.constant 32 : index
        %get3A_100 = tpu.vector_load %arg9[%get3A_98, %get3A_99] {strides = array<i32>} : memref<50x80xi32, #tpu.memory_space<vmem>>, vector<16xi32>,
        %shift_right_logical3A_101 = arith.constant 14 : i32
        %shift_right_logical3A_102 = vector.broadcast %shift_right_logical3A_101 : i32 to vector<16xi32>
        %shift_right_logical3A_103 = arith.shrui %get3A_100, %shift_right_logical3A_102 : vector<16xi32>
        %swap3A_104 = arith.index_cast %scan3A_71 : i32 to index
        %swap3A_105 = arith.constant 32 : index
        %swap3A_106 = tpu.vector_load %arg10[%swap3A_104, %swap3A_105] {strides = array<i32>} : memref<50x80xi32, #tpu.memory_space<vmem>>, vector<16xi32>,
        tpu.vector_store %arg10[%swap3A_104, %swap3A_105], %shift_right_logical3A_103 {strides = array<i32>} : memref<50x80xi32, #tpu.memory_space<vmem>>, vector<16xi32>,
        %and3A_107 = arith.constant 16383 : i32
        %and3A_108 = vector.broadcast %and3A_107 : i32 to vector<16xi32>
        %and3A_109 = arith.andi %get3A_100, %and3A_108 : vector<16xi32>
        %swap3A_110 = arith.index_cast %scan3A_71 : i32 to index
        %swap3A_111 = arith.constant 32 : index
        %swap3A_112 = tpu.vector_load %arg11[%swap3A_110, %swap3A_111] {strides = array<i32>} : memref<50x80xi32, #tpu.memory_space<vmem>>, vector<16xi32>,
        tpu.vector_store %arg11[%swap3A_110, %swap3A_111], %and3A_109 {strides = array<i32>} : memref<50x80xi32, #tpu.memory_space<vmem>>, vector<16xi32>,
        %get3A_113 = arith.index_cast %scan3A_71 : i32 to index
        %get3A_114 = arith.constant 48 : index
        %get3A_115 = tpu.vector_load %arg9[%get3A_113, %get3A_114] {strides = array<i32>} : memref<50x80xi32, #tpu.memory_space<vmem>>, vector<16xi32>,
        %shift_right_logical3A_116 = arith.constant 14 : i32
        %shift_right_logical3A_117 = vector.broadcast %shift_right_logical3A_116 : i32 to vector<16xi32>
        %shift_right_logical3A_118 = arith.shrui %get3A_115, %shift_right_logical3A_117 : vector<16xi32>
        %swap3A_119 = arith.index_cast %scan3A_71 : i32 to index
        %swap3A_120 = arith.constant 48 : index
        %swap3A_121 = tpu.vector_load %arg10[%swap3A_119, %swap3A_120] {strides = array<i32>} : memref<50x80xi32, #tpu.memory_space<vmem>>, vector<16xi32>,
        tpu.vector_store %arg10[%swap3A_119, %swap3A_120], %shift_right_logical3A_118 {strides = array<i32>} : memref<50x80xi32, #tpu.memory_space<vmem>>, vector<16xi32>,
        %and3A_122 = arith.constant 16383 : i32
        %and3A_123 = vector.broadcast %and3A_122 : i32 to vector<16xi32>
        %and3A_124 = arith.andi %get3A_115, %and3A_123 : vector<16xi32>
        %swap3A_125 = arith.index_cast %scan3A_71 : i32 to index
        %swap3A_126 = arith.constant 48 : index
        %swap3A_127 = tpu.vector_load %arg11[%swap3A_125, %swap3A_126] {strides = array<i32>} : memref<50x80xi32, #tpu.memory_space<vmem>>, vector<16xi32>,
        tpu.vector_store %arg11[%swap3A_125, %swap3A_126], %and3A_124 {strides = array<i32>} : memref<50x80xi32, #tpu.memory_space<vmem>>, vector<16xi32>,
        %get3A_128 = arith.index_cast %scan3A_71 : i32 to index
        %get3A_129 = arith.constant 64 : index
        %get3A_130 = tpu.vector_load %arg9[%get3A_128, %get3A_129] {strides = array<i32>} : memref<50x80xi32, #tpu.memory_space<vmem>>, vector<16xi32>,
        %shift_right_logical3A_131 = arith.constant 14 : i32
        %shift_right_logical3A_132 = vector.broadcast %shift_right_logical3A_131 : i32 to vector<16xi32>
        %shift_right_logical3A_133 = arith.shrui %get3A_130, %shift_right_logical3A_132 : vector<16xi32>
        %swap3A_134 = arith.index_cast %scan3A_71 : i32 to index
        %swap3A_135 = arith.constant 64 : index
        %swap3A_136 = tpu.vector_load %arg10[%swap3A_134, %swap3A_135] {strides = array<i32>} : memref<50x80xi32, #tpu.memory_space<vmem>>, vector<16xi32>,
        tpu.vector_store %arg10[%swap3A_134, %swap3A_135], %shift_right_logical3A_133 {strides = array<i32>} : memref<50x80xi32, #tpu.memory_space<vmem>>, vector<16xi32>,
        %and3A_137 = arith.constant 16383 : i32
        %and3A_138 = vector.broadcast %and3A_137 : i32 to vector<16xi32>
        %and3A_139 = arith.andi %get3A_130, %and3A_138 : vector<16xi32>
        %swap3A_140 = arith.index_cast %scan3A_71 : i32 to index
        %swap3A_141 = arith.constant 64 : index
        %swap3A_142 = tpu.vector_load %arg11[%swap3A_140, %swap3A_141] {strides = array<i32>} : memref<50x80xi32, #tpu.memory_space<vmem>>, vector<16xi32>,
        tpu.vector_store %arg11[%swap3A_140, %swap3A_141], %and3A_139 {strides = array<i32>} : memref<50x80xi32, #tpu.memory_space<vmem>>, vector<16xi32>,
      }
      %scan3A_20 = arith.constant 50 : i32
      %dma_start3A = arith.constant 0 : i32
      %dma_start3A_21 = arith.constant 0 : i32
      %dma_start3A_22 = tpu.memref_slice %arg11[%dma_start3A, %dma_start3A_21] : memref<50x80xi32, #tpu.memory_space<vmem>> -> memref<1x80xi32, #tpu.memory_space<vmem>>
      %dma_start3A_23 = tpu.memref_squeeze %dma_start3A_22 : memref<1x80xi32, #tpu.memory_space<vmem>> -> memref<80xi32, #tpu.memory_space<vmem>>
      %dma_start3A_24 = arith.constant 0 : i32
      %dma_start3A_25 = arith.constant 0 : i32
      %dma_start3A_26 = tpu.memref_slice %arg2[%dma_start3A_24, %dma_start3A_25] : memref<10000x128xf32, #tpu.memory_space<hbm>> -> memref<10000x128xf32, #tpu.memory_space<hbm>>
      tpu.enqueue_indirect_dma source(%dma_start3A_26 : memref<10000x128xf32, #tpu.memory_space<hbm>>) target(%arg13 : memref<80x128xf32, #tpu.memory_space<vmem>>) offsets(%dma_start3A_23 : memref<80xi32, #tpu.memory_space<vmem>>) semaphore(%arg22 : memref<!tpu.dma_semaphore, #tpu.memory_space<semaphore_mem>>)
      %dma_start3A_27 = arith.constant 0 : i32
      %dma_start3A_28 = arith.constant 0 : i32
      %dma_start3A_29 = tpu.memref_slice %arg10[%dma_start3A_27, %dma_start3A_28] : memref<50x80xi32, #tpu.memory_space<vmem>> -> memref<1x80xi32, #tpu.memory_space<vmem>>
      %dma_start3A_30 = tpu.memref_squeeze %dma_start3A_29 : memref<1x80xi32, #tpu.memory_space<vmem>> -> memref<80xi32, #tpu.memory_space<vmem>>
      %dma_start3A_31 = arith.constant 0 : i32
      %dma_start3A_32 = arith.constant 0 : i32
      %dma_start3A_33 = tpu.memref_slice %arg3[%arg0, %dma_start3A_31, %dma_start3A_32] : memref<2x10000x128xf32, #tpu.memory_space<hbm>> -> memref<1x10000x128xf32, #tpu.memory_space<hbm>>
      %dma_start3A_34 = tpu.memref_squeeze %dma_start3A_33 : memref<1x10000x128xf32, #tpu.memory_space<hbm>> -> memref<10000x128xf32, #tpu.memory_space<hbm>>
      %dma_start3A_35 = arith.constant 0 : i32
      %dma_start3A_36 = arith.constant 0 : i32
      %dma_start3A_37 = tpu.memref_slice %dma_start3A_34[%dma_start3A_35, %dma_start3A_36] : memref<10000x128xf32, #tpu.memory_space<hbm>> -> memref<10000x128xf32, #tpu.memory_space<hbm>>
      tpu.enqueue_indirect_dma source(%dma_start3A_37 : memref<10000x128xf32, #tpu.memory_space<hbm>>) target(%arg12 : memref<80x128xf32, #tpu.memory_space<vmem>>) offsets(%dma_start3A_30 : memref<80xi32, #tpu.memory_space<vmem>>) semaphore(%arg23 : memref<!tpu.dma_semaphore, #tpu.memory_space<semaphore_mem>>)
      %scan3A_38 = arith.constant 0 : i32
      %scan3A_39 = arith.constant 0 : i32
      %scan3A_40 = arith.constant 25 : i32
      %scan3A_41 = arith.addi %scan3A_39, %scan3A_40 : i32
      %scan3A_42 = arith.constant 1 : i32
      scf.for %scan3A_71 = %scan3A_39 to %scan3A_41 step %scan3A_42  : i32 {
        %mul3A_72 = arith.constant 2 : i32
        %mul3A_73 = arith.muli %mul3A_72, %scan3A_71 : i32
        %add3A = arith.constant 1 : i32
        %add3A_74 = arith.addi %mul3A_73, %add3A : i32
        %dma_start3A_75 = arith.constant 0 : i32
        %dma_start3A_76 = tpu.memref_slice %arg11[%add3A_74, %dma_start3A_75] : memref<50x80xi32, #tpu.memory_space<vmem>> -> memref<1x80xi32, #tpu.memory_space<vmem>>
        %dma_start3A_77 = tpu.memref_squeeze %dma_start3A_76 : memref<1x80xi32, #tpu.memory_space<vmem>> -> memref<80xi32, #tpu.memory_space<vmem>>
        %dma_start3A_78 = arith.constant 0 : i32
        %dma_start3A_79 = arith.constant 0 : i32
        %dma_start3A_80 = tpu.memref_slice %arg2[%dma_start3A_78, %dma_start3A_79] : memref<10000x128xf32, #tpu.memory_space<hbm>> -> memref<10000x128xf32, #tpu.memory_space<hbm>>
        tpu.enqueue_indirect_dma source(%dma_start3A_80 : memref<10000x128xf32, #tpu.memory_space<hbm>>) target(%arg17 : memref<80x128xf32, #tpu.memory_space<vmem>>) offsets(%dma_start3A_77 : memref<80xi32, #tpu.memory_space<vmem>>) semaphore(%arg24 : memref<!tpu.dma_semaphore, #tpu.memory_space<semaphore_mem>>)
        %dma_start3A_81 = arith.constant 0 : i32
        %dma_start3A_82 = tpu.memref_slice %arg10[%add3A_74, %dma_start3A_81] : memref<50x80xi32, #tpu.memory_space<vmem>> -> memref<1x80xi32, #tpu.memory_space<vmem>>
        %dma_start3A_83 = tpu.memref_squeeze %dma_start3A_82 : memref<1x80xi32, #tpu.memory_space<vmem>> -> memref<80xi32, #tpu.memory_space<vmem>>
        %dma_start3A_84 = arith.constant 0 : i32
        %dma_start3A_85 = arith.constant 0 : i32
        %dma_start3A_86 = tpu.memref_slice %arg3[%arg0, %dma_start3A_84, %dma_start3A_85] : memref<2x10000x128xf32, #tpu.memory_space<hbm>> -> memref<1x10000x128xf32, #tpu.memory_space<hbm>>
        %dma_start3A_87 = tpu.memref_squeeze %dma_start3A_86 : memref<1x10000x128xf32, #tpu.memory_space<hbm>> -> memref<10000x128xf32, #tpu.memory_space<hbm>>
        %dma_start3A_88 = arith.constant 0 : i32
        %dma_start3A_89 = arith.constant 0 : i32
        %dma_start3A_90 = tpu.memref_slice %dma_start3A_87[%dma_start3A_88, %dma_start3A_89] : memref<10000x128xf32, #tpu.memory_space<hbm>> -> memref<10000x128xf32, #tpu.memory_space<hbm>>
        tpu.enqueue_indirect_dma source(%dma_start3A_90 : memref<10000x128xf32, #tpu.memory_space<hbm>>) target(%arg16 : memref<80x128xf32, #tpu.memory_space<vmem>>) offsets(%dma_start3A_83 : memref<80xi32, #tpu.memory_space<vmem>>) semaphore(%arg25 : memref<!tpu.dma_semaphore, #tpu.memory_space<semaphore_mem>>)
        %dma_wait3A_91 = arith.constant 0 : i32
        %dma_wait3A_92 = tpu.memref_slice %arg11[%mul3A_73, %dma_wait3A_91] : memref<50x80xi32, #tpu.memory_space<vmem>> -> memref<1x80xi32, #tpu.memory_space<vmem>>
        %dma_wait3A_93 = tpu.memref_squeeze %dma_wait3A_92 : memref<1x80xi32, #tpu.memory_space<vmem>> -> memref<80xi32, #tpu.memory_space<vmem>>
        %dma_wait3A_94 = arith.constant 0 : i32
        %dma_wait3A_95 = arith.constant 0 : i32
        %dma_wait3A_96 = tpu.memref_slice %arg2[%dma_wait3A_94, %dma_wait3A_95] : memref<10000x128xf32, #tpu.memory_space<hbm>> -> memref<10000x128xf32, #tpu.memory_space<hbm>>
        tpu.wait_indirect_dma semaphore(%arg22 : memref<!tpu.dma_semaphore, #tpu.memory_space<semaphore_mem>>) src(%dma_wait3A_96 : memref<10000x128xf32, #tpu.memory_space<hbm>>) dst(%arg13 : memref<80x128xf32, #tpu.memory_space<vmem>>)
        %dma_wait3A_97 = arith.constant 0 : i32
        %dma_wait3A_98 = tpu.memref_slice %arg10[%mul3A_73, %dma_wait3A_97] : memref<50x80xi32, #tpu.memory_space<vmem>> -> memref<1x80xi32, #tpu.memory_space<vmem>>
        %dma_wait3A_99 = tpu.memref_squeeze %dma_wait3A_98 : memref<1x80xi32, #tpu.memory_space<vmem>> -> memref<80xi32, #tpu.memory_space<vmem>>
        %dma_wait3A_100 = arith.constant 0 : i32
        %dma_wait3A_101 = arith.constant 0 : i32
        %dma_wait3A_102 = tpu.memref_slice %arg3[%arg0, %dma_wait3A_100, %dma_wait3A_101] : memref<2x10000x128xf32, #tpu.memory_space<hbm>> -> memref<1x10000x128xf32, #tpu.memory_space<hbm>>
        %dma_wait3A_103 = tpu.memref_squeeze %dma_wait3A_102 : memref<1x10000x128xf32, #tpu.memory_space<hbm>> -> memref<10000x128xf32, #tpu.memory_space<hbm>>
        %dma_wait3A_104 = arith.constant 0 : i32
        %dma_wait3A_105 = arith.constant 0 : i32
        %dma_wait3A_106 = tpu.memref_slice %dma_wait3A_103[%dma_wait3A_104, %dma_wait3A_105] : memref<10000x128xf32, #tpu.memory_space<hbm>> -> memref<10000x128xf32, #tpu.memory_space<hbm>>
        tpu.wait_indirect_dma semaphore(%arg23 : memref<!tpu.dma_semaphore, #tpu.memory_space<semaphore_mem>>) src(%dma_wait3A_106 : memref<10000x128xf32, #tpu.memory_space<hbm>>) dst(%arg12 : memref<80x128xf32, #tpu.memory_space<vmem>>)
        %gt3A = arith.constant 0 : i32
        %gt3A_107 = arith.cmpi sgt, %scan3A_71, %gt3A : i32
        %convert_element_type3A_108 = arith.extui %gt3A_107 : i1 to i32
        %cond3A_109 = arith.constant 0 : i32
        %cond3A_110 = arith.cmpi ne, %convert_element_type3A_108, %cond3A_109 : i32
        scf.if %cond3A_110 {
          %dma_wait3A_172 = arith.constant 0 : i32
          %dma_wait3A_173 = tpu.memref_slice %arg11[%mul3A_73, %dma_wait3A_172] : memref<50x80xi32, #tpu.memory_space<vmem>> -> memref<1x80xi32, #tpu.memory_space<vmem>>
          %dma_wait3A_174 = tpu.memref_squeeze %dma_wait3A_173 : memref<1x80xi32, #tpu.memory_space<vmem>> -> memref<80xi32, #tpu.memory_space<vmem>>
          %dma_wait3A_175 = arith.constant 0 : i32
          %dma_wait3A_176 = arith.constant 0 : i32
          %dma_wait3A_177 = tpu.memref_slice %arg20[%dma_wait3A_175, %dma_wait3A_176] : memref<10000x64xf32, #tpu.memory_space<vmem_shared>> -> memref<10000x64xf32, #tpu.memory_space<vmem_shared>>
          tpu.wait_indirect_dma semaphore(%arg26 : memref<!tpu.dma_semaphore, #tpu.memory_space<semaphore_mem>>) src(%arg14 : memref<80x64xf32, #tpu.memory_space<vmem>>) dst(%dma_wait3A_177 : memref<10000x64xf32, #tpu.memory_space<vmem_shared>>)
          %dma_wait3A_178 = arith.constant 0 : i32
          %dma_wait3A_179 = tpu.memref_slice %arg11[%mul3A_73, %dma_wait3A_178] : memref<50x80xi32, #tpu.memory_space<vmem>> -> memref<1x80xi32, #tpu.memory_space<vmem>>
          %dma_wait3A_180 = tpu.memref_squeeze %dma_wait3A_179 : memref<1x80xi32, #tpu.memory_space<vmem>> -> memref<80xi32, #tpu.memory_space<vmem>>
          %dma_wait3A_181 = arith.constant 0 : i32
          %dma_wait3A_182 = arith.constant 0 : i32
          %dma_wait3A_183 = tpu.memref_slice %arg21[%dma_wait3A_181, %dma_wait3A_182] : memref<10000x16xf32, #tpu.memory_space<vmem_shared>> -> memref<10000x16xf32, #tpu.memory_space<vmem_shared>>
          tpu.wait_indirect_dma semaphore(%arg27 : memref<!tpu.dma_semaphore, #tpu.memory_space<semaphore_mem>>) src(%arg15 : memref<80x16xf32, #tpu.memory_space<vmem>>) dst(%dma_wait3A_183 : memref<10000x16xf32, #tpu.memory_space<vmem_shared>>)
        } else {
        }
        %scan3A_111 = arith.constant 0 : i32
        %scan3A_112 = arith.constant 0 : i32
        %scan3A_113 = arith.constant 40 : i32
        %scan3A_114 = arith.addi %scan3A_112, %scan3A_113 : i32
        %scan3A_115 = arith.constant 1 : i32
        scf.for %scan3A_172 = %scan3A_112 to %scan3A_114 step %scan3A_115  : i32 {
          %mul3A_173 = arith.constant 2 : i32
          %mul3A_174 = arith.muli %mul3A_173, %scan3A_172 : i32
          %add3A_175 = arith.constant 0 : i32
          %add3A_176 = arith.addi %mul3A_174, %add3A_175 : i32
          %broadcast_in_dim3A = arith.constant 0.000000e+00 : f32
          %broadcast_in_dim3A_177 = vector.broadcast %broadcast_in_dim3A : f32 to vector<16xf32>
          %get3A = arith.index_cast %add3A_176 : i32 to index
          %get3A_178 = arith.constant 0 : index
          %get3A_179 = tpu.vector_load %arg12[%get3A, %get3A_178] {strides = array<i32>} : memref<80x128xf32, #tpu.memory_space<vmem>>, vector<16xf32>,
          %mul3A_180 = arith.constant 64 : i32
          %mul3A_181 = arith.muli %arg0, %mul3A_180 : i32
          %add3A_182 = arith.constant 0 : i32
          %add3A_183 = arith.addi %mul3A_181, %add3A_182 : i32
          %get3A_184 = arith.index_cast %add3A_176 : i32 to index
          %get3A_185 = arith.index_cast %add3A_183 : i32 to index
          %get3A_186 = tpu.vector_load %arg13[%get3A_184, %get3A_185] {strides = array<i32>} : memref<80x128xf32, #tpu.memory_space<vmem>>, vector<16xf32>,
          %mul3A_187 = arith.mulf %get3A_179, %get3A_186 : vector<16xf32>
          %reduce_sum3A = arith.constant true
          %reduce_sum3A_188 = vector.broadcast %reduce_sum3A : i1 to vector<16xi1>
          %reduce_sum3A_189 = tpu.scan <sum>, %mul3A_187 masked %reduce_sum3A_188 : vector<16xf32>, vector<16xi1> -> vector<16xf32>
          %reduce_sum3A_190 = vector.extract %reduce_sum3A_189[15] : f32 from vector<16xf32>
          %mul3A_191 = arith.constant 2.500000e-01 : f32
          %mul3A_192 = arith.mulf %reduce_sum3A_190, %mul3A_191 : f32
          %broadcast_in_dim3A_193 = vector.broadcast %mul3A_192 : f32 to vector<16xf32>
          %exp3A = math.exp %broadcast_in_dim3A_193 : vector<16xf32>
          %get3A_194 = arith.index_cast %add3A_176 : i32 to index
          %get3A_195 = arith.constant 64 : index
          %get3A_196 = tpu.vector_load %arg12[%get3A_194, %get3A_195] {strides = array<i32>} : memref<80x128xf32, #tpu.memory_space<vmem>>, vector<16xf32>,
          %mul3A_197 = arith.mulf %get3A_196, %exp3A : vector<16xf32>
          %swap3A = arith.index_cast %add3A_176 : i32 to index
          %swap3A_198 = arith.constant 0 : index
          %swap3A_199 = tpu.vector_load %arg14[%swap3A, %swap3A_198] {strides = array<i32>} : memref<80x64xf32, #tpu.memory_space<vmem>>, vector<16xf32>,
          tpu.vector_store %arg14[%swap3A, %swap3A_198], %mul3A_197 {strides = array<i32>} : memref<80x64xf32, #tpu.memory_space<vmem>>, vector<16xf32>,
          %mul3A_200 = arith.constant 4 : i32
          %mul3A_201 = arith.muli %arg0, %mul3A_200 : i32
          %add3A_202 = arith.constant 0 : i32
          %add3A_203 = arith.addi %mul3A_201, %add3A_202 : i32
          %eq3A_204 = vector.broadcast %add3A_203 : i32 to vector<16xi32>
          %eq3A_205 = arith.cmpi eq, %iota3A, %eq3A_204 : vector<16xi32>
          %select_n3A = arith.select %eq3A_205, %exp3A, %broadcast_in_dim3A_177 : vector<16xi1>, vector<16xf32>
          %get3A_206 = arith.index_cast %add3A_176 : i32 to index
          %get3A_207 = arith.constant 16 : index
          %get3A_208 = tpu.vector_load %arg12[%get3A_206, %get3A_207] {strides = array<i32>} : memref<80x128xf32, #tpu.memory_space<vmem>>, vector<16xf32>,
          %mul3A_209 = arith.constant 64 : i32
          %mul3A_210 = arith.muli %arg0, %mul3A_209 : i32
          %add3A_211 = arith.constant 16 : i32
          %add3A_212 = arith.addi %mul3A_210, %add3A_211 : i32
          %get3A_213 = arith.index_cast %add3A_176 : i32 to index
          %get3A_214 = arith.index_cast %add3A_212 : i32 to index
          %get3A_215 = tpu.vector_load %arg13[%get3A_213, %get3A_214] {strides = array<i32>} : memref<80x128xf32, #tpu.memory_space<vmem>>, vector<16xf32>,
          %mul3A_216 = arith.mulf %get3A_208, %get3A_215 : vector<16xf32>
          %reduce_sum3A_217 = arith.constant true
          %reduce_sum3A_218 = vector.broadcast %reduce_sum3A_217 : i1 to vector<16xi1>
          %reduce_sum3A_219 = tpu.scan <sum>, %mul3A_216 masked %reduce_sum3A_218 : vector<16xf32>, vector<16xi1> -> vector<16xf32>
          %reduce_sum3A_220 = vector.extract %reduce_sum3A_219[15] : f32 from vector<16xf32>
          %mul3A_221 = arith.constant 2.500000e-01 : f32
          %mul3A_222 = arith.mulf %reduce_sum3A_220, %mul3A_221 : f32
          %broadcast_in_dim3A_223 = vector.broadcast %mul3A_222 : f32 to vector<16xf32>
          %exp3A_224 = math.exp %broadcast_in_dim3A_223 : vector<16xf32>
          %get3A_225 = arith.index_cast %add3A_176 : i32 to index
          %get3A_226 = arith.constant 80 : index
          %get3A_227 = tpu.vector_load %arg12[%get3A_225, %get3A_226] {strides = array<i32>} : memref<80x128xf32, #tpu.memory_space<vmem>>, vector<16xf32>,
          %mul3A_228 = arith.mulf %get3A_227, %exp3A_224 : vector<16xf32>
          %swap3A_229 = arith.index_cast %add3A_176 : i32 to index
          %swap3A_230 = arith.constant 16 : index
          %swap3A_231 = tpu.vector_load %arg14[%swap3A_229, %swap3A_230] {strides = array<i32>} : memref<80x64xf32, #tpu.memory_space<vmem>>, vector<16xf32>,
          tpu.vector_store %arg14[%swap3A_229, %swap3A_230], %mul3A_228 {strides = array<i32>} : memref<80x64xf32, #tpu.memory_space<vmem>>, vector<16xf32>,
          %mul3A_232 = arith.constant 4 : i32
          %mul3A_233 = arith.muli %arg0, %mul3A_232 : i32
          %add3A_234 = arith.constant 1 : i32
          %add3A_235 = arith.addi %mul3A_233, %add3A_234 : i32
          %eq3A_236 = vector.broadcast %add3A_235 : i32 to vector<16xi32>
          %eq3A_237 = arith.cmpi eq, %iota3A, %eq3A_236 : vector<16xi32>
          %select_n3A_238 = arith.select %eq3A_237, %exp3A_224, %select_n3A : vector<16xi1>, vector<16xf32>
          %get3A_239 = arith.index_cast %add3A_176 : i32 to index
          %get3A_240 = arith.constant 32 : index
          %get3A_241 = tpu.vector_load %arg12[%get3A_239, %get3A_240] {strides = array<i32>} : memref<80x128xf32, #tpu.memory_space<vmem>>, vector<16xf32>,
          %mul3A_242 = arith.constant 64 : i32
          %mul3A_243 = arith.muli %arg0, %mul3A_242 : i32
          %add3A_244 = arith.constant 32 : i32
          %add3A_245 = arith.addi %mul3A_243, %add3A_244 : i32
          %get3A_246 = arith.index_cast %add3A_176 : i32 to index
          %get3A_247 = arith.index_cast %add3A_245 : i32 to index
          %get3A_248 = tpu.vector_load %arg13[%get3A_246, %get3A_247] {strides = array<i32>} : memref<80x128xf32, #tpu.memory_space<vmem>>, vector<16xf32>,
          %mul3A_249 = arith.mulf %get3A_241, %get3A_248 : vector<16xf32>
          %reduce_sum3A_250 = arith.constant true
          %reduce_sum3A_251 = vector.broadcast %reduce_sum3A_250 : i1 to vector<16xi1>
          %reduce_sum3A_252 = tpu.scan <sum>, %mul3A_249 masked %reduce_sum3A_251 : vector<16xf32>, vector<16xi1> -> vector<16xf32>
          %reduce_sum3A_253 = vector.extract %reduce_sum3A_252[15] : f32 from vector<16xf32>
          %mul3A_254 = arith.constant 2.500000e-01 : f32
          %mul3A_255 = arith.mulf %reduce_sum3A_253, %mul3A_254 : f32
          %broadcast_in_dim3A_256 = vector.broadcast %mul3A_255 : f32 to vector<16xf32>
          %exp3A_257 = math.exp %broadcast_in_dim3A_256 : vector<16xf32>
          %get3A_258 = arith.index_cast %add3A_176 : i32 to index
          %get3A_259 = arith.constant 96 : index
          %get3A_260 = tpu.vector_load %arg12[%get3A_258, %get3A_259] {strides = array<i32>} : memref<80x128xf32, #tpu.memory_space<vmem>>, vector<16xf32>,
          %mul3A_261 = arith.mulf %get3A_260, %exp3A_257 : vector<16xf32>
          %swap3A_262 = arith.index_cast %add3A_176 : i32 to index
          %swap3A_263 = arith.constant 32 : index
          %swap3A_264 = tpu.vector_load %arg14[%swap3A_262, %swap3A_263] {strides = array<i32>} : memref<80x64xf32, #tpu.memory_space<vmem>>, vector<16xf32>,
          tpu.vector_store %arg14[%swap3A_262, %swap3A_263], %mul3A_261 {strides = array<i32>} : memref<80x64xf32, #tpu.memory_space<vmem>>, vector<16xf32>,
          %mul3A_265 = arith.constant 4 : i32
          %mul3A_266 = arith.muli %arg0, %mul3A_265 : i32
          %add3A_267 = arith.constant 2 : i32
          %add3A_268 = arith.addi %mul3A_266, %add3A_267 : i32
          %eq3A_269 = vector.broadcast %add3A_268 : i32 to vector<16xi32>
          %eq3A_270 = arith.cmpi eq, %iota3A, %eq3A_269 : vector<16xi32>
          %select_n3A_271 = arith.select %eq3A_270, %exp3A_257, %select_n3A_238 : vector<16xi1>, vector<16xf32>
          %get3A_272 = arith.index_cast %add3A_176 : i32 to index
          %get3A_273 = arith.constant 48 : index
          %get3A_274 = tpu.vector_load %arg12[%get3A_272, %get3A_273] {strides = array<i32>} : memref<80x128xf32, #tpu.memory_space<vmem>>, vector<16xf32>,
          %mul3A_275 = arith.constant 64 : i32
          %mul3A_276 = arith.muli %arg0, %mul3A_275 : i32
          %add3A_277 = arith.constant 48 : i32
          %add3A_278 = arith.addi %mul3A_276, %add3A_277 : i32
          %get3A_279 = arith.index_cast %add3A_176 : i32 to index
          %get3A_280 = arith.index_cast %add3A_278 : i32 to index
          %get3A_281 = tpu.vector_load %arg13[%get3A_279, %get3A_280] {strides = array<i32>} : memref<80x128xf32, #tpu.memory_space<vmem>>, vector<16xf32>,
          %mul3A_282 = arith.mulf %get3A_274, %get3A_281 : vector<16xf32>
          %reduce_sum3A_283 = arith.constant true
          %reduce_sum3A_284 = vector.broadcast %reduce_sum3A_283 : i1 to vector<16xi1>
          %reduce_sum3A_285 = tpu.scan <sum>, %mul3A_282 masked %reduce_sum3A_284 : vector<16xf32>, vector<16xi1> -> vector<16xf32>
          %reduce_sum3A_286 = vector.extract %reduce_sum3A_285[15] : f32 from vector<16xf32>
          %mul3A_287 = arith.constant 2.500000e-01 : f32
          %mul3A_288 = arith.mulf %reduce_sum3A_286, %mul3A_287 : f32
          %broadcast_in_dim3A_289 = vector.broadcast %mul3A_288 : f32 to vector<16xf32>
          %exp3A_290 = math.exp %broadcast_in_dim3A_289 : vector<16xf32>
          %get3A_291 = arith.index_cast %add3A_176 : i32 to index
          %get3A_292 = arith.constant 112 : index
          %get3A_293 = tpu.vector_load %arg12[%get3A_291, %get3A_292] {strides = array<i32>} : memref<80x128xf32, #tpu.memory_space<vmem>>, vector<16xf32>,
          %mul3A_294 = arith.mulf %get3A_293, %exp3A_290 : vector<16xf32>
          %swap3A_295 = arith.index_cast %add3A_176 : i32 to index
          %swap3A_296 = arith.constant 48 : index
          %swap3A_297 = tpu.vector_load %arg14[%swap3A_295, %swap3A_296] {strides = array<i32>} : memref<80x64xf32, #tpu.memory_space<vmem>>, vector<16xf32>,
          tpu.vector_store %arg14[%swap3A_295, %swap3A_296], %mul3A_294 {strides = array<i32>} : memref<80x64xf32, #tpu.memory_space<vmem>>, vector<16xf32>,
          %mul3A_298 = arith.constant 4 : i32
          %mul3A_299 = arith.muli %arg0, %mul3A_298 : i32
          %add3A_300 = arith.constant 3 : i32
          %add3A_301 = arith.addi %mul3A_299, %add3A_300 : i32
          %eq3A_302 = vector.broadcast %add3A_301 : i32 to vector<16xi32>
          %eq3A_303 = arith.cmpi eq, %iota3A, %eq3A_302 : vector<16xi32>
          %select_n3A_304 = arith.select %eq3A_303, %exp3A_290, %select_n3A_271 : vector<16xi1>, vector<16xf32>
          %swap3A_305 = arith.index_cast %add3A_176 : i32 to index
          %swap3A_306 = arith.constant 0 : index
          %swap3A_307 = tpu.vector_load %arg15[%swap3A_305, %swap3A_306] {strides = array<i32>} : memref<80x16xf32, #tpu.memory_space<vmem>>, vector<16xf32>,
          tpu.vector_store %arg15[%swap3A_305, %swap3A_306], %select_n3A_304 {strides = array<i32>} : memref<80x16xf32, #tpu.memory_space<vmem>>, vector<16xf32>,
          %mul3A_308 = arith.constant 2 : i32
          %mul3A_309 = arith.muli %mul3A_308, %scan3A_172 : i32
          %add3A_310 = arith.constant 1 : i32
          %add3A_311 = arith.addi %mul3A_309, %add3A_310 : i32
          %broadcast_in_dim3A_312 = arith.constant 0.000000e+00 : f32
          %broadcast_in_dim3A_313 = vector.broadcast %broadcast_in_dim3A_312 : f32 to vector<16xf32>
          %get3A_314 = arith.index_cast %add3A_311 : i32 to index
          %get3A_315 = arith.constant 0 : index
          %get3A_316 = tpu.vector_load %arg12[%get3A_314, %get3A_315] {strides = array<i32>} : memref<80x128xf32, #tpu.memory_space<vmem>>, vector<16xf32>,
          %mul3A_317 = arith.constant 64 : i32
          %mul3A_318 = arith.muli %arg0, %mul3A_317 : i32
          %add3A_319 = arith.constant 0 : i32
          %add3A_320 = arith.addi %mul3A_318, %add3A_319 : i32
          %get3A_321 = arith.index_cast %add3A_311 : i32 to index
          %get3A_322 = arith.index_cast %add3A_320 : i32 to index
          %get3A_323 = tpu.vector_load %arg13[%get3A_321, %get3A_322] {strides = array<i32>} : memref<80x128xf32, #tpu.memory_space<vmem>>, vector<16xf32>,
          %mul3A_324 = arith.mulf %get3A_316, %get3A_323 : vector<16xf32>
          %reduce_sum3A_325 = arith.constant true
          %reduce_sum3A_326 = vector.broadcast %reduce_sum3A_325 : i1 to vector<16xi1>
          %reduce_sum3A_327 = tpu.scan <sum>, %mul3A_324 masked %reduce_sum3A_326 : vector<16xf32>, vector<16xi1> -> vector<16xf32>
          %reduce_sum3A_328 = vector.extract %reduce_sum3A_327[15] : f32 from vector<16xf32>
          %mul3A_329 = arith.constant 2.500000e-01 : f32
          %mul3A_330 = arith.mulf %reduce_sum3A_328, %mul3A_329 : f32
          %broadcast_in_dim3A_331 = vector.broadcast %mul3A_330 : f32 to vector<16xf32>
          %exp3A_332 = math.exp %broadcast_in_dim3A_331 : vector<16xf32>
          %get3A_333 = arith.index_cast %add3A_311 : i32 to index
          %get3A_334 = arith.constant 64 : index
          %get3A_335 = tpu.vector_load %arg12[%get3A_333, %get3A_334] {strides = array<i32>} : memref<80x128xf32, #tpu.memory_space<vmem>>, vector<16xf32>,
          %mul3A_336 = arith.mulf %get3A_335, %exp3A_332 : vector<16xf32>
          %swap3A_337 = arith.index_cast %add3A_311 : i32 to index
          %swap3A_338 = arith.constant 0 : index
          %swap3A_339 = tpu.vector_load %arg14[%swap3A_337, %swap3A_338] {strides = array<i32>} : memref<80x64xf32, #tpu.memory_space<vmem>>, vector<16xf32>,
          tpu.vector_store %arg14[%swap3A_337, %swap3A_338], %mul3A_336 {strides = array<i32>} : memref<80x64xf32, #tpu.memory_space<vmem>>, vector<16xf32>,
          %mul3A_340 = arith.constant 4 : i32
          %mul3A_341 = arith.muli %arg0, %mul3A_340 : i32
          %add3A_342 = arith.constant 0 : i32
          %add3A_343 = arith.addi %mul3A_341, %add3A_342 : i32
          %eq3A_344 = vector.broadcast %add3A_343 : i32 to vector<16xi32>
          %eq3A_345 = arith.cmpi eq, %iota3A, %eq3A_344 : vector<16xi32>
          %select_n3A_346 = arith.select %eq3A_345, %exp3A_332, %broadcast_in_dim3A_313 : vector<16xi1>, vector<16xf32>
          %get3A_347 = arith.index_cast %add3A_311 : i32 to index
          %get3A_348 = arith.constant 16 : index
          %get3A_349 = tpu.vector_load %arg12[%get3A_347, %get3A_348] {strides = array<i32>} : memref<80x128xf32, #tpu.memory_space<vmem>>, vector<16xf32>,
          %mul3A_350 = arith.constant 64 : i32
          %mul3A_351 = arith.muli %arg0, %mul3A_350 : i32
          %add3A_352 = arith.constant 16 : i32
          %add3A_353 = arith.addi %mul3A_351, %add3A_352 : i32
          %get3A_354 = arith.index_cast %add3A_311 : i32 to index
          %get3A_355 = arith.index_cast %add3A_353 : i32 to index
          %get3A_356 = tpu.vector_load %arg13[%get3A_354, %get3A_355] {strides = array<i32>} : memref<80x128xf32, #tpu.memory_space<vmem>>, vector<16xf32>,
          %mul3A_357 = arith.mulf %get3A_349, %get3A_356 : vector<16xf32>
          %reduce_sum3A_358 = arith.constant true
          %reduce_sum3A_359 = vector.broadcast %reduce_sum3A_358 : i1 to vector<16xi1>
          %reduce_sum3A_360 = tpu.scan <sum>, %mul3A_357 masked %reduce_sum3A_359 : vector<16xf32>, vector<16xi1> -> vector<16xf32>
          %reduce_sum3A_361 = vector.extract %reduce_sum3A_360[15] : f32 from vector<16xf32>
          %mul3A_362 = arith.constant 2.500000e-01 : f32
          %mul3A_363 = arith.mulf %reduce_sum3A_361, %mul3A_362 : f32
          %broadcast_in_dim3A_364 = vector.broadcast %mul3A_363 : f32 to vector<16xf32>
          %exp3A_365 = math.exp %broadcast_in_dim3A_364 : vector<16xf32>
          %get3A_366 = arith.index_cast %add3A_311 : i32 to index
          %get3A_367 = arith.constant 80 : index
          %get3A_368 = tpu.vector_load %arg12[%get3A_366, %get3A_367] {strides = array<i32>} : memref<80x128xf32, #tpu.memory_space<vmem>>, vector<16xf32>,
          %mul3A_369 = arith.mulf %get3A_368, %exp3A_365 : vector<16xf32>
          %swap3A_370 = arith.index_cast %add3A_311 : i32 to index
          %swap3A_371 = arith.constant 16 : index
          %swap3A_372 = tpu.vector_load %arg14[%swap3A_370, %swap3A_371] {strides = array<i32>} : memref<80x64xf32, #tpu.memory_space<vmem>>, vector<16xf32>,
          tpu.vector_store %arg14[%swap3A_370, %swap3A_371], %mul3A_369 {strides = array<i32>} : memref<80x64xf32, #tpu.memory_space<vmem>>, vector<16xf32>,
          %mul3A_373 = arith.constant 4 : i32
          %mul3A_374 = arith.muli %arg0, %mul3A_373 : i32
          %add3A_375 = arith.constant 1 : i32
          %add3A_376 = arith.addi %mul3A_374, %add3A_375 : i32
          %eq3A_377 = vector.broadcast %add3A_376 : i32 to vector<16xi32>
          %eq3A_378 = arith.cmpi eq, %iota3A, %eq3A_377 : vector<16xi32>
          %select_n3A_379 = arith.select %eq3A_378, %exp3A_365, %select_n3A_346 : vector<16xi1>, vector<16xf32>
          %get3A_380 = arith.index_cast %add3A_311 : i32 to index
          %get3A_381 = arith.constant 32 : index
          %get3A_382 = tpu.vector_load %arg12[%get3A_380, %get3A_381] {strides = array<i32>} : memref<80x128xf32, #tpu.memory_space<vmem>>, vector<16xf32>,
          %mul3A_383 = arith.constant 64 : i32
          %mul3A_384 = arith.muli %arg0, %mul3A_383 : i32
          %add3A_385 = arith.constant 32 : i32
          %add3A_386 = arith.addi %mul3A_384, %add3A_385 : i32
          %get3A_387 = arith.index_cast %add3A_311 : i32 to index
          %get3A_388 = arith.index_cast %add3A_386 : i32 to index
          %get3A_389 = tpu.vector_load %arg13[%get3A_387, %get3A_388] {strides = array<i32>} : memref<80x128xf32, #tpu.memory_space<vmem>>, vector<16xf32>,
          %mul3A_390 = arith.mulf %get3A_382, %get3A_389 : vector<16xf32>
          %reduce_sum3A_391 = arith.constant true
          %reduce_sum3A_392 = vector.broadcast %reduce_sum3A_391 : i1 to vector<16xi1>
          %reduce_sum3A_393 = tpu.scan <sum>, %mul3A_390 masked %reduce_sum3A_392 : vector<16xf32>, vector<16xi1> -> vector<16xf32>
          %reduce_sum3A_394 = vector.extract %reduce_sum3A_393[15] : f32 from vector<16xf32>
          %mul3A_395 = arith.constant 2.500000e-01 : f32
          %mul3A_396 = arith.mulf %reduce_sum3A_394, %mul3A_395 : f32
          %broadcast_in_dim3A_397 = vector.broadcast %mul3A_396 : f32 to vector<16xf32>
          %exp3A_398 = math.exp %broadcast_in_dim3A_397 : vector<16xf32>
          %get3A_399 = arith.index_cast %add3A_311 : i32 to index
          %get3A_400 = arith.constant 96 : index
          %get3A_401 = tpu.vector_load %arg12[%get3A_399, %get3A_400] {strides = array<i32>} : memref<80x128xf32, #tpu.memory_space<vmem>>, vector<16xf32>,
          %mul3A_402 = arith.mulf %get3A_401, %exp3A_398 : vector<16xf32>
          %swap3A_403 = arith.index_cast %add3A_311 : i32 to index
          %swap3A_404 = arith.constant 32 : index
          %swap3A_405 = tpu.vector_load %arg14[%swap3A_403, %swap3A_404] {strides = array<i32>} : memref<80x64xf32, #tpu.memory_space<vmem>>, vector<16xf32>,
          tpu.vector_store %arg14[%swap3A_403, %swap3A_404], %mul3A_402 {strides = array<i32>} : memref<80x64xf32, #tpu.memory_space<vmem>>, vector<16xf32>,
          %mul3A_406 = arith.constant 4 : i32
          %mul3A_407 = arith.muli %arg0, %mul3A_406 : i32
          %add3A_408 = arith.constant 2 : i32
          %add3A_409 = arith.addi %mul3A_407, %add3A_408 : i32
          %eq3A_410 = vector.broadcast %add3A_409 : i32 to vector<16xi32>
          %eq3A_411 = arith.cmpi eq, %iota3A, %eq3A_410 : vector<16xi32>
          %select_n3A_412 = arith.select %eq3A_411, %exp3A_398, %select_n3A_379 : vector<16xi1>, vector<16xf32>
          %get3A_413 = arith.index_cast %add3A_311 : i32 to index
          %get3A_414 = arith.constant 48 : index
          %get3A_415 = tpu.vector_load %arg12[%get3A_413, %get3A_414] {strides = array<i32>} : memref<80x128xf32, #tpu.memory_space<vmem>>, vector<16xf32>,
          %mul3A_416 = arith.constant 64 : i32
          %mul3A_417 = arith.muli %arg0, %mul3A_416 : i32
          %add3A_418 = arith.constant 48 : i32
          %add3A_419 = arith.addi %mul3A_417, %add3A_418 : i32
          %get3A_420 = arith.index_cast %add3A_311 : i32 to index
          %get3A_421 = arith.index_cast %add3A_419 : i32 to index
          %get3A_422 = tpu.vector_load %arg13[%get3A_420, %get3A_421] {strides = array<i32>} : memref<80x128xf32, #tpu.memory_space<vmem>>, vector<16xf32>,
          %mul3A_423 = arith.mulf %get3A_415, %get3A_422 : vector<16xf32>
          %reduce_sum3A_424 = arith.constant true
          %reduce_sum3A_425 = vector.broadcast %reduce_sum3A_424 : i1 to vector<16xi1>
          %reduce_sum3A_426 = tpu.scan <sum>, %mul3A_423 masked %reduce_sum3A_425 : vector<16xf32>, vector<16xi1> -> vector<16xf32>
          %reduce_sum3A_427 = vector.extract %reduce_sum3A_426[15] : f32 from vector<16xf32>
          %mul3A_428 = arith.constant 2.500000e-01 : f32
          %mul3A_429 = arith.mulf %reduce_sum3A_427, %mul3A_428 : f32
          %broadcast_in_dim3A_430 = vector.broadcast %mul3A_429 : f32 to vector<16xf32>
          %exp3A_431 = math.exp %broadcast_in_dim3A_430 : vector<16xf32>
          %get3A_432 = arith.index_cast %add3A_311 : i32 to index
          %get3A_433 = arith.constant 112 : index
          %get3A_434 = tpu.vector_load %arg12[%get3A_432, %get3A_433] {strides = array<i32>} : memref<80x128xf32, #tpu.memory_space<vmem>>, vector<16xf32>,
          %mul3A_435 = arith.mulf %get3A_434, %exp3A_431 : vector<16xf32>
          %swap3A_436 = arith.index_cast %add3A_311 : i32 to index
          %swap3A_437 = arith.constant 48 : index
          %swap3A_438 = tpu.vector_load %arg14[%swap3A_436, %swap3A_437] {strides = array<i32>} : memref<80x64xf32, #tpu.memory_space<vmem>>, vector<16xf32>,
          tpu.vector_store %arg14[%swap3A_436, %swap3A_437], %mul3A_435 {strides = array<i32>} : memref<80x64xf32, #tpu.memory_space<vmem>>, vector<16xf32>,
          %mul3A_439 = arith.constant 4 : i32
          %mul3A_440 = arith.muli %arg0, %mul3A_439 : i32
          %add3A_441 = arith.constant 3 : i32
          %add3A_442 = arith.addi %mul3A_440, %add3A_441 : i32
          %eq3A_443 = vector.broadcast %add3A_442 : i32 to vector<16xi32>
          %eq3A_444 = arith.cmpi eq, %iota3A, %eq3A_443 : vector<16xi32>
          %select_n3A_445 = arith.select %eq3A_444, %exp3A_431, %select_n3A_412 : vector<16xi1>, vector<16xf32>
          %swap3A_446 = arith.index_cast %add3A_311 : i32 to index
          %swap3A_447 = arith.constant 0 : index
          %swap3A_448 = tpu.vector_load %arg15[%swap3A_446, %swap3A_447] {strides = array<i32>} : memref<80x16xf32, #tpu.memory_space<vmem>>, vector<16xf32>,
          tpu.vector_store %arg15[%swap3A_446, %swap3A_447], %select_n3A_445 {strides = array<i32>} : memref<80x16xf32, #tpu.memory_space<vmem>>, vector<16xf32>,
        }
        %scan3A_116 = arith.constant 40 : i32
        %dma_start3A_117 = arith.constant 0 : i32
        %dma_start3A_118 = tpu.memref_slice %arg11[%mul3A_73, %dma_start3A_117] : memref<50x80xi32, #tpu.memory_space<vmem>> -> memref<1x80xi32, #tpu.memory_space<vmem>>
        %dma_start3A_119 = tpu.memref_squeeze %dma_start3A_118 : memref<1x80xi32, #tpu.memory_space<vmem>> -> memref<80xi32, #tpu.memory_space<vmem>>
        %dma_start3A_120 = arith.constant 0 : i32
        %dma_start3A_121 = arith.constant 0 : i32
        %dma_start3A_122 = tpu.memref_slice %arg20[%dma_start3A_120, %dma_start3A_121] : memref<10000x64xf32, #tpu.memory_space<vmem_shared>> -> memref<10000x64xf32, #tpu.memory_space<vmem_shared>>
        tpu.enqueue_indirect_dma source(%arg14 : memref<80x64xf32, #tpu.memory_space<vmem>>) target(%dma_start3A_122 : memref<10000x64xf32, #tpu.memory_space<vmem_shared>>) offsets(%dma_start3A_119 : memref<80xi32, #tpu.memory_space<vmem>>) semaphore(%arg26 : memref<!tpu.dma_semaphore, #tpu.memory_space<semaphore_mem>>) {add = true}
        %dma_start3A_123 = arith.constant 0 : i32
        %dma_start3A_124 = tpu.memref_slice %arg11[%mul3A_73, %dma_start3A_123] : memref<50x80xi32, #tpu.memory_space<vmem>> -> memref<1x80xi32, #tpu.memory_space<vmem>>
        %dma_start3A_125 = tpu.memref_squeeze %dma_start3A_124 : memref<1x80xi32, #tpu.memory_space<vmem>> -> memref<80xi32, #tpu.memory_space<vmem>>
        %dma_start3A_126 = arith.constant 0 : i32
        %dma_start3A_127 = arith.constant 0 : i32
        %dma_start3A_128 = tpu.memref_slice %arg21[%dma_start3A_126, %dma_start3A_127] : memref<10000x16xf32, #tpu.memory_space<vmem_shared>> -> memref<10000x16xf32, #tpu.memory_space<vmem_shared>>
        tpu.enqueue_indirect_dma source(%arg15 : memref<80x16xf32, #tpu.memory_space<vmem>>) target(%dma_start3A_128 : memref<10000x16xf32, #tpu.memory_space<vmem_shared>>) offsets(%dma_start3A_125 : memref<80xi32, #tpu.memory_space<vmem>>) semaphore(%arg27 : memref<!tpu.dma_semaphore, #tpu.memory_space<semaphore_mem>>) {add = true}
        %lt3A = arith.constant 24 : i32
        %lt3A_129 = arith.cmpi slt, %scan3A_71, %lt3A : i32
        %convert_element_type3A_130 = arith.extui %lt3A_129 : i1 to i32
        %cond3A_131 = arith.constant 0 : i32
        %cond3A_132 = arith.cmpi ne, %convert_element_type3A_130, %cond3A_131 : i32
        scf.if %cond3A_132 {
          %add3A_172 = arith.constant 2 : i32
          %add3A_173 = arith.addi %mul3A_73, %add3A_172 : i32
          %dma_start3A_174 = arith.constant 0 : i32
          %dma_start3A_175 = tpu.memref_slice %arg11[%add3A_173, %dma_start3A_174] : memref<50x80xi32, #tpu.memory_space<vmem>> -> memref<1x80xi32, #tpu.memory_space<vmem>>
          %dma_start3A_176 = tpu.memref_squeeze %dma_start3A_175 : memref<1x80xi32, #tpu.memory_space<vmem>> -> memref<80xi32, #tpu.memory_space<vmem>>
          %dma_start3A_177 = arith.constant 0 : i32
          %dma_start3A_178 = arith.constant 0 : i32
          %dma_start3A_179 = tpu.memref_slice %arg2[%dma_start3A_177, %dma_start3A_178] : memref<10000x128xf32, #tpu.memory_space<hbm>> -> memref<10000x128xf32, #tpu.memory_space<hbm>>
          tpu.enqueue_indirect_dma source(%dma_start3A_179 : memref<10000x128xf32, #tpu.memory_space<hbm>>) target(%arg13 : memref<80x128xf32, #tpu.memory_space<vmem>>) offsets(%dma_start3A_176 : memref<80xi32, #tpu.memory_space<vmem>>) semaphore(%arg22 : memref<!tpu.dma_semaphore, #tpu.memory_space<semaphore_mem>>)
          %dma_start3A_180 = arith.constant 0 : i32
          %dma_start3A_181 = tpu.memref_slice %arg10[%add3A_173, %dma_start3A_180] : memref<50x80xi32, #tpu.memory_space<vmem>> -> memref<1x80xi32, #tpu.memory_space<vmem>>
          %dma_start3A_182 = tpu.memref_squeeze %dma_start3A_181 : memref<1x80xi32, #tpu.memory_space<vmem>> -> memref<80xi32, #tpu.memory_space<vmem>>
          %dma_start3A_183 = arith.constant 0 : i32
          %dma_start3A_184 = arith.constant 0 : i32
          %dma_start3A_185 = tpu.memref_slice %arg3[%arg0, %dma_start3A_183, %dma_start3A_184] : memref<2x10000x128xf32, #tpu.memory_space<hbm>> -> memref<1x10000x128xf32, #tpu.memory_space<hbm>>
          %dma_start3A_186 = tpu.memref_squeeze %dma_start3A_185 : memref<1x10000x128xf32, #tpu.memory_space<hbm>> -> memref<10000x128xf32, #tpu.memory_space<hbm>>
          %dma_start3A_187 = arith.constant 0 : i32
          %dma_start3A_188 = arith.constant 0 : i32
          %dma_start3A_189 = tpu.memref_slice %dma_start3A_186[%dma_start3A_187, %dma_start3A_188] : memref<10000x128xf32, #tpu.memory_space<hbm>> -> memref<10000x128xf32, #tpu.memory_space<hbm>>
          tpu.enqueue_indirect_dma source(%dma_start3A_189 : memref<10000x128xf32, #tpu.memory_space<hbm>>) target(%arg12 : memref<80x128xf32, #tpu.memory_space<vmem>>) offsets(%dma_start3A_182 : memref<80xi32, #tpu.memory_space<vmem>>) semaphore(%arg23 : memref<!tpu.dma_semaphore, #tpu.memory_space<semaphore_mem>>)
        } else {
        }
        %dma_wait3A_133 = arith.constant 0 : i32
        %dma_wait3A_134 = tpu.memref_slice %arg11[%add3A_74, %dma_wait3A_133] : memref<50x80xi32, #tpu.memory_space<vmem>> -> memref<1x80xi32, #tpu.memory_space<vmem>>
        %dma_wait3A_135 = tpu.memref_squeeze %dma_wait3A_134 : memref<1x80xi32, #tpu.memory_space<vmem>> -> memref<80xi32, #tpu.memory_space<vmem>>
        %dma_wait3A_136 = arith.constant 0 : i32
        %dma_wait3A_137 = arith.constant 0 : i32
        %dma_wait3A_138 = tpu.memref_slice %arg2[%dma_wait3A_136, %dma_wait3A_137] : memref<10000x128xf32, #tpu.memory_space<hbm>> -> memref<10000x128xf32, #tpu.memory_space<hbm>>
        tpu.wait_indirect_dma semaphore(%arg24 : memref<!tpu.dma_semaphore, #tpu.memory_space<semaphore_mem>>) src(%dma_wait3A_138 : memref<10000x128xf32, #tpu.memory_space<hbm>>) dst(%arg17 : memref<80x128xf32, #tpu.memory_space<vmem>>)
        %dma_wait3A_139 = arith.constant 0 : i32
        %dma_wait3A_140 = tpu.memref_slice %arg10[%add3A_74, %dma_wait3A_139] : memref<50x80xi32, #tpu.memory_space<vmem>> -> memref<1x80xi32, #tpu.memory_space<vmem>>
        %dma_wait3A_141 = tpu.memref_squeeze %dma_wait3A_140 : memref<1x80xi32, #tpu.memory_space<vmem>> -> memref<80xi32, #tpu.memory_space<vmem>>
        %dma_wait3A_142 = arith.constant 0 : i32
        %dma_wait3A_143 = arith.constant 0 : i32
        %dma_wait3A_144 = tpu.memref_slice %arg3[%arg0, %dma_wait3A_142, %dma_wait3A_143] : memref<2x10000x128xf32, #tpu.memory_space<hbm>> -> memref<1x10000x128xf32, #tpu.memory_space<hbm>>
        %dma_wait3A_145 = tpu.memref_squeeze %dma_wait3A_144 : memref<1x10000x128xf32, #tpu.memory_space<hbm>> -> memref<10000x128xf32, #tpu.memory_space<hbm>>
        %dma_wait3A_146 = arith.constant 0 : i32
        %dma_wait3A_147 = arith.constant 0 : i32
        %dma_wait3A_148 = tpu.memref_slice %dma_wait3A_145[%dma_wait3A_146, %dma_wait3A_147] : memref<10000x128xf32, #tpu.memory_space<hbm>> -> memref<10000x128xf32, #tpu.memory_space<hbm>>
        tpu.wait_indirect_dma semaphore(%arg25 : memref<!tpu.dma_semaphore, #tpu.memory_space<semaphore_mem>>) src(%dma_wait3A_148 : memref<10000x128xf32, #tpu.memory_space<hbm>>) dst(%arg16 : memref<80x128xf32, #tpu.memory_space<vmem>>)
        %gt3A_149 = arith.constant 0 : i32
        %gt3A_150 = arith.cmpi sgt, %scan3A_71, %gt3A_149 : i32
        %convert_element_type3A_151 = arith.extui %gt3A_150 : i1 to i32
        %cond3A_152 = arith.constant 0 : i32
        %cond3A_153 = arith.cmpi ne, %convert_element_type3A_151, %cond3A_152 : i32
        scf.if %cond3A_153 {
          %dma_wait3A_172 = arith.constant 0 : i32
          %dma_wait3A_173 = tpu.memref_slice %arg11[%add3A_74, %dma_wait3A_172] : memref<50x80xi32, #tpu.memory_space<vmem>> -> memref<1x80xi32, #tpu.memory_space<vmem>>
          %dma_wait3A_174 = tpu.memref_squeeze %dma_wait3A_173 : memref<1x80xi32, #tpu.memory_space<vmem>> -> memref<80xi32, #tpu.memory_space<vmem>>
          %dma_wait3A_175 = arith.constant 0 : i32
          %dma_wait3A_176 = arith.constant 0 : i32
          %dma_wait3A_177 = tpu.memref_slice %arg20[%dma_wait3A_175, %dma_wait3A_176] : memref<10000x64xf32, #tpu.memory_space<vmem_shared>> -> memref<10000x64xf32, #tpu.memory_space<vmem_shared>>
          tpu.wait_indirect_dma semaphore(%arg28 : memref<!tpu.dma_semaphore, #tpu.memory_space<semaphore_mem>>) src(%arg18 : memref<80x64xf32, #tpu.memory_space<vmem>>) dst(%dma_wait3A_177 : memref<10000x64xf32, #tpu.memory_space<vmem_shared>>)
          %dma_wait3A_178 = arith.constant 0 : i32
          %dma_wait3A_179 = tpu.memref_slice %arg11[%add3A_74, %dma_wait3A_178] : memref<50x80xi32, #tpu.memory_space<vmem>> -> memref<1x80xi32, #tpu.memory_space<vmem>>
          %dma_wait3A_180 = tpu.memref_squeeze %dma_wait3A_179 : memref<1x80xi32, #tpu.memory_space<vmem>> -> memref<80xi32, #tpu.memory_space<vmem>>
          %dma_wait3A_181 = arith.constant 0 : i32
          %dma_wait3A_182 = arith.constant 0 : i32
          %dma_wait3A_183 = tpu.memref_slice %arg21[%dma_wait3A_181, %dma_wait3A_182] : memref<10000x16xf32, #tpu.memory_space<vmem_shared>> -> memref<10000x16xf32, #tpu.memory_space<vmem_shared>>
          tpu.wait_indirect_dma semaphore(%arg29 : memref<!tpu.dma_semaphore, #tpu.memory_space<semaphore_mem>>) src(%arg19 : memref<80x16xf32, #tpu.memory_space<vmem>>) dst(%dma_wait3A_183 : memref<10000x16xf32, #tpu.memory_space<vmem_shared>>)
        } else {
        }
        %scan3A_154 = arith.constant 0 : i32
        %scan3A_155 = arith.constant 0 : i32
        %scan3A_156 = arith.constant 40 : i32
        %scan3A_157 = arith.addi %scan3A_155, %scan3A_156 : i32
        %scan3A_158 = arith.constant 1 : i32
        scf.for %scan3A_172 = %scan3A_155 to %scan3A_157 step %scan3A_158  : i32 {
          %mul3A_173 = arith.constant 2 : i32
          %mul3A_174 = arith.muli %mul3A_173, %scan3A_172 : i32
          %add3A_175 = arith.constant 0 : i32
          %add3A_176 = arith.addi %mul3A_174, %add3A_175 : i32
          %broadcast_in_dim3A = arith.constant 0.000000e+00 : f32
          %broadcast_in_dim3A_177 = vector.broadcast %broadcast_in_dim3A : f32 to vector<16xf32>
          %get3A = arith.index_cast %add3A_176 : i32 to index
          %get3A_178 = arith.constant 0 : index
          %get3A_179 = tpu.vector_load %arg16[%get3A, %get3A_178] {strides = array<i32>} : memref<80x128xf32, #tpu.memory_space<vmem>>, vector<16xf32>,
          %mul3A_180 = arith.constant 64 : i32
          %mul3A_181 = arith.muli %arg0, %mul3A_180 : i32
          %add3A_182 = arith.constant 0 : i32
          %add3A_183 = arith.addi %mul3A_181, %add3A_182 : i32
          %get3A_184 = arith.index_cast %add3A_176 : i32 to index
          %get3A_185 = arith.index_cast %add3A_183 : i32 to index
          %get3A_186 = tpu.vector_load %arg17[%get3A_184, %get3A_185] {strides = array<i32>} : memref<80x128xf32, #tpu.memory_space<vmem>>, vector<16xf32>,
          %mul3A_187 = arith.mulf %get3A_179, %get3A_186 : vector<16xf32>
          %reduce_sum3A = arith.constant true
          %reduce_sum3A_188 = vector.broadcast %reduce_sum3A : i1 to vector<16xi1>
          %reduce_sum3A_189 = tpu.scan <sum>, %mul3A_187 masked %reduce_sum3A_188 : vector<16xf32>, vector<16xi1> -> vector<16xf32>
          %reduce_sum3A_190 = vector.extract %reduce_sum3A_189[15] : f32 from vector<16xf32>
          %mul3A_191 = arith.constant 2.500000e-01 : f32
          %mul3A_192 = arith.mulf %reduce_sum3A_190, %mul3A_191 : f32
          %broadcast_in_dim3A_193 = vector.broadcast %mul3A_192 : f32 to vector<16xf32>
          %exp3A = math.exp %broadcast_in_dim3A_193 : vector<16xf32>
          %get3A_194 = arith.index_cast %add3A_176 : i32 to index
          %get3A_195 = arith.constant 64 : index
          %get3A_196 = tpu.vector_load %arg16[%get3A_194, %get3A_195] {strides = array<i32>} : memref<80x128xf32, #tpu.memory_space<vmem>>, vector<16xf32>,
          %mul3A_197 = arith.mulf %get3A_196, %exp3A : vector<16xf32>
          %swap3A = arith.index_cast %add3A_176 : i32 to index
          %swap3A_198 = arith.constant 0 : index
          %swap3A_199 = tpu.vector_load %arg18[%swap3A, %swap3A_198] {strides = array<i32>} : memref<80x64xf32, #tpu.memory_space<vmem>>, vector<16xf32>,
          tpu.vector_store %arg18[%swap3A, %swap3A_198], %mul3A_197 {strides = array<i32>} : memref<80x64xf32, #tpu.memory_space<vmem>>, vector<16xf32>,
          %mul3A_200 = arith.constant 4 : i32
          %mul3A_201 = arith.muli %arg0, %mul3A_200 : i32
          %add3A_202 = arith.constant 0 : i32
          %add3A_203 = arith.addi %mul3A_201, %add3A_202 : i32
          %eq3A_204 = vector.broadcast %add3A_203 : i32 to vector<16xi32>
          %eq3A_205 = arith.cmpi eq, %iota3A, %eq3A_204 : vector<16xi32>
          %select_n3A = arith.select %eq3A_205, %exp3A, %broadcast_in_dim3A_177 : vector<16xi1>, vector<16xf32>
          %get3A_206 = arith.index_cast %add3A_176 : i32 to index
          %get3A_207 = arith.constant 16 : index
          %get3A_208 = tpu.vector_load %arg16[%get3A_206, %get3A_207] {strides = array<i32>} : memref<80x128xf32, #tpu.memory_space<vmem>>, vector<16xf32>,
          %mul3A_209 = arith.constant 64 : i32
          %mul3A_210 = arith.muli %arg0, %mul3A_209 : i32
          %add3A_211 = arith.constant 16 : i32
          %add3A_212 = arith.addi %mul3A_210, %add3A_211 : i32
          %get3A_213 = arith.index_cast %add3A_176 : i32 to index
          %get3A_214 = arith.index_cast %add3A_212 : i32 to index
          %get3A_215 = tpu.vector_load %arg17[%get3A_213, %get3A_214] {strides = array<i32>} : memref<80x128xf32, #tpu.memory_space<vmem>>, vector<16xf32>,
          %mul3A_216 = arith.mulf %get3A_208, %get3A_215 : vector<16xf32>
          %reduce_sum3A_217 = arith.constant true
          %reduce_sum3A_218 = vector.broadcast %reduce_sum3A_217 : i1 to vector<16xi1>
          %reduce_sum3A_219 = tpu.scan <sum>, %mul3A_216 masked %reduce_sum3A_218 : vector<16xf32>, vector<16xi1> -> vector<16xf32>
          %reduce_sum3A_220 = vector.extract %reduce_sum3A_219[15] : f32 from vector<16xf32>
          %mul3A_221 = arith.constant 2.500000e-01 : f32
          %mul3A_222 = arith.mulf %reduce_sum3A_220, %mul3A_221 : f32
          %broadcast_in_dim3A_223 = vector.broadcast %mul3A_222 : f32 to vector<16xf32>
          %exp3A_224 = math.exp %broadcast_in_dim3A_223 : vector<16xf32>
          %get3A_225 = arith.index_cast %add3A_176 : i32 to index
          %get3A_226 = arith.constant 80 : index
          %get3A_227 = tpu.vector_load %arg16[%get3A_225, %get3A_226] {strides = array<i32>} : memref<80x128xf32, #tpu.memory_space<vmem>>, vector<16xf32>,
          %mul3A_228 = arith.mulf %get3A_227, %exp3A_224 : vector<16xf32>
          %swap3A_229 = arith.index_cast %add3A_176 : i32 to index
          %swap3A_230 = arith.constant 16 : index
          %swap3A_231 = tpu.vector_load %arg18[%swap3A_229, %swap3A_230] {strides = array<i32>} : memref<80x64xf32, #tpu.memory_space<vmem>>, vector<16xf32>,
          tpu.vector_store %arg18[%swap3A_229, %swap3A_230], %mul3A_228 {strides = array<i32>} : memref<80x64xf32, #tpu.memory_space<vmem>>, vector<16xf32>,
          %mul3A_232 = arith.constant 4 : i32
          %mul3A_233 = arith.muli %arg0, %mul3A_232 : i32
          %add3A_234 = arith.constant 1 : i32
          %add3A_235 = arith.addi %mul3A_233, %add3A_234 : i32
          %eq3A_236 = vector.broadcast %add3A_235 : i32 to vector<16xi32>
          %eq3A_237 = arith.cmpi eq, %iota3A, %eq3A_236 : vector<16xi32>
          %select_n3A_238 = arith.select %eq3A_237, %exp3A_224, %select_n3A : vector<16xi1>, vector<16xf32>
          %get3A_239 = arith.index_cast %add3A_176 : i32 to index
          %get3A_240 = arith.constant 32 : index
          %get3A_241 = tpu.vector_load %arg16[%get3A_239, %get3A_240] {strides = array<i32>} : memref<80x128xf32, #tpu.memory_space<vmem>>, vector<16xf32>,
          %mul3A_242 = arith.constant 64 : i32
          %mul3A_243 = arith.muli %arg0, %mul3A_242 : i32
          %add3A_244 = arith.constant 32 : i32
          %add3A_245 = arith.addi %mul3A_243, %add3A_244 : i32
          %get3A_246 = arith.index_cast %add3A_176 : i32 to index
          %get3A_247 = arith.index_cast %add3A_245 : i32 to index
          %get3A_248 = tpu.vector_load %arg17[%get3A_246, %get3A_247] {strides = array<i32>} : memref<80x128xf32, #tpu.memory_space<vmem>>, vector<16xf32>,
          %mul3A_249 = arith.mulf %get3A_241, %get3A_248 : vector<16xf32>
          %reduce_sum3A_250 = arith.constant true
          %reduce_sum3A_251 = vector.broadcast %reduce_sum3A_250 : i1 to vector<16xi1>
          %reduce_sum3A_252 = tpu.scan <sum>, %mul3A_249 masked %reduce_sum3A_251 : vector<16xf32>, vector<16xi1> -> vector<16xf32>
          %reduce_sum3A_253 = vector.extract %reduce_sum3A_252[15] : f32 from vector<16xf32>
          %mul3A_254 = arith.constant 2.500000e-01 : f32
          %mul3A_255 = arith.mulf %reduce_sum3A_253, %mul3A_254 : f32
          %broadcast_in_dim3A_256 = vector.broadcast %mul3A_255 : f32 to vector<16xf32>
          %exp3A_257 = math.exp %broadcast_in_dim3A_256 : vector<16xf32>
          %get3A_258 = arith.index_cast %add3A_176 : i32 to index
          %get3A_259 = arith.constant 96 : index
          %get3A_260 = tpu.vector_load %arg16[%get3A_258, %get3A_259] {strides = array<i32>} : memref<80x128xf32, #tpu.memory_space<vmem>>, vector<16xf32>,
          %mul3A_261 = arith.mulf %get3A_260, %exp3A_257 : vector<16xf32>
          %swap3A_262 = arith.index_cast %add3A_176 : i32 to index
          %swap3A_263 = arith.constant 32 : index
          %swap3A_264 = tpu.vector_load %arg18[%swap3A_262, %swap3A_263] {strides = array<i32>} : memref<80x64xf32, #tpu.memory_space<vmem>>, vector<16xf32>,
          tpu.vector_store %arg18[%swap3A_262, %swap3A_263], %mul3A_261 {strides = array<i32>} : memref<80x64xf32, #tpu.memory_space<vmem>>, vector<16xf32>,
          %mul3A_265 = arith.constant 4 : i32
          %mul3A_266 = arith.muli %arg0, %mul3A_265 : i32
          %add3A_267 = arith.constant 2 : i32
          %add3A_268 = arith.addi %mul3A_266, %add3A_267 : i32
          %eq3A_269 = vector.broadcast %add3A_268 : i32 to vector<16xi32>
          %eq3A_270 = arith.cmpi eq, %iota3A, %eq3A_269 : vector<16xi32>
          %select_n3A_271 = arith.select %eq3A_270, %exp3A_257, %select_n3A_238 : vector<16xi1>, vector<16xf32>
          %get3A_272 = arith.index_cast %add3A_176 : i32 to index
          %get3A_273 = arith.constant 48 : index
          %get3A_274 = tpu.vector_load %arg16[%get3A_272, %get3A_273] {strides = array<i32>} : memref<80x128xf32, #tpu.memory_space<vmem>>, vector<16xf32>,
          %mul3A_275 = arith.constant 64 : i32
          %mul3A_276 = arith.muli %arg0, %mul3A_275 : i32
          %add3A_277 = arith.constant 48 : i32
          %add3A_278 = arith.addi %mul3A_276, %add3A_277 : i32
          %get3A_279 = arith.index_cast %add3A_176 : i32 to index
          %get3A_280 = arith.index_cast %add3A_278 : i32 to index
          %get3A_281 = tpu.vector_load %arg17[%get3A_279, %get3A_280] {strides = array<i32>} : memref<80x128xf32, #tpu.memory_space<vmem>>, vector<16xf32>,
          %mul3A_282 = arith.mulf %get3A_274, %get3A_281 : vector<16xf32>
          %reduce_sum3A_283 = arith.constant true
          %reduce_sum3A_284 = vector.broadcast %reduce_sum3A_283 : i1 to vector<16xi1>
          %reduce_sum3A_285 = tpu.scan <sum>, %mul3A_282 masked %reduce_sum3A_284 : vector<16xf32>, vector<16xi1> -> vector<16xf32>
          %reduce_sum3A_286 = vector.extract %reduce_sum3A_285[15] : f32 from vector<16xf32>
          %mul3A_287 = arith.constant 2.500000e-01 : f32
          %mul3A_288 = arith.mulf %reduce_sum3A_286, %mul3A_287 : f32
          %broadcast_in_dim3A_289 = vector.broadcast %mul3A_288 : f32 to vector<16xf32>
          %exp3A_290 = math.exp %broadcast_in_dim3A_289 : vector<16xf32>
          %get3A_291 = arith.index_cast %add3A_176 : i32 to index
          %get3A_292 = arith.constant 112 : index
          %get3A_293 = tpu.vector_load %arg16[%get3A_291, %get3A_292] {strides = array<i32>} : memref<80x128xf32, #tpu.memory_space<vmem>>, vector<16xf32>,
          %mul3A_294 = arith.mulf %get3A_293, %exp3A_290 : vector<16xf32>
          %swap3A_295 = arith.index_cast %add3A_176 : i32 to index
          %swap3A_296 = arith.constant 48 : index
          %swap3A_297 = tpu.vector_load %arg18[%swap3A_295, %swap3A_296] {strides = array<i32>} : memref<80x64xf32, #tpu.memory_space<vmem>>, vector<16xf32>,
          tpu.vector_store %arg18[%swap3A_295, %swap3A_296], %mul3A_294 {strides = array<i32>} : memref<80x64xf32, #tpu.memory_space<vmem>>, vector<16xf32>,
          %mul3A_298 = arith.constant 4 : i32
          %mul3A_299 = arith.muli %arg0, %mul3A_298 : i32
          %add3A_300 = arith.constant 3 : i32
          %add3A_301 = arith.addi %mul3A_299, %add3A_300 : i32
          %eq3A_302 = vector.broadcast %add3A_301 : i32 to vector<16xi32>
          %eq3A_303 = arith.cmpi eq, %iota3A, %eq3A_302 : vector<16xi32>
          %select_n3A_304 = arith.select %eq3A_303, %exp3A_290, %select_n3A_271 : vector<16xi1>, vector<16xf32>
          %swap3A_305 = arith.index_cast %add3A_176 : i32 to index
          %swap3A_306 = arith.constant 0 : index
          %swap3A_307 = tpu.vector_load %arg19[%swap3A_305, %swap3A_306] {strides = array<i32>} : memref<80x16xf32, #tpu.memory_space<vmem>>, vector<16xf32>,
          tpu.vector_store %arg19[%swap3A_305, %swap3A_306], %select_n3A_304 {strides = array<i32>} : memref<80x16xf32, #tpu.memory_space<vmem>>, vector<16xf32>,
          %mul3A_308 = arith.constant 2 : i32
          %mul3A_309 = arith.muli %mul3A_308, %scan3A_172 : i32
          %add3A_310 = arith.constant 1 : i32
          %add3A_311 = arith.addi %mul3A_309, %add3A_310 : i32
          %broadcast_in_dim3A_312 = arith.constant 0.000000e+00 : f32
          %broadcast_in_dim3A_313 = vector.broadcast %broadcast_in_dim3A_312 : f32 to vector<16xf32>
          %get3A_314 = arith.index_cast %add3A_311 : i32 to index
          %get3A_315 = arith.constant 0 : index
          %get3A_316 = tpu.vector_load %arg16[%get3A_314, %get3A_315] {strides = array<i32>} : memref<80x128xf32, #tpu.memory_space<vmem>>, vector<16xf32>,
          %mul3A_317 = arith.constant 64 : i32
          %mul3A_318 = arith.muli %arg0, %mul3A_317 : i32
          %add3A_319 = arith.constant 0 : i32
          %add3A_320 = arith.addi %mul3A_318, %add3A_319 : i32
          %get3A_321 = arith.index_cast %add3A_311 : i32 to index
          %get3A_322 = arith.index_cast %add3A_320 : i32 to index
          %get3A_323 = tpu.vector_load %arg17[%get3A_321, %get3A_322] {strides = array<i32>} : memref<80x128xf32, #tpu.memory_space<vmem>>, vector<16xf32>,
          %mul3A_324 = arith.mulf %get3A_316, %get3A_323 : vector<16xf32>
          %reduce_sum3A_325 = arith.constant true
          %reduce_sum3A_326 = vector.broadcast %reduce_sum3A_325 : i1 to vector<16xi1>
          %reduce_sum3A_327 = tpu.scan <sum>, %mul3A_324 masked %reduce_sum3A_326 : vector<16xf32>, vector<16xi1> -> vector<16xf32>
          %reduce_sum3A_328 = vector.extract %reduce_sum3A_327[15] : f32 from vector<16xf32>
          %mul3A_329 = arith.constant 2.500000e-01 : f32
          %mul3A_330 = arith.mulf %reduce_sum3A_328, %mul3A_329 : f32
          %broadcast_in_dim3A_331 = vector.broadcast %mul3A_330 : f32 to vector<16xf32>
          %exp3A_332 = math.exp %broadcast_in_dim3A_331 : vector<16xf32>
          %get3A_333 = arith.index_cast %add3A_311 : i32 to index
          %get3A_334 = arith.constant 64 : index
          %get3A_335 = tpu.vector_load %arg16[%get3A_333, %get3A_334] {strides = array<i32>} : memref<80x128xf32, #tpu.memory_space<vmem>>, vector<16xf32>,
          %mul3A_336 = arith.mulf %get3A_335, %exp3A_332 : vector<16xf32>
          %swap3A_337 = arith.index_cast %add3A_311 : i32 to index
          %swap3A_338 = arith.constant 0 : index
          %swap3A_339 = tpu.vector_load %arg18[%swap3A_337, %swap3A_338] {strides = array<i32>} : memref<80x64xf32, #tpu.memory_space<vmem>>, vector<16xf32>,
          tpu.vector_store %arg18[%swap3A_337, %swap3A_338], %mul3A_336 {strides = array<i32>} : memref<80x64xf32, #tpu.memory_space<vmem>>, vector<16xf32>,
          %mul3A_340 = arith.constant 4 : i32
          %mul3A_341 = arith.muli %arg0, %mul3A_340 : i32
          %add3A_342 = arith.constant 0 : i32
          %add3A_343 = arith.addi %mul3A_341, %add3A_342 : i32
          %eq3A_344 = vector.broadcast %add3A_343 : i32 to vector<16xi32>
          %eq3A_345 = arith.cmpi eq, %iota3A, %eq3A_344 : vector<16xi32>
          %select_n3A_346 = arith.select %eq3A_345, %exp3A_332, %broadcast_in_dim3A_313 : vector<16xi1>, vector<16xf32>
          %get3A_347 = arith.index_cast %add3A_311 : i32 to index
          %get3A_348 = arith.constant 16 : index
          %get3A_349 = tpu.vector_load %arg16[%get3A_347, %get3A_348] {strides = array<i32>} : memref<80x128xf32, #tpu.memory_space<vmem>>, vector<16xf32>,
          %mul3A_350 = arith.constant 64 : i32
          %mul3A_351 = arith.muli %arg0, %mul3A_350 : i32
          %add3A_352 = arith.constant 16 : i32
          %add3A_353 = arith.addi %mul3A_351, %add3A_352 : i32
          %get3A_354 = arith.index_cast %add3A_311 : i32 to index
          %get3A_355 = arith.index_cast %add3A_353 : i32 to index
          %get3A_356 = tpu.vector_load %arg17[%get3A_354, %get3A_355] {strides = array<i32>} : memref<80x128xf32, #tpu.memory_space<vmem>>, vector<16xf32>,
          %mul3A_357 = arith.mulf %get3A_349, %get3A_356 : vector<16xf32>
          %reduce_sum3A_358 = arith.constant true
          %reduce_sum3A_359 = vector.broadcast %reduce_sum3A_358 : i1 to vector<16xi1>
          %reduce_sum3A_360 = tpu.scan <sum>, %mul3A_357 masked %reduce_sum3A_359 : vector<16xf32>, vector<16xi1> -> vector<16xf32>
          %reduce_sum3A_361 = vector.extract %reduce_sum3A_360[15] : f32 from vector<16xf32>
          %mul3A_362 = arith.constant 2.500000e-01 : f32
          %mul3A_363 = arith.mulf %reduce_sum3A_361, %mul3A_362 : f32
          %broadcast_in_dim3A_364 = vector.broadcast %mul3A_363 : f32 to vector<16xf32>
          %exp3A_365 = math.exp %broadcast_in_dim3A_364 : vector<16xf32>
          %get3A_366 = arith.index_cast %add3A_311 : i32 to index
          %get3A_367 = arith.constant 80 : index
          %get3A_368 = tpu.vector_load %arg16[%get3A_366, %get3A_367] {strides = array<i32>} : memref<80x128xf32, #tpu.memory_space<vmem>>, vector<16xf32>,
          %mul3A_369 = arith.mulf %get3A_368, %exp3A_365 : vector<16xf32>
          %swap3A_370 = arith.index_cast %add3A_311 : i32 to index
          %swap3A_371 = arith.constant 16 : index
          %swap3A_372 = tpu.vector_load %arg18[%swap3A_370, %swap3A_371] {strides = array<i32>} : memref<80x64xf32, #tpu.memory_space<vmem>>, vector<16xf32>,
          tpu.vector_store %arg18[%swap3A_370, %swap3A_371], %mul3A_369 {strides = array<i32>} : memref<80x64xf32, #tpu.memory_space<vmem>>, vector<16xf32>,
          %mul3A_373 = arith.constant 4 : i32
          %mul3A_374 = arith.muli %arg0, %mul3A_373 : i32
          %add3A_375 = arith.constant 1 : i32
          %add3A_376 = arith.addi %mul3A_374, %add3A_375 : i32
          %eq3A_377 = vector.broadcast %add3A_376 : i32 to vector<16xi32>
          %eq3A_378 = arith.cmpi eq, %iota3A, %eq3A_377 : vector<16xi32>
          %select_n3A_379 = arith.select %eq3A_378, %exp3A_365, %select_n3A_346 : vector<16xi1>, vector<16xf32>
          %get3A_380 = arith.index_cast %add3A_311 : i32 to index
          %get3A_381 = arith.constant 32 : index
          %get3A_382 = tpu.vector_load %arg16[%get3A_380, %get3A_381] {strides = array<i32>} : memref<80x128xf32, #tpu.memory_space<vmem>>, vector<16xf32>,
          %mul3A_383 = arith.constant 64 : i32
          %mul3A_384 = arith.muli %arg0, %mul3A_383 : i32
          %add3A_385 = arith.constant 32 : i32
          %add3A_386 = arith.addi %mul3A_384, %add3A_385 : i32
          %get3A_387 = arith.index_cast %add3A_311 : i32 to index
          %get3A_388 = arith.index_cast %add3A_386 : i32 to index
          %get3A_389 = tpu.vector_load %arg17[%get3A_387, %get3A_388] {strides = array<i32>} : memref<80x128xf32, #tpu.memory_space<vmem>>, vector<16xf32>,
          %mul3A_390 = arith.mulf %get3A_382, %get3A_389 : vector<16xf32>
          %reduce_sum3A_391 = arith.constant true
          %reduce_sum3A_392 = vector.broadcast %reduce_sum3A_391 : i1 to vector<16xi1>
          %reduce_sum3A_393 = tpu.scan <sum>, %mul3A_390 masked %reduce_sum3A_392 : vector<16xf32>, vector<16xi1> -> vector<16xf32>
          %reduce_sum3A_394 = vector.extract %reduce_sum3A_393[15] : f32 from vector<16xf32>
          %mul3A_395 = arith.constant 2.500000e-01 : f32
          %mul3A_396 = arith.mulf %reduce_sum3A_394, %mul3A_395 : f32
          %broadcast_in_dim3A_397 = vector.broadcast %mul3A_396 : f32 to vector<16xf32>
          %exp3A_398 = math.exp %broadcast_in_dim3A_397 : vector<16xf32>
          %get3A_399 = arith.index_cast %add3A_311 : i32 to index
          %get3A_400 = arith.constant 96 : index
          %get3A_401 = tpu.vector_load %arg16[%get3A_399, %get3A_400] {strides = array<i32>} : memref<80x128xf32, #tpu.memory_space<vmem>>, vector<16xf32>,
          %mul3A_402 = arith.mulf %get3A_401, %exp3A_398 : vector<16xf32>
          %swap3A_403 = arith.index_cast %add3A_311 : i32 to index
          %swap3A_404 = arith.constant 32 : index
          %swap3A_405 = tpu.vector_load %arg18[%swap3A_403, %swap3A_404] {strides = array<i32>} : memref<80x64xf32, #tpu.memory_space<vmem>>, vector<16xf32>,
          tpu.vector_store %arg18[%swap3A_403, %swap3A_404], %mul3A_402 {strides = array<i32>} : memref<80x64xf32, #tpu.memory_space<vmem>>, vector<16xf32>,
          %mul3A_406 = arith.constant 4 : i32
          %mul3A_407 = arith.muli %arg0, %mul3A_406 : i32
          %add3A_408 = arith.constant 2 : i32
          %add3A_409 = arith.addi %mul3A_407, %add3A_408 : i32
          %eq3A_410 = vector.broadcast %add3A_409 : i32 to vector<16xi32>
          %eq3A_411 = arith.cmpi eq, %iota3A, %eq3A_410 : vector<16xi32>
          %select_n3A_412 = arith.select %eq3A_411, %exp3A_398, %select_n3A_379 : vector<16xi1>, vector<16xf32>
          %get3A_413 = arith.index_cast %add3A_311 : i32 to index
          %get3A_414 = arith.constant 48 : index
          %get3A_415 = tpu.vector_load %arg16[%get3A_413, %get3A_414] {strides = array<i32>} : memref<80x128xf32, #tpu.memory_space<vmem>>, vector<16xf32>,
          %mul3A_416 = arith.constant 64 : i32
          %mul3A_417 = arith.muli %arg0, %mul3A_416 : i32
          %add3A_418 = arith.constant 48 : i32
          %add3A_419 = arith.addi %mul3A_417, %add3A_418 : i32
          %get3A_420 = arith.index_cast %add3A_311 : i32 to index
          %get3A_421 = arith.index_cast %add3A_419 : i32 to index
          %get3A_422 = tpu.vector_load %arg17[%get3A_420, %get3A_421] {strides = array<i32>} : memref<80x128xf32, #tpu.memory_space<vmem>>, vector<16xf32>,
          %mul3A_423 = arith.mulf %get3A_415, %get3A_422 : vector<16xf32>
          %reduce_sum3A_424 = arith.constant true
          %reduce_sum3A_425 = vector.broadcast %reduce_sum3A_424 : i1 to vector<16xi1>
          %reduce_sum3A_426 = tpu.scan <sum>, %mul3A_423 masked %reduce_sum3A_425 : vector<16xf32>, vector<16xi1> -> vector<16xf32>
          %reduce_sum3A_427 = vector.extract %reduce_sum3A_426[15] : f32 from vector<16xf32>
          %mul3A_428 = arith.constant 2.500000e-01 : f32
          %mul3A_429 = arith.mulf %reduce_sum3A_427, %mul3A_428 : f32
          %broadcast_in_dim3A_430 = vector.broadcast %mul3A_429 : f32 to vector<16xf32>
          %exp3A_431 = math.exp %broadcast_in_dim3A_430 : vector<16xf32>
          %get3A_432 = arith.index_cast %add3A_311 : i32 to index
          %get3A_433 = arith.constant 112 : index
          %get3A_434 = tpu.vector_load %arg16[%get3A_432, %get3A_433] {strides = array<i32>} : memref<80x128xf32, #tpu.memory_space<vmem>>, vector<16xf32>,
          %mul3A_435 = arith.mulf %get3A_434, %exp3A_431 : vector<16xf32>
          %swap3A_436 = arith.index_cast %add3A_311 : i32 to index
          %swap3A_437 = arith.constant 48 : index
          %swap3A_438 = tpu.vector_load %arg18[%swap3A_436, %swap3A_437] {strides = array<i32>} : memref<80x64xf32, #tpu.memory_space<vmem>>, vector<16xf32>,
          tpu.vector_store %arg18[%swap3A_436, %swap3A_437], %mul3A_435 {strides = array<i32>} : memref<80x64xf32, #tpu.memory_space<vmem>>, vector<16xf32>,
          %mul3A_439 = arith.constant 4 : i32
          %mul3A_440 = arith.muli %arg0, %mul3A_439 : i32
          %add3A_441 = arith.constant 3 : i32
          %add3A_442 = arith.addi %mul3A_440, %add3A_441 : i32
          %eq3A_443 = vector.broadcast %add3A_442 : i32 to vector<16xi32>
          %eq3A_444 = arith.cmpi eq, %iota3A, %eq3A_443 : vector<16xi32>
          %select_n3A_445 = arith.select %eq3A_444, %exp3A_431, %select_n3A_412 : vector<16xi1>, vector<16xf32>
          %swap3A_446 = arith.index_cast %add3A_311 : i32 to index
          %swap3A_447 = arith.constant 0 : index
          %swap3A_448 = tpu.vector_load %arg19[%swap3A_446, %swap3A_447] {strides = array<i32>} : memref<80x16xf32, #tpu.memory_space<vmem>>, vector<16xf32>,
          tpu.vector_store %arg19[%swap3A_446, %swap3A_447], %select_n3A_445 {strides = array<i32>} : memref<80x16xf32, #tpu.memory_space<vmem>>, vector<16xf32>,
        }
        %scan3A_159 = arith.constant 40 : i32
        %dma_start3A_160 = arith.constant 0 : i32
        %dma_start3A_161 = tpu.memref_slice %arg11[%add3A_74, %dma_start3A_160] : memref<50x80xi32, #tpu.memory_space<vmem>> -> memref<1x80xi32, #tpu.memory_space<vmem>>
        %dma_start3A_162 = tpu.memref_squeeze %dma_start3A_161 : memref<1x80xi32, #tpu.memory_space<vmem>> -> memref<80xi32, #tpu.memory_space<vmem>>
        %dma_start3A_163 = arith.constant 0 : i32
        %dma_start3A_164 = arith.constant 0 : i32
        %dma_start3A_165 = tpu.memref_slice %arg20[%dma_start3A_163, %dma_start3A_164] : memref<10000x64xf32, #tpu.memory_space<vmem_shared>> -> memref<10000x64xf32, #tpu.memory_space<vmem_shared>>
        tpu.enqueue_indirect_dma source(%arg18 : memref<80x64xf32, #tpu.memory_space<vmem>>) target(%dma_start3A_165 : memref<10000x64xf32, #tpu.memory_space<vmem_shared>>) offsets(%dma_start3A_162 : memref<80xi32, #tpu.memory_space<vmem>>) semaphore(%arg28 : memref<!tpu.dma_semaphore, #tpu.memory_space<semaphore_mem>>) {add = true}
        %dma_start3A_166 = arith.constant 0 : i32
        %dma_start3A_167 = tpu.memref_slice %arg11[%add3A_74, %dma_start3A_166] : memref<50x80xi32, #tpu.memory_space<vmem>> -> memref<1x80xi32, #tpu.memory_space<vmem>>
        %dma_start3A_168 = tpu.memref_squeeze %dma_start3A_167 : memref<1x80xi32, #tpu.memory_space<vmem>> -> memref<80xi32, #tpu.memory_space<vmem>>
        %dma_start3A_169 = arith.constant 0 : i32
        %dma_start3A_170 = arith.constant 0 : i32
        %dma_start3A_171 = tpu.memref_slice %arg21[%dma_start3A_169, %dma_start3A_170] : memref<10000x16xf32, #tpu.memory_space<vmem_shared>> -> memref<10000x16xf32, #tpu.memory_space<vmem_shared>>
        tpu.enqueue_indirect_dma source(%arg19 : memref<80x16xf32, #tpu.memory_space<vmem>>) target(%dma_start3A_171 : memref<10000x16xf32, #tpu.memory_space<vmem_shared>>) offsets(%dma_start3A_168 : memref<80xi32, #tpu.memory_space<vmem>>) semaphore(%arg29 : memref<!tpu.dma_semaphore, #tpu.memory_space<semaphore_mem>>) {add = true}
      }
      %scan3A_43 = arith.constant 25 : i32
      %dma_wait3A = arith.constant 0 : i32
      %dma_wait3A_44 = arith.constant 0 : i32
      %dma_wait3A_45 = tpu.memref_slice %arg11[%dma_wait3A, %dma_wait3A_44] : memref<50x80xi32, #tpu.memory_space<vmem>> -> memref<1x80xi32, #tpu.memory_space<vmem>>
      %dma_wait3A_46 = tpu.memref_squeeze %dma_wait3A_45 : memref<1x80xi32, #tpu.memory_space<vmem>> -> memref<80xi32, #tpu.memory_space<vmem>>
      %dma_wait3A_47 = arith.constant 0 : i32
      %dma_wait3A_48 = arith.constant 0 : i32
      %dma_wait3A_49 = tpu.memref_slice %arg20[%dma_wait3A_47, %dma_wait3A_48] : memref<10000x64xf32, #tpu.memory_space<vmem_shared>> -> memref<10000x64xf32, #tpu.memory_space<vmem_shared>>
      tpu.wait_indirect_dma semaphore(%arg26 : memref<!tpu.dma_semaphore, #tpu.memory_space<semaphore_mem>>) src(%arg14 : memref<80x64xf32, #tpu.memory_space<vmem>>) dst(%dma_wait3A_49 : memref<10000x64xf32, #tpu.memory_space<vmem_shared>>)
      %dma_wait3A_50 = arith.constant 0 : i32
      %dma_wait3A_51 = arith.constant 0 : i32
      %dma_wait3A_52 = tpu.memref_slice %arg11[%dma_wait3A_50, %dma_wait3A_51] : memref<50x80xi32, #tpu.memory_space<vmem>> -> memref<1x80xi32, #tpu.memory_space<vmem>>
      %dma_wait3A_53 = tpu.memref_squeeze %dma_wait3A_52 : memref<1x80xi32, #tpu.memory_space<vmem>> -> memref<80xi32, #tpu.memory_space<vmem>>
      %dma_wait3A_54 = arith.constant 0 : i32
      %dma_wait3A_55 = arith.constant 0 : i32
      %dma_wait3A_56 = tpu.memref_slice %arg21[%dma_wait3A_54, %dma_wait3A_55] : memref<10000x16xf32, #tpu.memory_space<vmem_shared>> -> memref<10000x16xf32, #tpu.memory_space<vmem_shared>>
      tpu.wait_indirect_dma semaphore(%arg27 : memref<!tpu.dma_semaphore, #tpu.memory_space<semaphore_mem>>) src(%arg15 : memref<80x16xf32, #tpu.memory_space<vmem>>) dst(%dma_wait3A_56 : memref<10000x16xf32, #tpu.memory_space<vmem_shared>>)
      %dma_wait3A_57 = arith.constant 0 : i32
      %dma_wait3A_58 = arith.constant 0 : i32
      %dma_wait3A_59 = tpu.memref_slice %arg11[%dma_wait3A_57, %dma_wait3A_58] : memref<50x80xi32, #tpu.memory_space<vmem>> -> memref<1x80xi32, #tpu.memory_space<vmem>>
      %dma_wait3A_60 = tpu.memref_squeeze %dma_wait3A_59 : memref<1x80xi32, #tpu.memory_space<vmem>> -> memref<80xi32, #tpu.memory_space<vmem>>
      %dma_wait3A_61 = arith.constant 0 : i32
      %dma_wait3A_62 = arith.constant 0 : i32
      %dma_wait3A_63 = tpu.memref_slice %arg20[%dma_wait3A_61, %dma_wait3A_62] : memref<10000x64xf32, #tpu.memory_space<vmem_shared>> -> memref<10000x64xf32, #tpu.memory_space<vmem_shared>>
      tpu.wait_indirect_dma semaphore(%arg28 : memref<!tpu.dma_semaphore, #tpu.memory_space<semaphore_mem>>) src(%arg18 : memref<80x64xf32, #tpu.memory_space<vmem>>) dst(%dma_wait3A_63 : memref<10000x64xf32, #tpu.memory_space<vmem_shared>>)
      %dma_wait3A_64 = arith.constant 0 : i32
      %dma_wait3A_65 = arith.constant 0 : i32
      %dma_wait3A_66 = tpu.memref_slice %arg11[%dma_wait3A_64, %dma_wait3A_65] : memref<50x80xi32, #tpu.memory_space<vmem>> -> memref<1x80xi32, #tpu.memory_space<vmem>>
      %dma_wait3A_67 = tpu.memref_squeeze %dma_wait3A_66 : memref<1x80xi32, #tpu.memory_space<vmem>> -> memref<80xi32, #tpu.memory_space<vmem>>
      %dma_wait3A_68 = arith.constant 0 : i32
      %dma_wait3A_69 = arith.constant 0 : i32
      %dma_wait3A_70 = tpu.memref_slice %arg21[%dma_wait3A_68, %dma_wait3A_69] : memref<10000x16xf32, #tpu.memory_space<vmem_shared>> -> memref<10000x16xf32, #tpu.memory_space<vmem_shared>>
      tpu.wait_indirect_dma semaphore(%arg29 : memref<!tpu.dma_semaphore, #tpu.memory_space<semaphore_mem>>) src(%arg19 : memref<80x16xf32, #tpu.memory_space<vmem>>) dst(%dma_wait3A_70 : memref<10000x16xf32, #tpu.memory_space<vmem_shared>>)
    }
    %scan3A_7 = arith.constant 5 : i32
    %barrier3A_8 = arith.constant 0 : index
    tpu.barrier barrier_id(%barrier3A_8)
    "tpu.region"() ({
      %run_scoped3A = tpu.sem_alloc : memref<!tpu.dma_semaphore, #tpu.memory_space<semaphore_mem>>
      %dma_start3A = arith.constant 0 : i32
      %dma_start3A_14 = tpu.memref_slice %arg7[%arg0, %mul3A_0, %dma_start3A] : memref<2x10000x64xf32, #tpu.memory_space<hbm>> -> memref<1x624x64xf32, #tpu.memory_space<hbm>>
      %dma_start3A_15 = tpu.memref_squeeze %dma_start3A_14 : memref<1x624x64xf32, #tpu.memory_space<hbm>> -> memref<624x64xf32, #tpu.memory_space<hbm>>
      %dma_start3A_16 = arith.constant 0 : i32
      %dma_start3A_17 = tpu.memref_slice %arg20[%mul3A_0, %dma_start3A_16] : memref<10000x64xf32, #tpu.memory_space<vmem_shared>> -> memref<624x64xf32, #tpu.memory_space<vmem_shared>>
      tpu.enqueue_dma source(%dma_start3A_17 : memref<624x64xf32, #tpu.memory_space<vmem_shared>>) target(%dma_start3A_15 : memref<624x64xf32, #tpu.memory_space<hbm>>) target_semaphore(%run_scoped3A : memref<!tpu.dma_semaphore, #tpu.memory_space<semaphore_mem>>)
      %dma_wait3A = arith.constant 0 : i32
      %dma_wait3A_18 = tpu.memref_slice %arg7[%arg0, %mul3A_0, %dma_wait3A] : memref<2x10000x64xf32, #tpu.memory_space<hbm>> -> memref<1x624x64xf32, #tpu.memory_space<hbm>>
      %dma_wait3A_19 = tpu.memref_squeeze %dma_wait3A_18 : memref<1x624x64xf32, #tpu.memory_space<hbm>> -> memref<624x64xf32, #tpu.memory_space<hbm>>
      %dma_wait3A_20 = arith.constant 0 : i32
      %dma_wait3A_21 = tpu.memref_slice %arg20[%mul3A_0, %dma_wait3A_20] : memref<10000x64xf32, #tpu.memory_space<vmem_shared>> -> memref<624x64xf32, #tpu.memory_space<vmem_shared>>
      tpu.wait_dma2 semaphore(%run_scoped3A : memref<!tpu.dma_semaphore, #tpu.memory_space<semaphore_mem>>) src(%dma_wait3A_21 : memref<624x64xf32, #tpu.memory_space<vmem_shared>>) dst(%dma_wait3A_19 : memref<624x64xf32, #tpu.memory_space<hbm>>)
      tpu.yield
    }) : () -> ()
    "tpu.region"() ({
      %run_scoped3A = tpu.sem_alloc : memref<!tpu.dma_semaphore, #tpu.memory_space<semaphore_mem>>
      %dma_start3A = arith.constant 0 : i32
      %dma_start3A_14 = tpu.memref_slice %arg8[%arg0, %mul3A_0, %dma_start3A] : memref<2x10000x16xf32, #tpu.memory_space<hbm>> -> memref<1x624x16xf32, #tpu.memory_space<hbm>>
      %dma_start3A_15 = tpu.memref_squeeze %dma_start3A_14 : memref<1x624x16xf32, #tpu.memory_space<hbm>> -> memref<624x16xf32, #tpu.memory_space<hbm>>
      %dma_start3A_16 = arith.constant 0 : i32
      %dma_start3A_17 = tpu.memref_slice %arg21[%mul3A_0, %dma_start3A_16] : memref<10000x16xf32, #tpu.memory_space<vmem_shared>> -> memref<624x16xf32, #tpu.memory_space<vmem_shared>>
      tpu.enqueue_dma source(%dma_start3A_17 : memref<624x16xf32, #tpu.memory_space<vmem_shared>>) target(%dma_start3A_15 : memref<624x16xf32, #tpu.memory_space<hbm>>) target_semaphore(%run_scoped3A : memref<!tpu.dma_semaphore, #tpu.memory_space<semaphore_mem>>)
      %dma_wait3A = arith.constant 0 : i32
      %dma_wait3A_18 = tpu.memref_slice %arg8[%arg0, %mul3A_0, %dma_wait3A] : memref<2x10000x16xf32, #tpu.memory_space<hbm>> -> memref<1x624x16xf32, #tpu.memory_space<hbm>>
      %dma_wait3A_19 = tpu.memref_squeeze %dma_wait3A_18 : memref<1x624x16xf32, #tpu.memory_space<hbm>> -> memref<624x16xf32, #tpu.memory_space<hbm>>
      %dma_wait3A_20 = arith.constant 0 : i32
      %dma_wait3A_21 = tpu.memref_slice %arg21[%mul3A_0, %dma_wait3A_20] : memref<10000x16xf32, #tpu.memory_space<vmem_shared>> -> memref<624x16xf32, #tpu.memory_space<vmem_shared>>
      tpu.wait_dma2 semaphore(%run_scoped3A : memref<!tpu.dma_semaphore, #tpu.memory_space<semaphore_mem>>) src(%dma_wait3A_21 : memref<624x16xf32, #tpu.memory_space<vmem_shared>>) dst(%dma_wait3A_19 : memref<624x16xf32, #tpu.memory_space<hbm>>)
      tpu.yield
    }) : () -> ()
    %eq3A_9 = arith.constant 15 : i32
    %eq3A_10 = arith.cmpi eq, %arg1, %eq3A_9 : i32
    %convert_element_type3A_11 = arith.extui %eq3A_10 : i1 to i32
    %cond3A_12 = arith.constant 0 : i32
    %cond3A_13 = arith.cmpi ne, %convert_element_type3A_11, %cond3A_12 : i32
    scf.if %cond3A_13 {
      "tpu.region"() ({
        %run_scoped3A = tpu.sem_alloc : memref<!tpu.dma_semaphore, #tpu.memory_space<semaphore_mem>>
        %dma_start3A = arith.constant 9984 : i32
        %dma_start3A_14 = arith.constant 0 : i32
        %dma_start3A_15 = tpu.memref_slice %arg7[%arg0, %dma_start3A, %dma_start3A_14] : memref<2x10000x64xf32, #tpu.memory_space<hbm>> -> memref<1x16x64xf32, #tpu.memory_space<hbm>>
        %dma_start3A_16 = tpu.memref_squeeze %dma_start3A_15 : memref<1x16x64xf32, #tpu.memory_space<hbm>> -> memref<16x64xf32, #tpu.memory_space<hbm>>
        %dma_start3A_17 = arith.constant 9984 : i32
        %dma_start3A_18 = arith.constant 0 : i32
        %dma_start3A_19 = tpu.memref_slice %arg20[%dma_start3A_17, %dma_start3A_18] : memref<10000x64xf32, #tpu.memory_space<vmem_shared>> -> memref<16x64xf32, #tpu.memory_space<vmem_shared>>
        tpu.enqueue_dma source(%dma_start3A_19 : memref<16x64xf32, #tpu.memory_space<vmem_shared>>) target(%dma_start3A_16 : memref<16x64xf32, #tpu.memory_space<hbm>>) target_semaphore(%run_scoped3A : memref<!tpu.dma_semaphore, #tpu.memory_space<semaphore_mem>>)
        %dma_wait3A = arith.constant 9984 : i32
        %dma_wait3A_20 = arith.constant 0 : i32
        %dma_wait3A_21 = tpu.memref_slice %arg7[%arg0, %dma_wait3A, %dma_wait3A_20] : memref<2x10000x64xf32, #tpu.memory_space<hbm>> -> memref<1x16x64xf32, #tpu.memory_space<hbm>>
        %dma_wait3A_22 = tpu.memref_squeeze %dma_wait3A_21 : memref<1x16x64xf32, #tpu.memory_space<hbm>> -> memref<16x64xf32, #tpu.memory_space<hbm>>
        %dma_wait3A_23 = arith.constant 9984 : i32
        %dma_wait3A_24 = arith.constant 0 : i32
        %dma_wait3A_25 = tpu.memref_slice %arg20[%dma_wait3A_23, %dma_wait3A_24] : memref<10000x64xf32, #tpu.memory_space<vmem_shared>> -> memref<16x64xf32, #tpu.memory_space<vmem_shared>>
        tpu.wait_dma2 semaphore(%run_scoped3A : memref<!tpu.dma_semaphore, #tpu.memory_space<semaphore_mem>>) src(%dma_wait3A_25 : memref<16x64xf32, #tpu.memory_space<vmem_shared>>) dst(%dma_wait3A_22 : memref<16x64xf32, #tpu.memory_space<hbm>>)
        tpu.yield
      }) : () -> ()
      "tpu.region"() ({
        %run_scoped3A = tpu.sem_alloc : memref<!tpu.dma_semaphore, #tpu.memory_space<semaphore_mem>>
        %dma_start3A = arith.constant 9984 : i32
        %dma_start3A_14 = arith.constant 0 : i32
        %dma_start3A_15 = tpu.memref_slice %arg8[%arg0, %dma_start3A, %dma_start3A_14] : memref<2x10000x16xf32, #tpu.memory_space<hbm>> -> memref<1x16x16xf32, #tpu.memory_space<hbm>>
        %dma_start3A_16 = tpu.memref_squeeze %dma_start3A_15 : memref<1x16x16xf32, #tpu.memory_space<hbm>> -> memref<16x16xf32, #tpu.memory_space<hbm>>
        %dma_start3A_17 = arith.constant 9984 : i32
        %dma_start3A_18 = arith.constant 0 : i32
        %dma_start3A_19 = tpu.memref_slice %arg21[%dma_start3A_17, %dma_start3A_18] : memref<10000x16xf32, #tpu.memory_space<vmem_shared>> -> memref<16x16xf32, #tpu.memory_space<vmem_shared>>
        tpu.enqueue_dma source(%dma_start3A_19 : memref<16x16xf32, #tpu.memory_space<vmem_shared>>) target(%dma_start3A_16 : memref<16x16xf32, #tpu.memory_space<hbm>>) target_semaphore(%run_scoped3A : memref<!tpu.dma_semaphore, #tpu.memory_space<semaphore_mem>>)
        %dma_wait3A = arith.constant 9984 : i32
        %dma_wait3A_20 = arith.constant 0 : i32
        %dma_wait3A_21 = tpu.memref_slice %arg8[%arg0, %dma_wait3A, %dma_wait3A_20] : memref<2x10000x16xf32, #tpu.memory_space<hbm>> -> memref<1x16x16xf32, #tpu.memory_space<hbm>>
        %dma_wait3A_22 = tpu.memref_squeeze %dma_wait3A_21 : memref<1x16x16xf32, #tpu.memory_space<hbm>> -> memref<16x16xf32, #tpu.memory_space<hbm>>
        %dma_wait3A_23 = arith.constant 9984 : i32
        %dma_wait3A_24 = arith.constant 0 : i32
        %dma_wait3A_25 = tpu.memref_slice %arg21[%dma_wait3A_23, %dma_wait3A_24] : memref<10000x16xf32, #tpu.memory_space<vmem_shared>> -> memref<16x16xf32, #tpu.memory_space<vmem_shared>>
        tpu.wait_dma2 semaphore(%run_scoped3A : memref<!tpu.dma_semaphore, #tpu.memory_space<semaphore_mem>>) src(%dma_wait3A_25 : memref<16x16xf32, #tpu.memory_space<vmem_shared>>) dst(%dma_wait3A_22 : memref<16x16xf32, #tpu.memory_space<hbm>>)
        tpu.yield
      }) : () -> ()
    } else {
    }
    return
  }
}

module attributes {stable_mosaic.version = 14 : i64} {
  func.func @_qkv_body(%arg0: i32, %arg1: memref<400x128xf32, #tpu.memory_space<vmem>>, %arg2: memref<128x128xf32, #tpu.memory_space<vmem>>, %arg3: memref<1x128xf32, #tpu.memory_space<vmem>>, %arg4: memref<128x128xf32, #tpu.memory_space<vmem>>, %arg5: memref<1x128xf32, #tpu.memory_space<vmem>>, %arg6: memref<128x128xf32, #tpu.memory_space<vmem>>, %arg7: memref<1x128xf32, #tpu.memory_space<vmem>>, %arg8: memref<400x128xf32, #tpu.memory_space<vmem>>, %arg9: memref<2x400x128xf32, #tpu.memory_space<vmem>>) attributes {dimension_semantics = [#tpu.dimension_semantics<arbitrary>], iteration_bounds = array<i64: 25>, scalar_prefetch = 0 : i64, scratch_operands = 0 : i64, tpu.core_type = #tpu.core_type<tc>, window_params = [{transform_indices = @transform_0, window_bounds = array<i64: 400, 128>}, {pipeline_mode = #tpu.pipeline_mode<synchronous>, transform_indices = @transform_1, window_bounds = array<i64: 128, 128>}, {pipeline_mode = #tpu.pipeline_mode<synchronous>, transform_indices = @transform_2, window_bounds = array<i64: 1, 128>}, {pipeline_mode = #tpu.pipeline_mode<synchronous>, transform_indices = @transform_3, window_bounds = array<i64: 128, 128>}, {pipeline_mode = #tpu.pipeline_mode<synchronous>, transform_indices = @transform_4, window_bounds = array<i64: 1, 128>}, {pipeline_mode = #tpu.pipeline_mode<synchronous>, transform_indices = @transform_5, window_bounds = array<i64: 128, 128>}, {pipeline_mode = #tpu.pipeline_mode<synchronous>, transform_indices = @transform_6, window_bounds = array<i64: 1, 128>}, {transform_indices = @transform_7, window_bounds = array<i64: 400, 128>}, {transform_indices = @transform_8, window_bounds = array<i64: 2, 400, 128>}]} {
    %get3A = arith.constant 0 : index
    %get3A_0 = arith.constant 0 : index
    %get3A_1 = vector.load %arg1[%get3A, %get3A_0] : memref<400x128xf32, #tpu.memory_space<vmem>>, vector<400x128xf32>
    %get3A_2 = arith.constant 0 : index
    %get3A_3 = arith.constant 0 : index
    %get3A_4 = vector.load %arg2[%get3A_2, %get3A_3] : memref<128x128xf32, #tpu.memory_space<vmem>>, vector<128x128xf32>
    %get3A_5 = arith.constant 0 : index
    %get3A_6 = arith.constant 0 : index
    %get3A_7 = vector.load %arg3[%get3A_5, %get3A_6] : memref<1x128xf32, #tpu.memory_space<vmem>>, vector<1x128xf32>
    %get3A_8 = arith.constant 0 : index
    %get3A_9 = arith.constant 0 : index
    %get3A_10 = vector.load %arg4[%get3A_8, %get3A_9] : memref<128x128xf32, #tpu.memory_space<vmem>>, vector<128x128xf32>
    %get3A_11 = arith.constant 0 : index
    %get3A_12 = arith.constant 0 : index
    %get3A_13 = vector.load %arg5[%get3A_11, %get3A_12] : memref<1x128xf32, #tpu.memory_space<vmem>>, vector<1x128xf32>
    %get3A_14 = arith.constant 0 : index
    %get3A_15 = arith.constant 0 : index
    %get3A_16 = vector.load %arg6[%get3A_14, %get3A_15] : memref<128x128xf32, #tpu.memory_space<vmem>>, vector<128x128xf32>
    %get3A_17 = arith.constant 0 : index
    %get3A_18 = arith.constant 0 : index
    %get3A_19 = vector.load %arg7[%get3A_17, %get3A_18] : memref<1x128xf32, #tpu.memory_space<vmem>>, vector<1x128xf32>
    %dot_general3A = arith.constant dense<0.000000e+00> : vector<400x128xf32>
    %dot_general3A_20 = tpu.matmul %get3A_1, %get3A_4, %dot_general3A {dimension_numbers = #tpu.dot_dimension_numbers<[1], [0], [0], [1], [0, 0, 1, 1], [], []>, transpose_lhs_hint = false} : vector<400x128xf32>, vector<128x128xf32>, vector<400x128xf32> -> vector<400x128xf32>
    %add3A = vector.broadcast %get3A_7 : vector<1x128xf32> to vector<400x128xf32>
    %add3A_21 = arith.addf %dot_general3A_20, %add3A : vector<400x128xf32>
    %swap3A = arith.constant 0 : index
    %swap3A_22 = arith.constant 0 : index
    %swap3A_23 = vector.load %arg8[%swap3A, %swap3A_22] : memref<400x128xf32, #tpu.memory_space<vmem>>, vector<400x128xf32>
    tpu.vector_store %arg8[%swap3A, %swap3A_22], %add3A_21 {strides = array<i32>} : memref<400x128xf32, #tpu.memory_space<vmem>>, vector<400x128xf32>,
    %dot_general3A_24 = arith.constant dense<0.000000e+00> : vector<400x128xf32>
    %dot_general3A_25 = tpu.matmul %get3A_1, %get3A_10, %dot_general3A_24 {dimension_numbers = #tpu.dot_dimension_numbers<[1], [0], [0], [1], [0, 0, 1, 1], [], []>, transpose_lhs_hint = false} : vector<400x128xf32>, vector<128x128xf32>, vector<400x128xf32> -> vector<400x128xf32>
    %add3A_26 = vector.broadcast %get3A_13 : vector<1x128xf32> to vector<400x128xf32>
    %add3A_27 = arith.addf %dot_general3A_25, %add3A_26 : vector<400x128xf32>
    %dot_general3A_28 = arith.constant dense<0.000000e+00> : vector<400x128xf32>
    %dot_general3A_29 = tpu.matmul %get3A_1, %get3A_16, %dot_general3A_28 {dimension_numbers = #tpu.dot_dimension_numbers<[1], [0], [0], [1], [0, 0, 1, 1], [], []>, transpose_lhs_hint = false} : vector<400x128xf32>, vector<128x128xf32>, vector<400x128xf32> -> vector<400x128xf32>
    %add3A_30 = vector.broadcast %get3A_19 : vector<1x128xf32> to vector<400x128xf32>
    %add3A_31 = arith.addf %dot_general3A_29, %add3A_30 : vector<400x128xf32>
    %slice3A = vector.extract_strided_slice %add3A_27 {offsets = [0, 0], sizes = [400, 64], strides = [1, 1]} : vector<400x128xf32> to vector<400x64xf32>
    %slice3A_32 = vector.extract_strided_slice %add3A_31 {offsets = [0, 0], sizes = [400, 64], strides = [1, 1]} : vector<400x128xf32> to vector<400x64xf32>
    %concatenate3A = tpu.concatenate %slice3A, %slice3A_32 in 1 : vector<400x64xf32>, vector<400x64xf32> -> vector<400x128xf32>
    %swap3A_33 = arith.constant 0 : index
    %swap3A_34 = arith.constant 0 : index
    %swap3A_35 = arith.constant 0 : index
    %swap3A_36 = vector.load %arg9[%swap3A_33, %swap3A_34, %swap3A_35] : memref<2x400x128xf32, #tpu.memory_space<vmem>>, vector<1x400x128xf32>
    %swap3A_37 = vector.shape_cast %swap3A_36 : vector<1x400x128xf32> to vector<400x128xf32>
    %swap3A_38 = vector.shape_cast %concatenate3A : vector<400x128xf32> to vector<1x400x128xf32>
    tpu.vector_store %arg9[%swap3A_33, %swap3A_34, %swap3A_35], %swap3A_38 {strides = array<i32>} : memref<2x400x128xf32, #tpu.memory_space<vmem>>, vector<1x400x128xf32>,
    %slice3A_39 = vector.extract_strided_slice %add3A_27 {offsets = [0, 64], sizes = [400, 64], strides = [1, 1]} : vector<400x128xf32> to vector<400x64xf32>
    %slice3A_40 = vector.extract_strided_slice %add3A_31 {offsets = [0, 64], sizes = [400, 64], strides = [1, 1]} : vector<400x128xf32> to vector<400x64xf32>
    %concatenate3A_41 = tpu.concatenate %slice3A_39, %slice3A_40 in 1 : vector<400x64xf32>, vector<400x64xf32> -> vector<400x128xf32>
    %swap3A_42 = arith.constant 1 : index
    %swap3A_43 = arith.constant 0 : index
    %swap3A_44 = arith.constant 0 : index
    %swap3A_45 = vector.load %arg9[%swap3A_42, %swap3A_43, %swap3A_44] : memref<2x400x128xf32, #tpu.memory_space<vmem>>, vector<1x400x128xf32>
    %swap3A_46 = vector.shape_cast %swap3A_45 : vector<1x400x128xf32> to vector<400x128xf32>
    %swap3A_47 = vector.shape_cast %concatenate3A_41 : vector<400x128xf32> to vector<1x400x128xf32>
    tpu.vector_store %arg9[%swap3A_42, %swap3A_43, %swap3A_44], %swap3A_47 {strides = array<i32>} : memref<2x400x128xf32, #tpu.memory_space<vmem>>, vector<1x400x128xf32>,
    return
  }
  func.func @transform_0(%arg0: i32) -> (i32, i32) {
    %c0_i32 = arith.constant 0 : i32
    %c0_i32_0 = arith.constant 0 : i32
    return %arg0, %c0_i32 : i32, i32
  }
  func.func @transform_1(%arg0: i32) -> (i32, i32) {
    %c0_i32 = arith.constant 0 : i32
    %c0_i32_0 = arith.constant 0 : i32
    %c0_i32_1 = arith.constant 0 : i32
    return %c0_i32, %c0_i32_0 : i32, i32
  }
  func.func @transform_2(%arg0: i32) -> (i32, i32) {
    %c0_i32 = arith.constant 0 : i32
    %c0_i32_0 = arith.constant 0 : i32
    %c0_i32_1 = arith.constant 0 : i32
    return %c0_i32, %c0_i32_0 : i32, i32
  }
  func.func @transform_3(%arg0: i32) -> (i32, i32) {
    %c0_i32 = arith.constant 0 : i32
    %c0_i32_0 = arith.constant 0 : i32
    %c0_i32_1 = arith.constant 0 : i32
    return %c0_i32, %c0_i32_0 : i32, i32
  }
  func.func @transform_4(%arg0: i32) -> (i32, i32) {
    %c0_i32 = arith.constant 0 : i32
    %c0_i32_0 = arith.constant 0 : i32
    %c0_i32_1 = arith.constant 0 : i32
    return %c0_i32, %c0_i32_0 : i32, i32
  }
  func.func @transform_5(%arg0: i32) -> (i32, i32) {
    %c0_i32 = arith.constant 0 : i32
    %c0_i32_0 = arith.constant 0 : i32
    %c0_i32_1 = arith.constant 0 : i32
    return %c0_i32, %c0_i32_0 : i32, i32
  }
  func.func @transform_6(%arg0: i32) -> (i32, i32) {
    %c0_i32 = arith.constant 0 : i32
    %c0_i32_0 = arith.constant 0 : i32
    %c0_i32_1 = arith.constant 0 : i32
    return %c0_i32, %c0_i32_0 : i32, i32
  }
  func.func @transform_7(%arg0: i32) -> (i32, i32) {
    %c0_i32 = arith.constant 0 : i32
    %c0_i32_0 = arith.constant 0 : i32
    return %arg0, %c0_i32 : i32, i32
  }
  func.func @transform_8(%arg0: i32) -> (i32, i32, i32) {
    %c0_i32 = arith.constant 0 : i32
    %c0_i32_0 = arith.constant 0 : i32
    %c0_i32_1 = arith.constant 0 : i32
    return %c0_i32, %arg0, %c0_i32_0 : i32, i32, i32
  }
}

module attributes {stable_mosaic.version = 14 : i64} {
  func.func @_mid_body(%arg0: i32, %arg1: memref<400x128xf32, #tpu.memory_space<vmem>>, %arg2: memref<2x400x64xf32, #tpu.memory_space<vmem>>, %arg3: memref<2x400x16xf32, #tpu.memory_space<vmem>>, %arg4: memref<128x128xf32, #tpu.memory_space<vmem>>, %arg5: memref<1x128xf32, #tpu.memory_space<vmem>>, %arg6: memref<1x128xf32, #tpu.memory_space<vmem>>, %arg7: memref<1x128xf32, #tpu.memory_space<vmem>>, %arg8: memref<128x256xf32, #tpu.memory_space<vmem>>, %arg9: memref<1x256xf32, #tpu.memory_space<vmem>>, %arg10: memref<256x128xf32, #tpu.memory_space<vmem>>, %arg11: memref<1x128xf32, #tpu.memory_space<vmem>>, %arg12: memref<1x128xf32, #tpu.memory_space<vmem>>, %arg13: memref<1x128xf32, #tpu.memory_space<vmem>>, %arg14: memref<128x128xf32, #tpu.memory_space<vmem>>, %arg15: memref<1x128xf32, #tpu.memory_space<vmem>>, %arg16: memref<128x128xf32, #tpu.memory_space<vmem>>, %arg17: memref<1x128xf32, #tpu.memory_space<vmem>>, %arg18: memref<128x128xf32, #tpu.memory_space<vmem>>, %arg19: memref<1x128xf32, #tpu.memory_space<vmem>>, %arg20: memref<400x128xf32, #tpu.memory_space<vmem>>, %arg21: memref<400x128xf32, #tpu.memory_space<vmem>>, %arg22: memref<2x400x128xf32, #tpu.memory_space<vmem>>) attributes {dimension_semantics = [#tpu.dimension_semantics<arbitrary>], iteration_bounds = array<i64: 25>, scalar_prefetch = 0 : i64, scratch_operands = 0 : i64, tpu.core_type = #tpu.core_type<tc>, window_params = [{transform_indices = @transform_0, window_bounds = array<i64: 400, 128>}, {transform_indices = @transform_1, window_bounds = array<i64: 2, 400, 64>}, {transform_indices = @transform_2, window_bounds = array<i64: 2, 400, 16>}, {pipeline_mode = #tpu.pipeline_mode<synchronous>, transform_indices = @transform_3, window_bounds = array<i64: 128, 128>}, {pipeline_mode = #tpu.pipeline_mode<synchronous>, transform_indices = @transform_4, window_bounds = array<i64: 1, 128>}, {pipeline_mode = #tpu.pipeline_mode<synchronous>, transform_indices = @transform_5, window_bounds = array<i64: 1, 128>}, {pipeline_mode = #tpu.pipeline_mode<synchronous>, transform_indices = @transform_6, window_bounds = array<i64: 1, 128>}, {pipeline_mode = #tpu.pipeline_mode<synchronous>, transform_indices = @transform_7, window_bounds = array<i64: 128, 256>}, {pipeline_mode = #tpu.pipeline_mode<synchronous>, transform_indices = @transform_8, window_bounds = array<i64: 1, 256>}, {pipeline_mode = #tpu.pipeline_mode<synchronous>, transform_indices = @transform_9, window_bounds = array<i64: 256, 128>}, {pipeline_mode = #tpu.pipeline_mode<synchronous>, transform_indices = @transform_10, window_bounds = array<i64: 1, 128>}, {pipeline_mode = #tpu.pipeline_mode<synchronous>, transform_indices = @transform_11, window_bounds = array<i64: 1, 128>}, {pipeline_mode = #tpu.pipeline_mode<synchronous>, transform_indices = @transform_12, window_bounds = array<i64: 1, 128>}, {pipeline_mode = #tpu.pipeline_mode<synchronous>, transform_indices = @transform_13, window_bounds = array<i64: 128, 128>}, {pipeline_mode = #tpu.pipeline_mode<synchronous>, transform_indices = @transform_14, window_bounds = array<i64: 1, 128>}, {pipeline_mode = #tpu.pipeline_mode<synchronous>, transform_indices = @transform_15, window_bounds = array<i64: 128, 128>}, {pipeline_mode = #tpu.pipeline_mode<synchronous>, transform_indices = @transform_16, window_bounds = array<i64: 1, 128>}, {pipeline_mode = #tpu.pipeline_mode<synchronous>, transform_indices = @transform_17, window_bounds = array<i64: 128, 128>}, {pipeline_mode = #tpu.pipeline_mode<synchronous>, transform_indices = @transform_18, window_bounds = array<i64: 1, 128>}, {transform_indices = @transform_19, window_bounds = array<i64: 400, 128>}, {transform_indices = @transform_20, window_bounds = array<i64: 400, 128>}, {transform_indices = @transform_21, window_bounds = array<i64: 2, 400, 128>}]} {
    %get3A = arith.constant 0 : index
    %get3A_0 = arith.constant 0 : index
    %get3A_1 = vector.load %arg1[%get3A, %get3A_0] : memref<400x128xf32, #tpu.memory_space<vmem>>, vector<400x128xf32>
    %get3A_2 = arith.constant 0 : index
    %get3A_3 = arith.constant 0 : index
    %get3A_4 = vector.load %arg4[%get3A_2, %get3A_3] : memref<128x128xf32, #tpu.memory_space<vmem>>, vector<128x128xf32>
    %get3A_5 = arith.constant 0 : index
    %get3A_6 = arith.constant 0 : index
    %get3A_7 = vector.load %arg5[%get3A_5, %get3A_6] : memref<1x128xf32, #tpu.memory_space<vmem>>, vector<1x128xf32>
    %get3A_8 = arith.constant 0 : index
    %get3A_9 = arith.constant 0 : index
    %get3A_10 = vector.load %arg6[%get3A_8, %get3A_9] : memref<1x128xf32, #tpu.memory_space<vmem>>, vector<1x128xf32>
    %get3A_11 = arith.constant 0 : index
    %get3A_12 = arith.constant 0 : index
    %get3A_13 = vector.load %arg7[%get3A_11, %get3A_12] : memref<1x128xf32, #tpu.memory_space<vmem>>, vector<1x128xf32>
    %get3A_14 = arith.constant 0 : index
    %get3A_15 = arith.constant 0 : index
    %get3A_16 = vector.load %arg8[%get3A_14, %get3A_15] : memref<128x256xf32, #tpu.memory_space<vmem>>, vector<128x256xf32>
    %get3A_17 = arith.constant 0 : index
    %get3A_18 = arith.constant 0 : index
    %get3A_19 = vector.load %arg9[%get3A_17, %get3A_18] : memref<1x256xf32, #tpu.memory_space<vmem>>, vector<1x256xf32>
    %get3A_20 = arith.constant 0 : index
    %get3A_21 = arith.constant 0 : index
    %get3A_22 = vector.load %arg10[%get3A_20, %get3A_21] : memref<256x128xf32, #tpu.memory_space<vmem>>, vector<256x128xf32>
    %get3A_23 = arith.constant 0 : index
    %get3A_24 = arith.constant 0 : index
    %get3A_25 = vector.load %arg11[%get3A_23, %get3A_24] : memref<1x128xf32, #tpu.memory_space<vmem>>, vector<1x128xf32>
    %get3A_26 = arith.constant 0 : index
    %get3A_27 = arith.constant 0 : index
    %get3A_28 = vector.load %arg12[%get3A_26, %get3A_27] : memref<1x128xf32, #tpu.memory_space<vmem>>, vector<1x128xf32>
    %get3A_29 = arith.constant 0 : index
    %get3A_30 = arith.constant 0 : index
    %get3A_31 = vector.load %arg13[%get3A_29, %get3A_30] : memref<1x128xf32, #tpu.memory_space<vmem>>, vector<1x128xf32>
    %get3A_32 = arith.constant 0 : index
    %get3A_33 = arith.constant 0 : index
    %get3A_34 = arith.constant 0 : index
    %get3A_35 = vector.load %arg2[%get3A_32, %get3A_33, %get3A_34] : memref<2x400x64xf32, #tpu.memory_space<vmem>>, vector<1x400x64xf32>
    %get3A_36 = vector.shape_cast %get3A_35 : vector<1x400x64xf32> to vector<400x64xf32>
    %get3A_37 = arith.constant 1 : index
    %get3A_38 = arith.constant 0 : index
    %get3A_39 = arith.constant 0 : index
    %get3A_40 = vector.load %arg2[%get3A_37, %get3A_38, %get3A_39] : memref<2x400x64xf32, #tpu.memory_space<vmem>>, vector<1x400x64xf32>
    %get3A_41 = vector.shape_cast %get3A_40 : vector<1x400x64xf32> to vector<400x64xf32>
    %concatenate3A = tpu.concatenate %get3A_36, %get3A_41 in 1 : vector<400x64xf32>, vector<400x64xf32> -> vector<400x128xf32>
    %get3A_42 = arith.constant 0 : index
    %get3A_43 = arith.constant 0 : index
    %get3A_44 = arith.constant 0 : index
    %get3A_45 = vector.load %arg3[%get3A_42, %get3A_43, %get3A_44] : memref<2x400x16xf32, #tpu.memory_space<vmem>>, vector<1x400x16xf32>
    %get3A_46 = vector.shape_cast %get3A_45 : vector<1x400x16xf32> to vector<400x16xf32>
    %get3A_47 = arith.constant 1 : index
    %get3A_48 = arith.constant 0 : index
    %get3A_49 = arith.constant 0 : index
    %get3A_50 = vector.load %arg3[%get3A_47, %get3A_48, %get3A_49] : memref<2x400x16xf32, #tpu.memory_space<vmem>>, vector<1x400x16xf32>
    %get3A_51 = vector.shape_cast %get3A_50 : vector<1x400x16xf32> to vector<400x16xf32>
    %add3A = arith.addf %get3A_46, %get3A_51 : vector<400x16xf32>
    %iota3A = tpu.iota {dimensions = array<i32: 0>} : vector<16x128xi32>
    %iota3A_52 = tpu.iota {dimensions = array<i32: 1>} : vector<16x128xi32>
    %jit3A = arith.constant 16 : i32
    %div3A = vector.broadcast %jit3A : i32 to vector<16x128xi32>
    %div3A_53 = arith.divsi %iota3A_52, %div3A : vector<16x128xi32>
    %sign3A = arith.constant 0 : i32
    %sign3A_54 = vector.broadcast %sign3A : i32 to vector<16x128xi32>
    %sign3A_55 = arith.cmpi sgt, %iota3A_52, %sign3A_54 : vector<16x128xi32>
    %sign3A_56 = arith.extui %sign3A_55 : vector<16x128xi1> to vector<16x128xi32>
    %sign3A_57 = arith.constant 0 : i32
    %sign3A_58 = vector.broadcast %sign3A_57 : i32 to vector<16x128xi32>
    %sign3A_59 = arith.cmpi slt, %iota3A_52, %sign3A_58 : vector<16x128xi32>
    %sign3A_60 = arith.extui %sign3A_59 : vector<16x128xi1> to vector<16x128xi32>
    %sign3A_61 = arith.subi %sign3A_56, %sign3A_60 : vector<16x128xi32>
    %sign3A_62 = arith.constant 0 : i32
    %sign3A_63 = arith.cmpi sgt, %jit3A, %sign3A_62 : i32
    %sign3A_64 = arith.extui %sign3A_63 : i1 to i32
    %sign3A_65 = arith.constant 0 : i32
    %sign3A_66 = arith.cmpi slt, %jit3A, %sign3A_65 : i32
    %sign3A_67 = arith.extui %sign3A_66 : i1 to i32
    %sign3A_68 = arith.subi %sign3A_64, %sign3A_67 : i32
    %ne3A = vector.broadcast %sign3A_68 : i32 to vector<16x128xi32>
    %ne3A_69 = arith.cmpi ne, %sign3A_61, %ne3A : vector<16x128xi32>
    %rem3A = vector.broadcast %jit3A : i32 to vector<16x128xi32>
    %rem3A_70 = arith.remsi %iota3A_52, %rem3A : vector<16x128xi32>
    %ne3A_71 = arith.constant 0 : i32
    %ne3A_72 = vector.broadcast %ne3A_71 : i32 to vector<16x128xi32>
    %ne3A_73 = arith.cmpi ne, %rem3A_70, %ne3A_72 : vector<16x128xi32>
    %and3A = arith.andi %ne3A_69, %ne3A_73 : vector<16x128xi1>
    %sub3A = arith.constant 1 : i32
    %sub3A_74 = vector.broadcast %sub3A : i32 to vector<16x128xi32>
    %sub3A_75 = arith.subi %div3A_53, %sub3A_74 : vector<16x128xi32>
    %select_n3A = arith.select %and3A, %sub3A_75, %div3A_53 : vector<16x128xi1>, vector<16x128xi32>
    %eq3A = arith.cmpi eq, %select_n3A, %iota3A : vector<16x128xi32>
    %convert_element_type3A = arith.extui %eq3A : vector<16x128xi1> to vector<16x128xi32>
    %convert_element_type3A_76 = arith.sitofp %convert_element_type3A : vector<16x128xi32> to vector<16x128xf32>
    %dot_general3A = arith.constant dense<0.000000e+00> : vector<400x128xf32>
    %dot_general3A_77 = tpu.matmul %add3A, %convert_element_type3A_76, %dot_general3A {dimension_numbers = #tpu.dot_dimension_numbers<[1], [0], [0], [1], [0, 0, 1, 1], [], []>, transpose_lhs_hint = false} : vector<400x16xf32>, vector<16x128xf32>, vector<400x128xf32> -> vector<400x128xf32>
    %add3A_78 = arith.constant 9.99999971E-10 : f32
    %add3A_79 = vector.broadcast %add3A_78 : f32 to vector<400x128xf32>
    %add3A_80 = arith.addf %dot_general3A_77, %add3A_79 : vector<400x128xf32>
    %div3A_81 = arith.divf %concatenate3A, %add3A_80 : vector<400x128xf32>
    %dot_general3A_82 = arith.constant dense<0.000000e+00> : vector<400x128xf32>
    %dot_general3A_83 = tpu.matmul %div3A_81, %get3A_4, %dot_general3A_82 {dimension_numbers = #tpu.dot_dimension_numbers<[1], [0], [0], [1], [0, 0, 1, 1], [], []>, transpose_lhs_hint = false} : vector<400x128xf32>, vector<128x128xf32>, vector<400x128xf32> -> vector<400x128xf32>
    %add3A_84 = vector.broadcast %get3A_7 : vector<1x128xf32> to vector<400x128xf32>
    %add3A_85 = arith.addf %dot_general3A_83, %add3A_84 : vector<400x128xf32>
    %add3A_86 = arith.addf %add3A_85, %get3A_1 : vector<400x128xf32>
    %reduce_sum3A = arith.constant dense<0.000000e+00> : vector<400xf32>
    %reduce_sum3A_87 = vector.multi_reduction <add>, %add3A_86, %reduce_sum3A [1] : vector<400x128xf32> to vector<400xf32>
    %broadcast_in_dim3A = vector.shape_cast %reduce_sum3A_87 : vector<400xf32> to vector<400x1xf32>
    %div3A_88 = arith.constant 1.280000e+02 : f32
    %div3A_89 = vector.broadcast %div3A_88 : f32 to vector<400x1xf32>
    %div3A_90 = arith.divf %broadcast_in_dim3A, %div3A_89 : vector<400x1xf32>
    %sub3A_91 = vector.broadcast %div3A_90 : vector<400x1xf32> to vector<400x128xf32>
    %sub3A_92 = arith.subf %add3A_86, %sub3A_91 : vector<400x128xf32>
    %integer_pow3A = arith.mulf %sub3A_92, %sub3A_92 : vector<400x128xf32>
    %reduce_sum3A_93 = arith.constant dense<0.000000e+00> : vector<400xf32>
    %reduce_sum3A_94 = vector.multi_reduction <add>, %integer_pow3A, %reduce_sum3A_93 [1] : vector<400x128xf32> to vector<400xf32>
    %broadcast_in_dim3A_95 = vector.shape_cast %reduce_sum3A_94 : vector<400xf32> to vector<400x1xf32>
    %div3A_96 = arith.constant 1.280000e+02 : f32
    %div3A_97 = vector.broadcast %div3A_96 : f32 to vector<400x1xf32>
    %div3A_98 = arith.divf %broadcast_in_dim3A_95, %div3A_97 : vector<400x1xf32>
    %sub3A_99 = vector.broadcast %div3A_90 : vector<400x1xf32> to vector<400x128xf32>
    %sub3A_100 = arith.subf %add3A_86, %sub3A_99 : vector<400x128xf32>
    %add3A_101 = arith.constant 9.99999974E-6 : f32
    %add3A_102 = vector.broadcast %add3A_101 : f32 to vector<400x1xf32>
    %add3A_103 = arith.addf %div3A_98, %add3A_102 : vector<400x1xf32>
    %rsqrt3A = math.rsqrt %add3A_103 : vector<400x1xf32>
    %mul3A = vector.broadcast %rsqrt3A : vector<400x1xf32> to vector<400x128xf32>
    %mul3A_104 = arith.mulf %sub3A_100, %mul3A : vector<400x128xf32>
    %mul3A_105 = vector.broadcast %get3A_10 : vector<1x128xf32> to vector<400x128xf32>
    %mul3A_106 = arith.mulf %mul3A_104, %mul3A_105 : vector<400x128xf32>
    %add3A_107 = vector.broadcast %get3A_13 : vector<1x128xf32> to vector<400x128xf32>
    %add3A_108 = arith.addf %mul3A_106, %add3A_107 : vector<400x128xf32>
    %dot_general3A_109 = arith.constant dense<0.000000e+00> : vector<400x256xf32>
    %dot_general3A_110 = tpu.matmul %add3A_108, %get3A_16, %dot_general3A_109 {dimension_numbers = #tpu.dot_dimension_numbers<[1], [0], [0], [1], [0, 0, 1, 1], [], []>, transpose_lhs_hint = false} : vector<400x128xf32>, vector<128x256xf32>, vector<400x256xf32> -> vector<400x256xf32>
    %add3A_111 = vector.broadcast %get3A_19 : vector<1x256xf32> to vector<400x256xf32>
    %add3A_112 = arith.addf %dot_general3A_110, %add3A_111 : vector<400x256xf32>
    %max3A = arith.constant 0.000000e+00 : f32
    %max3A_113 = vector.broadcast %max3A : f32 to vector<400x256xf32>
    %max3A_114 = arith.maximumf %add3A_112, %max3A_113 : vector<400x256xf32>
    %dot_general3A_115 = arith.constant dense<0.000000e+00> : vector<400x128xf32>
    %dot_general3A_116 = tpu.matmul %max3A_114, %get3A_22, %dot_general3A_115 {dimension_numbers = #tpu.dot_dimension_numbers<[1], [0], [0], [1], [0, 0, 1, 1], [], []>, transpose_lhs_hint = false} : vector<400x256xf32>, vector<256x128xf32>, vector<400x128xf32> -> vector<400x128xf32>
    %add3A_117 = vector.broadcast %get3A_25 : vector<1x128xf32> to vector<400x128xf32>
    %add3A_118 = arith.addf %dot_general3A_116, %add3A_117 : vector<400x128xf32>
    %add3A_119 = arith.addf %add3A_108, %add3A_118 : vector<400x128xf32>
    %reduce_sum3A_120 = arith.constant dense<0.000000e+00> : vector<400xf32>
    %reduce_sum3A_121 = vector.multi_reduction <add>, %add3A_119, %reduce_sum3A_120 [1] : vector<400x128xf32> to vector<400xf32>
    %broadcast_in_dim3A_122 = vector.shape_cast %reduce_sum3A_121 : vector<400xf32> to vector<400x1xf32>
    %div3A_123 = arith.constant 1.280000e+02 : f32
    %div3A_124 = vector.broadcast %div3A_123 : f32 to vector<400x1xf32>
    %div3A_125 = arith.divf %broadcast_in_dim3A_122, %div3A_124 : vector<400x1xf32>
    %sub3A_126 = vector.broadcast %div3A_125 : vector<400x1xf32> to vector<400x128xf32>
    %sub3A_127 = arith.subf %add3A_119, %sub3A_126 : vector<400x128xf32>
    %integer_pow3A_128 = arith.mulf %sub3A_127, %sub3A_127 : vector<400x128xf32>
    %reduce_sum3A_129 = arith.constant dense<0.000000e+00> : vector<400xf32>
    %reduce_sum3A_130 = vector.multi_reduction <add>, %integer_pow3A_128, %reduce_sum3A_129 [1] : vector<400x128xf32> to vector<400xf32>
    %broadcast_in_dim3A_131 = vector.shape_cast %reduce_sum3A_130 : vector<400xf32> to vector<400x1xf32>
    %div3A_132 = arith.constant 1.280000e+02 : f32
    %div3A_133 = vector.broadcast %div3A_132 : f32 to vector<400x1xf32>
    %div3A_134 = arith.divf %broadcast_in_dim3A_131, %div3A_133 : vector<400x1xf32>
    %sub3A_135 = vector.broadcast %div3A_125 : vector<400x1xf32> to vector<400x128xf32>
    %sub3A_136 = arith.subf %add3A_119, %sub3A_135 : vector<400x128xf32>
    %add3A_137 = arith.constant 9.99999974E-6 : f32
    %add3A_138 = vector.broadcast %add3A_137 : f32 to vector<400x1xf32>
    %add3A_139 = arith.addf %div3A_134, %add3A_138 : vector<400x1xf32>
    %rsqrt3A_140 = math.rsqrt %add3A_139 : vector<400x1xf32>
    %mul3A_141 = vector.broadcast %rsqrt3A_140 : vector<400x1xf32> to vector<400x128xf32>
    %mul3A_142 = arith.mulf %sub3A_136, %mul3A_141 : vector<400x128xf32>
    %mul3A_143 = vector.broadcast %get3A_28 : vector<1x128xf32> to vector<400x128xf32>
    %mul3A_144 = arith.mulf %mul3A_142, %mul3A_143 : vector<400x128xf32>
    %add3A_145 = vector.broadcast %get3A_31 : vector<1x128xf32> to vector<400x128xf32>
    %add3A_146 = arith.addf %mul3A_144, %add3A_145 : vector<400x128xf32>
    %swap3A = arith.constant 0 : index
    %swap3A_147 = arith.constant 0 : index
    %swap3A_148 = vector.load %arg20[%swap3A, %swap3A_147] : memref<400x128xf32, #tpu.memory_space<vmem>>, vector<400x128xf32>
    tpu.vector_store %arg20[%swap3A, %swap3A_147], %add3A_146 {strides = array<i32>} : memref<400x128xf32, #tpu.memory_space<vmem>>, vector<400x128xf32>,
    %get3A_149 = arith.constant 0 : index
    %get3A_150 = arith.constant 0 : index
    %get3A_151 = vector.load %arg14[%get3A_149, %get3A_150] : memref<128x128xf32, #tpu.memory_space<vmem>>, vector<128x128xf32>
    %get3A_152 = arith.constant 0 : index
    %get3A_153 = arith.constant 0 : index
    %get3A_154 = vector.load %arg15[%get3A_152, %get3A_153] : memref<1x128xf32, #tpu.memory_space<vmem>>, vector<1x128xf32>
    %get3A_155 = arith.constant 0 : index
    %get3A_156 = arith.constant 0 : index
    %get3A_157 = vector.load %arg16[%get3A_155, %get3A_156] : memref<128x128xf32, #tpu.memory_space<vmem>>, vector<128x128xf32>
    %get3A_158 = arith.constant 0 : index
    %get3A_159 = arith.constant 0 : index
    %get3A_160 = vector.load %arg17[%get3A_158, %get3A_159] : memref<1x128xf32, #tpu.memory_space<vmem>>, vector<1x128xf32>
    %get3A_161 = arith.constant 0 : index
    %get3A_162 = arith.constant 0 : index
    %get3A_163 = vector.load %arg18[%get3A_161, %get3A_162] : memref<128x128xf32, #tpu.memory_space<vmem>>, vector<128x128xf32>
    %get3A_164 = arith.constant 0 : index
    %get3A_165 = arith.constant 0 : index
    %get3A_166 = vector.load %arg19[%get3A_164, %get3A_165] : memref<1x128xf32, #tpu.memory_space<vmem>>, vector<1x128xf32>
    %dot_general3A_167 = arith.constant dense<0.000000e+00> : vector<400x128xf32>
    %dot_general3A_168 = tpu.matmul %add3A_146, %get3A_151, %dot_general3A_167 {dimension_numbers = #tpu.dot_dimension_numbers<[1], [0], [0], [1], [0, 0, 1, 1], [], []>, transpose_lhs_hint = false} : vector<400x128xf32>, vector<128x128xf32>, vector<400x128xf32> -> vector<400x128xf32>
    %add3A_169 = vector.broadcast %get3A_154 : vector<1x128xf32> to vector<400x128xf32>
    %add3A_170 = arith.addf %dot_general3A_168, %add3A_169 : vector<400x128xf32>
    %swap3A_171 = arith.constant 0 : index
    %swap3A_172 = arith.constant 0 : index
    %swap3A_173 = vector.load %arg21[%swap3A_171, %swap3A_172] : memref<400x128xf32, #tpu.memory_space<vmem>>, vector<400x128xf32>
    tpu.vector_store %arg21[%swap3A_171, %swap3A_172], %add3A_170 {strides = array<i32>} : memref<400x128xf32, #tpu.memory_space<vmem>>, vector<400x128xf32>,
    %dot_general3A_174 = arith.constant dense<0.000000e+00> : vector<400x128xf32>
    %dot_general3A_175 = tpu.matmul %add3A_146, %get3A_157, %dot_general3A_174 {dimension_numbers = #tpu.dot_dimension_numbers<[1], [0], [0], [1], [0, 0, 1, 1], [], []>, transpose_lhs_hint = false} : vector<400x128xf32>, vector<128x128xf32>, vector<400x128xf32> -> vector<400x128xf32>
    %add3A_176 = vector.broadcast %get3A_160 : vector<1x128xf32> to vector<400x128xf32>
    %add3A_177 = arith.addf %dot_general3A_175, %add3A_176 : vector<400x128xf32>
    %dot_general3A_178 = arith.constant dense<0.000000e+00> : vector<400x128xf32>
    %dot_general3A_179 = tpu.matmul %add3A_146, %get3A_163, %dot_general3A_178 {dimension_numbers = #tpu.dot_dimension_numbers<[1], [0], [0], [1], [0, 0, 1, 1], [], []>, transpose_lhs_hint = false} : vector<400x128xf32>, vector<128x128xf32>, vector<400x128xf32> -> vector<400x128xf32>
    %add3A_180 = vector.broadcast %get3A_166 : vector<1x128xf32> to vector<400x128xf32>
    %add3A_181 = arith.addf %dot_general3A_179, %add3A_180 : vector<400x128xf32>
    %slice3A = vector.extract_strided_slice %add3A_177 {offsets = [0, 0], sizes = [400, 64], strides = [1, 1]} : vector<400x128xf32> to vector<400x64xf32>
    %slice3A_182 = vector.extract_strided_slice %add3A_181 {offsets = [0, 0], sizes = [400, 64], strides = [1, 1]} : vector<400x128xf32> to vector<400x64xf32>
    %concatenate3A_183 = tpu.concatenate %slice3A, %slice3A_182 in 1 : vector<400x64xf32>, vector<400x64xf32> -> vector<400x128xf32>
    %swap3A_184 = arith.constant 0 : index
    %swap3A_185 = arith.constant 0 : index
    %swap3A_186 = arith.constant 0 : index
    %swap3A_187 = vector.load %arg22[%swap3A_184, %swap3A_185, %swap3A_186] : memref<2x400x128xf32, #tpu.memory_space<vmem>>, vector<1x400x128xf32>
    %swap3A_188 = vector.shape_cast %swap3A_187 : vector<1x400x128xf32> to vector<400x128xf32>
    %swap3A_189 = vector.shape_cast %concatenate3A_183 : vector<400x128xf32> to vector<1x400x128xf32>
    tpu.vector_store %arg22[%swap3A_184, %swap3A_185, %swap3A_186], %swap3A_189 {strides = array<i32>} : memref<2x400x128xf32, #tpu.memory_space<vmem>>, vector<1x400x128xf32>,
    %slice3A_190 = vector.extract_strided_slice %add3A_177 {offsets = [0, 64], sizes = [400, 64], strides = [1, 1]} : vector<400x128xf32> to vector<400x64xf32>
    %slice3A_191 = vector.extract_strided_slice %add3A_181 {offsets = [0, 64], sizes = [400, 64], strides = [1, 1]} : vector<400x128xf32> to vector<400x64xf32>
    %concatenate3A_192 = tpu.concatenate %slice3A_190, %slice3A_191 in 1 : vector<400x64xf32>, vector<400x64xf32> -> vector<400x128xf32>
    %swap3A_193 = arith.constant 1 : index
    %swap3A_194 = arith.constant 0 : index
    %swap3A_195 = arith.constant 0 : index
    %swap3A_196 = vector.load %arg22[%swap3A_193, %swap3A_194, %swap3A_195] : memref<2x400x128xf32, #tpu.memory_space<vmem>>, vector<1x400x128xf32>
    %swap3A_197 = vector.shape_cast %swap3A_196 : vector<1x400x128xf32> to vector<400x128xf32>
    %swap3A_198 = vector.shape_cast %concatenate3A_192 : vector<400x128xf32> to vector<1x400x128xf32>
    tpu.vector_store %arg22[%swap3A_193, %swap3A_194, %swap3A_195], %swap3A_198 {strides = array<i32>} : memref<2x400x128xf32, #tpu.memory_space<vmem>>, vector<1x400x128xf32>,
    return
  }
  func.func @transform_0(%arg0: i32) -> (i32, i32) {
    %c0_i32 = arith.constant 0 : i32
    %c0_i32_0 = arith.constant 0 : i32
    return %arg0, %c0_i32 : i32, i32
  }
  func.func @transform_1(%arg0: i32) -> (i32, i32, i32) {
    %c0_i32 = arith.constant 0 : i32
    %c0_i32_0 = arith.constant 0 : i32
    %c0_i32_1 = arith.constant 0 : i32
    return %c0_i32, %arg0, %c0_i32_0 : i32, i32, i32
  }
  func.func @transform_2(%arg0: i32) -> (i32, i32, i32) {
    %c0_i32 = arith.constant 0 : i32
    %c0_i32_0 = arith.constant 0 : i32
    %c0_i32_1 = arith.constant 0 : i32
    return %c0_i32, %arg0, %c0_i32_0 : i32, i32, i32
  }
  func.func @transform_3(%arg0: i32) -> (i32, i32) {
    %c0_i32 = arith.constant 0 : i32
    %c0_i32_0 = arith.constant 0 : i32
    %c0_i32_1 = arith.constant 0 : i32
    return %c0_i32, %c0_i32_0 : i32, i32
  }
  func.func @transform_4(%arg0: i32) -> (i32, i32) {
    %c0_i32 = arith.constant 0 : i32
    %c0_i32_0 = arith.constant 0 : i32
    %c0_i32_1 = arith.constant 0 : i32
    return %c0_i32, %c0_i32_0 : i32, i32
  }
  func.func @transform_5(%arg0: i32) -> (i32, i32) {
    %c0_i32 = arith.constant 0 : i32
    %c0_i32_0 = arith.constant 0 : i32
    %c0_i32_1 = arith.constant 0 : i32
    return %c0_i32, %c0_i32_0 : i32, i32
  }
  func.func @transform_6(%arg0: i32) -> (i32, i32) {
    %c0_i32 = arith.constant 0 : i32
    %c0_i32_0 = arith.constant 0 : i32
    %c0_i32_1 = arith.constant 0 : i32
    return %c0_i32, %c0_i32_0 : i32, i32
  }
  func.func @transform_7(%arg0: i32) -> (i32, i32) {
    %c0_i32 = arith.constant 0 : i32
    %c0_i32_0 = arith.constant 0 : i32
    %c0_i32_1 = arith.constant 0 : i32
    return %c0_i32, %c0_i32_0 : i32, i32
  }
  func.func @transform_8(%arg0: i32) -> (i32, i32) {
    %c0_i32 = arith.constant 0 : i32
    %c0_i32_0 = arith.constant 0 : i32
    %c0_i32_1 = arith.constant 0 : i32
    return %c0_i32, %c0_i32_0 : i32, i32
  }
  func.func @transform_9(%arg0: i32) -> (i32, i32) {
    %c0_i32 = arith.constant 0 : i32
    %c0_i32_0 = arith.constant 0 : i32
    %c0_i32_1 = arith.constant 0 : i32
    return %c0_i32, %c0_i32_0 : i32, i32
  }
  func.func @transform_10(%arg0: i32) -> (i32, i32) {
    %c0_i32 = arith.constant 0 : i32
    %c0_i32_0 = arith.constant 0 : i32
    %c0_i32_1 = arith.constant 0 : i32
    return %c0_i32, %c0_i32_0 : i32, i32
  }
  func.func @transform_11(%arg0: i32) -> (i32, i32) {
    %c0_i32 = arith.constant 0 : i32
    %c0_i32_0 = arith.constant 0 : i32
    %c0_i32_1 = arith.constant 0 : i32
    return %c0_i32, %c0_i32_0 : i32, i32
  }
  func.func @transform_12(%arg0: i32) -> (i32, i32) {
    %c0_i32 = arith.constant 0 : i32
    %c0_i32_0 = arith.constant 0 : i32
    %c0_i32_1 = arith.constant 0 : i32
    return %c0_i32, %c0_i32_0 : i32, i32
  }
  func.func @transform_13(%arg0: i32) -> (i32, i32) {
    %c0_i32 = arith.constant 0 : i32
    %c0_i32_0 = arith.constant 0 : i32
    %c0_i32_1 = arith.constant 0 : i32
    return %c0_i32, %c0_i32_0 : i32, i32
  }
  func.func @transform_14(%arg0: i32) -> (i32, i32) {
    %c0_i32 = arith.constant 0 : i32
    %c0_i32_0 = arith.constant 0 : i32
    %c0_i32_1 = arith.constant 0 : i32
    return %c0_i32, %c0_i32_0 : i32, i32
  }
  func.func @transform_15(%arg0: i32) -> (i32, i32) {
    %c0_i32 = arith.constant 0 : i32
    %c0_i32_0 = arith.constant 0 : i32
    %c0_i32_1 = arith.constant 0 : i32
    return %c0_i32, %c0_i32_0 : i32, i32
  }
  func.func @transform_16(%arg0: i32) -> (i32, i32) {
    %c0_i32 = arith.constant 0 : i32
    %c0_i32_0 = arith.constant 0 : i32
    %c0_i32_1 = arith.constant 0 : i32
    return %c0_i32, %c0_i32_0 : i32, i32
  }
  func.func @transform_17(%arg0: i32) -> (i32, i32) {
    %c0_i32 = arith.constant 0 : i32
    %c0_i32_0 = arith.constant 0 : i32
    %c0_i32_1 = arith.constant 0 : i32
    return %c0_i32, %c0_i32_0 : i32, i32
  }
  func.func @transform_18(%arg0: i32) -> (i32, i32) {
    %c0_i32 = arith.constant 0 : i32
    %c0_i32_0 = arith.constant 0 : i32
    %c0_i32_1 = arith.constant 0 : i32
    return %c0_i32, %c0_i32_0 : i32, i32
  }
  func.func @transform_19(%arg0: i32) -> (i32, i32) {
    %c0_i32 = arith.constant 0 : i32
    %c0_i32_0 = arith.constant 0 : i32
    return %arg0, %c0_i32 : i32, i32
  }
  func.func @transform_20(%arg0: i32) -> (i32, i32) {
    %c0_i32 = arith.constant 0 : i32
    %c0_i32_0 = arith.constant 0 : i32
    return %arg0, %c0_i32 : i32, i32
  }
  func.func @transform_21(%arg0: i32) -> (i32, i32, i32) {
    %c0_i32 = arith.constant 0 : i32
    %c0_i32_0 = arith.constant 0 : i32
    %c0_i32_1 = arith.constant 0 : i32
    return %c0_i32, %arg0, %c0_i32_0 : i32, i32, i32
  }
}

module attributes {stable_mosaic.version = 14 : i64} {
  func.func @_final_body(%arg0: i32, %arg1: memref<400x128xf32, #tpu.memory_space<vmem>>, %arg2: memref<2x400x64xf32, #tpu.memory_space<vmem>>, %arg3: memref<2x400x16xf32, #tpu.memory_space<vmem>>, %arg4: memref<128x128xf32, #tpu.memory_space<vmem>>, %arg5: memref<1x128xf32, #tpu.memory_space<vmem>>, %arg6: memref<1x128xf32, #tpu.memory_space<vmem>>, %arg7: memref<1x128xf32, #tpu.memory_space<vmem>>, %arg8: memref<128x256xf32, #tpu.memory_space<vmem>>, %arg9: memref<1x256xf32, #tpu.memory_space<vmem>>, %arg10: memref<256x128xf32, #tpu.memory_space<vmem>>, %arg11: memref<1x128xf32, #tpu.memory_space<vmem>>, %arg12: memref<1x128xf32, #tpu.memory_space<vmem>>, %arg13: memref<1x128xf32, #tpu.memory_space<vmem>>, %arg14: memref<256x128xf32, #tpu.memory_space<vmem>>, %arg15: memref<1x128xf32, #tpu.memory_space<vmem>>, %arg16: memref<128x64xf32, #tpu.memory_space<vmem>>, %arg17: memref<1x64xf32, #tpu.memory_space<vmem>>, %arg18: memref<64x10xf32, #tpu.memory_space<vmem>>, %arg19: memref<1x10xf32, #tpu.memory_space<vmem>>, %arg20: memref<400x10xf32, #tpu.memory_space<vmem>>) attributes {dimension_semantics = [#tpu.dimension_semantics<arbitrary>], iteration_bounds = array<i64: 25>, scalar_prefetch = 0 : i64, scratch_operands = 0 : i64, tpu.core_type = #tpu.core_type<tc>, window_params = [{transform_indices = @transform_0, window_bounds = array<i64: 400, 128>}, {transform_indices = @transform_1, window_bounds = array<i64: 2, 400, 64>}, {transform_indices = @transform_2, window_bounds = array<i64: 2, 400, 16>}, {pipeline_mode = #tpu.pipeline_mode<synchronous>, transform_indices = @transform_3, window_bounds = array<i64: 128, 128>}, {pipeline_mode = #tpu.pipeline_mode<synchronous>, transform_indices = @transform_4, window_bounds = array<i64: 1, 128>}, {pipeline_mode = #tpu.pipeline_mode<synchronous>, transform_indices = @transform_5, window_bounds = array<i64: 1, 128>}, {pipeline_mode = #tpu.pipeline_mode<synchronous>, transform_indices = @transform_6, window_bounds = array<i64: 1, 128>}, {pipeline_mode = #tpu.pipeline_mode<synchronous>, transform_indices = @transform_7, window_bounds = array<i64: 128, 256>}, {pipeline_mode = #tpu.pipeline_mode<synchronous>, transform_indices = @transform_8, window_bounds = array<i64: 1, 256>}, {pipeline_mode = #tpu.pipeline_mode<synchronous>, transform_indices = @transform_9, window_bounds = array<i64: 256, 128>}, {pipeline_mode = #tpu.pipeline_mode<synchronous>, transform_indices = @transform_10, window_bounds = array<i64: 1, 128>}, {pipeline_mode = #tpu.pipeline_mode<synchronous>, transform_indices = @transform_11, window_bounds = array<i64: 1, 128>}, {pipeline_mode = #tpu.pipeline_mode<synchronous>, transform_indices = @transform_12, window_bounds = array<i64: 1, 128>}, {pipeline_mode = #tpu.pipeline_mode<synchronous>, transform_indices = @transform_13, window_bounds = array<i64: 256, 128>}, {pipeline_mode = #tpu.pipeline_mode<synchronous>, transform_indices = @transform_14, window_bounds = array<i64: 1, 128>}, {pipeline_mode = #tpu.pipeline_mode<synchronous>, transform_indices = @transform_15, window_bounds = array<i64: 128, 64>}, {pipeline_mode = #tpu.pipeline_mode<synchronous>, transform_indices = @transform_16, window_bounds = array<i64: 1, 64>}, {pipeline_mode = #tpu.pipeline_mode<synchronous>, transform_indices = @transform_17, window_bounds = array<i64: 64, 10>}, {pipeline_mode = #tpu.pipeline_mode<synchronous>, transform_indices = @transform_18, window_bounds = array<i64: 1, 10>}, {transform_indices = @transform_19, window_bounds = array<i64: 400, 10>}]} {
    %get3A = arith.constant 0 : index
    %get3A_0 = arith.constant 0 : index
    %get3A_1 = vector.load %arg1[%get3A, %get3A_0] : memref<400x128xf32, #tpu.memory_space<vmem>>, vector<400x128xf32>
    %get3A_2 = arith.constant 0 : index
    %get3A_3 = arith.constant 0 : index
    %get3A_4 = vector.load %arg4[%get3A_2, %get3A_3] : memref<128x128xf32, #tpu.memory_space<vmem>>, vector<128x128xf32>
    %get3A_5 = arith.constant 0 : index
    %get3A_6 = arith.constant 0 : index
    %get3A_7 = vector.load %arg5[%get3A_5, %get3A_6] : memref<1x128xf32, #tpu.memory_space<vmem>>, vector<1x128xf32>
    %get3A_8 = arith.constant 0 : index
    %get3A_9 = arith.constant 0 : index
    %get3A_10 = vector.load %arg6[%get3A_8, %get3A_9] : memref<1x128xf32, #tpu.memory_space<vmem>>, vector<1x128xf32>
    %get3A_11 = arith.constant 0 : index
    %get3A_12 = arith.constant 0 : index
    %get3A_13 = vector.load %arg7[%get3A_11, %get3A_12] : memref<1x128xf32, #tpu.memory_space<vmem>>, vector<1x128xf32>
    %get3A_14 = arith.constant 0 : index
    %get3A_15 = arith.constant 0 : index
    %get3A_16 = vector.load %arg8[%get3A_14, %get3A_15] : memref<128x256xf32, #tpu.memory_space<vmem>>, vector<128x256xf32>
    %get3A_17 = arith.constant 0 : index
    %get3A_18 = arith.constant 0 : index
    %get3A_19 = vector.load %arg9[%get3A_17, %get3A_18] : memref<1x256xf32, #tpu.memory_space<vmem>>, vector<1x256xf32>
    %get3A_20 = arith.constant 0 : index
    %get3A_21 = arith.constant 0 : index
    %get3A_22 = vector.load %arg10[%get3A_20, %get3A_21] : memref<256x128xf32, #tpu.memory_space<vmem>>, vector<256x128xf32>
    %get3A_23 = arith.constant 0 : index
    %get3A_24 = arith.constant 0 : index
    %get3A_25 = vector.load %arg11[%get3A_23, %get3A_24] : memref<1x128xf32, #tpu.memory_space<vmem>>, vector<1x128xf32>
    %get3A_26 = arith.constant 0 : index
    %get3A_27 = arith.constant 0 : index
    %get3A_28 = vector.load %arg12[%get3A_26, %get3A_27] : memref<1x128xf32, #tpu.memory_space<vmem>>, vector<1x128xf32>
    %get3A_29 = arith.constant 0 : index
    %get3A_30 = arith.constant 0 : index
    %get3A_31 = vector.load %arg13[%get3A_29, %get3A_30] : memref<1x128xf32, #tpu.memory_space<vmem>>, vector<1x128xf32>
    %get3A_32 = arith.constant 0 : index
    %get3A_33 = arith.constant 0 : index
    %get3A_34 = arith.constant 0 : index
    %get3A_35 = vector.load %arg2[%get3A_32, %get3A_33, %get3A_34] : memref<2x400x64xf32, #tpu.memory_space<vmem>>, vector<1x400x64xf32>
    %get3A_36 = vector.shape_cast %get3A_35 : vector<1x400x64xf32> to vector<400x64xf32>
    %get3A_37 = arith.constant 1 : index
    %get3A_38 = arith.constant 0 : index
    %get3A_39 = arith.constant 0 : index
    %get3A_40 = vector.load %arg2[%get3A_37, %get3A_38, %get3A_39] : memref<2x400x64xf32, #tpu.memory_space<vmem>>, vector<1x400x64xf32>
    %get3A_41 = vector.shape_cast %get3A_40 : vector<1x400x64xf32> to vector<400x64xf32>
    %concatenate3A = tpu.concatenate %get3A_36, %get3A_41 in 1 : vector<400x64xf32>, vector<400x64xf32> -> vector<400x128xf32>
    %get3A_42 = arith.constant 0 : index
    %get3A_43 = arith.constant 0 : index
    %get3A_44 = arith.constant 0 : index
    %get3A_45 = vector.load %arg3[%get3A_42, %get3A_43, %get3A_44] : memref<2x400x16xf32, #tpu.memory_space<vmem>>, vector<1x400x16xf32>
    %get3A_46 = vector.shape_cast %get3A_45 : vector<1x400x16xf32> to vector<400x16xf32>
    %get3A_47 = arith.constant 1 : index
    %get3A_48 = arith.constant 0 : index
    %get3A_49 = arith.constant 0 : index
    %get3A_50 = vector.load %arg3[%get3A_47, %get3A_48, %get3A_49] : memref<2x400x16xf32, #tpu.memory_space<vmem>>, vector<1x400x16xf32>
    %get3A_51 = vector.shape_cast %get3A_50 : vector<1x400x16xf32> to vector<400x16xf32>
    %add3A = arith.addf %get3A_46, %get3A_51 : vector<400x16xf32>
    %iota3A = tpu.iota {dimensions = array<i32: 0>} : vector<16x128xi32>
    %iota3A_52 = tpu.iota {dimensions = array<i32: 1>} : vector<16x128xi32>
    %jit3A = arith.constant 16 : i32
    %div3A = vector.broadcast %jit3A : i32 to vector<16x128xi32>
    %div3A_53 = arith.divsi %iota3A_52, %div3A : vector<16x128xi32>
    %sign3A = arith.constant 0 : i32
    %sign3A_54 = vector.broadcast %sign3A : i32 to vector<16x128xi32>
    %sign3A_55 = arith.cmpi sgt, %iota3A_52, %sign3A_54 : vector<16x128xi32>
    %sign3A_56 = arith.extui %sign3A_55 : vector<16x128xi1> to vector<16x128xi32>
    %sign3A_57 = arith.constant 0 : i32
    %sign3A_58 = vector.broadcast %sign3A_57 : i32 to vector<16x128xi32>
    %sign3A_59 = arith.cmpi slt, %iota3A_52, %sign3A_58 : vector<16x128xi32>
    %sign3A_60 = arith.extui %sign3A_59 : vector<16x128xi1> to vector<16x128xi32>
    %sign3A_61 = arith.subi %sign3A_56, %sign3A_60 : vector<16x128xi32>
    %sign3A_62 = arith.constant 0 : i32
    %sign3A_63 = arith.cmpi sgt, %jit3A, %sign3A_62 : i32
    %sign3A_64 = arith.extui %sign3A_63 : i1 to i32
    %sign3A_65 = arith.constant 0 : i32
    %sign3A_66 = arith.cmpi slt, %jit3A, %sign3A_65 : i32
    %sign3A_67 = arith.extui %sign3A_66 : i1 to i32
    %sign3A_68 = arith.subi %sign3A_64, %sign3A_67 : i32
    %ne3A = vector.broadcast %sign3A_68 : i32 to vector<16x128xi32>
    %ne3A_69 = arith.cmpi ne, %sign3A_61, %ne3A : vector<16x128xi32>
    %rem3A = vector.broadcast %jit3A : i32 to vector<16x128xi32>
    %rem3A_70 = arith.remsi %iota3A_52, %rem3A : vector<16x128xi32>
    %ne3A_71 = arith.constant 0 : i32
    %ne3A_72 = vector.broadcast %ne3A_71 : i32 to vector<16x128xi32>
    %ne3A_73 = arith.cmpi ne, %rem3A_70, %ne3A_72 : vector<16x128xi32>
    %and3A = arith.andi %ne3A_69, %ne3A_73 : vector<16x128xi1>
    %sub3A = arith.constant 1 : i32
    %sub3A_74 = vector.broadcast %sub3A : i32 to vector<16x128xi32>
    %sub3A_75 = arith.subi %div3A_53, %sub3A_74 : vector<16x128xi32>
    %select_n3A = arith.select %and3A, %sub3A_75, %div3A_53 : vector<16x128xi1>, vector<16x128xi32>
    %eq3A = arith.cmpi eq, %select_n3A, %iota3A : vector<16x128xi32>
    %convert_element_type3A = arith.extui %eq3A : vector<16x128xi1> to vector<16x128xi32>
    %convert_element_type3A_76 = arith.sitofp %convert_element_type3A : vector<16x128xi32> to vector<16x128xf32>
    %dot_general3A = arith.constant dense<0.000000e+00> : vector<400x128xf32>
    %dot_general3A_77 = tpu.matmul %add3A, %convert_element_type3A_76, %dot_general3A {dimension_numbers = #tpu.dot_dimension_numbers<[1], [0], [0], [1], [0, 0, 1, 1], [], []>, transpose_lhs_hint = false} : vector<400x16xf32>, vector<16x128xf32>, vector<400x128xf32> -> vector<400x128xf32>
    %add3A_78 = arith.constant 9.99999971E-10 : f32
    %add3A_79 = vector.broadcast %add3A_78 : f32 to vector<400x128xf32>
    %add3A_80 = arith.addf %dot_general3A_77, %add3A_79 : vector<400x128xf32>
    %div3A_81 = arith.divf %concatenate3A, %add3A_80 : vector<400x128xf32>
    %dot_general3A_82 = arith.constant dense<0.000000e+00> : vector<400x128xf32>
    %dot_general3A_83 = tpu.matmul %div3A_81, %get3A_4, %dot_general3A_82 {dimension_numbers = #tpu.dot_dimension_numbers<[1], [0], [0], [1], [0, 0, 1, 1], [], []>, transpose_lhs_hint = false} : vector<400x128xf32>, vector<128x128xf32>, vector<400x128xf32> -> vector<400x128xf32>
    %add3A_84 = vector.broadcast %get3A_7 : vector<1x128xf32> to vector<400x128xf32>
    %add3A_85 = arith.addf %dot_general3A_83, %add3A_84 : vector<400x128xf32>
    %add3A_86 = arith.addf %add3A_85, %get3A_1 : vector<400x128xf32>
    %reduce_sum3A = arith.constant dense<0.000000e+00> : vector<400xf32>
    %reduce_sum3A_87 = vector.multi_reduction <add>, %add3A_86, %reduce_sum3A [1] : vector<400x128xf32> to vector<400xf32>
    %broadcast_in_dim3A = vector.shape_cast %reduce_sum3A_87 : vector<400xf32> to vector<400x1xf32>
    %div3A_88 = arith.constant 1.280000e+02 : f32
    %div3A_89 = vector.broadcast %div3A_88 : f32 to vector<400x1xf32>
    %div3A_90 = arith.divf %broadcast_in_dim3A, %div3A_89 : vector<400x1xf32>
    %sub3A_91 = vector.broadcast %div3A_90 : vector<400x1xf32> to vector<400x128xf32>
    %sub3A_92 = arith.subf %add3A_86, %sub3A_91 : vector<400x128xf32>
    %integer_pow3A = arith.mulf %sub3A_92, %sub3A_92 : vector<400x128xf32>
    %reduce_sum3A_93 = arith.constant dense<0.000000e+00> : vector<400xf32>
    %reduce_sum3A_94 = vector.multi_reduction <add>, %integer_pow3A, %reduce_sum3A_93 [1] : vector<400x128xf32> to vector<400xf32>
    %broadcast_in_dim3A_95 = vector.shape_cast %reduce_sum3A_94 : vector<400xf32> to vector<400x1xf32>
    %div3A_96 = arith.constant 1.280000e+02 : f32
    %div3A_97 = vector.broadcast %div3A_96 : f32 to vector<400x1xf32>
    %div3A_98 = arith.divf %broadcast_in_dim3A_95, %div3A_97 : vector<400x1xf32>
    %sub3A_99 = vector.broadcast %div3A_90 : vector<400x1xf32> to vector<400x128xf32>
    %sub3A_100 = arith.subf %add3A_86, %sub3A_99 : vector<400x128xf32>
    %add3A_101 = arith.constant 9.99999974E-6 : f32
    %add3A_102 = vector.broadcast %add3A_101 : f32 to vector<400x1xf32>
    %add3A_103 = arith.addf %div3A_98, %add3A_102 : vector<400x1xf32>
    %rsqrt3A = math.rsqrt %add3A_103 : vector<400x1xf32>
    %mul3A = vector.broadcast %rsqrt3A : vector<400x1xf32> to vector<400x128xf32>
    %mul3A_104 = arith.mulf %sub3A_100, %mul3A : vector<400x128xf32>
    %mul3A_105 = vector.broadcast %get3A_10 : vector<1x128xf32> to vector<400x128xf32>
    %mul3A_106 = arith.mulf %mul3A_104, %mul3A_105 : vector<400x128xf32>
    %add3A_107 = vector.broadcast %get3A_13 : vector<1x128xf32> to vector<400x128xf32>
    %add3A_108 = arith.addf %mul3A_106, %add3A_107 : vector<400x128xf32>
    %dot_general3A_109 = arith.constant dense<0.000000e+00> : vector<400x256xf32>
    %dot_general3A_110 = tpu.matmul %add3A_108, %get3A_16, %dot_general3A_109 {dimension_numbers = #tpu.dot_dimension_numbers<[1], [0], [0], [1], [0, 0, 1, 1], [], []>, transpose_lhs_hint = false} : vector<400x128xf32>, vector<128x256xf32>, vector<400x256xf32> -> vector<400x256xf32>
    %add3A_111 = vector.broadcast %get3A_19 : vector<1x256xf32> to vector<400x256xf32>
    %add3A_112 = arith.addf %dot_general3A_110, %add3A_111 : vector<400x256xf32>
    %max3A = arith.constant 0.000000e+00 : f32
    %max3A_113 = vector.broadcast %max3A : f32 to vector<400x256xf32>
    %max3A_114 = arith.maximumf %add3A_112, %max3A_113 : vector<400x256xf32>
    %dot_general3A_115 = arith.constant dense<0.000000e+00> : vector<400x128xf32>
    %dot_general3A_116 = tpu.matmul %max3A_114, %get3A_22, %dot_general3A_115 {dimension_numbers = #tpu.dot_dimension_numbers<[1], [0], [0], [1], [0, 0, 1, 1], [], []>, transpose_lhs_hint = false} : vector<400x256xf32>, vector<256x128xf32>, vector<400x128xf32> -> vector<400x128xf32>
    %add3A_117 = vector.broadcast %get3A_25 : vector<1x128xf32> to vector<400x128xf32>
    %add3A_118 = arith.addf %dot_general3A_116, %add3A_117 : vector<400x128xf32>
    %add3A_119 = arith.addf %add3A_108, %add3A_118 : vector<400x128xf32>
    %reduce_sum3A_120 = arith.constant dense<0.000000e+00> : vector<400xf32>
    %reduce_sum3A_121 = vector.multi_reduction <add>, %add3A_119, %reduce_sum3A_120 [1] : vector<400x128xf32> to vector<400xf32>
    %broadcast_in_dim3A_122 = vector.shape_cast %reduce_sum3A_121 : vector<400xf32> to vector<400x1xf32>
    %div3A_123 = arith.constant 1.280000e+02 : f32
    %div3A_124 = vector.broadcast %div3A_123 : f32 to vector<400x1xf32>
    %div3A_125 = arith.divf %broadcast_in_dim3A_122, %div3A_124 : vector<400x1xf32>
    %sub3A_126 = vector.broadcast %div3A_125 : vector<400x1xf32> to vector<400x128xf32>
    %sub3A_127 = arith.subf %add3A_119, %sub3A_126 : vector<400x128xf32>
    %integer_pow3A_128 = arith.mulf %sub3A_127, %sub3A_127 : vector<400x128xf32>
    %reduce_sum3A_129 = arith.constant dense<0.000000e+00> : vector<400xf32>
    %reduce_sum3A_130 = vector.multi_reduction <add>, %integer_pow3A_128, %reduce_sum3A_129 [1] : vector<400x128xf32> to vector<400xf32>
    %broadcast_in_dim3A_131 = vector.shape_cast %reduce_sum3A_130 : vector<400xf32> to vector<400x1xf32>
    %div3A_132 = arith.constant 1.280000e+02 : f32
    %div3A_133 = vector.broadcast %div3A_132 : f32 to vector<400x1xf32>
    %div3A_134 = arith.divf %broadcast_in_dim3A_131, %div3A_133 : vector<400x1xf32>
    %sub3A_135 = vector.broadcast %div3A_125 : vector<400x1xf32> to vector<400x128xf32>
    %sub3A_136 = arith.subf %add3A_119, %sub3A_135 : vector<400x128xf32>
    %add3A_137 = arith.constant 9.99999974E-6 : f32
    %add3A_138 = vector.broadcast %add3A_137 : f32 to vector<400x1xf32>
    %add3A_139 = arith.addf %div3A_134, %add3A_138 : vector<400x1xf32>
    %rsqrt3A_140 = math.rsqrt %add3A_139 : vector<400x1xf32>
    %mul3A_141 = vector.broadcast %rsqrt3A_140 : vector<400x1xf32> to vector<400x128xf32>
    %mul3A_142 = arith.mulf %sub3A_136, %mul3A_141 : vector<400x128xf32>
    %mul3A_143 = vector.broadcast %get3A_28 : vector<1x128xf32> to vector<400x128xf32>
    %mul3A_144 = arith.mulf %mul3A_142, %mul3A_143 : vector<400x128xf32>
    %add3A_145 = vector.broadcast %get3A_31 : vector<1x128xf32> to vector<400x128xf32>
    %add3A_146 = arith.addf %mul3A_144, %add3A_145 : vector<400x128xf32>
    %get3A_147 = arith.constant 0 : index
    %get3A_148 = arith.constant 0 : index
    %get3A_149 = vector.load %arg1[%get3A_147, %get3A_148] : memref<400x128xf32, #tpu.memory_space<vmem>>, vector<400x128xf32>
    %concatenate3A_150 = tpu.concatenate %get3A_149, %add3A_146 in 1 : vector<400x128xf32>, vector<400x128xf32> -> vector<400x256xf32>
    %get3A_151 = arith.constant 0 : index
    %get3A_152 = arith.constant 0 : index
    %get3A_153 = vector.load %arg14[%get3A_151, %get3A_152] : memref<256x128xf32, #tpu.memory_space<vmem>>, vector<256x128xf32>
    %dot_general3A_154 = arith.constant dense<0.000000e+00> : vector<400x128xf32>
    %dot_general3A_155 = tpu.matmul %concatenate3A_150, %get3A_153, %dot_general3A_154 {dimension_numbers = #tpu.dot_dimension_numbers<[1], [0], [0], [1], [0, 0, 1, 1], [], []>, transpose_lhs_hint = false} : vector<400x256xf32>, vector<256x128xf32>, vector<400x128xf32> -> vector<400x128xf32>
    %get3A_156 = arith.constant 0 : index
    %get3A_157 = arith.constant 0 : index
    %get3A_158 = vector.load %arg15[%get3A_156, %get3A_157] : memref<1x128xf32, #tpu.memory_space<vmem>>, vector<1x128xf32>
    %add3A_159 = vector.broadcast %get3A_158 : vector<1x128xf32> to vector<400x128xf32>
    %add3A_160 = arith.addf %dot_general3A_155, %add3A_159 : vector<400x128xf32>
    %max3A_161 = arith.constant 0.000000e+00 : f32
    %max3A_162 = vector.broadcast %max3A_161 : f32 to vector<400x128xf32>
    %max3A_163 = arith.maximumf %add3A_160, %max3A_162 : vector<400x128xf32>
    %get3A_164 = arith.constant 0 : index
    %get3A_165 = arith.constant 0 : index
    %get3A_166 = vector.load %arg16[%get3A_164, %get3A_165] : memref<128x64xf32, #tpu.memory_space<vmem>>, vector<128x64xf32>
    %dot_general3A_167 = arith.constant dense<0.000000e+00> : vector<400x64xf32>
    %dot_general3A_168 = tpu.matmul %max3A_163, %get3A_166, %dot_general3A_167 {dimension_numbers = #tpu.dot_dimension_numbers<[1], [0], [0], [1], [0, 0, 1, 1], [], []>, transpose_lhs_hint = false} : vector<400x128xf32>, vector<128x64xf32>, vector<400x64xf32> -> vector<400x64xf32>
    %get3A_169 = arith.constant 0 : index
    %get3A_170 = arith.constant 0 : index
    %get3A_171 = vector.load %arg17[%get3A_169, %get3A_170] : memref<1x64xf32, #tpu.memory_space<vmem>>, vector<1x64xf32>
    %add3A_172 = vector.broadcast %get3A_171 : vector<1x64xf32> to vector<400x64xf32>
    %add3A_173 = arith.addf %dot_general3A_168, %add3A_172 : vector<400x64xf32>
    %max3A_174 = arith.constant 0.000000e+00 : f32
    %max3A_175 = vector.broadcast %max3A_174 : f32 to vector<400x64xf32>
    %max3A_176 = arith.maximumf %add3A_173, %max3A_175 : vector<400x64xf32>
    %get3A_177 = arith.constant 0 : index
    %get3A_178 = arith.constant 0 : index
    %get3A_179 = vector.load %arg18[%get3A_177, %get3A_178] : memref<64x10xf32, #tpu.memory_space<vmem>>, vector<64x10xf32>
    %dot_general3A_180 = arith.constant dense<0.000000e+00> : vector<400x10xf32>
    %dot_general3A_181 = tpu.matmul %max3A_176, %get3A_179, %dot_general3A_180 {dimension_numbers = #tpu.dot_dimension_numbers<[1], [0], [0], [1], [0, 0, 1, 1], [], []>, transpose_lhs_hint = false} : vector<400x64xf32>, vector<64x10xf32>, vector<400x10xf32> -> vector<400x10xf32>
    %get3A_182 = arith.constant 0 : index
    %get3A_183 = arith.constant 0 : index
    %get3A_184 = vector.load %arg19[%get3A_182, %get3A_183] : memref<1x10xf32, #tpu.memory_space<vmem>>, vector<1x10xf32>
    %add3A_185 = vector.broadcast %get3A_184 : vector<1x10xf32> to vector<400x10xf32>
    %add3A_186 = arith.addf %dot_general3A_181, %add3A_185 : vector<400x10xf32>
    %swap3A = arith.constant 0 : index
    %swap3A_187 = arith.constant 0 : index
    %swap3A_188 = vector.load %arg20[%swap3A, %swap3A_187] : memref<400x10xf32, #tpu.memory_space<vmem>>, vector<400x10xf32>
    tpu.vector_store %arg20[%swap3A, %swap3A_187], %add3A_186 {strides = array<i32>} : memref<400x10xf32, #tpu.memory_space<vmem>>, vector<400x10xf32>,
    return
  }
  func.func @transform_0(%arg0: i32) -> (i32, i32) {
    %c0_i32 = arith.constant 0 : i32
    %c0_i32_0 = arith.constant 0 : i32
    return %arg0, %c0_i32 : i32, i32
  }
  func.func @transform_1(%arg0: i32) -> (i32, i32, i32) {
    %c0_i32 = arith.constant 0 : i32
    %c0_i32_0 = arith.constant 0 : i32
    %c0_i32_1 = arith.constant 0 : i32
    return %c0_i32, %arg0, %c0_i32_0 : i32, i32, i32
  }
  func.func @transform_2(%arg0: i32) -> (i32, i32, i32) {
    %c0_i32 = arith.constant 0 : i32
    %c0_i32_0 = arith.constant 0 : i32
    %c0_i32_1 = arith.constant 0 : i32
    return %c0_i32, %arg0, %c0_i32_0 : i32, i32, i32
  }
  func.func @transform_3(%arg0: i32) -> (i32, i32) {
    %c0_i32 = arith.constant 0 : i32
    %c0_i32_0 = arith.constant 0 : i32
    %c0_i32_1 = arith.constant 0 : i32
    return %c0_i32, %c0_i32_0 : i32, i32
  }
  func.func @transform_4(%arg0: i32) -> (i32, i32) {
    %c0_i32 = arith.constant 0 : i32
    %c0_i32_0 = arith.constant 0 : i32
    %c0_i32_1 = arith.constant 0 : i32
    return %c0_i32, %c0_i32_0 : i32, i32
  }
  func.func @transform_5(%arg0: i32) -> (i32, i32) {
    %c0_i32 = arith.constant 0 : i32
    %c0_i32_0 = arith.constant 0 : i32
    %c0_i32_1 = arith.constant 0 : i32
    return %c0_i32, %c0_i32_0 : i32, i32
  }
  func.func @transform_6(%arg0: i32) -> (i32, i32) {
    %c0_i32 = arith.constant 0 : i32
    %c0_i32_0 = arith.constant 0 : i32
    %c0_i32_1 = arith.constant 0 : i32
    return %c0_i32, %c0_i32_0 : i32, i32
  }
  func.func @transform_7(%arg0: i32) -> (i32, i32) {
    %c0_i32 = arith.constant 0 : i32
    %c0_i32_0 = arith.constant 0 : i32
    %c0_i32_1 = arith.constant 0 : i32
    return %c0_i32, %c0_i32_0 : i32, i32
  }
  func.func @transform_8(%arg0: i32) -> (i32, i32) {
    %c0_i32 = arith.constant 0 : i32
    %c0_i32_0 = arith.constant 0 : i32
    %c0_i32_1 = arith.constant 0 : i32
    return %c0_i32, %c0_i32_0 : i32, i32
  }
  func.func @transform_9(%arg0: i32) -> (i32, i32) {
    %c0_i32 = arith.constant 0 : i32
    %c0_i32_0 = arith.constant 0 : i32
    %c0_i32_1 = arith.constant 0 : i32
    return %c0_i32, %c0_i32_0 : i32, i32
  }
  func.func @transform_10(%arg0: i32) -> (i32, i32) {
    %c0_i32 = arith.constant 0 : i32
    %c0_i32_0 = arith.constant 0 : i32
    %c0_i32_1 = arith.constant 0 : i32
    return %c0_i32, %c0_i32_0 : i32, i32
  }
  func.func @transform_11(%arg0: i32) -> (i32, i32) {
    %c0_i32 = arith.constant 0 : i32
    %c0_i32_0 = arith.constant 0 : i32
    %c0_i32_1 = arith.constant 0 : i32
    return %c0_i32, %c0_i32_0 : i32, i32
  }
  func.func @transform_12(%arg0: i32) -> (i32, i32) {
    %c0_i32 = arith.constant 0 : i32
    %c0_i32_0 = arith.constant 0 : i32
    %c0_i32_1 = arith.constant 0 : i32
    return %c0_i32, %c0_i32_0 : i32, i32
  }
  func.func @transform_13(%arg0: i32) -> (i32, i32) {
    %c0_i32 = arith.constant 0 : i32
    %c0_i32_0 = arith.constant 0 : i32
    %c0_i32_1 = arith.constant 0 : i32
    return %c0_i32, %c0_i32_0 : i32, i32
  }
  func.func @transform_14(%arg0: i32) -> (i32, i32) {
    %c0_i32 = arith.constant 0 : i32
    %c0_i32_0 = arith.constant 0 : i32
    %c0_i32_1 = arith.constant 0 : i32
    return %c0_i32, %c0_i32_0 : i32, i32
  }
  func.func @transform_15(%arg0: i32) -> (i32, i32) {
    %c0_i32 = arith.constant 0 : i32
    %c0_i32_0 = arith.constant 0 : i32
    %c0_i32_1 = arith.constant 0 : i32
    return %c0_i32, %c0_i32_0 : i32, i32
  }
  func.func @transform_16(%arg0: i32) -> (i32, i32) {
    %c0_i32 = arith.constant 0 : i32
    %c0_i32_0 = arith.constant 0 : i32
    %c0_i32_1 = arith.constant 0 : i32
    return %c0_i32, %c0_i32_0 : i32, i32
  }
  func.func @transform_17(%arg0: i32) -> (i32, i32) {
    %c0_i32 = arith.constant 0 : i32
    %c0_i32_0 = arith.constant 0 : i32
    %c0_i32_1 = arith.constant 0 : i32
    return %c0_i32, %c0_i32_0 : i32, i32
  }
  func.func @transform_18(%arg0: i32) -> (i32, i32) {
    %c0_i32 = arith.constant 0 : i32
    %c0_i32_0 = arith.constant 0 : i32
    %c0_i32_1 = arith.constant 0 : i32
    return %c0_i32, %c0_i32_0 : i32, i32
  }
  func.func @transform_19(%arg0: i32) -> (i32, i32) {
    %c0_i32 = arith.constant 0 : i32
    %c0_i32_0 = arith.constant 0 : i32
    return %arg0, %c0_i32 : i32, i32
  }
}

</mosaic_0001>

<sc_bundles>
// kernel: kernel.10.cloned.1.call-start
scs
__scs_entry_jumppad:
0x0: {  	(pc) =	sbr.rel $0x88, $3  }
0x1: {  	(tag) =	ssettag $0x0;
	lr =	simm.s32 $0x1  }
0x2: {  	[smem:$0x3F79] =	sst lr;
	_ =	strace $0xD0000000  }
0x3: {  	_ = 	snop  }
0x4: {  	_ = 	snop  }
0x5: {  	_ = 	snop  }
0x6: {  	_ = 	snop  }
0x7: {  	_ = 	snop  }
__scs_overlays_trampoline_lowered:
0x8: {  	[smem:$0x3F88] =	sst s0  }
0x9: {  	[smem:$0x3F89] =	sst s1  }
0xa: {  	[smem:$0x3F8A] =	sst s2  }
0xb: {  	[smem:$0x3F8B] =	sst s3  }
0xc: {  	[smem:$0x3F8C] =	sst s4  }
0xd: {  	[smem:$0x3F8D] =	sst s5  }
0xe: {  	[smem:$0x3F8E] =	sst s6  }
0xf: {  	[smem:$0x3F8F] =	sst s7  }
0x10: {  	[smem:$0x3F90] =	sst s8  }
0x11: {  	[smem:$0x3F91] =	sst s9;
	s0 =	simm.s32 @!p0 $0x0  }
0x12: {  	s1 =	sld [smem:$0x3F77];
	s0 =	simm.s32 @p0 $0x1  }
0x13: {  	[smem:$0x3F92] =	sst s0;
	s0 =	simm.s32 @!p1 $0x0  }
0x14: {  	s2 =	sld [smem:$0x3F76];
	s0 =	simm.s32 @p1 $0x1  }
0x15: {  	[smem:$0x3F93] =	sst s0;
	s0 =	simm.s32 @!p2 $0x0  }
0x16: {  	s3 =	sld [smem:$0x3FDB];
	s0 =	simm.s32 @p2 $0x1  }
0x17: {  	s4 =	simm.s32 $0x1BF5;
	[smem:$0x3F95] =	sst s0  }
0x18: {  	s0 =	sld [smem:$0x3F78];
	_ =	swait.ge [sflag:s4], $0x0  }
0x19: {  	s7 =	sld [smem:$0x3F79]  }
0x1a: {  	s8 =	sadd.s32 $0xFFFFE003, lr  }
0x1b: {  	s9 =	sadd.s32 $0xFFFFFEF7, lr;
	s5 =	simm.s32 $0xFFFFFFFF;
	p2 =	slt.u32 s8, $0xFFFFF086  }
0x1c: {  	p1 =	slt.u32 s9, $0xF7A;
	s5 =	simm.s32 @!p2 $0x0  }
0x1d: {  	s5 =	simm.s32 @p1 $0x1;
	p0 =	seq.s32 s7, s2  }
0x1e: {  	s7 =	smul.u32 @!p0 $0xF7A, s2;
	p2 =	seq.s32 @!p0 s5, $0x0  }
0x1f: {  	s9 =	smul.u32 $0xF7A, s1;
	s8 =	simm.s32 @!p0 $0x1BF5;
	p2 =	por !p2, p0  }
0x20: {  	[sflag:s8] =	ssyncset.s32 @!p0 $0xFFFFF086;
	s6 =	sadd.s32 @!p0 s3, s7;
	s7 =	simm.s32 @!p0 $0x108  }
0x21: {  	s3 =	sadd.s32 s3, s9;
	s6 =	sadd.s32 @!p0 $0x88, s6;
	s7 =	simm.s32 @p2 $0x1082  }
0x22: {  	[simem:s7], [sflag:s8] =	dma.local @!p0 [hbm:s6], $0xF7A  }
0x23: {  	s9 =	sor.u32 $0xD0000000, s2;
	s6 =	simm.s32 $0x108;
	_ =	swait.ge @!p0 [sflag:s8], $0x0  }
0x24: {  	s3 =	sadd.s32 $0x88, s3;
	s6 =	simm.s32 @!p1 $0x1082;
	[sflag:s4] =	ssyncset.s32 $0xFFFFF086  }
0x25: {  	[simem:s6], [sflag:s4] =	dma.local [hbm:s3], $0xF7A  }
0x26: {  	[smem:$0x3F79] =	sst s1;
	(tag) =	ssettag s2;
	_ =	strace s9  }
0x27: {  	s1 =	sld [smem:$0x3F89]  }
0x28: {  	s2 =	sld [smem:$0x3F8A]  }
0x29: {  	s4 =	sld [smem:$0x3F8C]  }
0x2a: {  	p0 =	seq.s32 s5, $0x0;
	s5 =	sld [smem:$0x3F8D]  }
0x2b: {  	s6 =	sld [smem:$0x3F8E]  }
0x2c: {  	s7 =	sld [smem:$0x3F8F]  }
0x2d: {  	s3 =	simm.s32 $0x108;
	s8 =	sld [smem:$0x3F90]  }
0x2e: {  	s3 =	simm.s32 @!p0 $0x1082;
	s9 =	sld [smem:$0x3F91]  }
0x2f: {  	lr =	sadd.s32 s0, s3;
	s0 =	sld [smem:$0x3F88]  }
0x30: {  	s3 =	sld [smem:$0x3F8B]  }
0x31: {  	[smem:$0x3F94] =	sst s10  }
0x32: {  	s10 =	sld [smem:$0x3F92];
	_ =	sdelay $0x3  }
0x33: {  	p0 =	seq.s32 s10, $0x1;
	s10 =	sld [smem:$0x3F94];
	_ =	sdelay $0x3  }
0x34: {  	[smem:$0x3F94] =	sst s10  }
0x35: {  	s10 =	sld [smem:$0x3F93];
	_ =	sdelay $0x3  }
0x36: {  	p1 =	seq.s32 s10, $0x1;
	s10 =	sld [smem:$0x3F94];
	_ =	sdelay $0x3  }
0x37: {  	[smem:$0x3F94] =	sst s10  }
0x38: {  	s10 =	sld [smem:$0x3F95]  }
0x39: {  	_ = 	snop;
	(pc) =	sbr.ind lr, $3  }
0x3a: {  	_ = 	snop  }
0x3b: {  	_ = 	snop  }
0x3c: {  	p2 =	seq.s32 s10, $0x1;
	s10 =	sld [smem:$0x3F94]  }
0x3d: {  	_ =	shalt  }
0x3e: {  	_ =	shalt  }
0x3f: {  	_ =	shalt  }
0x40: {  	_ =	shalt  }
0x41: {  	_ =	shalt  }
0x42: {  	_ =	shalt  }
0x43: {  	_ =	shalt  }
0x44: {  	_ =	shalt  }
0x45: {  	_ =	shalt  }
0x46: {  	_ =	shalt  }
0x47: {  	_ =	shalt  }
0x48: {  	_ =	shalt  }
0x49: {  	_ =	shalt  }
0x4a: {  	_ =	shalt  }
0x4b: {  	_ =	shalt  }
0x4c: {  	_ =	shalt  }
0x4d: {  	_ =	shalt  }
0x4e: {  	_ =	shalt  }
0x4f: {  	_ =	shalt  }
0x50: {  	_ =	shalt  }
0x51: {  	_ =	shalt  }
0x52: {  	_ =	shalt  }
0x53: {  	_ =	shalt  }
0x54: {  	_ =	shalt  }
0x55: {  	_ =	shalt  }
0x56: {  	_ =	shalt  }
0x57: {  	_ =	shalt  }
0x58: {  	_ =	shalt  }
0x59: {  	_ =	shalt  }
0x5a: {  	_ =	shalt  }
0x5b: {  	_ =	shalt  }
0x5c: {  	_ =	shalt  }
0x5d: {  	_ =	shalt  }
0x5e: {  	_ =	shalt  }
0x5f: {  	_ =	shalt  }
0x60: {  	_ =	shalt  }
0x61: {  	_ =	shalt  }
0x62: {  	_ =	shalt  }
0x63: {  	_ =	shalt  }
0x64: {  	_ =	shalt  }
0x65: {  	_ =	shalt  }
0x66: {  	_ =	shalt  }
0x67: {  	_ =	shalt  }
0x68: {  	_ =	shalt  }
0x69: {  	_ =	shalt  }
0x6a: {  	_ =	shalt  }
0x6b: {  	_ =	shalt  }
0x6c: {  	_ =	shalt  }
0x6d: {  	_ =	shalt  }
0x6e: {  	_ =	shalt  }
0x6f: {  	_ =	shalt  }
0x70: {  	_ =	shalt  }
0x71: {  	_ =	shalt  }
0x72: {  	_ =	shalt  }
0x73: {  	_ =	shalt  }
0x74: {  	_ =	shalt  }
0x75: {  	_ =	shalt  }
0x76: {  	_ =	shalt  }
0x77: {  	_ =	shalt  }
0x78: {  	_ =	shalt  }
0x79: {  	_ =	shalt  }
0x7a: {  	_ =	shalt  }
0x7b: {  	_ =	shalt  }
0x7c: {  	_ =	shalt  }
0x7d: {  	_ =	shalt  }
0x7e: {  	_ =	shalt  }
0x7f: {  	_ =	shalt  }
0x80: {  	_ =	shalt  }
0x81: {  	_ =	shalt  }
0x82: {  	_ =	shalt  }
0x83: {  	_ =	shalt  }
0x84: {  	_ =	shalt  }
0x85: {  	_ =	shalt  }
0x86: {  	_ =	shalt  }
0x87: {  	_ =	shalt  }
.Lfunc_end0:
.L_simem_size_0:
called_computation.1_lowered:
.L_overlay_start_0:
0x88: {  	s2 =	sld [smem:$0x3FD9]  }
0x89: {  	s3 =	sld [smem:$0x3FFE];
	_ =	sdelay $0x1  }
0x8a: {  	s1 =	srdreg.scid  }
0x8b: {  	s0 =	sand.u32 $0x1, s1  }
0x8c: {  	s17 =	sshll.u32 s0, $0xA;
	s2 =	sadd.s32 s3, s2  }
0x8d: {  	s2 =	sadd.s32 s2, s17  }
0x8e: {  	[smem:$0x3FA0] =	sst s2  }
0x8f: {  	_ = 	snop  }
0x90: {  	s2 =	sld [smem:$0x3FD0];
	(tm) =	ssettm $0x1  }
0x91: {  	s18 =	sld [smem:$0x3FFB];
	_ =	sdelay $0x3  }
0x92: {  	_ =	strace s18  }
0x93: {  	s3 =	sld [smem:$0x3FFC];
	_ =	sdelay $0x3  }
0x94: {  	_ =	strace s3  }
0x95: {  	s3 =	sld [smem:$0x3FFD];
	_ =	sdelay $0x3  }
0x96: {  	_ =	strace s3  }
0x97: {  	_ =	strace $0x8FFFFFFF  }
0x98: {  	s19 =	sld [smem:$0x3FDB];
	_ =	sdelay $0x1  }
0x99: {  	s4 =	simm.s32 $_scs_section_size  }
0x9a: {  	s5 =	simm.s32 $_size__tile_overlayer_lowered;
	s6 =	simm.s32 $_tile_overlayer_lowered  }
0x9b: {  	s22 =	simm.s32 $0x1BFF;
	s21 =	sshll.u32 s6, $0x1;
	s3 =	sadd.s32 s4, s19  }
0x9c: {  	s7 =	simm.s32 $0x0;
	s20 =	sshll.u32 s5, $0x1;
	s5 =	sadd.s32 s21, s3  }
0x9d: {  	[timem:s7], [sflag:s22] =	dma.local [hbm:s5], s20  }
0x9e: {  	_ =	swait.ge [sflag:s22], s20  }
0x9f: {  	s4 =	ssub.s32 $0x0, s20;
	[sflag:s22] =	ssyncset.done $0x0  }
0xa0: {  	[sflag:s22] =	ssyncadd.s32 s4;
	_ =	sdelay $0x1  }
0xa1: {  	s23 =	simm.s32 $0x1B8B  }
0xa2: {  	_ =	swait.ge [sflag:s23], $0x1  }
0xa3: {  	[sflag:s23] =	ssyncset.done $0x0  }
0xa4: {  	s25 =	simm.s32 $0x1B8E;
	s24 =	sld [smem:$0x3FFE];
	[sflag:s23] =	ssyncadd.s32 $0xFFFFFFFF  }
0xa5: {  	s26 =	simm.s32 $execute0_lowered;
	[smem:$0x3FD2] =	sst s25  }
0xa6: {  	s5 =	sshll.u32 s26, $0x1;
	_ =	strace $0x80000049;
	[dreg:$0x1] =	wrdreg $0xFFFFFFFF  }
0xa7: {  	s28 =	simm.s32 $_size_execute0_lowered;
	s3 =	sadd.s32 s3, s5;
	[dreg:$0x0] =	wrdreg $0x0  }
0xa8: {  	s5 =	sshll.u32 s28, $0x1;
	[dreg:$0x2] =	wrdreg s3  }
0xa9: {  	[dreg:$0x3] =	wrdreg s5  }
0xaa: {  	[dreg:$0x4] =	wrdreg $0xC0  }
0xab: {  	_ =	task [dreg:s7], $0x5FFFF  }
0xac: {  	[dreg:$0x1] =	wrdreg $0xFFFFFFFF  }
0xad: {  	[dreg:$0x0] =	wrdreg $0x60  }
0xae: {  	[dreg:$0x2] =	wrdreg s24  }
0xaf: {  	[dreg:$0x3] =	wrdreg s2  }
0xb0: {  	[dreg:$0x4] =	wrdreg $0x100E00  }
0xb1: {  	[dreg:$0x5] =	wrdreg $0x19D200  }
0xb2: {  	[dreg:$0x6] =	wrdreg $0x9  }
0xb3: {  	_ =	task.clear_ibuf [dreg:s7], $0x7FFFF;
	_ =	strace $0x90000049  }
0xb4: {  	s29 =	simm.s32 $0x9;
	_ =	strace $0x8000004B  }
0xb5: {  	_ =	swait.ge [sflag:s29], $0x1  }
0xb6: {  	[sflag:s29] =	ssyncadd.s32 $0xFFFFFFFF  }
0xb7: {  	_ =	strace $0x9000004B  }
0xb8: {  	_ =	sfence  }
0xb9: {  	s30 =	sld [smem:$0x0];
	_ =	sdelay $0x2  }
0xba: {  	s31 =	sshll.u32 s1, $0xD;
	s1 =	sshrl.u32 s1, $0x2  }
0xbb: {  	s3 =	sand.u32 $0x4000, s31;
	s1 =	sadd.s32 s1, s30  }
0xbc: {  	s0 =	sor.u32 s3, s0;
	s1 =	sshll.u32 s1, $0x11  }
0xbd: {  	s0 =	sor.u32 s1, s0  }
0xbe: {  	s0 =	sadd.s32 $0x8F2B, s0  }
0xbf: {  	[sflag:s0] =	ssyncadd.remote.s32 $0x1  }
0xc0: {  	_ =	sfence.sel $0xFFFF  }
0xc1: {  	[dreg:$0x0] =	wrdreg $0xFFFFFFFF;
	(pc) =	sbr.abs _section_cstart, $3  }
0xc2: {  	[dreg:$0x1] =	wrdreg $0xFFFFFFFF  }
0xc3: {  	_ =	task.clear_ibuf [dreg:s7], $0x2FFFF;
	_ =	strace $0x9FFFFFFF  }
0xc4: {  	(tm) =	ssettm $0x7FFFFFFF  }
0xc5: {  	_ =	shalt  }
tec
execute0_lowered:
.L_overlay_start_1:
0x0: {  	(tag) =	ssettag $0x1  }
0x1: {  	s0 =	rddreg [dreg:$0x0]  }
0x2: {  	s2 =	rddreg [dreg:$0x2]  }
0x3: {  	s3 =	rddreg [dreg:$0x3];
	s1 =	srdreg.scid  }
0x4: {  	s4 =	simm.s32 $0x0;
	s16 =	stileid.u32;
	s21 =	simm.s32 $0x9  }
0x5: {  	s30 =	simm.s32 $0xBFE0;
	s31 =	simm.s32 $0x97E0;
	s1 =	sand.u32 $0x1, s1  }
0x6: {  	[smem:$0x7FF] =	sst s4;
	s5 =	sadd.s32 $0x99C00, s0;
	s7 =	sadd.s32 $0x7000, s0  }
0x7: {  	s8 =	sadd.s32 $0x86200, s0;
	s23 =	sadd.s32 $0x10E00, s0;
	s10 =	smul.u32 $0x9C00, s16  }
0x8: {  	s12 =	sshll.u32 s16, $0x6;
	s13 =	smul.u32 $0x2700, s16;
	s28 =	sadd.s32 $0x9C000, s2  }
0x9: {  	s17 =	sadd.s32 $0x27000, s3;
	s14 =	smul.u32 $0x4E20, s16;
	p0 =	sne.s32 s16, $0xF  }
0xa: {  	s16 =	simm.s32 $0x6;
	_ =	strace $0x8000004A;
	[dreg:$0x5] =	wrdreg s8  }
0xb: {  	s22 =	smul.u32 $0x27100, s1;
	s9 =	ssub.s32 $0x2, s1;
	[dreg:$0x9] =	wrdreg s28  }
0xc: {  	s19 =	sor.u32 $0x1C09, s12;
	s29 =	smul.u32 $0x9C400, s1;
	[dreg:$0xa] =	wrdreg s17  }
0xd: {  	s18 =	sshll.u32 s1, $0x2;
	s12 =	simm.s32 $0xE7E0;
	s17 =	simm.s32 $0x7  }
0xe: {  	s11 =	sshrl.u32 s9, $0x1;
	s25 =	sadd.s32 s10, s2;
	s26 =	sadd.s32 s13, s3  }
0xf: {  	s20 =	sor.u32 $0x1, s18;
	[dreg:$0x7] =	wrdreg s19;
	s6 =	sadd.s32 s22, s0  }
0x10: {  	s0 =	sadd.s32 $0xC0E00, s0;
	s9 =	ssub.s32 s9, s11;
	[dreg:$0x6] =	wrdreg s25  }
0x11: {  	[dreg:$0x8] =	wrdreg s26;
	s10 =	sadd.s32 s10, s29;
	s13 =	sadd.s32 s13, s22  }
0x12: {  	s11 =	sshrl.u32 s29, $0x3;
	s25 =	sshllo.u32 s1, $0x2;
	s4 =	sshrl.u32 s22, $0x3  }
0x13: {  	s1 =	sshll.u32 s1, $0x6;
	s29 =	sor.u32 $0x2, s18;
	s22 =	simm.s32 $0x92E0  }
0x14: {  	v2 =	vmov s18;
	s18 =	simm.s32 $0x8;
	s15 =	sadd.s32 $0xE7E00, s6;
	s10 =	sshrl.u32 s10, $0x3  }
0x15: {  	s24 =	sshrl.u32 s13, $0x3;
	s8 =	sadd.s32 s23, s11;
	s26 =	smax.u32 s9, $0x1  }
0x16: {  	s28 =	sadd.s32 $0x56E0, s1;
	s1 =	sadd.s32 $0xBFE0, s1;
	s6 =	simm.s32 $0x2  }
0x17: {  	s9 =	simm.s32 $0x3;
	s11 =	simm.s32 $0x4;
	s13 =	simm.s32 $0x5  }
0x18: {  	s10 =	sadd.s32 s23, s10;
	s8 =	sadd.s32 $0x13800, s8;
	[dreg:$0xf] =	wrdreg s26  }
0x19: {  	v6 =	vlaneseq.u32;
	s23 =	simm.s32 $0xFBE0;
	[dreg:$0xb] =	wrdreg s10;
	s10 =	sadd.s32 s0, s24  }
0x1a: {  	v3 =	vmov s20;
	v0 =	vmov s28;
	v1 =	vmov s1;
	[dreg:$0xd] =	wrdreg s8;
	s0 =	sadd.s32 s0, s4;
	s24 =	simm.s32 $0x50  }
0x1b: {  	vm3 =	veq.s32 v2, v6;
	v4 =	vmov s29;
	v5 =	vmov s25;
	s4 =	simm.s32 $0x7EE0;
	[dreg:$0xc] =	wrdreg s10;
	s0 =	sadd.s32 $0x4E00, s0  }
0x1c: {  	vm2 =	veq.s32 v3, v6;
	vm0 =	veq.s32 v5, v6;
	vm1 =	veq.s32 v4, v6;
	s10 =	simm.s32 $0x0;
	[dreg:$0xe] =	wrdreg s0;
	s0 =	simm.s32 $0x1  }
.LBB2_1:
0x1d: {  	[dreg:$0x10] =	wrdreg s10  }
0x1e: {  	s1 =	rddreg [dreg:$0x6]  }
0x1f: {  	s10 =	rddreg [dreg:$0x5];
	s1 =	sshrl.u32 s1, $0x3  }
0x20: {  	[dreg:$0x11] =	wrdreg s1  }
0x21: {  	[spmem:s1], [sflag:s19] =	dma.local [hbm:s10], $0x1380  }
0x22: {  	_ =	swait.ge [sflag:s21], $0x1380  }
0x23: {  	[sflag:s21] =	ssyncset.done $0x0  }
0x24: {  	s28 =	rddreg [dreg:$0x8];
	[sflag:s21] =	ssyncadd.s32 $0xFFFFEC80  }
0x25: {  	s20 =	sshrl.u32 s28, $0x3;
	s8 =	rddreg [dreg:$0x1]  }
0x26: {  	[dreg:$0x12] =	wrdreg s20  }
0x27: {  	[spmem:s20], [sflag:s19] =	dma.local [hbm:s8], $0x4E0  }
0x28: {  	_ =	swait.ge [sflag:s21], $0x4E0  }
0x29: {  	[sflag:s21] =	ssyncset.done $0x0  }
0x2a: {  	s29 =	simm.s32 $0x0;
	[sflag:s21] =	ssyncadd.s32 $0xFFFFFB20  }
0x2b: {  	[tilespmem:s22], [sflag:$0x9] =	stream.linear.gather [hbm4b:s8+s29], $0x500, $0x38;
	[tilespmem:$0x1C430] =	vst v63  }
0x2c: {  	_ =	swait.ge [sflag:s21], $0x500  }
0x2d: {  	[sflag:s21] =	ssyncset.done $0x0  }
0x2e: {  	[sflag:s21] =	ssyncadd.s32 $0xFFFFFB00  }
0x2f: {  	[tilespmem:s23], [sflag:$0x9] =	stream.linear.gather [hbm4b:s8+s29], $0x500, $0x38;
	[tilespmem:$0x1C430] =	vst v63  }
0x30: {  	_ =	swait.ge [sflag:s21], $0x500  }
0x31: {  	s1 =	rddreg [dreg:$0x9]  }
0x32: {  	[sflag:s21] =	ssyncset.done $0x0;
	s1 =	sshrl.u32 @!p0 s1, $0x3  }
0x33: {  	[sflag:s21] =	ssyncadd.s32 $0xFFFFFB00;
	[dreg:$0x13] =	wrdreg s1  }
0x34: {  	[spmem:s1], [sflag:s19] =	dma.local @!p0 [hbm:s10], $0x80  }
0x35: {  	s1 =	simm.s32 @!p0 $0x9  }
0x36: {  	_ =	swait.ge @!p0 [sflag:s1], $0x80  }
0x37: {  	s10 =	rddreg [dreg:$0xa]  }
0x38: {  	[sflag:s1] =	ssyncset.done @!p0 $0x0;
	s10 =	sshrl.u32 @!p0 s10, $0x3  }
0x39: {  	[sflag:s1] =	ssyncadd.s32 @!p0 $0xFFFFFF80;
	[dreg:$0x14] =	wrdreg s10  }
0x3a: {  	[spmem:s10], [sflag:s19] =	dma.local @!p0 [hbm:s8], $0x20  }
0x3b: {  	_ =	swait.ge @!p0 [sflag:s1], $0x20  }
0x3c: {  	[sflag:s1] =	ssyncset.done @!p0 $0x0  }
0x3d: {  	[sflag:s1] =	ssyncadd.s32 @!p0 $0xFFFFFFE0  }
0x3e: {  	s1 =	simm.s32 $0x0;
	[bflag:$0x0] =	sbarrier.arrive $0xFFFF  }
.LBB2_2:
0x3f: {  	s8 =	smul.u32 $0xFA0, s1;
	_ =	sdelay $0x1  }
0x40: {  	s8 =	sadd.s32 s14, s8  }
0x41: {  	s8 =	sshrl.u32 s8, $0x3  }
0x42: {  	s10 =	simm.s32 $0x0;
	s8 =	sadd.s32 s7, s8  }
0x43: {  	[tilespmem:s10], [sflag:$0x9] =	stream.linear.gather [hbm4b:s8+s10], $0xFA0, $0x38;
	[tilespmem:$0x1C430] =	vst v63  }
0x44: {  	_ =	swait.ge [sflag:s21], $0xFA0  }
0x45: {  	[sflag:s21] =	ssyncset.done $0x0  }
0x46: {  	s8 =	simm.s32 $0x0;
	[sflag:s21] =	ssyncadd.s32 $0xFFFFF060  }
0x47: {  	v2 =	vld [tilespmem:s8+$0x40]  }
0x48: {  	v3 =	vld [tilespmem:s8+$0x0]  }
0x49: {  	v4 =	vld [tilespmem:s8+$0x10]  }
0x4a: {  	v7 =	vld [tilespmem:s8+$0x20]  }
0x4b: {  	v8 =	vld [tilespmem:s8+$0x30]  }
0x4c: {  	v5 =	vand.u32 $0x3FFF, v2  }
0x4d: {  	v6 =	vshrl.u32 v3, $0xE;
	[tilespmem:s8+$0x1F80] =	vst v5  }
0x4e: {  	v2 =	vshrl.u32 v2, $0xE;
	v3 =	vand.u32 $0x3FFF, v3;
	[tilespmem:s8+$0xFA0] =	vst v6  }
0x4f: {  	v9 =	vshrl.u32 v4, $0xE;
	v5 =	vand.u32 $0x3FFF, v4;
	[tilespmem:s8+$0x1F40] =	vst v3;
	v6 =	vshrl.u32 v7, $0xE  }
0x50: {  	s19 =	simm.s32 $0x280;
	s10 =	simm.s32 $0x50;
	v3 =	vand.u32 $0x3FFF, v7;
	[tilespmem:s8+$0xFB0] =	vst v9;
	v7 =	vshrl.u32 v8, $0xE;
	v4 =	vand.u32 $0x3FFF, v8  }
.LBB2_3:
0x51: {  	p1 =	sne.s32 s19, $0x3D40;
	v8 =	vld [tilespmem:s10+$0x40];
	[tilespmem:s8+$0x1F50] =	vst v5  }
0x52: {  	v5 =	vld [tilespmem:s10+$0x0];
	[tilespmem:s8+$0xFC0] =	vst v6  }
0x53: {  	v6 =	vld [tilespmem:s10+$0x10];
	[tilespmem:s8+$0x1F60] =	vst v3  }
0x54: {  	v3 =	vld [tilespmem:s10+$0x20];
	[tilespmem:s8+$0xFD0] =	vst v7  }
0x55: {  	v9 =	vld [tilespmem:s10+$0x30];
	[tilespmem:s8+$0x1F70] =	vst v4  }
.Ltmp0:
0x56: {  	v4 =	vand.u32 $0x3FFF, v8;
	[tilespmem:s8+$0xFE0] =	vst v2;
	v2 =	vshrl.u32 v8, $0xE;
	s8 =	smov.u32 s10;
	(pc) =	sbr.rel @p1 .LBB2_3-.Ltmp0, $4  }
0x57: {  	v7 =	vshrl.u32 v5, $0xE;
	v8 =	vand.u32 $0x3FFF, v5;
	[tilespmem:s8+$0x1F80] =	vst v4  }
0x58: {  	[tilespmem:s8+$0xFA0] =	vst v7;
	v4 =	vshrl.u32 v6, $0xE;
	v5 =	vand.u32 $0x3FFF, v6  }
0x59: {  	[tilespmem:s8+$0x1F40] =	vst v8;
	v6 =	vshrl.u32 v3, $0xE;
	v3 =	vand.u32 $0x3FFF, v3  }
0x5a: {  	s10 =	sshra.s32 s19, $0x2;
	s19 =	sadd.s32 $0x140, s19;
	[tilespmem:s8+$0xFB0] =	vst v4;
	v7 =	vshrl.u32 v9, $0xE;
	v4 =	vand.u32 $0x3FFF, v9  }
0x5b: {  	v8 =	vld [tilespmem:s10+$0x40];
	[tilespmem:s8+$0x1F50] =	vst v5  }
0x5c: {  	v5 =	vld [tilespmem:s10+$0x0];
	[tilespmem:s8+$0xFC0] =	vst v6  }
0x5d: {  	v6 =	vld [tilespmem:s10+$0x10];
	[tilespmem:s8+$0x1F60] =	vst v3  }
0x5e: {  	v3 =	vld [tilespmem:s10+$0x20];
	[tilespmem:s8+$0xFD0] =	vst v7  }
0x5f: {  	v7 =	vld [tilespmem:s10+$0x30];
	[tilespmem:s8+$0x1F70] =	vst v4  }
0x60: {  	[tilespmem:s8+$0xFE0] =	vst v2;
	v61 =	vand.u32 $0x3FFF, v8  }
0x61: {  	v2 =	vshrl.u32 v5, $0xE;
	[tilespmem:s10+$0x1F80] =	vst v61  }
0x62: {  	v62 =	vand.u32 $0x3FFF, v5;
	[tilespmem:s10+$0xFA0] =	vst v2  }
0x63: {  	v2 =	vshrl.u32 v6, $0xE;
	[tilespmem:s10+$0x1F40] =	vst v62  }
0x64: {  	v63 =	vand.u32 $0x3FFF, v6;
	[tilespmem:s10+$0xFB0] =	vst v2  }
0x65: {  	v2 =	vshrl.u32 v3, $0xE;
	[tilespmem:s10+$0x1F50] =	vst v63  }
0x66: {  	v3 =	vand.u32 $0x3FFF, v3;
	[tilespmem:s10+$0xFC0] =	vst v2  }
0x67: {  	v2 =	vshrl.u32 v7, $0xE;
	[tilespmem:s10+$0x1F60] =	vst v3  }
0x68: {  	v3 =	vand.u32 $0x3FFF, v7;
	[tilespmem:s10+$0xFD0] =	vst v2  }
0x69: {  	v2 =	vshrl.u32 v8, $0xE;
	[tilespmem:s10+$0x1F70] =	vst v3  }
0x6a: {  	s25 =	simm.s32 $0x1F40;
	s26 =	simm.s32 $0x56E0;
	[tilespmem:s10+$0xFE0] =	vst v2  }
0x6b: {  	[tilespmem:s26], [sflag:$0x1] =	stream.indirect.gather [hbm4b:s5+s24], $0x80, s25, s24, $0xb8;
	[tilespmem:$0x1C430] =	vst v63  }
0x6c: {  	s28 =	simm.s32 $0xFA0;
	s29 =	simm.s32 $0x2EE0;
	s8 =	simm.s32 $0x0  }
0x6d: {  	[tilespmem:s29], [sflag:$0x2] =	stream.indirect.gather [hbm4b:s15+s24], $0x80, s28, s24, $0xb8;
	[tilespmem:$0x1C430] =	vst v63  }
.LBB2_5:
0x6e: {  	s19 =	smul.u32 $0xA0, s8;
	_ =	sdelay $0x1  }
0x6f: {  	s20 =	sadd.s32 $0x1F90, s19  }
0x70: {  	[tilespmem:s30], [sflag:$0x3] =	stream.indirect.gather [hbm4b:s5+s24], $0x80, s20, s24, $0xb8;
	[tilespmem:$0x1C430] =	vst v63  }
0x71: {  	s10 =	sadd.s32 $0xFF0, s19  }
0x72: {  	[tilespmem:s31], [sflag:$0x4] =	stream.indirect.gather [hbm4b:s15+s24], $0x80, s10, s24, $0xb8;
	[tilespmem:$0x1C430] =	vst v63  }
0x73: {  	_ =	swait.ge [sflag:s0], $0x2800  }
0x74: {  	[sflag:s0] =	ssyncset.done $0x0  }
0x75: {  	[sflag:s0] =	ssyncadd.s32 $0xFFFFD800  }
0x76: {  	_ =	swait.ge [sflag:s6], $0x2800  }
0x77: {  	p1 =	seq.s32 s8, $0x0;
	[sflag:s6] =	ssyncset.done $0x0  }
0x78: {  	s10 =	simm.s32 @!p1 $0x5;
	[sflag:s6] =	ssyncadd.s32 $0xFFFFD800  }
0x79: {  	_ =	swait.ge @!p1 [sflag:s10], $0x1400  }
0x7a: {  	[sflag:s10] =	ssyncset.done @!p1 $0x0  }
0x7b: {  	[sflag:s10] =	ssyncadd.s32 @!p1 $0xFFFFEC00;
	s10 =	simm.s32 @!p1 $0x6  }
0x7c: {  	_ =	swait.ge @!p1 [sflag:s10], $0x500  }
0x7d: {  	s25 =	simm.s32 $0x7F20;
	[sflag:s10] =	ssyncset.done @!p1 $0x0  }
0x7e: {  	s26 =	simm.s32 $0x0;
	[sflag:s10] =	ssyncadd.s32 @!p1 $0xFFFFFB00;
	s10 =	simm.s32 $0x92F0  }
.LBB2_6:
0x7f: {  	s28 =	sshra.s32 s26, $0x2  }
0x80: {  	v2 =	vld [tilespmem:s28+$0x2EE0]  }
0x81: {  	v3 =	vld.idx.msk [tilespmem:v0+s28+$0x0 ss:$0x1], $0xffff;
	_ =	sdelay $0x4  }
0x82: {  	v2 =	vmul.f32 v3, v2;
	_ =	sdelay $0x1  }
0x83: {  	(xrf2) =	vadd.scan.msk.f32 $0xffff, v2;
	_ =	sdelay $0x9  }
0x84: {  	v2, _, _ =	vpop (xrf2)  }
0x85: {  	(v2sf) =	vpush v2, $0xF;
	_ =	sdelay $0xe  }
0x86: {  	s29 =	spop (v2sf)  }
0x87: {  	s29 =	smul.f32 $2.500000000e-01, s29;
	_ =	sdelay $0x1  }
0x88: {  	v2 =	vmov s29  }
0x89: {  	v2 =	vmul.f32 $1.442695020e+00, v2;
	_ =	sdelay $0x1  }
0x8a: {  	v2 =	vbroadcast v2, $0x0;
	_ =	sdelay $0x1  }
0x8b: {  	(erf) = vpow2.f32 v2;
	_ =	sdelay $0x4  }
0x8c: {  	v2 =	vld [tilespmem:s28+$0x2F20];
	_ =	sdelay $0x3  }
0x8d: {  	v3 =	vpop (erf)  }
0x8e: {  	v2 =	vmul.f32 v3, v2;
	_ =	sdelay $0x1  }
0x8f: {  	[tilespmem:s25+$0xFFFFFFC0] =	vst v2  }
0x90: {  	v2 =	vld [tilespmem:s28+$0x2EF0]  }
0x91: {  	v4 =	vld.idx.msk [tilespmem:v0+s28+$0x10 ss:$0x1], $0xffff;
	_ =	sdelay $0x4  }
0x92: {  	v2 =	vmul.f32 v4, v2;
	_ =	sdelay $0x1  }
0x93: {  	(xrf2) =	vadd.scan.msk.f32 $0xffff, v2;
	_ =	sdelay $0x9  }
0x94: {  	v2, _, _ =	vpop (xrf2)  }
0x95: {  	(v2sf) =	vpush v2, $0xF;
	_ =	sdelay $0xe  }
0x96: {  	s29 =	spop (v2sf)  }
0x97: {  	s29 =	smul.f32 $2.500000000e-01, s29;
	_ =	sdelay $0x1  }
0x98: {  	v2 =	vmov s29  }
0x99: {  	v2 =	vmul.f32 $1.442695020e+00, v2;
	_ =	sdelay $0x1  }
0x9a: {  	v2 =	vbroadcast v2, $0x0;
	_ =	sdelay $0x1  }
0x9b: {  	(erf) = vpow2.f32 v2;
	_ =	sdelay $0x4  }
0x9c: {  	v2 =	vld [tilespmem:s28+$0x2F30];
	_ =	sdelay $0x3  }
0x9d: {  	v55 =	vpop (erf)  }
0x9e: {  	v2 =	vmul.f32 v55, v2;
	_ =	sdelay $0x1  }
0x9f: {  	[tilespmem:s25+$0xFFFFFFD0] =	vst v2  }
0xa0: {  	v2 =	vld [tilespmem:s28+$0x2F00]  }
0xa1: {  	v5 =	vld.idx.msk [tilespmem:v0+s28+$0x20 ss:$0x1], $0xffff;
	_ =	sdelay $0x4  }
0xa2: {  	v2 =	vmul.f32 v5, v2;
	_ =	sdelay $0x1  }
0xa3: {  	(xrf2) =	vadd.scan.msk.f32 $0xffff, v2;
	_ =	sdelay $0x9  }
0xa4: {  	v2, _, _ =	vpop (xrf2)  }
0xa5: {  	(v2sf) =	vpush v2, $0xF;
	_ =	sdelay $0xe  }
0xa6: {  	s29 =	spop (v2sf)  }
0xa7: {  	s29 =	smul.f32 $2.500000000e-01, s29;
	_ =	sdelay $0x1  }
0xa8: {  	v2 =	vmov s29  }
0xa9: {  	v2 =	vmul.f32 $1.442695020e+00, v2;
	_ =	sdelay $0x1  }
0xaa: {  	v2 =	vbroadcast v2, $0x0;
	_ =	sdelay $0x1  }
0xab: {  	(erf) = vpow2.f32 v2;
	_ =	sdelay $0x4  }
0xac: {  	v2 =	vld [tilespmem:s28+$0x2F40];
	_ =	sdelay $0x3  }
0xad: {  	v56 =	vpop (erf)  }
0xae: {  	v2 =	vmul.f32 v56, v2;
	_ =	sdelay $0x1  }
0xaf: {  	[tilespmem:s25+$0xFFFFFFE0] =	vst v2  }
0xb0: {  	v2 =	vld [tilespmem:s28+$0x2F10]  }
0xb1: {  	v6 =	vld.idx.msk [tilespmem:v0+s28+$0x30 ss:$0x1], $0xffff;
	_ =	sdelay $0x4  }
0xb2: {  	v2 =	vmul.f32 v6, v2;
	_ =	sdelay $0x1  }
0xb3: {  	(xrf2) =	vadd.scan.msk.f32 $0xffff, v2;
	_ =	sdelay $0x9  }
0xb4: {  	v2, _, _ =	vpop (xrf2)  }
0xb5: {  	(v2sf) =	vpush v2, $0xF;
	_ =	sdelay $0xe  }
0xb6: {  	s29 =	spop (v2sf)  }
0xb7: {  	s29 =	smul.f32 $2.500000000e-01, s29;
	_ =	sdelay $0x1  }
0xb8: {  	v2 =	vmov s29  }
0xb9: {  	v2 =	vmul.f32 $1.442695020e+00, v2;
	_ =	sdelay $0x1  }
0xba: {  	v2 =	vbroadcast v2, $0x0;
	_ =	sdelay $0x1  }
0xbb: {  	(erf) = vpow2.f32 v2;
	_ =	sdelay $0x4  }
0xbc: {  	v2 =	vld [tilespmem:s28+$0x2F50];
	_ =	sdelay $0x3  }
0xbd: {  	v3 =	vnsel vm3, $0x0, v3;
	v57 =	vpop (erf)  }
0xbe: {  	v3 =	vsel vm2, v55, v3;
	v2 =	vmul.f32 v57, v2  }
0xbf: {  	v3 =	vsel vm1, v56, v3  }
0xc0: {  	[tilespmem:s25+$0xFFFFFFF0] =	vst v2;
	v2 =	vsel vm0, v57, v3  }
0xc1: {  	[tilespmem:s10+$0xFFFFFFF0] =	vst v2  }
0xc2: {  	v2 =	vld [tilespmem:s28+$0x2F60]  }
0xc3: {  	v3 =	vld.idx.msk [tilespmem:v0+s28+$0x80 ss:$0x1], $0xffff;
	_ =	sdelay $0x4  }
0xc4: {  	v2 =	vmul.f32 v3, v2;
	_ =	sdelay $0x1  }
0xc5: {  	(xrf2) =	vadd.scan.msk.f32 $0xffff, v2;
	_ =	sdelay $0x9  }
0xc6: {  	v2, _, _ =	vpop (xrf2)  }
0xc7: {  	(v2sf) =	vpush v2, $0xF;
	_ =	sdelay $0xe  }
0xc8: {  	s29 =	spop (v2sf)  }
0xc9: {  	s29 =	smul.f32 $2.500000000e-01, s29;
	_ =	sdelay $0x1  }
0xca: {  	v2 =	vmov s29  }
0xcb: {  	v2 =	vmul.f32 $1.442695020e+00, v2;
	_ =	sdelay $0x1  }
0xcc: {  	v2 =	vbroadcast v2, $0x0;
	_ =	sdelay $0x1  }
0xcd: {  	(erf) = vpow2.f32 v2;
	_ =	sdelay $0x4  }
0xce: {  	v2 =	vld [tilespmem:s28+$0x2FA0];
	_ =	sdelay $0x3  }
0xcf: {  	v3 =	vpop (erf)  }
0xd0: {  	v2 =	vmul.f32 v3, v2;
	_ =	sdelay $0x1  }
0xd1: {  	[tilespmem:s25+$0x0] =	vst v2  }
0xd2: {  	v2 =	vld [tilespmem:s28+$0x2F70]  }
0xd3: {  	v58 =	vld.idx.msk [tilespmem:v0+s28+$0x90 ss:$0x1], $0xffff;
	_ =	sdelay $0x4  }
0xd4: {  	v2 =	vmul.f32 v58, v2;
	_ =	sdelay $0x1  }
0xd5: {  	(xrf2) =	vadd.scan.msk.f32 $0xffff, v2;
	_ =	sdelay $0x9  }
0xd6: {  	v2, _, _ =	vpop (xrf2)  }
0xd7: {  	(v2sf) =	vpush v2, $0xF;
	_ =	sdelay $0xe  }
0xd8: {  	s29 =	spop (v2sf)  }
0xd9: {  	s29 =	smul.f32 $2.500000000e-01, s29;
	_ =	sdelay $0x1  }
0xda: {  	v2 =	vmov s29  }
0xdb: {  	v2 =	vmul.f32 $1.442695020e+00, v2;
	_ =	sdelay $0x1  }
0xdc: {  	v2 =	vbroadcast v2, $0x0;
	_ =	sdelay $0x1  }
0xdd: {  	(erf) = vpow2.f32 v2;
	_ =	sdelay $0x4  }
0xde: {  	v2 =	vld [tilespmem:s28+$0x2FB0];
	_ =	sdelay $0x3  }
0xdf: {  	v59 =	vpop (erf)  }
0xe0: {  	v2 =	vmul.f32 v59, v2;
	_ =	sdelay $0x1  }
0xe1: {  	[tilespmem:s25+$0x10] =	vst v2  }
0xe2: {  	v2 =	vld [tilespmem:s28+$0x2F80]  }
0xe3: {  	v60 =	vld.idx.msk [tilespmem:v0+s28+$0xA0 ss:$0x1], $0xffff;
	_ =	sdelay $0x4  }
0xe4: {  	v2 =	vmul.f32 v60, v2;
	_ =	sdelay $0x1  }
0xe5: {  	(xrf2) =	vadd.scan.msk.f32 $0xffff, v2;
	_ =	sdelay $0x9  }
0xe6: {  	v2, _, _ =	vpop (xrf2)  }
0xe7: {  	(v2sf) =	vpush v2, $0xF;
	_ =	sdelay $0xe  }
0xe8: {  	s29 =	spop (v2sf)  }
0xe9: {  	s29 =	smul.f32 $2.500000000e-01, s29;
	_ =	sdelay $0x1  }
0xea: {  	v2 =	vmov s29  }
0xeb: {  	v2 =	vmul.f32 $1.442695020e+00, v2;
	_ =	sdelay $0x1  }
0xec: {  	v2 =	vbroadcast v2, $0x0;
	_ =	sdelay $0x1  }
0xed: {  	(erf) = vpow2.f32 v2;
	_ =	sdelay $0x4  }
0xee: {  	v2 =	vld [tilespmem:s28+$0x2FC0];
	_ =	sdelay $0x3  }
0xef: {  	v61 =	vpop (erf)  }
0xf0: {  	v2 =	vmul.f32 v61, v2;
	_ =	sdelay $0x1  }
0xf1: {  	[tilespmem:s25+$0x20] =	vst v2  }
0xf2: {  	v2 =	vld [tilespmem:s28+$0x2F90]  }
0xf3: {  	v62 =	vld.idx.msk [tilespmem:v0+s28+$0xB0 ss:$0x1], $0xffff;
	_ =	sdelay $0x4  }
0xf4: {  	v2 =	vmul.f32 v62, v2;
	_ =	sdelay $0x1  }
0xf5: {  	(xrf2) =	vadd.scan.msk.f32 $0xffff, v2;
	_ =	sdelay $0x9  }
0xf6: {  	v2, _, _ =	vpop (xrf2)  }
0xf7: {  	(v2sf) =	vpush v2, $0xF;
	_ =	sdelay $0xe  }
0xf8: {  	s29 =	spop (v2sf)  }
0xf9: {  	s29 =	smul.f32 $2.500000000e-01, s29;
	_ =	sdelay $0x1  }
0xfa: {  	v2 =	vmov s29  }
0xfb: {  	v2 =	vmul.f32 $1.442695020e+00, v2;
	_ =	sdelay $0x1  }
0xfc: {  	v2 =	vbroadcast v2, $0x0;
	_ =	sdelay $0x1  }
0xfd: {  	(erf) = vpow2.f32 v2;
	_ =	sdelay $0x4  }
0xfe: {  	v2 =	vld [tilespmem:s28+$0x2FD0];
	_ =	sdelay $0x2  }
0xff: {  	p2 =	sne.s32 s26, $0x9C00  }
.Ltmp1:
0x100: {  	v3 =	vnsel vm3, $0x0, v3;
	v63 =	vpop (erf);
	(pc) =	sbr.rel @p2 .LBB2_6-.Ltmp1, $4  }
0x101: {  	v3 =	vsel vm2, v59, v3;
	v2 =	vmul.f32 v63, v2  }
0x102: {  	v3 =	vsel vm1, v61, v3  }
0x103: {  	[tilespmem:s25+$0x30] =	vst v2;
	v2 =	vsel vm0, v63, v3  }
0x104: {  	s26 =	sadd.s32 $0x400, s26;
	s25 =	sadd.s32 $0x80, s25;
	[tilespmem:s10+$0x0] =	vst v2;
	s10 =	sadd.s32 $0x20, s10  }
0x105: {  	s10 =	smul.u32 $0x280, s8;
	_ =	sdelay $0x1  }
0x106: {  	s10 =	sshra.s32 s10, $0x2  }
0x107: {  	s10 =	sadd.s32 $0x1F40, s10  }
0x108: {  	[spmem:s2] =	stream.indirect.scatter.add.f32 [tilespmem:s4], [sflag:$0x5], $0x40, s10, s24, $0xb8;
	[tilespmem:$0x1C430] =	vst v63  }
0x109: {  	p2 =	seq.s32 s8, $0x18  }
0x10a: {  	[spmem:s3] =	stream.indirect.scatter.add.f32 [tilespmem:s22], [sflag:$0x6], $0x10, s10, s24, $0xb8;
	[tilespmem:$0x1C430] =	vst v63  }
0x10b: {  	s25 =	simm.s32 @!p2 $0x50;
	s26 =	simm.s32 @!p2 $0x56E0;
	s10 =	sadd.s32 @!p2 $0x1FE0, s19  }
0x10c: {  	[tilespmem:s26], [sflag:$0x1] =	stream.indirect.gather @!p2 [hbm4b:s5+s25], $0x80, s10, s25, $0xb8;
	[tilespmem:$0x1C430] =	vst v63  }
0x10d: {  	s10 =	sadd.s32 @!p2 $0x1040, s19;
	s19 =	simm.s32 @!p2 $0x2EE0  }
0x10e: {  	[tilespmem:s19], [sflag:$0x2] =	stream.indirect.gather @!p2 [hbm4b:s15+s25], $0x80, s10, s25, $0xb8;
	[tilespmem:$0x1C430] =	vst v63  }
0x10f: {  	_ =	swait.ge [sflag:s9], $0x2800  }
0x110: {  	[sflag:s9] =	ssyncset.done $0x0  }
0x111: {  	[sflag:s9] =	ssyncadd.s32 $0xFFFFD800  }
0x112: {  	_ =	swait.ge [sflag:s11], $0x2800  }
0x113: {  	[sflag:s11] =	ssyncset.done $0x0  }
0x114: {  	s10 =	simm.s32 @!p1 $0x7;
	[sflag:s11] =	ssyncadd.s32 $0xFFFFD800  }
0x115: {  	_ =	swait.ge @!p1 [sflag:s10], $0x1400  }
0x116: {  	[sflag:s10] =	ssyncset.done @!p1 $0x0  }
0x117: {  	[sflag:s10] =	ssyncadd.s32 @!p1 $0xFFFFEC00;
	s10 =	simm.s32 @!p1 $0x8  }
0x118: {  	_ =	swait.ge @!p1 [sflag:s10], $0x500  }
0x119: {  	s19 =	simm.s32 $0xFBF0;
	[sflag:s10] =	ssyncset.done @!p1 $0x0  }
0x11a: {  	s25 =	simm.s32 $0xE820;
	[sflag:s10] =	ssyncadd.s32 @!p1 $0xFFFFFB00;
	s10 =	simm.s32 $0x0  }
.LBB2_8:
0x11b: {  	s26 =	sshra.s32 s10, $0x2  }
0x11c: {  	v2 =	vld [tilespmem:s26+$0x97E0]  }
0x11d: {  	v3 =	vld.idx.msk [tilespmem:v1+s26+$0x0 ss:$0x1], $0xffff;
	_ =	sdelay $0x4  }
0x11e: {  	v2 =	vmul.f32 v3, v2;
	_ =	sdelay $0x1  }
0x11f: {  	(xrf2) =	vadd.scan.msk.f32 $0xffff, v2;
	_ =	sdelay $0x9  }
0x120: {  	v2, _, _ =	vpop (xrf2)  }
0x121: {  	(v2sf) =	vpush v2, $0xF;
	_ =	sdelay $0xe  }
0x122: {  	s28 =	spop (v2sf)  }
0x123: {  	s28 =	smul.f32 $2.500000000e-01, s28;
	_ =	sdelay $0x1  }
0x124: {  	v2 =	vmov s28  }
0x125: {  	v2 =	vmul.f32 $1.442695020e+00, v2;
	_ =	sdelay $0x1  }
0x126: {  	v2 =	vbroadcast v2, $0x0;
	_ =	sdelay $0x1  }
0x127: {  	(erf) = vpow2.f32 v2;
	_ =	sdelay $0x4  }
0x128: {  	v2 =	vld [tilespmem:s26+$0x9820];
	_ =	sdelay $0x3  }
0x129: {  	v3 =	vpop (erf)  }
0x12a: {  	v2 =	vmul.f32 v3, v2;
	_ =	sdelay $0x1  }
0x12b: {  	[tilespmem:s25+$0xFFFFFFC0] =	vst v2  }
0x12c: {  	v2 =	vld [tilespmem:s26+$0x97F0]  }
0x12d: {  	v4 =	vld.idx.msk [tilespmem:v1+s26+$0x10 ss:$0x1], $0xffff;
	_ =	sdelay $0x4  }
0x12e: {  	v2 =	vmul.f32 v4, v2;
	_ =	sdelay $0x1  }
0x12f: {  	(xrf2) =	vadd.scan.msk.f32 $0xffff, v2;
	_ =	sdelay $0x9  }
0x130: {  	v2, _, _ =	vpop (xrf2)  }
0x131: {  	(v2sf) =	vpush v2, $0xF;
	_ =	sdelay $0xe  }
0x132: {  	s29 =	spop (v2sf)  }
0x133: {  	s28 =	smul.f32 $2.500000000e-01, s29;
	_ =	sdelay $0x1  }
0x134: {  	v2 =	vmov s28  }
0x135: {  	v2 =	vmul.f32 $1.442695020e+00, v2;
	_ =	sdelay $0x1  }
0x136: {  	v2 =	vbroadcast v2, $0x0;
	_ =	sdelay $0x1  }
0x137: {  	(erf) = vpow2.f32 v2;
	_ =	sdelay $0x4  }
0x138: {  	v2 =	vld [tilespmem:s26+$0x9830];
	_ =	sdelay $0x3  }
0x139: {  	v55 =	vpop (erf)  }
0x13a: {  	v2 =	vmul.f32 v55, v2;
	_ =	sdelay $0x1  }
0x13b: {  	[tilespmem:s25+$0xFFFFFFD0] =	vst v2  }
0x13c: {  	v2 =	vld [tilespmem:s26+$0x9800]  }
0x13d: {  	v5 =	vld.idx.msk [tilespmem:v1+s26+$0x20 ss:$0x1], $0xffff;
	_ =	sdelay $0x4  }
0x13e: {  	v2 =	vmul.f32 v5, v2;
	_ =	sdelay $0x1  }
0x13f: {  	(xrf2) =	vadd.scan.msk.f32 $0xffff, v2;
	_ =	sdelay $0x9  }
0x140: {  	v2, _, _ =	vpop (xrf2)  }
0x141: {  	(v2sf) =	vpush v2, $0xF;
	_ =	sdelay $0xe  }
0x142: {  	s29 =	spop (v2sf)  }
0x143: {  	s28 =	smul.f32 $2.500000000e-01, s29;
	_ =	sdelay $0x1  }
0x144: {  	v2 =	vmov s28  }
0x145: {  	v2 =	vmul.f32 $1.442695020e+00, v2;
	_ =	sdelay $0x1  }
0x146: {  	v2 =	vbroadcast v2, $0x0;
	_ =	sdelay $0x1  }
0x147: {  	(erf) = vpow2.f32 v2;
	_ =	sdelay $0x4  }
0x148: {  	v2 =	vld [tilespmem:s26+$0x9840];
	_ =	sdelay $0x3  }
0x149: {  	v56 =	vpop (erf)  }
0x14a: {  	v2 =	vmul.f32 v56, v2;
	_ =	sdelay $0x1  }
0x14b: {  	[tilespmem:s25+$0xFFFFFFE0] =	vst v2  }
0x14c: {  	v2 =	vld [tilespmem:s26+$0x9810]  }
0x14d: {  	v6 =	vld.idx.msk [tilespmem:v1+s26+$0x30 ss:$0x1], $0xffff;
	_ =	sdelay $0x4  }
0x14e: {  	v2 =	vmul.f32 v6, v2;
	_ =	sdelay $0x1  }
0x14f: {  	(xrf2) =	vadd.scan.msk.f32 $0xffff, v2;
	_ =	sdelay $0x9  }
0x150: {  	v2, _, _ =	vpop (xrf2)  }
0x151: {  	(v2sf) =	vpush v2, $0xF;
	_ =	sdelay $0xe  }
0x152: {  	s29 =	spop (v2sf)  }
0x153: {  	s28 =	smul.f32 $2.500000000e-01, s29;
	_ =	sdelay $0x1  }
0x154: {  	v2 =	vmov s28  }
0x155: {  	v2 =	vmul.f32 $1.442695020e+00, v2;
	_ =	sdelay $0x1  }
0x156: {  	v2 =	vbroadcast v2, $0x0;
	_ =	sdelay $0x1  }
0x157: {  	(erf) = vpow2.f32 v2;
	_ =	sdelay $0x4  }
0x158: {  	v2 =	vld [tilespmem:s26+$0x9850];
	_ =	sdelay $0x3  }
0x159: {  	v3 =	vnsel vm3, $0x0, v3;
	v57 =	vpop (erf)  }
0x15a: {  	v3 =	vsel vm2, v55, v3;
	v2 =	vmul.f32 v57, v2  }
0x15b: {  	v3 =	vsel vm1, v56, v3  }
0x15c: {  	[tilespmem:s25+$0xFFFFFFF0] =	vst v2;
	v2 =	vsel vm0, v57, v3  }
0x15d: {  	[tilespmem:s19+$0xFFFFFFF0] =	vst v2  }
0x15e: {  	v2 =	vld [tilespmem:s26+$0x9860]  }
0x15f: {  	v3 =	vld.idx.msk [tilespmem:v1+s26+$0x80 ss:$0x1], $0xffff;
	_ =	sdelay $0x4  }
0x160: {  	v2 =	vmul.f32 v3, v2;
	_ =	sdelay $0x1  }
0x161: {  	(xrf2) =	vadd.scan.msk.f32 $0xffff, v2;
	_ =	sdelay $0x9  }
0x162: {  	v2, _, _ =	vpop (xrf2)  }
0x163: {  	(v2sf) =	vpush v2, $0xF;
	_ =	sdelay $0xe  }
0x164: {  	s29 =	spop (v2sf)  }
0x165: {  	s28 =	smul.f32 $2.500000000e-01, s29;
	_ =	sdelay $0x1  }
0x166: {  	v2 =	vmov s28  }
0x167: {  	v2 =	vmul.f32 $1.442695020e+00, v2;
	_ =	sdelay $0x1  }
0x168: {  	v2 =	vbroadcast v2, $0x0;
	_ =	sdelay $0x1  }
0x169: {  	(erf) = vpow2.f32 v2;
	_ =	sdelay $0x4  }
0x16a: {  	v2 =	vld [tilespmem:s26+$0x98A0];
	_ =	sdelay $0x3  }
0x16b: {  	v3 =	vpop (erf)  }
0x16c: {  	v2 =	vmul.f32 v3, v2;
	_ =	sdelay $0x1  }
0x16d: {  	[tilespmem:s25+$0x0] =	vst v2  }
0x16e: {  	v2 =	vld [tilespmem:s26+$0x9870]  }
0x16f: {  	v58 =	vld.idx.msk [tilespmem:v1+s26+$0x90 ss:$0x1], $0xffff;
	_ =	sdelay $0x4  }
0x170: {  	v2 =	vmul.f32 v58, v2;
	_ =	sdelay $0x1  }
0x171: {  	(xrf2) =	vadd.scan.msk.f32 $0xffff, v2;
	_ =	sdelay $0x9  }
0x172: {  	v2, _, _ =	vpop (xrf2)  }
0x173: {  	(v2sf) =	vpush v2, $0xF;
	_ =	sdelay $0xe  }
0x174: {  	s29 =	spop (v2sf)  }
0x175: {  	s28 =	smul.f32 $2.500000000e-01, s29;
	_ =	sdelay $0x1  }
0x176: {  	v2 =	vmov s28  }
0x177: {  	v2 =	vmul.f32 $1.442695020e+00, v2;
	_ =	sdelay $0x1  }
0x178: {  	v2 =	vbroadcast v2, $0x0;
	_ =	sdelay $0x1  }
0x179: {  	(erf) = vpow2.f32 v2;
	_ =	sdelay $0x4  }
0x17a: {  	v2 =	vld [tilespmem:s26+$0x98B0];
	_ =	sdelay $0x3  }
0x17b: {  	v59 =	vpop (erf)  }
0x17c: {  	v2 =	vmul.f32 v59, v2;
	_ =	sdelay $0x1  }
0x17d: {  	[tilespmem:s25+$0x10] =	vst v2  }
0x17e: {  	v2 =	vld [tilespmem:s26+$0x9880]  }
0x17f: {  	v60 =	vld.idx.msk [tilespmem:v1+s26+$0xA0 ss:$0x1], $0xffff;
	_ =	sdelay $0x4  }
0x180: {  	v2 =	vmul.f32 v60, v2;
	_ =	sdelay $0x1  }
0x181: {  	(xrf2) =	vadd.scan.msk.f32 $0xffff, v2;
	_ =	sdelay $0x9  }
0x182: {  	v2, _, _ =	vpop (xrf2)  }
0x183: {  	(v2sf) =	vpush v2, $0xF;
	_ =	sdelay $0xe  }
0x184: {  	s29 =	spop (v2sf)  }
0x185: {  	s28 =	smul.f32 $2.500000000e-01, s29;
	_ =	sdelay $0x1  }
0x186: {  	v2 =	vmov s28  }
0x187: {  	v2 =	vmul.f32 $1.442695020e+00, v2;
	_ =	sdelay $0x1  }
0x188: {  	v2 =	vbroadcast v2, $0x0;
	_ =	sdelay $0x1  }
0x189: {  	(erf) = vpow2.f32 v2;
	_ =	sdelay $0x4  }
0x18a: {  	v2 =	vld [tilespmem:s26+$0x98C0];
	_ =	sdelay $0x3  }
0x18b: {  	v61 =	vpop (erf)  }
0x18c: {  	v2 =	vmul.f32 v61, v2;
	_ =	sdelay $0x1  }
0x18d: {  	[tilespmem:s25+$0x20] =	vst v2  }
0x18e: {  	v2 =	vld [tilespmem:s26+$0x9890]  }
0x18f: {  	v62 =	vld.idx.msk [tilespmem:v1+s26+$0xB0 ss:$0x1], $0xffff;
	_ =	sdelay $0x4  }
0x190: {  	v2 =	vmul.f32 v62, v2;
	_ =	sdelay $0x1  }
0x191: {  	(xrf2) =	vadd.scan.msk.f32 $0xffff, v2;
	_ =	sdelay $0x9  }
0x192: {  	v2, _, _ =	vpop (xrf2)  }
0x193: {  	(v2sf) =	vpush v2, $0xF;
	_ =	sdelay $0xe  }
0x194: {  	s29 =	spop (v2sf)  }
0x195: {  	s28 =	smul.f32 $2.500000000e-01, s29;
	_ =	sdelay $0x1  }
0x196: {  	v2 =	vmov s28  }
0x197: {  	v2 =	vmul.f32 $1.442695020e+00, v2;
	_ =	sdelay $0x1  }
0x198: {  	v2 =	vbroadcast v2, $0x0;
	_ =	sdelay $0x1  }
0x199: {  	(erf) = vpow2.f32 v2;
	_ =	sdelay $0x4  }
0x19a: {  	v2 =	vld [tilespmem:s26+$0x98D0];
	_ =	sdelay $0x2  }
0x19b: {  	p1 =	sne.s32 s10, $0x9C00  }
.Ltmp2:
0x19c: {  	v3 =	vnsel vm3, $0x0, v3;
	v63 =	vpop (erf);
	(pc) =	sbr.rel @p1 .LBB2_8-.Ltmp2, $4  }
0x19d: {  	v3 =	vsel vm2, v59, v3;
	v2 =	vmul.f32 v63, v2  }
0x19e: {  	v3 =	vsel vm1, v61, v3  }
0x19f: {  	[tilespmem:s25+$0x30] =	vst v2;
	v2 =	vsel vm0, v63, v3  }
0x1a0: {  	s10 =	sadd.s32 $0x400, s10;
	s25 =	sadd.s32 $0x80, s25;
	[tilespmem:s19+$0x0] =	vst v2;
	s19 =	sadd.s32 $0x20, s19  }
0x1a1: {  	s8 =	sadd.s32 $0x1, s8  }
0x1a2: {  	p1 =	sne.s32 s8, $0x19  }
.Ltmp3:
0x1a3: {  	_ = 	snop;
	(pc) =	sbr.rel @p1 .LBB2_5-.Ltmp3, $4  }
0x1a4: {  	_ = 	snop  }
0x1a5: {  	[spmem:s2] =	stream.indirect.scatter.add.f32 [tilespmem:s12], [sflag:$0x7], $0x40, s20, s24, $0xb8;
	[tilespmem:$0x1C430] =	vst v63  }
0x1a6: {  	_ = 	snop  }
0x1a7: {  	[spmem:s3] =	stream.indirect.scatter.add.f32 [tilespmem:s23], [sflag:$0x8], $0x10, s20, s24, $0xb8;
	[tilespmem:$0x1C430] =	vst v63  }
0x1a8: {  	_ =	swait.ge [sflag:s13], $0x1400  }
0x1a9: {  	[sflag:s13] =	ssyncset.done $0x0  }
0x1aa: {  	[sflag:s13] =	ssyncadd.s32 $0xFFFFEC00  }
0x1ab: {  	_ =	swait.ge [sflag:s16], $0x500  }
0x1ac: {  	[sflag:s16] =	ssyncset.done $0x0  }
0x1ad: {  	s1 =	sadd.s32 $0x1, s1;
	[sflag:s16] =	ssyncadd.s32 $0xFFFFFB00  }
0x1ae: {  	p1 =	sne.s32 s1, $0x5;
	_ =	swait.ge [sflag:s17], $0x1400  }
.Ltmp4:
0x1af: {  	[sflag:s17] =	ssyncset.done $0x0;
	(pc) =	sbr.rel @p1 .LBB2_2-.Ltmp4, $4  }
0x1b0: {  	[sflag:s17] =	ssyncadd.s32 $0xFFFFEC00  }
0x1b1: {  	_ =	swait.ge [sflag:s18], $0x500  }
0x1b2: {  	[sflag:s18] =	ssyncset.done $0x0  }
0x1b3: {  	[sflag:s18] =	ssyncadd.s32 $0xFFFFFB00  }
0x1b4: {  	[bflag:$0x0] =	sbarrier.arrive $0xFFFF  }
0x1b5: {  	s19 =	rddreg [dreg:$0x7]  }
0x1b6: {  	s1 =	rddreg [dreg:$0xb]  }
0x1b7: {  	s8 =	rddreg [dreg:$0x11]  }
0x1b8: {  	[hbm:s1], [sflag:s19] =	dma.local [spmem:s8], $0x1380  }
0x1b9: {  	_ =	swait.ge [sflag:s21], $0x1380  }
0x1ba: {  	[sflag:s21] =	ssyncset.done $0x0;
	s25 =	rddreg [dreg:$0xc]  }
0x1bb: {  	s26 =	rddreg [dreg:$0x12];
	[sflag:s21] =	ssyncadd.s32 $0xFFFFEC80  }
0x1bc: {  	[hbm:s25], [sflag:s19] =	dma.local [spmem:s26], $0x4E0  }
0x1bd: {  	_ =	swait.ge [sflag:s21], $0x4E0  }
0x1be: {  	[sflag:s21] =	ssyncset.done $0x0;
	s1 =	rddreg [dreg:$0xd]  }
0x1bf: {  	s8 =	rddreg [dreg:$0x13];
	[sflag:s21] =	ssyncadd.s32 $0xFFFFFB20  }
0x1c0: {  	[hbm:s1], [sflag:s19] =	dma.local @!p0 [spmem:s8], $0x80  }
0x1c1: {  	s1 =	simm.s32 @!p0 $0x9  }
0x1c2: {  	_ =	swait.ge @!p0 [sflag:s1], $0x80  }
0x1c3: {  	[sflag:s1] =	ssyncset.done @!p0 $0x0;
	s8 =	rddreg [dreg:$0xe]  }
0x1c4: {  	s10 =	rddreg [dreg:$0x14];
	[sflag:s1] =	ssyncadd.s32 @!p0 $0xFFFFFF80  }
0x1c5: {  	[hbm:s8], [sflag:s19] =	dma.local @!p0 [spmem:s10], $0x20  }
0x1c6: {  	_ =	swait.ge @!p0 [sflag:s1], $0x20  }
0x1c7: {  	s28 =	rddreg [dreg:$0x10]  }
0x1c8: {  	s29 =	rddreg [dreg:$0xf];
	s10 =	sadd.s32 $0x1, s28  }
0x1c9: {  	p1 =	sne.s32 s10, s29  }
.Ltmp5:
0x1ca: {  	_ = 	snop;
	(pc) =	sbr.rel @p1 .LBB2_1-.Ltmp5, $3  }
0x1cb: {  	_ =	sdelay $0x1  }
0x1cc: {  	[sflag:s1] =	ssyncset.done @!p0 $0x0  }
0x1cd: {  	[sflag:s1] =	ssyncadd.s32 @!p0 $0xFFFFFFE0  }
0x1ce: {  	_ =	sfence.sel $0x180000  }
0x1cf: {  	[bflag:$0x0] =	sbarrier.arrive $0xFFFF  }
0x1d0: {  	_ =	strace $0x9000004A  }
0x1d1: {  	s0 =	stileid.u32;
	[bflag:$0x2] =	sbarrier.arrive $0xFFFF  }
0x1d2: {  	p0 =	sne.s32 s0, $0x0;
	s0 =	rddreg [dreg:$0x4]  }
0x1d3: {  	s0 =	sadd.s32 @!p0 $0x100000, s0  }
0x1d4: {  	[sflag:s0] =	ssyncadd.tile.s32 @!p0 $0x1;
	_ =	shalt  }
.Lfunc_end2:
_tile_overlayer_lowered:
.L_overlay_start_2:
0x1d5: {  	(tag) =	ssettag $0x2  }
0x1d6: {  	s0 =	rddreg [dreg:$0x0];
	s2 =	stileid.u32  }
0x1d7: {  	s1 =	rddreg [dreg:$0x1];
	p0 =	sne.s32 s2, $0x0  }
0x1d8: {  	s3 =	rddreg [dreg:$0x2];
	[bflag:$0x3] =	sbarrier.arrive $0xFFFF;
	s2 =	simm.s32 @!p0 $0x1C09  }
0x1d9: {  	[timem:s3], [sflag:s2] =	dma.local @!p0 [hbm:s0], s1  }
0x1da: {  	s0 =	simm.s32 @!p0 $0x9  }
0x1db: {  	_ =	swait.ge @!p0 [sflag:s0], s1  }
0x1dc: {  	s1 =	ssub.s32 @!p0 $0x0, s1;
	[sflag:s0] =	ssyncset.done @!p0 $0x0  }
0x1dd: {  	[sflag:s0] =	ssyncadd.s32 @!p0 s1  }
0x1de: {  	[bflag:$0x3] =	sbarrier.arrive $0xFFFF  }
0x1df: {  	_ =	shalt  }

// kernel: kernel.7.cloned.1.call-start
scs
__scs_entry_jumppad:
0x0: {  	(pc) =	sbr.rel $0x88, $3  }
0x1: {  	(tag) =	ssettag $0x0;
	lr =	simm.s32 $0x1  }
0x2: {  	[smem:$0x3F79] =	sst lr;
	_ =	strace $0xD0000000  }
0x3: {  	_ = 	snop  }
0x4: {  	_ = 	snop  }
0x5: {  	_ = 	snop  }
0x6: {  	_ = 	snop  }
0x7: {  	_ = 	snop  }
__scs_overlays_trampoline_lowered:
0x8: {  	[smem:$0x3F88] =	sst s0  }
0x9: {  	[smem:$0x3F89] =	sst s1  }
0xa: {  	[smem:$0x3F8A] =	sst s2  }
0xb: {  	[smem:$0x3F8B] =	sst s3  }
0xc: {  	[smem:$0x3F8C] =	sst s4  }
0xd: {  	[smem:$0x3F8D] =	sst s5  }
0xe: {  	[smem:$0x3F8E] =	sst s6  }
0xf: {  	[smem:$0x3F8F] =	sst s7  }
0x10: {  	[smem:$0x3F90] =	sst s8  }
0x11: {  	[smem:$0x3F91] =	sst s9;
	s0 =	simm.s32 @!p0 $0x0  }
0x12: {  	s1 =	sld [smem:$0x3F77];
	s0 =	simm.s32 @p0 $0x1  }
0x13: {  	[smem:$0x3F92] =	sst s0;
	s0 =	simm.s32 @!p1 $0x0  }
0x14: {  	s2 =	sld [smem:$0x3F76];
	s0 =	simm.s32 @p1 $0x1  }
0x15: {  	[smem:$0x3F93] =	sst s0;
	s0 =	simm.s32 @!p2 $0x0  }
0x16: {  	s3 =	sld [smem:$0x3FDB];
	s0 =	simm.s32 @p2 $0x1  }
0x17: {  	s4 =	simm.s32 $0x1BF5;
	[smem:$0x3F95] =	sst s0  }
0x18: {  	s0 =	sld [smem:$0x3F78];
	_ =	swait.ge [sflag:s4], $0x0  }
0x19: {  	s7 =	sld [smem:$0x3F79]  }
0x1a: {  	s8 =	sadd.s32 $0xFFFFE003, lr  }
0x1b: {  	s9 =	sadd.s32 $0xFFFFFEF7, lr;
	s5 =	simm.s32 $0xFFFFFFFF;
	p2 =	slt.u32 s8, $0xFFFFF086  }
0x1c: {  	p1 =	slt.u32 s9, $0xF7A;
	s5 =	simm.s32 @!p2 $0x0  }
0x1d: {  	s5 =	simm.s32 @p1 $0x1;
	p0 =	seq.s32 s7, s2  }
0x1e: {  	s7 =	smul.u32 @!p0 $0xF7A, s2;
	p2 =	seq.s32 @!p0 s5, $0x0  }
0x1f: {  	s9 =	smul.u32 $0xF7A, s1;
	s8 =	simm.s32 @!p0 $0x1BF5;
	p2 =	por !p2, p0  }
0x20: {  	[sflag:s8] =	ssyncset.s32 @!p0 $0xFFFFF086;
	s6 =	sadd.s32 @!p0 s3, s7;
	s7 =	simm.s32 @!p0 $0x108  }
0x21: {  	s3 =	sadd.s32 s3, s9;
	s6 =	sadd.s32 @!p0 $0x88, s6;
	s7 =	simm.s32 @p2 $0x1082  }
0x22: {  	[simem:s7], [sflag:s8] =	dma.local @!p0 [hbm:s6], $0xF7A  }
0x23: {  	s9 =	sor.u32 $0xD0000000, s2;
	s6 =	simm.s32 $0x108;
	_ =	swait.ge @!p0 [sflag:s8], $0x0  }
0x24: {  	s3 =	sadd.s32 $0x88, s3;
	s6 =	simm.s32 @!p1 $0x1082;
	[sflag:s4] =	ssyncset.s32 $0xFFFFF086  }
0x25: {  	[simem:s6], [sflag:s4] =	dma.local [hbm:s3], $0xF7A  }
0x26: {  	[smem:$0x3F79] =	sst s1;
	(tag) =	ssettag s2;
	_ =	strace s9  }
0x27: {  	s1 =	sld [smem:$0x3F89]  }
0x28: {  	s2 =	sld [smem:$0x3F8A]  }
0x29: {  	s4 =	sld [smem:$0x3F8C]  }
0x2a: {  	p0 =	seq.s32 s5, $0x0;
	s5 =	sld [smem:$0x3F8D]  }
0x2b: {  	s6 =	sld [smem:$0x3F8E]  }
0x2c: {  	s7 =	sld [smem:$0x3F8F]  }
0x2d: {  	s3 =	simm.s32 $0x108;
	s8 =	sld [smem:$0x3F90]  }
0x2e: {  	s3 =	simm.s32 @!p0 $0x1082;
	s9 =	sld [smem:$0x3F91]  }
0x2f: {  	lr =	sadd.s32 s0, s3;
	s0 =	sld [smem:$0x3F88]  }
0x30: {  	s3 =	sld [smem:$0x3F8B]  }
0x31: {  	[smem:$0x3F94] =	sst s10  }
0x32: {  	s10 =	sld [smem:$0x3F92];
	_ =	sdelay $0x3  }
0x33: {  	p0 =	seq.s32 s10, $0x1;
	s10 =	sld [smem:$0x3F94];
	_ =	sdelay $0x3  }
0x34: {  	[smem:$0x3F94] =	sst s10  }
0x35: {  	s10 =	sld [smem:$0x3F93];
	_ =	sdelay $0x3  }
0x36: {  	p1 =	seq.s32 s10, $0x1;
	s10 =	sld [smem:$0x3F94];
	_ =	sdelay $0x3  }
0x37: {  	[smem:$0x3F94] =	sst s10  }
0x38: {  	s10 =	sld [smem:$0x3F95]  }
0x39: {  	_ = 	snop;
	(pc) =	sbr.ind lr, $3  }
0x3a: {  	_ = 	snop  }
0x3b: {  	_ = 	snop  }
0x3c: {  	p2 =	seq.s32 s10, $0x1;
	s10 =	sld [smem:$0x3F94]  }
0x3d: {  	_ =	shalt  }
0x3e: {  	_ =	shalt  }
0x3f: {  	_ =	shalt  }
0x40: {  	_ =	shalt  }
0x41: {  	_ =	shalt  }
0x42: {  	_ =	shalt  }
0x43: {  	_ =	shalt  }
0x44: {  	_ =	shalt  }
0x45: {  	_ =	shalt  }
0x46: {  	_ =	shalt  }
0x47: {  	_ =	shalt  }
0x48: {  	_ =	shalt  }
0x49: {  	_ =	shalt  }
0x4a: {  	_ =	shalt  }
0x4b: {  	_ =	shalt  }
0x4c: {  	_ =	shalt  }
0x4d: {  	_ =	shalt  }
0x4e: {  	_ =	shalt  }
0x4f: {  	_ =	shalt  }
0x50: {  	_ =	shalt  }
0x51: {  	_ =	shalt  }
0x52: {  	_ =	shalt  }
0x53: {  	_ =	shalt  }
0x54: {  	_ =	shalt  }
0x55: {  	_ =	shalt  }
0x56: {  	_ =	shalt  }
0x57: {  	_ =	shalt  }
0x58: {  	_ =	shalt  }
0x59: {  	_ =	shalt  }
0x5a: {  	_ =	shalt  }
0x5b: {  	_ =	shalt  }
0x5c: {  	_ =	shalt  }
0x5d: {  	_ =	shalt  }
0x5e: {  	_ =	shalt  }
0x5f: {  	_ =	shalt  }
0x60: {  	_ =	shalt  }
0x61: {  	_ =	shalt  }
0x62: {  	_ =	shalt  }
0x63: {  	_ =	shalt  }
0x64: {  	_ =	shalt  }
0x65: {  	_ =	shalt  }
0x66: {  	_ =	shalt  }
0x67: {  	_ =	shalt  }
0x68: {  	_ =	shalt  }
0x69: {  	_ =	shalt  }
0x6a: {  	_ =	shalt  }
0x6b: {  	_ =	shalt  }
0x6c: {  	_ =	shalt  }
0x6d: {  	_ =	shalt  }
0x6e: {  	_ =	shalt  }
0x6f: {  	_ =	shalt  }
0x70: {  	_ =	shalt  }
0x71: {  	_ =	shalt  }
0x72: {  	_ =	shalt  }
0x73: {  	_ =	shalt  }
0x74: {  	_ =	shalt  }
0x75: {  	_ =	shalt  }
0x76: {  	_ =	shalt  }
0x77: {  	_ =	shalt  }
0x78: {  	_ =	shalt  }
0x79: {  	_ =	shalt  }
0x7a: {  	_ =	shalt  }
0x7b: {  	_ =	shalt  }
0x7c: {  	_ =	shalt  }
0x7d: {  	_ =	shalt  }
0x7e: {  	_ =	shalt  }
0x7f: {  	_ =	shalt  }
0x80: {  	_ =	shalt  }
0x81: {  	_ =	shalt  }
0x82: {  	_ =	shalt  }
0x83: {  	_ =	shalt  }
0x84: {  	_ =	shalt  }
0x85: {  	_ =	shalt  }
0x86: {  	_ =	shalt  }
0x87: {  	_ =	shalt  }
.Lfunc_end0:
.L_simem_size_0:
called_computation_lowered:
.L_overlay_start_0:
0x88: {  	s2 =	sld [smem:$0x3FD9]  }
0x89: {  	s3 =	sld [smem:$0x3FFE];
	_ =	sdelay $0x1  }
0x8a: {  	s1 =	srdreg.scid  }
0x8b: {  	s0 =	sand.u32 $0x1, s1  }
0x8c: {  	s17 =	sshll.u32 s0, $0xA;
	s2 =	sadd.s32 s3, s2  }
0x8d: {  	s2 =	sadd.s32 s2, s17  }
0x8e: {  	[smem:$0x3FA0] =	sst s2  }
0x8f: {  	_ = 	snop  }
0x90: {  	s2 =	sld [smem:$0x3FD0];
	(tm) =	ssettm $0x1  }
0x91: {  	s18 =	sld [smem:$0x3FFB];
	_ =	sdelay $0x3  }
0x92: {  	_ =	strace s18  }
0x93: {  	s3 =	sld [smem:$0x3FFC];
	_ =	sdelay $0x3  }
0x94: {  	_ =	strace s3  }
0x95: {  	s3 =	sld [smem:$0x3FFD];
	_ =	sdelay $0x3  }
0x96: {  	_ =	strace s3  }
0x97: {  	_ =	strace $0x8FFFFFFF  }
0x98: {  	s19 =	sld [smem:$0x3FDB];
	_ =	sdelay $0x1  }
0x99: {  	s4 =	simm.s32 $_scs_section_size  }
0x9a: {  	s5 =	simm.s32 $_size__tile_overlayer_lowered;
	s6 =	simm.s32 $_tile_overlayer_lowered  }
0x9b: {  	s22 =	simm.s32 $0x1BFF;
	s21 =	sshll.u32 s6, $0x1;
	s3 =	sadd.s32 s4, s19  }
0x9c: {  	s7 =	simm.s32 $0x0;
	s20 =	sshll.u32 s5, $0x1;
	s5 =	sadd.s32 s21, s3  }
0x9d: {  	[timem:s7], [sflag:s22] =	dma.local [hbm:s5], s20  }
0x9e: {  	_ =	swait.ge [sflag:s22], s20  }
0x9f: {  	s4 =	ssub.s32 $0x0, s20;
	[sflag:s22] =	ssyncset.done $0x0  }
0xa0: {  	[sflag:s22] =	ssyncadd.s32 s4;
	_ =	sdelay $0x1  }
0xa1: {  	s23 =	simm.s32 $0x1B8B  }
0xa2: {  	_ =	swait.ge [sflag:s23], $0x1  }
0xa3: {  	[sflag:s23] =	ssyncset.done $0x0  }
0xa4: {  	s25 =	simm.s32 $0x1B8E;
	s24 =	sld [smem:$0x3FFE];
	[sflag:s23] =	ssyncadd.s32 $0xFFFFFFFF  }
0xa5: {  	s26 =	simm.s32 $execute0_lowered;
	[smem:$0x3FD2] =	sst s25  }
0xa6: {  	s5 =	sshll.u32 s26, $0x1;
	_ =	strace $0x80000046;
	[dreg:$0x1] =	wrdreg $0xFFFFFFFF  }
0xa7: {  	s28 =	simm.s32 $_size_execute0_lowered;
	s3 =	sadd.s32 s3, s5;
	[dreg:$0x0] =	wrdreg $0x0  }
0xa8: {  	s5 =	sshll.u32 s28, $0x1;
	[dreg:$0x2] =	wrdreg s3  }
0xa9: {  	[dreg:$0x3] =	wrdreg s5  }
0xaa: {  	[dreg:$0x4] =	wrdreg $0xC0  }
0xab: {  	_ =	task [dreg:s7], $0x5FFFF  }
0xac: {  	[dreg:$0x1] =	wrdreg $0xFFFFFFFF  }
0xad: {  	[dreg:$0x0] =	wrdreg $0x60  }
0xae: {  	[dreg:$0x2] =	wrdreg s24  }
0xaf: {  	[dreg:$0x3] =	wrdreg s2  }
0xb0: {  	[dreg:$0x4] =	wrdreg $0x100E00  }
0xb1: {  	[dreg:$0x5] =	wrdreg $0x19D200  }
0xb2: {  	[dreg:$0x6] =	wrdreg $0x9  }
0xb3: {  	_ =	task.clear_ibuf [dreg:s7], $0x7FFFF;
	_ =	strace $0x90000046  }
0xb4: {  	s29 =	simm.s32 $0x9;
	_ =	strace $0x80000048  }
0xb5: {  	_ =	swait.ge [sflag:s29], $0x1  }
0xb6: {  	[sflag:s29] =	ssyncadd.s32 $0xFFFFFFFF  }
0xb7: {  	_ =	strace $0x90000048  }
0xb8: {  	_ =	sfence  }
0xb9: {  	s30 =	sld [smem:$0x0];
	_ =	sdelay $0x2  }
0xba: {  	s31 =	sshll.u32 s1, $0xD;
	s1 =	sshrl.u32 s1, $0x2  }
0xbb: {  	s3 =	sand.u32 $0x4000, s31;
	s1 =	sadd.s32 s1, s30  }
0xbc: {  	s0 =	sor.u32 s3, s0;
	s1 =	sshll.u32 s1, $0x11  }
0xbd: {  	s0 =	sor.u32 s1, s0  }
0xbe: {  	s0 =	sadd.s32 $0x8F2B, s0  }
0xbf: {  	[sflag:s0] =	ssyncadd.remote.s32 $0x1  }
0xc0: {  	_ =	sfence.sel $0xFFFF  }
0xc1: {  	[dreg:$0x0] =	wrdreg $0xFFFFFFFF;
	(pc) =	sbr.abs _section_cstart, $3  }
0xc2: {  	[dreg:$0x1] =	wrdreg $0xFFFFFFFF  }
0xc3: {  	_ =	task.clear_ibuf [dreg:s7], $0x2FFFF;
	_ =	strace $0x9FFFFFFF  }
0xc4: {  	(tm) =	ssettm $0x7FFFFFFF  }
0xc5: {  	_ =	shalt  }
tec
execute0_lowered:
.L_overlay_start_1:
0x0: {  	(tag) =	ssettag $0x1  }
0x1: {  	s0 =	rddreg [dreg:$0x0]  }
0x2: {  	s2 =	rddreg [dreg:$0x2]  }
0x3: {  	s3 =	rddreg [dreg:$0x3];
	s1 =	srdreg.scid  }
0x4: {  	s4 =	simm.s32 $0x0;
	s16 =	stileid.u32;
	s21 =	simm.s32 $0x9  }
0x5: {  	s30 =	simm.s32 $0xBFE0;
	s31 =	simm.s32 $0x97E0;
	s1 =	sand.u32 $0x1, s1  }
0x6: {  	[smem:$0x7FF] =	sst s4;
	s5 =	sadd.s32 $0x5F000, s0;
	s7 =	sadd.s32 $0x7000, s0  }
0x7: {  	s8 =	sadd.s32 $0x86200, s0;
	s23 =	sadd.s32 $0xA3A00, s0;
	s10 =	smul.u32 $0x9C00, s16  }
0x8: {  	s12 =	sshll.u32 s16, $0x6;
	s13 =	smul.u32 $0x2700, s16;
	s28 =	sadd.s32 $0x9C000, s2  }
0x9: {  	s17 =	sadd.s32 $0x27000, s3;
	s14 =	smul.u32 $0x4E20, s16;
	p0 =	sne.s32 s16, $0xF  }
0xa: {  	s16 =	simm.s32 $0x6;
	_ =	strace $0x80000047;
	[dreg:$0x5] =	wrdreg s8  }
0xb: {  	s22 =	smul.u32 $0x27100, s1;
	s9 =	ssub.s32 $0x2, s1;
	[dreg:$0x9] =	wrdreg s28  }
0xc: {  	s19 =	sor.u32 $0x1C09, s12;
	s29 =	smul.u32 $0x9C400, s1;
	[dreg:$0xa] =	wrdreg s17  }
0xd: {  	s18 =	sshll.u32 s1, $0x2;
	s12 =	simm.s32 $0xE7E0;
	s17 =	simm.s32 $0x7  }
0xe: {  	s11 =	sshrl.u32 s9, $0x1;
	s25 =	sadd.s32 s10, s2;
	s26 =	sadd.s32 s13, s3  }
0xf: {  	s20 =	sor.u32 $0x1, s18;
	[dreg:$0x7] =	wrdreg s19;
	s6 =	sadd.s32 s22, s0  }
0x10: {  	s0 =	sadd.s32 $0x99C00, s0;
	s9 =	ssub.s32 s9, s11;
	[dreg:$0x6] =	wrdreg s25  }
0x11: {  	[dreg:$0x8] =	wrdreg s26;
	s10 =	sadd.s32 s10, s29;
	s13 =	sadd.s32 s13, s22  }
0x12: {  	s11 =	sshrl.u32 s29, $0x3;
	s25 =	sshllo.u32 s1, $0x2;
	s4 =	sshrl.u32 s22, $0x3  }
0x13: {  	s1 =	sshll.u32 s1, $0x6;
	s29 =	sor.u32 $0x2, s18;
	s22 =	simm.s32 $0x92E0  }
0x14: {  	v2 =	vmov s18;
	s18 =	simm.s32 $0x8;
	s15 =	sadd.s32 $0x10E00, s6;
	s10 =	sshrl.u32 s10, $0x3  }
0x15: {  	s24 =	sshrl.u32 s13, $0x3;
	s8 =	sadd.s32 s23, s11;
	s26 =	smax.u32 s9, $0x1  }
0x16: {  	s28 =	sadd.s32 $0x56E0, s1;
	s1 =	sadd.s32 $0xBFE0, s1;
	s6 =	simm.s32 $0x2  }
0x17: {  	s9 =	simm.s32 $0x3;
	s11 =	simm.s32 $0x4;
	s13 =	simm.s32 $0x5  }
0x18: {  	s10 =	sadd.s32 s23, s10;
	s8 =	sadd.s32 $0x13800, s8;
	[dreg:$0xf] =	wrdreg s26  }
0x19: {  	v6 =	vlaneseq.u32;
	s23 =	simm.s32 $0xFBE0;
	[dreg:$0xb] =	wrdreg s10;
	s10 =	sadd.s32 s0, s24  }
0x1a: {  	v3 =	vmov s20;
	v0 =	vmov s28;
	v1 =	vmov s1;
	[dreg:$0xd] =	wrdreg s8;
	s0 =	sadd.s32 s0, s4;
	s24 =	simm.s32 $0x50  }
0x1b: {  	vm3 =	veq.s32 v2, v6;
	v4 =	vmov s29;
	v5 =	vmov s25;
	s4 =	simm.s32 $0x7EE0;
	[dreg:$0xc] =	wrdreg s10;
	s0 =	sadd.s32 $0x4E00, s0  }
0x1c: {  	vm2 =	veq.s32 v3, v6;
	vm0 =	veq.s32 v5, v6;
	vm1 =	veq.s32 v4, v6;
	s10 =	simm.s32 $0x0;
	[dreg:$0xe] =	wrdreg s0;
	s0 =	simm.s32 $0x1  }
.LBB2_1:
0x1d: {  	[dreg:$0x10] =	wrdreg s10  }
0x1e: {  	s1 =	rddreg [dreg:$0x6]  }
0x1f: {  	s10 =	rddreg [dreg:$0x5];
	s1 =	sshrl.u32 s1, $0x3  }
0x20: {  	[dreg:$0x11] =	wrdreg s1  }
0x21: {  	[spmem:s1], [sflag:s19] =	dma.local [hbm:s10], $0x1380  }
0x22: {  	_ =	swait.ge [sflag:s21], $0x1380  }
0x23: {  	[sflag:s21] =	ssyncset.done $0x0  }
0x24: {  	s28 =	rddreg [dreg:$0x8];
	[sflag:s21] =	ssyncadd.s32 $0xFFFFEC80  }
0x25: {  	s20 =	sshrl.u32 s28, $0x3;
	s8 =	rddreg [dreg:$0x1]  }
0x26: {  	[dreg:$0x12] =	wrdreg s20  }
0x27: {  	[spmem:s20], [sflag:s19] =	dma.local [hbm:s8], $0x4E0  }
0x28: {  	_ =	swait.ge [sflag:s21], $0x4E0  }
0x29: {  	[sflag:s21] =	ssyncset.done $0x0  }
0x2a: {  	s29 =	simm.s32 $0x0;
	[sflag:s21] =	ssyncadd.s32 $0xFFFFFB20  }
0x2b: {  	[tilespmem:s22], [sflag:$0x9] =	stream.linear.gather [hbm4b:s8+s29], $0x500, $0x38;
	[tilespmem:$0x1C430] =	vst v63  }
0x2c: {  	_ =	swait.ge [sflag:s21], $0x500  }
0x2d: {  	[sflag:s21] =	ssyncset.done $0x0  }
0x2e: {  	[sflag:s21] =	ssyncadd.s32 $0xFFFFFB00  }
0x2f: {  	[tilespmem:s23], [sflag:$0x9] =	stream.linear.gather [hbm4b:s8+s29], $0x500, $0x38;
	[tilespmem:$0x1C430] =	vst v63  }
0x30: {  	_ =	swait.ge [sflag:s21], $0x500  }
0x31: {  	s1 =	rddreg [dreg:$0x9]  }
0x32: {  	[sflag:s21] =	ssyncset.done $0x0;
	s1 =	sshrl.u32 @!p0 s1, $0x3  }
0x33: {  	[sflag:s21] =	ssyncadd.s32 $0xFFFFFB00;
	[dreg:$0x13] =	wrdreg s1  }
0x34: {  	[spmem:s1], [sflag:s19] =	dma.local @!p0 [hbm:s10], $0x80  }
0x35: {  	s1 =	simm.s32 @!p0 $0x9  }
0x36: {  	_ =	swait.ge @!p0 [sflag:s1], $0x80  }
0x37: {  	s10 =	rddreg [dreg:$0xa]  }
0x38: {  	[sflag:s1] =	ssyncset.done @!p0 $0x0;
	s10 =	sshrl.u32 @!p0 s10, $0x3  }
0x39: {  	[sflag:s1] =	ssyncadd.s32 @!p0 $0xFFFFFF80;
	[dreg:$0x14] =	wrdreg s10  }
0x3a: {  	[spmem:s10], [sflag:s19] =	dma.local @!p0 [hbm:s8], $0x20  }
0x3b: {  	_ =	swait.ge @!p0 [sflag:s1], $0x20  }
0x3c: {  	[sflag:s1] =	ssyncset.done @!p0 $0x0  }
0x3d: {  	[sflag:s1] =	ssyncadd.s32 @!p0 $0xFFFFFFE0  }
0x3e: {  	s1 =	simm.s32 $0x0;
	[bflag:$0x0] =	sbarrier.arrive $0xFFFF  }
.LBB2_2:
0x3f: {  	s8 =	smul.u32 $0xFA0, s1;
	_ =	sdelay $0x1  }
0x40: {  	s8 =	sadd.s32 s14, s8  }
0x41: {  	s8 =	sshrl.u32 s8, $0x3  }
0x42: {  	s10 =	simm.s32 $0x0;
	s8 =	sadd.s32 s7, s8  }
0x43: {  	[tilespmem:s10], [sflag:$0x9] =	stream.linear.gather [hbm4b:s8+s10], $0xFA0, $0x38;
	[tilespmem:$0x1C430] =	vst v63  }
0x44: {  	_ =	swait.ge [sflag:s21], $0xFA0  }
0x45: {  	[sflag:s21] =	ssyncset.done $0x0  }
0x46: {  	s8 =	simm.s32 $0x0;
	[sflag:s21] =	ssyncadd.s32 $0xFFFFF060  }
0x47: {  	v2 =	vld [tilespmem:s8+$0x40]  }
0x48: {  	v3 =	vld [tilespmem:s8+$0x0]  }
0x49: {  	v4 =	vld [tilespmem:s8+$0x10]  }
0x4a: {  	v7 =	vld [tilespmem:s8+$0x20]  }
0x4b: {  	v8 =	vld [tilespmem:s8+$0x30]  }
0x4c: {  	v5 =	vand.u32 $0x3FFF, v2  }
0x4d: {  	v6 =	vshrl.u32 v3, $0xE;
	[tilespmem:s8+$0x1F80] =	vst v5  }
0x4e: {  	v2 =	vshrl.u32 v2, $0xE;
	v3 =	vand.u32 $0x3FFF, v3;
	[tilespmem:s8+$0xFA0] =	vst v6  }
0x4f: {  	v9 =	vshrl.u32 v4, $0xE;
	v5 =	vand.u32 $0x3FFF, v4;
	[tilespmem:s8+$0x1F40] =	vst v3;
	v6 =	vshrl.u32 v7, $0xE  }
0x50: {  	s19 =	simm.s32 $0x280;
	s10 =	simm.s32 $0x50;
	v3 =	vand.u32 $0x3FFF, v7;
	[tilespmem:s8+$0xFB0] =	vst v9;
	v7 =	vshrl.u32 v8, $0xE;
	v4 =	vand.u32 $0x3FFF, v8  }
.LBB2_3:
0x51: {  	p1 =	sne.s32 s19, $0x3D40;
	v8 =	vld [tilespmem:s10+$0x40];
	[tilespmem:s8+$0x1F50] =	vst v5  }
0x52: {  	v5 =	vld [tilespmem:s10+$0x0];
	[tilespmem:s8+$0xFC0] =	vst v6  }
0x53: {  	v6 =	vld [tilespmem:s10+$0x10];
	[tilespmem:s8+$0x1F60] =	vst v3  }
0x54: {  	v3 =	vld [tilespmem:s10+$0x20];
	[tilespmem:s8+$0xFD0] =	vst v7  }
0x55: {  	v9 =	vld [tilespmem:s10+$0x30];
	[tilespmem:s8+$0x1F70] =	vst v4  }
.Ltmp0:
0x56: {  	v4 =	vand.u32 $0x3FFF, v8;
	[tilespmem:s8+$0xFE0] =	vst v2;
	v2 =	vshrl.u32 v8, $0xE;
	s8 =	smov.u32 s10;
	(pc) =	sbr.rel @p1 .LBB2_3-.Ltmp0, $4  }
0x57: {  	v7 =	vshrl.u32 v5, $0xE;
	v8 =	vand.u32 $0x3FFF, v5;
	[tilespmem:s8+$0x1F80] =	vst v4  }
0x58: {  	[tilespmem:s8+$0xFA0] =	vst v7;
	v4 =	vshrl.u32 v6, $0xE;
	v5 =	vand.u32 $0x3FFF, v6  }
0x59: {  	[tilespmem:s8+$0x1F40] =	vst v8;
	v6 =	vshrl.u32 v3, $0xE;
	v3 =	vand.u32 $0x3FFF, v3  }
0x5a: {  	s10 =	sshra.s32 s19, $0x2;
	s19 =	sadd.s32 $0x140, s19;
	[tilespmem:s8+$0xFB0] =	vst v4;
	v7 =	vshrl.u32 v9, $0xE;
	v4 =	vand.u32 $0x3FFF, v9  }
0x5b: {  	v8 =	vld [tilespmem:s10+$0x40];
	[tilespmem:s8+$0x1F50] =	vst v5  }
0x5c: {  	v5 =	vld [tilespmem:s10+$0x0];
	[tilespmem:s8+$0xFC0] =	vst v6  }
0x5d: {  	v6 =	vld [tilespmem:s10+$0x10];
	[tilespmem:s8+$0x1F60] =	vst v3  }
0x5e: {  	v3 =	vld [tilespmem:s10+$0x20];
	[tilespmem:s8+$0xFD0] =	vst v7  }
0x5f: {  	v7 =	vld [tilespmem:s10+$0x30];
	[tilespmem:s8+$0x1F70] =	vst v4  }
0x60: {  	[tilespmem:s8+$0xFE0] =	vst v2;
	v61 =	vand.u32 $0x3FFF, v8  }
0x61: {  	v2 =	vshrl.u32 v5, $0xE;
	[tilespmem:s10+$0x1F80] =	vst v61  }
0x62: {  	v62 =	vand.u32 $0x3FFF, v5;
	[tilespmem:s10+$0xFA0] =	vst v2  }
0x63: {  	v2 =	vshrl.u32 v6, $0xE;
	[tilespmem:s10+$0x1F40] =	vst v62  }
0x64: {  	v63 =	vand.u32 $0x3FFF, v6;
	[tilespmem:s10+$0xFB0] =	vst v2  }
0x65: {  	v2 =	vshrl.u32 v3, $0xE;
	[tilespmem:s10+$0x1F50] =	vst v63  }
0x66: {  	v3 =	vand.u32 $0x3FFF, v3;
	[tilespmem:s10+$0xFC0] =	vst v2  }
0x67: {  	v2 =	vshrl.u32 v7, $0xE;
	[tilespmem:s10+$0x1F60] =	vst v3  }
0x68: {  	v3 =	vand.u32 $0x3FFF, v7;
	[tilespmem:s10+$0xFD0] =	vst v2  }
0x69: {  	v2 =	vshrl.u32 v8, $0xE;
	[tilespmem:s10+$0x1F70] =	vst v3  }
0x6a: {  	s25 =	simm.s32 $0x1F40;
	s26 =	simm.s32 $0x56E0;
	[tilespmem:s10+$0xFE0] =	vst v2  }
0x6b: {  	[tilespmem:s26], [sflag:$0x1] =	stream.indirect.gather [hbm4b:s5+s24], $0x80, s25, s24, $0xb8;
	[tilespmem:$0x1C430] =	vst v63  }
0x6c: {  	s28 =	simm.s32 $0xFA0;
	s29 =	simm.s32 $0x2EE0;
	s8 =	simm.s32 $0x0  }
0x6d: {  	[tilespmem:s29], [sflag:$0x2] =	stream.indirect.gather [hbm4b:s15+s24], $0x80, s28, s24, $0xb8;
	[tilespmem:$0x1C430] =	vst v63  }
.LBB2_5:
0x6e: {  	s19 =	smul.u32 $0xA0, s8;
	_ =	sdelay $0x1  }
0x6f: {  	s20 =	sadd.s32 $0x1F90, s19  }
0x70: {  	[tilespmem:s30], [sflag:$0x3] =	stream.indirect.gather [hbm4b:s5+s24], $0x80, s20, s24, $0xb8;
	[tilespmem:$0x1C430] =	vst v63  }
0x71: {  	s10 =	sadd.s32 $0xFF0, s19  }
0x72: {  	[tilespmem:s31], [sflag:$0x4] =	stream.indirect.gather [hbm4b:s15+s24], $0x80, s10, s24, $0xb8;
	[tilespmem:$0x1C430] =	vst v63  }
0x73: {  	_ =	swait.ge [sflag:s0], $0x2800  }
0x74: {  	[sflag:s0] =	ssyncset.done $0x0  }
0x75: {  	[sflag:s0] =	ssyncadd.s32 $0xFFFFD800  }
0x76: {  	_ =	swait.ge [sflag:s6], $0x2800  }
0x77: {  	p1 =	seq.s32 s8, $0x0;
	[sflag:s6] =	ssyncset.done $0x0  }
0x78: {  	s10 =	simm.s32 @!p1 $0x5;
	[sflag:s6] =	ssyncadd.s32 $0xFFFFD800  }
0x79: {  	_ =	swait.ge @!p1 [sflag:s10], $0x1400  }
0x7a: {  	[sflag:s10] =	ssyncset.done @!p1 $0x0  }
0x7b: {  	[sflag:s10] =	ssyncadd.s32 @!p1 $0xFFFFEC00;
	s10 =	simm.s32 @!p1 $0x6  }
0x7c: {  	_ =	swait.ge @!p1 [sflag:s10], $0x500  }
0x7d: {  	s25 =	simm.s32 $0x7F20;
	[sflag:s10] =	ssyncset.done @!p1 $0x0  }
0x7e: {  	s26 =	simm.s32 $0x0;
	[sflag:s10] =	ssyncadd.s32 @!p1 $0xFFFFFB00;
	s10 =	simm.s32 $0x92F0  }
.LBB2_6:
0x7f: {  	s28 =	sshra.s32 s26, $0x2  }
0x80: {  	v2 =	vld [tilespmem:s28+$0x2EE0]  }
0x81: {  	v3 =	vld.idx.msk [tilespmem:v0+s28+$0x0 ss:$0x1], $0xffff;
	_ =	sdelay $0x4  }
0x82: {  	v2 =	vmul.f32 v3, v2;
	_ =	sdelay $0x1  }
0x83: {  	(xrf2) =	vadd.scan.msk.f32 $0xffff, v2;
	_ =	sdelay $0x9  }
0x84: {  	v2, _, _ =	vpop (xrf2)  }
0x85: {  	(v2sf) =	vpush v2, $0xF;
	_ =	sdelay $0xe  }
0x86: {  	s29 =	spop (v2sf)  }
0x87: {  	s29 =	smul.f32 $2.500000000e-01, s29;
	_ =	sdelay $0x1  }
0x88: {  	v2 =	vmov s29  }
0x89: {  	v2 =	vmul.f32 $1.442695020e+00, v2;
	_ =	sdelay $0x1  }
0x8a: {  	v2 =	vbroadcast v2, $0x0;
	_ =	sdelay $0x1  }
0x8b: {  	(erf) = vpow2.f32 v2;
	_ =	sdelay $0x4  }
0x8c: {  	v2 =	vld [tilespmem:s28+$0x2F20];
	_ =	sdelay $0x3  }
0x8d: {  	v3 =	vpop (erf)  }
0x8e: {  	v2 =	vmul.f32 v3, v2;
	_ =	sdelay $0x1  }
0x8f: {  	[tilespmem:s25+$0xFFFFFFC0] =	vst v2  }
0x90: {  	v2 =	vld [tilespmem:s28+$0x2EF0]  }
0x91: {  	v4 =	vld.idx.msk [tilespmem:v0+s28+$0x10 ss:$0x1], $0xffff;
	_ =	sdelay $0x4  }
0x92: {  	v2 =	vmul.f32 v4, v2;
	_ =	sdelay $0x1  }
0x93: {  	(xrf2) =	vadd.scan.msk.f32 $0xffff, v2;
	_ =	sdelay $0x9  }
0x94: {  	v2, _, _ =	vpop (xrf2)  }
0x95: {  	(v2sf) =	vpush v2, $0xF;
	_ =	sdelay $0xe  }
0x96: {  	s29 =	spop (v2sf)  }
0x97: {  	s29 =	smul.f32 $2.500000000e-01, s29;
	_ =	sdelay $0x1  }
0x98: {  	v2 =	vmov s29  }
0x99: {  	v2 =	vmul.f32 $1.442695020e+00, v2;
	_ =	sdelay $0x1  }
0x9a: {  	v2 =	vbroadcast v2, $0x0;
	_ =	sdelay $0x1  }
0x9b: {  	(erf) = vpow2.f32 v2;
	_ =	sdelay $0x4  }
0x9c: {  	v2 =	vld [tilespmem:s28+$0x2F30];
	_ =	sdelay $0x3  }
0x9d: {  	v55 =	vpop (erf)  }
0x9e: {  	v2 =	vmul.f32 v55, v2;
	_ =	sdelay $0x1  }
0x9f: {  	[tilespmem:s25+$0xFFFFFFD0] =	vst v2  }
0xa0: {  	v2 =	vld [tilespmem:s28+$0x2F00]  }
0xa1: {  	v5 =	vld.idx.msk [tilespmem:v0+s28+$0x20 ss:$0x1], $0xffff;
	_ =	sdelay $0x4  }
0xa2: {  	v2 =	vmul.f32 v5, v2;
	_ =	sdelay $0x1  }
0xa3: {  	(xrf2) =	vadd.scan.msk.f32 $0xffff, v2;
	_ =	sdelay $0x9  }
0xa4: {  	v2, _, _ =	vpop (xrf2)  }
0xa5: {  	(v2sf) =	vpush v2, $0xF;
	_ =	sdelay $0xe  }
0xa6: {  	s29 =	spop (v2sf)  }
0xa7: {  	s29 =	smul.f32 $2.500000000e-01, s29;
	_ =	sdelay $0x1  }
0xa8: {  	v2 =	vmov s29  }
0xa9: {  	v2 =	vmul.f32 $1.442695020e+00, v2;
	_ =	sdelay $0x1  }
0xaa: {  	v2 =	vbroadcast v2, $0x0;
	_ =	sdelay $0x1  }
0xab: {  	(erf) = vpow2.f32 v2;
	_ =	sdelay $0x4  }
0xac: {  	v2 =	vld [tilespmem:s28+$0x2F40];
	_ =	sdelay $0x3  }
0xad: {  	v56 =	vpop (erf)  }
0xae: {  	v2 =	vmul.f32 v56, v2;
	_ =	sdelay $0x1  }
0xaf: {  	[tilespmem:s25+$0xFFFFFFE0] =	vst v2  }
0xb0: {  	v2 =	vld [tilespmem:s28+$0x2F10]  }
0xb1: {  	v6 =	vld.idx.msk [tilespmem:v0+s28+$0x30 ss:$0x1], $0xffff;
	_ =	sdelay $0x4  }
0xb2: {  	v2 =	vmul.f32 v6, v2;
	_ =	sdelay $0x1  }
0xb3: {  	(xrf2) =	vadd.scan.msk.f32 $0xffff, v2;
	_ =	sdelay $0x9  }
0xb4: {  	v2, _, _ =	vpop (xrf2)  }
0xb5: {  	(v2sf) =	vpush v2, $0xF;
	_ =	sdelay $0xe  }
0xb6: {  	s29 =	spop (v2sf)  }
0xb7: {  	s29 =	smul.f32 $2.500000000e-01, s29;
	_ =	sdelay $0x1  }
0xb8: {  	v2 =	vmov s29  }
0xb9: {  	v2 =	vmul.f32 $1.442695020e+00, v2;
	_ =	sdelay $0x1  }
0xba: {  	v2 =	vbroadcast v2, $0x0;
	_ =	sdelay $0x1  }
0xbb: {  	(erf) = vpow2.f32 v2;
	_ =	sdelay $0x4  }
0xbc: {  	v2 =	vld [tilespmem:s28+$0x2F50];
	_ =	sdelay $0x3  }
0xbd: {  	v3 =	vnsel vm3, $0x0, v3;
	v57 =	vpop (erf)  }
0xbe: {  	v3 =	vsel vm2, v55, v3;
	v2 =	vmul.f32 v57, v2  }
0xbf: {  	v3 =	vsel vm1, v56, v3  }
0xc0: {  	[tilespmem:s25+$0xFFFFFFF0] =	vst v2;
	v2 =	vsel vm0, v57, v3  }
0xc1: {  	[tilespmem:s10+$0xFFFFFFF0] =	vst v2  }
0xc2: {  	v2 =	vld [tilespmem:s28+$0x2F60]  }
0xc3: {  	v3 =	vld.idx.msk [tilespmem:v0+s28+$0x80 ss:$0x1], $0xffff;
	_ =	sdelay $0x4  }
0xc4: {  	v2 =	vmul.f32 v3, v2;
	_ =	sdelay $0x1  }
0xc5: {  	(xrf2) =	vadd.scan.msk.f32 $0xffff, v2;
	_ =	sdelay $0x9  }
0xc6: {  	v2, _, _ =	vpop (xrf2)  }
0xc7: {  	(v2sf) =	vpush v2, $0xF;
	_ =	sdelay $0xe  }
0xc8: {  	s29 =	spop (v2sf)  }
0xc9: {  	s29 =	smul.f32 $2.500000000e-01, s29;
	_ =	sdelay $0x1  }
0xca: {  	v2 =	vmov s29  }
0xcb: {  	v2 =	vmul.f32 $1.442695020e+00, v2;
	_ =	sdelay $0x1  }
0xcc: {  	v2 =	vbroadcast v2, $0x0;
	_ =	sdelay $0x1  }
0xcd: {  	(erf) = vpow2.f32 v2;
	_ =	sdelay $0x4  }
0xce: {  	v2 =	vld [tilespmem:s28+$0x2FA0];
	_ =	sdelay $0x3  }
0xcf: {  	v3 =	vpop (erf)  }
0xd0: {  	v2 =	vmul.f32 v3, v2;
	_ =	sdelay $0x1  }
0xd1: {  	[tilespmem:s25+$0x0] =	vst v2  }
0xd2: {  	v2 =	vld [tilespmem:s28+$0x2F70]  }
0xd3: {  	v58 =	vld.idx.msk [tilespmem:v0+s28+$0x90 ss:$0x1], $0xffff;
	_ =	sdelay $0x4  }
0xd4: {  	v2 =	vmul.f32 v58, v2;
	_ =	sdelay $0x1  }
0xd5: {  	(xrf2) =	vadd.scan.msk.f32 $0xffff, v2;
	_ =	sdelay $0x9  }
0xd6: {  	v2, _, _ =	vpop (xrf2)  }
0xd7: {  	(v2sf) =	vpush v2, $0xF;
	_ =	sdelay $0xe  }
0xd8: {  	s29 =	spop (v2sf)  }
0xd9: {  	s29 =	smul.f32 $2.500000000e-01, s29;
	_ =	sdelay $0x1  }
0xda: {  	v2 =	vmov s29  }
0xdb: {  	v2 =	vmul.f32 $1.442695020e+00, v2;
	_ =	sdelay $0x1  }
0xdc: {  	v2 =	vbroadcast v2, $0x0;
	_ =	sdelay $0x1  }
0xdd: {  	(erf) = vpow2.f32 v2;
	_ =	sdelay $0x4  }
0xde: {  	v2 =	vld [tilespmem:s28+$0x2FB0];
	_ =	sdelay $0x3  }
0xdf: {  	v59 =	vpop (erf)  }
0xe0: {  	v2 =	vmul.f32 v59, v2;
	_ =	sdelay $0x1  }
0xe1: {  	[tilespmem:s25+$0x10] =	vst v2  }
0xe2: {  	v2 =	vld [tilespmem:s28+$0x2F80]  }
0xe3: {  	v60 =	vld.idx.msk [tilespmem:v0+s28+$0xA0 ss:$0x1], $0xffff;
	_ =	sdelay $0x4  }
0xe4: {  	v2 =	vmul.f32 v60, v2;
	_ =	sdelay $0x1  }
0xe5: {  	(xrf2) =	vadd.scan.msk.f32 $0xffff, v2;
	_ =	sdelay $0x9  }
0xe6: {  	v2, _, _ =	vpop (xrf2)  }
0xe7: {  	(v2sf) =	vpush v2, $0xF;
	_ =	sdelay $0xe  }
0xe8: {  	s29 =	spop (v2sf)  }
0xe9: {  	s29 =	smul.f32 $2.500000000e-01, s29;
	_ =	sdelay $0x1  }
0xea: {  	v2 =	vmov s29  }
0xeb: {  	v2 =	vmul.f32 $1.442695020e+00, v2;
	_ =	sdelay $0x1  }
0xec: {  	v2 =	vbroadcast v2, $0x0;
	_ =	sdelay $0x1  }
0xed: {  	(erf) = vpow2.f32 v2;
	_ =	sdelay $0x4  }
0xee: {  	v2 =	vld [tilespmem:s28+$0x2FC0];
	_ =	sdelay $0x3  }
0xef: {  	v61 =	vpop (erf)  }
0xf0: {  	v2 =	vmul.f32 v61, v2;
	_ =	sdelay $0x1  }
0xf1: {  	[tilespmem:s25+$0x20] =	vst v2  }
0xf2: {  	v2 =	vld [tilespmem:s28+$0x2F90]  }
0xf3: {  	v62 =	vld.idx.msk [tilespmem:v0+s28+$0xB0 ss:$0x1], $0xffff;
	_ =	sdelay $0x4  }
0xf4: {  	v2 =	vmul.f32 v62, v2;
	_ =	sdelay $0x1  }
0xf5: {  	(xrf2) =	vadd.scan.msk.f32 $0xffff, v2;
	_ =	sdelay $0x9  }
0xf6: {  	v2, _, _ =	vpop (xrf2)  }
0xf7: {  	(v2sf) =	vpush v2, $0xF;
	_ =	sdelay $0xe  }
0xf8: {  	s29 =	spop (v2sf)  }
0xf9: {  	s29 =	smul.f32 $2.500000000e-01, s29;
	_ =	sdelay $0x1  }
0xfa: {  	v2 =	vmov s29  }
0xfb: {  	v2 =	vmul.f32 $1.442695020e+00, v2;
	_ =	sdelay $0x1  }
0xfc: {  	v2 =	vbroadcast v2, $0x0;
	_ =	sdelay $0x1  }
0xfd: {  	(erf) = vpow2.f32 v2;
	_ =	sdelay $0x4  }
0xfe: {  	v2 =	vld [tilespmem:s28+$0x2FD0];
	_ =	sdelay $0x2  }
0xff: {  	p2 =	sne.s32 s26, $0x9C00  }
.Ltmp1:
0x100: {  	v3 =	vnsel vm3, $0x0, v3;
	v63 =	vpop (erf);
	(pc) =	sbr.rel @p2 .LBB2_6-.Ltmp1, $4  }
0x101: {  	v3 =	vsel vm2, v59, v3;
	v2 =	vmul.f32 v63, v2  }
0x102: {  	v3 =	vsel vm1, v61, v3  }
0x103: {  	[tilespmem:s25+$0x30] =	vst v2;
	v2 =	vsel vm0, v63, v3  }
0x104: {  	s26 =	sadd.s32 $0x400, s26;
	s25 =	sadd.s32 $0x80, s25;
	[tilespmem:s10+$0x0] =	vst v2;
	s10 =	sadd.s32 $0x20, s10  }
0x105: {  	s10 =	smul.u32 $0x280, s8;
	_ =	sdelay $0x1  }
0x106: {  	s10 =	sshra.s32 s10, $0x2  }
0x107: {  	s10 =	sadd.s32 $0x1F40, s10  }
0x108: {  	[spmem:s2] =	stream.indirect.scatter.add.f32 [tilespmem:s4], [sflag:$0x5], $0x40, s10, s24, $0xb8;
	[tilespmem:$0x1C430] =	vst v63  }
0x109: {  	p2 =	seq.s32 s8, $0x18  }
0x10a: {  	[spmem:s3] =	stream.indirect.scatter.add.f32 [tilespmem:s22], [sflag:$0x6], $0x10, s10, s24, $0xb8;
	[tilespmem:$0x1C430] =	vst v63  }
0x10b: {  	s25 =	simm.s32 @!p2 $0x50;
	s26 =	simm.s32 @!p2 $0x56E0;
	s10 =	sadd.s32 @!p2 $0x1FE0, s19  }
0x10c: {  	[tilespmem:s26], [sflag:$0x1] =	stream.indirect.gather @!p2 [hbm4b:s5+s25], $0x80, s10, s25, $0xb8;
	[tilespmem:$0x1C430] =	vst v63  }
0x10d: {  	s10 =	sadd.s32 @!p2 $0x1040, s19;
	s19 =	simm.s32 @!p2 $0x2EE0  }
0x10e: {  	[tilespmem:s19], [sflag:$0x2] =	stream.indirect.gather @!p2 [hbm4b:s15+s25], $0x80, s10, s25, $0xb8;
	[tilespmem:$0x1C430] =	vst v63  }
0x10f: {  	_ =	swait.ge [sflag:s9], $0x2800  }
0x110: {  	[sflag:s9] =	ssyncset.done $0x0  }
0x111: {  	[sflag:s9] =	ssyncadd.s32 $0xFFFFD800  }
0x112: {  	_ =	swait.ge [sflag:s11], $0x2800  }
0x113: {  	[sflag:s11] =	ssyncset.done $0x0  }
0x114: {  	s10 =	simm.s32 @!p1 $0x7;
	[sflag:s11] =	ssyncadd.s32 $0xFFFFD800  }
0x115: {  	_ =	swait.ge @!p1 [sflag:s10], $0x1400  }
0x116: {  	[sflag:s10] =	ssyncset.done @!p1 $0x0  }
0x117: {  	[sflag:s10] =	ssyncadd.s32 @!p1 $0xFFFFEC00;
	s10 =	simm.s32 @!p1 $0x8  }
0x118: {  	_ =	swait.ge @!p1 [sflag:s10], $0x500  }
0x119: {  	s19 =	simm.s32 $0xFBF0;
	[sflag:s10] =	ssyncset.done @!p1 $0x0  }
0x11a: {  	s25 =	simm.s32 $0xE820;
	[sflag:s10] =	ssyncadd.s32 @!p1 $0xFFFFFB00;
	s10 =	simm.s32 $0x0  }
.LBB2_8:
0x11b: {  	s26 =	sshra.s32 s10, $0x2  }
0x11c: {  	v2 =	vld [tilespmem:s26+$0x97E0]  }
0x11d: {  	v3 =	vld.idx.msk [tilespmem:v1+s26+$0x0 ss:$0x1], $0xffff;
	_ =	sdelay $0x4  }
0x11e: {  	v2 =	vmul.f32 v3, v2;
	_ =	sdelay $0x1  }
0x11f: {  	(xrf2) =	vadd.scan.msk.f32 $0xffff, v2;
	_ =	sdelay $0x9  }
0x120: {  	v2, _, _ =	vpop (xrf2)  }
0x121: {  	(v2sf) =	vpush v2, $0xF;
	_ =	sdelay $0xe  }
0x122: {  	s28 =	spop (v2sf)  }
0x123: {  	s28 =	smul.f32 $2.500000000e-01, s28;
	_ =	sdelay $0x1  }
0x124: {  	v2 =	vmov s28  }
0x125: {  	v2 =	vmul.f32 $1.442695020e+00, v2;
	_ =	sdelay $0x1  }
0x126: {  	v2 =	vbroadcast v2, $0x0;
	_ =	sdelay $0x1  }
0x127: {  	(erf) = vpow2.f32 v2;
	_ =	sdelay $0x4  }
0x128: {  	v2 =	vld [tilespmem:s26+$0x9820];
	_ =	sdelay $0x3  }
0x129: {  	v3 =	vpop (erf)  }
0x12a: {  	v2 =	vmul.f32 v3, v2;
	_ =	sdelay $0x1  }
0x12b: {  	[tilespmem:s25+$0xFFFFFFC0] =	vst v2  }
0x12c: {  	v2 =	vld [tilespmem:s26+$0x97F0]  }
0x12d: {  	v4 =	vld.idx.msk [tilespmem:v1+s26+$0x10 ss:$0x1], $0xffff;
	_ =	sdelay $0x4  }
0x12e: {  	v2 =	vmul.f32 v4, v2;
	_ =	sdelay $0x1  }
0x12f: {  	(xrf2) =	vadd.scan.msk.f32 $0xffff, v2;
	_ =	sdelay $0x9  }
0x130: {  	v2, _, _ =	vpop (xrf2)  }
0x131: {  	(v2sf) =	vpush v2, $0xF;
	_ =	sdelay $0xe  }
0x132: {  	s29 =	spop (v2sf)  }
0x133: {  	s28 =	smul.f32 $2.500000000e-01, s29;
	_ =	sdelay $0x1  }
0x134: {  	v2 =	vmov s28  }
0x135: {  	v2 =	vmul.f32 $1.442695020e+00, v2;
	_ =	sdelay $0x1  }
0x136: {  	v2 =	vbroadcast v2, $0x0;
	_ =	sdelay $0x1  }
0x137: {  	(erf) = vpow2.f32 v2;
	_ =	sdelay $0x4  }
0x138: {  	v2 =	vld [tilespmem:s26+$0x9830];
	_ =	sdelay $0x3  }
0x139: {  	v55 =	vpop (erf)  }
0x13a: {  	v2 =	vmul.f32 v55, v2;
	_ =	sdelay $0x1  }
0x13b: {  	[tilespmem:s25+$0xFFFFFFD0] =	vst v2  }
0x13c: {  	v2 =	vld [tilespmem:s26+$0x9800]  }
0x13d: {  	v5 =	vld.idx.msk [tilespmem:v1+s26+$0x20 ss:$0x1], $0xffff;
	_ =	sdelay $0x4  }
0x13e: {  	v2 =	vmul.f32 v5, v2;
	_ =	sdelay $0x1  }
0x13f: {  	(xrf2) =	vadd.scan.msk.f32 $0xffff, v2;
	_ =	sdelay $0x9  }
0x140: {  	v2, _, _ =	vpop (xrf2)  }
0x141: {  	(v2sf) =	vpush v2, $0xF;
	_ =	sdelay $0xe  }
0x142: {  	s29 =	spop (v2sf)  }
0x143: {  	s28 =	smul.f32 $2.500000000e-01, s29;
	_ =	sdelay $0x1  }
0x144: {  	v2 =	vmov s28  }
0x145: {  	v2 =	vmul.f32 $1.442695020e+00, v2;
	_ =	sdelay $0x1  }
0x146: {  	v2 =	vbroadcast v2, $0x0;
	_ =	sdelay $0x1  }
0x147: {  	(erf) = vpow2.f32 v2;
	_ =	sdelay $0x4  }
0x148: {  	v2 =	vld [tilespmem:s26+$0x9840];
	_ =	sdelay $0x3  }
0x149: {  	v56 =	vpop (erf)  }
0x14a: {  	v2 =	vmul.f32 v56, v2;
	_ =	sdelay $0x1  }
0x14b: {  	[tilespmem:s25+$0xFFFFFFE0] =	vst v2  }
0x14c: {  	v2 =	vld [tilespmem:s26+$0x9810]  }
0x14d: {  	v6 =	vld.idx.msk [tilespmem:v1+s26+$0x30 ss:$0x1], $0xffff;
	_ =	sdelay $0x4  }
0x14e: {  	v2 =	vmul.f32 v6, v2;
	_ =	sdelay $0x1  }
0x14f: {  	(xrf2) =	vadd.scan.msk.f32 $0xffff, v2;
	_ =	sdelay $0x9  }
0x150: {  	v2, _, _ =	vpop (xrf2)  }
0x151: {  	(v2sf) =	vpush v2, $0xF;
	_ =	sdelay $0xe  }
0x152: {  	s29 =	spop (v2sf)  }
0x153: {  	s28 =	smul.f32 $2.500000000e-01, s29;
	_ =	sdelay $0x1  }
0x154: {  	v2 =	vmov s28  }
0x155: {  	v2 =	vmul.f32 $1.442695020e+00, v2;
	_ =	sdelay $0x1  }
0x156: {  	v2 =	vbroadcast v2, $0x0;
	_ =	sdelay $0x1  }
0x157: {  	(erf) = vpow2.f32 v2;
	_ =	sdelay $0x4  }
0x158: {  	v2 =	vld [tilespmem:s26+$0x9850];
	_ =	sdelay $0x3  }
0x159: {  	v3 =	vnsel vm3, $0x0, v3;
	v57 =	vpop (erf)  }
0x15a: {  	v3 =	vsel vm2, v55, v3;
	v2 =	vmul.f32 v57, v2  }
0x15b: {  	v3 =	vsel vm1, v56, v3  }
0x15c: {  	[tilespmem:s25+$0xFFFFFFF0] =	vst v2;
	v2 =	vsel vm0, v57, v3  }
0x15d: {  	[tilespmem:s19+$0xFFFFFFF0] =	vst v2  }
0x15e: {  	v2 =	vld [tilespmem:s26+$0x9860]  }
0x15f: {  	v3 =	vld.idx.msk [tilespmem:v1+s26+$0x80 ss:$0x1], $0xffff;
	_ =	sdelay $0x4  }
0x160: {  	v2 =	vmul.f32 v3, v2;
	_ =	sdelay $0x1  }
0x161: {  	(xrf2) =	vadd.scan.msk.f32 $0xffff, v2;
	_ =	sdelay $0x9  }
0x162: {  	v2, _, _ =	vpop (xrf2)  }
0x163: {  	(v2sf) =	vpush v2, $0xF;
	_ =	sdelay $0xe  }
0x164: {  	s29 =	spop (v2sf)  }
0x165: {  	s28 =	smul.f32 $2.500000000e-01, s29;
	_ =	sdelay $0x1  }
0x166: {  	v2 =	vmov s28  }
0x167: {  	v2 =	vmul.f32 $1.442695020e+00, v2;
	_ =	sdelay $0x1  }
0x168: {  	v2 =	vbroadcast v2, $0x0;
	_ =	sdelay $0x1  }
0x169: {  	(erf) = vpow2.f32 v2;
	_ =	sdelay $0x4  }
0x16a: {  	v2 =	vld [tilespmem:s26+$0x98A0];
	_ =	sdelay $0x3  }
0x16b: {  	v3 =	vpop (erf)  }
0x16c: {  	v2 =	vmul.f32 v3, v2;
	_ =	sdelay $0x1  }
0x16d: {  	[tilespmem:s25+$0x0] =	vst v2  }
0x16e: {  	v2 =	vld [tilespmem:s26+$0x9870]  }
0x16f: {  	v58 =	vld.idx.msk [tilespmem:v1+s26+$0x90 ss:$0x1], $0xffff;
	_ =	sdelay $0x4  }
0x170: {  	v2 =	vmul.f32 v58, v2;
	_ =	sdelay $0x1  }
0x171: {  	(xrf2) =	vadd.scan.msk.f32 $0xffff, v2;
	_ =	sdelay $0x9  }
0x172: {  	v2, _, _ =	vpop (xrf2)  }
0x173: {  	(v2sf) =	vpush v2, $0xF;
	_ =	sdelay $0xe  }
0x174: {  	s29 =	spop (v2sf)  }
0x175: {  	s28 =	smul.f32 $2.500000000e-01, s29;
	_ =	sdelay $0x1  }
0x176: {  	v2 =	vmov s28  }
0x177: {  	v2 =	vmul.f32 $1.442695020e+00, v2;
	_ =	sdelay $0x1  }
0x178: {  	v2 =	vbroadcast v2, $0x0;
	_ =	sdelay $0x1  }
0x179: {  	(erf) = vpow2.f32 v2;
	_ =	sdelay $0x4  }
0x17a: {  	v2 =	vld [tilespmem:s26+$0x98B0];
	_ =	sdelay $0x3  }
0x17b: {  	v59 =	vpop (erf)  }
0x17c: {  	v2 =	vmul.f32 v59, v2;
	_ =	sdelay $0x1  }
0x17d: {  	[tilespmem:s25+$0x10] =	vst v2  }
0x17e: {  	v2 =	vld [tilespmem:s26+$0x9880]  }
0x17f: {  	v60 =	vld.idx.msk [tilespmem:v1+s26+$0xA0 ss:$0x1], $0xffff;
	_ =	sdelay $0x4  }
0x180: {  	v2 =	vmul.f32 v60, v2;
	_ =	sdelay $0x1  }
0x181: {  	(xrf2) =	vadd.scan.msk.f32 $0xffff, v2;
	_ =	sdelay $0x9  }
0x182: {  	v2, _, _ =	vpop (xrf2)  }
0x183: {  	(v2sf) =	vpush v2, $0xF;
	_ =	sdelay $0xe  }
0x184: {  	s29 =	spop (v2sf)  }
0x185: {  	s28 =	smul.f32 $2.500000000e-01, s29;
	_ =	sdelay $0x1  }
0x186: {  	v2 =	vmov s28  }
0x187: {  	v2 =	vmul.f32 $1.442695020e+00, v2;
	_ =	sdelay $0x1  }
0x188: {  	v2 =	vbroadcast v2, $0x0;
	_ =	sdelay $0x1  }
0x189: {  	(erf) = vpow2.f32 v2;
	_ =	sdelay $0x4  }
0x18a: {  	v2 =	vld [tilespmem:s26+$0x98C0];
	_ =	sdelay $0x3  }
0x18b: {  	v61 =	vpop (erf)  }
0x18c: {  	v2 =	vmul.f32 v61, v2;
	_ =	sdelay $0x1  }
0x18d: {  	[tilespmem:s25+$0x20] =	vst v2  }
0x18e: {  	v2 =	vld [tilespmem:s26+$0x9890]  }
0x18f: {  	v62 =	vld.idx.msk [tilespmem:v1+s26+$0xB0 ss:$0x1], $0xffff;
	_ =	sdelay $0x4  }
0x190: {  	v2 =	vmul.f32 v62, v2;
	_ =	sdelay $0x1  }
0x191: {  	(xrf2) =	vadd.scan.msk.f32 $0xffff, v2;
	_ =	sdelay $0x9  }
0x192: {  	v2, _, _ =	vpop (xrf2)  }
0x193: {  	(v2sf) =	vpush v2, $0xF;
	_ =	sdelay $0xe  }
0x194: {  	s29 =	spop (v2sf)  }
0x195: {  	s28 =	smul.f32 $2.500000000e-01, s29;
	_ =	sdelay $0x1  }
0x196: {  	v2 =	vmov s28  }
0x197: {  	v2 =	vmul.f32 $1.442695020e+00, v2;
	_ =	sdelay $0x1  }
0x198: {  	v2 =	vbroadcast v2, $0x0;
	_ =	sdelay $0x1  }
0x199: {  	(erf) = vpow2.f32 v2;
	_ =	sdelay $0x4  }
0x19a: {  	v2 =	vld [tilespmem:s26+$0x98D0];
	_ =	sdelay $0x2  }
0x19b: {  	p1 =	sne.s32 s10, $0x9C00  }
.Ltmp2:
0x19c: {  	v3 =	vnsel vm3, $0x0, v3;
	v63 =	vpop (erf);
	(pc) =	sbr.rel @p1 .LBB2_8-.Ltmp2, $4  }
0x19d: {  	v3 =	vsel vm2, v59, v3;
	v2 =	vmul.f32 v63, v2  }
0x19e: {  	v3 =	vsel vm1, v61, v3  }
0x19f: {  	[tilespmem:s25+$0x30] =	vst v2;
	v2 =	vsel vm0, v63, v3  }
0x1a0: {  	s10 =	sadd.s32 $0x400, s10;
	s25 =	sadd.s32 $0x80, s25;
	[tilespmem:s19+$0x0] =	vst v2;
	s19 =	sadd.s32 $0x20, s19  }
0x1a1: {  	s8 =	sadd.s32 $0x1, s8  }
0x1a2: {  	p1 =	sne.s32 s8, $0x19  }
.Ltmp3:
0x1a3: {  	_ = 	snop;
	(pc) =	sbr.rel @p1 .LBB2_5-.Ltmp3, $4  }
0x1a4: {  	_ = 	snop  }
0x1a5: {  	[spmem:s2] =	stream.indirect.scatter.add.f32 [tilespmem:s12], [sflag:$0x7], $0x40, s20, s24, $0xb8;
	[tilespmem:$0x1C430] =	vst v63  }
0x1a6: {  	_ = 	snop  }
0x1a7: {  	[spmem:s3] =	stream.indirect.scatter.add.f32 [tilespmem:s23], [sflag:$0x8], $0x10, s20, s24, $0xb8;
	[tilespmem:$0x1C430] =	vst v63  }
0x1a8: {  	_ =	swait.ge [sflag:s13], $0x1400  }
0x1a9: {  	[sflag:s13] =	ssyncset.done $0x0  }
0x1aa: {  	[sflag:s13] =	ssyncadd.s32 $0xFFFFEC00  }
0x1ab: {  	_ =	swait.ge [sflag:s16], $0x500  }
0x1ac: {  	[sflag:s16] =	ssyncset.done $0x0  }
0x1ad: {  	s1 =	sadd.s32 $0x1, s1;
	[sflag:s16] =	ssyncadd.s32 $0xFFFFFB00  }
0x1ae: {  	p1 =	sne.s32 s1, $0x5;
	_ =	swait.ge [sflag:s17], $0x1400  }
.Ltmp4:
0x1af: {  	[sflag:s17] =	ssyncset.done $0x0;
	(pc) =	sbr.rel @p1 .LBB2_2-.Ltmp4, $4  }
0x1b0: {  	[sflag:s17] =	ssyncadd.s32 $0xFFFFEC00  }
0x1b1: {  	_ =	swait.ge [sflag:s18], $0x500  }
0x1b2: {  	[sflag:s18] =	ssyncset.done $0x0  }
0x1b3: {  	[sflag:s18] =	ssyncadd.s32 $0xFFFFFB00  }
0x1b4: {  	[bflag:$0x0] =	sbarrier.arrive $0xFFFF  }
0x1b5: {  	s19 =	rddreg [dreg:$0x7]  }
0x1b6: {  	s1 =	rddreg [dreg:$0xb]  }
0x1b7: {  	s8 =	rddreg [dreg:$0x11]  }
0x1b8: {  	[hbm:s1], [sflag:s19] =	dma.local [spmem:s8], $0x1380  }
0x1b9: {  	_ =	swait.ge [sflag:s21], $0x1380  }
0x1ba: {  	[sflag:s21] =	ssyncset.done $0x0;
	s25 =	rddreg [dreg:$0xc]  }
0x1bb: {  	s26 =	rddreg [dreg:$0x12];
	[sflag:s21] =	ssyncadd.s32 $0xFFFFEC80  }
0x1bc: {  	[hbm:s25], [sflag:s19] =	dma.local [spmem:s26], $0x4E0  }
0x1bd: {  	_ =	swait.ge [sflag:s21], $0x4E0  }
0x1be: {  	[sflag:s21] =	ssyncset.done $0x0;
	s1 =	rddreg [dreg:$0xd]  }
0x1bf: {  	s8 =	rddreg [dreg:$0x13];
	[sflag:s21] =	ssyncadd.s32 $0xFFFFFB20  }
0x1c0: {  	[hbm:s1], [sflag:s19] =	dma.local @!p0 [spmem:s8], $0x80  }
0x1c1: {  	s1 =	simm.s32 @!p0 $0x9  }
0x1c2: {  	_ =	swait.ge @!p0 [sflag:s1], $0x80  }
0x1c3: {  	[sflag:s1] =	ssyncset.done @!p0 $0x0;
	s8 =	rddreg [dreg:$0xe]  }
0x1c4: {  	s10 =	rddreg [dreg:$0x14];
	[sflag:s1] =	ssyncadd.s32 @!p0 $0xFFFFFF80  }
0x1c5: {  	[hbm:s8], [sflag:s19] =	dma.local @!p0 [spmem:s10], $0x20  }
0x1c6: {  	_ =	swait.ge @!p0 [sflag:s1], $0x20  }
0x1c7: {  	s28 =	rddreg [dreg:$0x10]  }
0x1c8: {  	s29 =	rddreg [dreg:$0xf];
	s10 =	sadd.s32 $0x1, s28  }
0x1c9: {  	p1 =	sne.s32 s10, s29  }
.Ltmp5:
0x1ca: {  	_ = 	snop;
	(pc) =	sbr.rel @p1 .LBB2_1-.Ltmp5, $3  }
0x1cb: {  	_ =	sdelay $0x1  }
0x1cc: {  	[sflag:s1] =	ssyncset.done @!p0 $0x0  }
0x1cd: {  	[sflag:s1] =	ssyncadd.s32 @!p0 $0xFFFFFFE0  }
0x1ce: {  	_ =	sfence.sel $0x180000  }
0x1cf: {  	[bflag:$0x0] =	sbarrier.arrive $0xFFFF  }
0x1d0: {  	_ =	strace $0x90000047  }
0x1d1: {  	s0 =	stileid.u32;
	[bflag:$0x2] =	sbarrier.arrive $0xFFFF  }
0x1d2: {  	p0 =	sne.s32 s0, $0x0;
	s0 =	rddreg [dreg:$0x4]  }
0x1d3: {  	s0 =	sadd.s32 @!p0 $0x100000, s0  }
0x1d4: {  	[sflag:s0] =	ssyncadd.tile.s32 @!p0 $0x1;
	_ =	shalt  }
.Lfunc_end2:
_tile_overlayer_lowered:
.L_overlay_start_2:
0x1d5: {  	(tag) =	ssettag $0x2  }
0x1d6: {  	s0 =	rddreg [dreg:$0x0];
	s2 =	stileid.u32  }
0x1d7: {  	s1 =	rddreg [dreg:$0x1];
	p0 =	sne.s32 s2, $0x0  }
0x1d8: {  	s3 =	rddreg [dreg:$0x2];
	[bflag:$0x3] =	sbarrier.arrive $0xFFFF;
	s2 =	simm.s32 @!p0 $0x1C09  }
0x1d9: {  	[timem:s3], [sflag:s2] =	dma.local @!p0 [hbm:s0], s1  }
0x1da: {  	s0 =	simm.s32 @!p0 $0x9  }
0x1db: {  	_ =	swait.ge @!p0 [sflag:s0], s1  }
0x1dc: {  	s1 =	ssub.s32 @!p0 $0x0, s1;
	[sflag:s0] =	ssyncset.done @!p0 $0x0  }
0x1dd: {  	[sflag:s0] =	ssyncadd.s32 @!p0 s1  }
0x1de: {  	[bflag:$0x3] =	sbarrier.arrive $0xFFFF  }
0x1df: {  	_ =	shalt  }

</sc_bundles>
